<compile_context>
chip_gen: v7x
topology: tpu7x:2x2x1
jax: 0.10.2.dev20260603
libtpu: 0.0.44.dev20260713+nightly
codegen_flags: <defaults>
</compile_context>

<pallas_src>
import functools

import numpy as np

import jax
import jax.numpy as jnp
from jax import lax
from jax.experimental import pallas as pl
from jax.experimental.pallas import tpu as pltpu
from jax.experimental.pallas import tpu_sc as plsc

_B = 65536
_F = 256
_NB = 8
_SCALE = 0.1
_ROWS = 2048

_SC_ROWS = 22528
_SPLIT = _B - _SC_ROWS

_NW = 32
_E_PER_W = _SC_ROWS * _F // _NW
_BUF = 8192
_N_CHUNK = _E_PER_W // _BUF
_UNROLL = 8

_KS1 = np.uint32(42)
_KS2 = np.uint32(0x1BD11BDA ^ 42)
_ROT_A = (13, 15, 26, 6)
_ROT_B = (17, 29, 16, 24)

_ERFINV_SMALL = (
    2.81022636e-08, 3.43273939e-07, -3.5233877e-06, -4.39150654e-06,
    0.00021858087, -0.00125372503, -0.00417768164, 0.246640727, 1.50140941,
)
_ERFINV_BIG = (
    -0.000200214257, 0.000100950558, 0.00134934322, -0.00367342844,
    0.00573950773, -0.0076224613, 0.00943887047, 1.00167406, 2.83297682,
)


def _rotl(v, r):
    return (v << jnp.uint32(r)) | (v >> jnp.uint32(32 - r))


def _threefry_bits(n):
    x0 = jnp.zeros_like(n)
    x1 = n + _KS1
    ks = (np.uint32(0), _KS1, _KS2)
    sched = ((_ROT_A, ks[1], ks[2], 1), (_ROT_B, ks[2], ks[0], 2),
             (_ROT_A, ks[0], ks[1], 3), (_ROT_B, ks[1], ks[2], 4),
             (_ROT_A, ks[2], ks[0], 5))
    for rots, a0, a1, inc in sched:
        for r in rots:
            x0 = x0 + x1
            x1 = _rotl(x1, r)
            x1 = x0 ^ x1
        x0 = x0 + a0
        x1 = x1 + a1 + np.uint32(inc)
    return x0 ^ x1


def _bits_to_gauss(bits):
    fb = (bits >> jnp.uint32(9)) | jnp.uint32(0x3F800000)
    f = lax.bitcast_convert_type(fb, jnp.float32) - 1.0
    lo = np.nextafter(np.float32(-1.0), np.float32(0.0))
    u = f * (np.float32(1.0) - lo) + lo
    w = -jnp.log1p(-u * u)
    ws = w - 2.5
    ps = jnp.float32(_ERFINV_SMALL[0] * np.sqrt(2.0))
    for cs in _ERFINV_SMALL[1:]:
        ps = ps * ws + np.float32(cs * np.sqrt(2.0))
    return ps * u


def _scales(bins_ref, params_ref, x):
    t = jax.nn.sigmoid(params_ref[...]) * _SCALE
    acc = jnp.zeros_like(x)
    for j in range(_NB + 1):
        if j == 0:
            d = t[0]
        elif j < _NB:
            d = t[j] - t[j - 1]
        else:
            d = -t[_NB - 1]
        e = bins_ref[j, :][None, :]
        acc = acc + jnp.where(x >= e, d[None, :], 0.0)
    return acc


def _head_kernel(bins_ref, params_ref, x_ref, o_ref):
    i = pl.program_id(0)
    rows = lax.broadcasted_iota(jnp.uint32, (_ROWS, _F), 0)
    cols = lax.broadcasted_iota(jnp.uint32, (_ROWS, _F), 1)
    n = (jnp.uint32(_ROWS) * i.astype(jnp.uint32) + rows) * jnp.uint32(_F) + cols
    g = _bits_to_gauss(_threefry_bits(n))
    x = x_ref[...]
    o_ref[...] = x + _scales(bins_ref, params_ref, x) * g


def _tail_kernel(bins_ref, params_ref, x_ref, bits_ref, head_ref, o_ref):
    x = x_ref[...]
    g = _bits_to_gauss(bits_ref[...])
    o_ref[...] = x + _scales(bins_ref, params_ref, x) * g


def _sc_bits_body(out_hbm, buf):
    c = lax.axis_index("c")
    s = lax.axis_index("s")
    wid = s * 2 + c
    base = wid * _E_PER_W
    idx16 = lax.iota(jnp.uint32, 16)
    n_base = jnp.uint32(_SPLIT * _F) + lax.convert_element_type(base, jnp.uint32)

    def chunk(ci, carry):
        def vec(vi, inner):
            for u in range(_UNROLL):
                off = (vi * _UNROLL + u) * 16
                n = n_base + (ci * _BUF + off).astype(jnp.uint32) + idx16
                buf[pl.ds(off, 16)] = _threefry_bits(n)
            return inner

        lax.fori_loop(0, _BUF // (16 * _UNROLL), vec, 0, unroll=False)
        pltpu.sync_copy(buf, out_hbm.at[pl.ds(base + ci * _BUF, _BUF)])
        return carry

    lax.fori_loop(0, _N_CHUNK, chunk, 0, unroll=False)


def _sc_bits():
    mesh = plsc.VectorSubcoreMesh(core_axis_name="c", subcore_axis_name="s")
    f = pl.kernel(
        _sc_bits_body,
        mesh=mesh,
        out_type=jax.ShapeDtypeStruct((_SC_ROWS * _F,), jnp.uint32),
        scratch_types=[
            pltpu.VMEM((_BUF,), jnp.uint32),
        ],
    )
    return f()


def kernel(x, bins, noise_params):
    bins_t = bins.T
    params_t = noise_params.reshape(_F, _NB).T

    bits = _sc_bits().reshape(_SC_ROWS, _F)

    head = pl.pallas_call(
        _head_kernel,
        grid=(_SPLIT // _ROWS,),
        in_specs=[
            pl.BlockSpec((_NB + 1, _F), lambda i: (0, 0)),
            pl.BlockSpec((_NB, _F), lambda i: (0, 0)),
            pl.BlockSpec((_ROWS, _F), lambda i: (i, 0)),
        ],
        out_specs=pl.BlockSpec((_ROWS, _F), lambda i: (i, 0)),
        out_shape=jax.ShapeDtypeStruct(x.shape, x.dtype),
    )(bins_t, params_t, x)

    off = _SPLIT // _ROWS
    out = pl.pallas_call(
        _tail_kernel,
        grid=(_SC_ROWS // _ROWS,),
        in_specs=[
            pl.BlockSpec((_NB + 1, _F), lambda i: (0, 0)),
            pl.BlockSpec((_NB, _F), lambda i: (0, 0)),
            pl.BlockSpec((_ROWS, _F), lambda i: (i + off, 0)),
            pl.BlockSpec((_ROWS, _F), lambda i: (i, 0)),
            pl.BlockSpec(memory_space=pl.ANY),
        ],
        out_specs=pl.BlockSpec((_ROWS, _F), lambda i: (i + off, 0)),
        out_shape=jax.ShapeDtypeStruct(x.shape, x.dtype),
        input_output_aliases={4: 0},
    )(bins_t, params_t, x, bits, head)
    return out

# --- scband reference (transcript-rebuilt; emitter-appended) ---
"""Pipeline reference for scband-noise-learn-module-56693568307247 (READ-ONLY COPY).

The authoritative reference and input builder live on the scoring server;
editing this copy changes nothing except your own understanding.
"""

import jax, jax.numpy as jnp
import numpy as np

B = 65536
FEAT = 256
N_BINS = 8
NOISE_SCALE = 0.1


def setup_inputs(seed: int = 0) -> dict:
    key = jax.random.key(seed)
    k1, k2, k3 = jax.random.split(key, 3)
    x = jax.random.normal(k1, (B, FEAT), dtype=jnp.float32)
    # bin edges must be ascending per feature (module assumes bins[i][j] < bins[i][j+1])
    bins = jnp.sort(jax.random.normal(k2, (FEAT, N_BINS + 1), dtype=jnp.float32) * 1.5, axis=1)
    # learned parameter: nn.Parameter(torch.zeros(feature_dim * n_bins)); use small random for nontrivial grads
    noise_params = jax.random.normal(k3, (FEAT * N_BINS,), dtype=jnp.float32) * 0.1
    return {"x": x, "bins": bins, "noise_params": noise_params}


def reference(x, bins, noise_params):
    # Faithful vectorization of the per-feature / per-bin loop:
    # for each element x[b, i], find bin j with bins[i][j] <= x[b,i] < bins[i][j+1];
    # if inside some bin, noise = randn * sigmoid(noise_params[i, j]) * noise_scale, else 0.
    Bsz, F = x.shape
    params = noise_params.reshape(F, -1)
    n_bins = params.shape[1]

    def per_feature(v, edges, p):
        # searchsorted(side='right') - 1 gives j such that edges[j] <= v < edges[j+1]
        idx = jnp.searchsorted(edges, v, side='right') - 1
        in_range = (idx >= 0) & (idx < n_bins)
        idx_c = jnp.clip(idx, 0, n_bins - 1)
        scale = jax.nn.sigmoid(p)[idx_c] * NOISE_SCALE
        return jnp.where(in_range, scale, jnp.zeros_like(scale))

    scales = jax.vmap(per_feature, in_axes=(1, 0, 0), out_axes=1)(x, bins, params)
    # torch.randn(...) per in-range group -> one fixed gaussian draw per element here
    gauss = jax.random.normal(jax.random.key(42), x.shape, dtype=x.dtype)
    noise = gauss * scales
    return x + noise

if __name__ == "__main__":
    import jax
    _d = setup_inputs()
    print(jax.jit(kernel)(*tuple(_d.values())))

</pallas_src>

<mosaic_0001>
#map = affine_map<(d0, d1) -> (0)>
module attributes {stable_mosaic.version = 14 : i64} {
  func.func @_sc_bits_body(%arg0: i32, %arg1: i32, %arg2: memref<5767168xi32, #tpu.memory_space<hbm>>, %arg3: memref<8192xi32, #tpu.memory_space<vmem>>) attributes {dimension_semantics = [#tpu.dimension_semantics<core_parallel>, #tpu.dimension_semantics<subcore_parallel>], iteration_bounds = array<i64: 2, 16>, scalar_prefetch = 0 : i64, scratch_operands = 1 : i64, tpu.core_type = #tpu.core_type<sc_vector_subcore>, window_params = [{transform_indices = #map}]} {
    %mul3A = arith.constant 2 : i32
    %mul3A_0 = arith.muli %arg1, %mul3A : i32
    %add3A = arith.addi %mul3A_0, %arg0 : i32
    %mul3A_1 = arith.constant 180224 : i32
    %mul3A_2 = arith.muli %add3A, %mul3A_1 : i32
    %iota3A = tpu.iota {dimensions = array<i32: 0>} : vector<16xi32>
    %add3A_3 = arith.constant 11010048 : i32
    %add3A_4 = arith.addi %add3A_3, %mul3A_2 : i32
    %scan3A = arith.constant 0 : i32
    %scan3A_5 = arith.constant 0 : i32
    %scan3A_6 = arith.constant 22 : i32
    %scan3A_7 = arith.addi %scan3A_5, %scan3A_6 : i32
    %scan3A_8 = arith.constant 1 : i32
    scf.for %scan3A_10 = %scan3A_5 to %scan3A_7 step %scan3A_8  : i32 {
      %scan3A_11 = arith.constant 0 : i32
      %scan3A_12 = arith.constant 0 : i32
      %scan3A_13 = arith.constant 64 : i32
      %scan3A_14 = arith.addi %scan3A_12, %scan3A_13 : i32
      %scan3A_15 = arith.constant 1 : i32
      scf.for %scan3A_20 = %scan3A_12 to %scan3A_14 step %scan3A_15  : i32 {
        %mul3A_21 = arith.constant 8 : i32
        %mul3A_22 = arith.muli %scan3A_20, %mul3A_21 : i32
        %add3A_23 = arith.constant 0 : i32
        %add3A_24 = arith.addi %mul3A_22, %add3A_23 : i32
        %mul3A_25 = arith.constant 16 : i32
        %mul3A_26 = arith.muli %add3A_24, %mul3A_25 : i32
        %mul3A_27 = arith.constant 8192 : i32
        %mul3A_28 = arith.muli %scan3A_10, %mul3A_27 : i32
        %add3A_29 = arith.addi %mul3A_28, %mul3A_26 : i32
        %add3A_30 = arith.addi %add3A_4, %add3A_29 : i32
        %add3A_31 = vector.broadcast %add3A_30 : i32 to vector<16xi32>
        %add3A_32 = arith.addi %add3A_31, %iota3A : vector<16xi32>
        %broadcast_in_dim3A = arith.constant 0 : i32
        %broadcast_in_dim3A_33 = vector.broadcast %broadcast_in_dim3A : i32 to vector<16xi32>
        %add3A_34 = arith.constant 42 : i32
        %add3A_35 = vector.broadcast %add3A_34 : i32 to vector<16xi32>
        %add3A_36 = arith.addi %add3A_32, %add3A_35 : vector<16xi32>
        %add3A_37 = arith.addi %broadcast_in_dim3A_33, %add3A_36 : vector<16xi32>
        %shift_left3A = arith.constant 13 : i32
        %shift_left3A_38 = vector.broadcast %shift_left3A : i32 to vector<16xi32>
        %shift_left3A_39 = arith.shli %add3A_36, %shift_left3A_38 : vector<16xi32>
        %shift_right_logical3A = arith.constant 19 : i32
        %shift_right_logical3A_40 = vector.broadcast %shift_right_logical3A : i32 to vector<16xi32>
        %shift_right_logical3A_41 = arith.shrui %add3A_36, %shift_right_logical3A_40 : vector<16xi32>
        %or3A = arith.ori %shift_left3A_39, %shift_right_logical3A_41 : vector<16xi32>
        %xor3A = arith.xori %add3A_37, %or3A : vector<16xi32>
        %add3A_42 = arith.addi %add3A_37, %xor3A : vector<16xi32>
        %shift_left3A_43 = arith.constant 15 : i32
        %shift_left3A_44 = vector.broadcast %shift_left3A_43 : i32 to vector<16xi32>
        %shift_left3A_45 = arith.shli %xor3A, %shift_left3A_44 : vector<16xi32>
        %shift_right_logical3A_46 = arith.constant 17 : i32
        %shift_right_logical3A_47 = vector.broadcast %shift_right_logical3A_46 : i32 to vector<16xi32>
        %shift_right_logical3A_48 = arith.shrui %xor3A, %shift_right_logical3A_47 : vector<16xi32>
        %or3A_49 = arith.ori %shift_left3A_45, %shift_right_logical3A_48 : vector<16xi32>
        %xor3A_50 = arith.xori %add3A_42, %or3A_49 : vector<16xi32>
        %add3A_51 = arith.addi %add3A_42, %xor3A_50 : vector<16xi32>
        %shift_left3A_52 = arith.constant 26 : i32
        %shift_left3A_53 = vector.broadcast %shift_left3A_52 : i32 to vector<16xi32>
        %shift_left3A_54 = arith.shli %xor3A_50, %shift_left3A_53 : vector<16xi32>
        %shift_right_logical3A_55 = arith.constant 6 : i32
        %shift_right_logical3A_56 = vector.broadcast %shift_right_logical3A_55 : i32 to vector<16xi32>
        %shift_right_logical3A_57 = arith.shrui %xor3A_50, %shift_right_logical3A_56 : vector<16xi32>
        %or3A_58 = arith.ori %shift_left3A_54, %shift_right_logical3A_57 : vector<16xi32>
        %xor3A_59 = arith.xori %add3A_51, %or3A_58 : vector<16xi32>
        %add3A_60 = arith.addi %add3A_51, %xor3A_59 : vector<16xi32>
        %shift_left3A_61 = arith.constant 6 : i32
        %shift_left3A_62 = vector.broadcast %shift_left3A_61 : i32 to vector<16xi32>
        %shift_left3A_63 = arith.shli %xor3A_59, %shift_left3A_62 : vector<16xi32>
        %shift_right_logical3A_64 = arith.constant 26 : i32
        %shift_right_logical3A_65 = vector.broadcast %shift_right_logical3A_64 : i32 to vector<16xi32>
        %shift_right_logical3A_66 = arith.shrui %xor3A_59, %shift_right_logical3A_65 : vector<16xi32>
        %or3A_67 = arith.ori %shift_left3A_63, %shift_right_logical3A_66 : vector<16xi32>
        %xor3A_68 = arith.xori %add3A_60, %or3A_67 : vector<16xi32>
        %add3A_69 = arith.constant 42 : i32
        %add3A_70 = vector.broadcast %add3A_69 : i32 to vector<16xi32>
        %add3A_71 = arith.addi %add3A_60, %add3A_70 : vector<16xi32>
        %add3A_72 = arith.constant 466689008 : i32
        %add3A_73 = vector.broadcast %add3A_72 : i32 to vector<16xi32>
        %add3A_74 = arith.addi %xor3A_68, %add3A_73 : vector<16xi32>
        %add3A_75 = arith.constant 1 : i32
        %add3A_76 = vector.broadcast %add3A_75 : i32 to vector<16xi32>
        %add3A_77 = arith.addi %add3A_74, %add3A_76 : vector<16xi32>
        %add3A_78 = arith.addi %add3A_71, %add3A_77 : vector<16xi32>
        %shift_left3A_79 = arith.constant 17 : i32
        %shift_left3A_80 = vector.broadcast %shift_left3A_79 : i32 to vector<16xi32>
        %shift_left3A_81 = arith.shli %add3A_77, %shift_left3A_80 : vector<16xi32>
        %shift_right_logical3A_82 = arith.constant 15 : i32
        %shift_right_logical3A_83 = vector.broadcast %shift_right_logical3A_82 : i32 to vector<16xi32>
        %shift_right_logical3A_84 = arith.shrui %add3A_77, %shift_right_logical3A_83 : vector<16xi32>
        %or3A_85 = arith.ori %shift_left3A_81, %shift_right_logical3A_84 : vector<16xi32>
        %xor3A_86 = arith.xori %add3A_78, %or3A_85 : vector<16xi32>
        %add3A_87 = arith.addi %add3A_78, %xor3A_86 : vector<16xi32>
        %shift_left3A_88 = arith.constant 29 : i32
        %shift_left3A_89 = vector.broadcast %shift_left3A_88 : i32 to vector<16xi32>
        %shift_left3A_90 = arith.shli %xor3A_86, %shift_left3A_89 : vector<16xi32>
        %shift_right_logical3A_91 = arith.constant 3 : i32
        %shift_right_logical3A_92 = vector.broadcast %shift_right_logical3A_91 : i32 to vector<16xi32>
        %shift_right_logical3A_93 = arith.shrui %xor3A_86, %shift_right_logical3A_92 : vector<16xi32>
        %or3A_94 = arith.ori %shift_left3A_90, %shift_right_logical3A_93 : vector<16xi32>
        %xor3A_95 = arith.xori %add3A_87, %or3A_94 : vector<16xi32>
        %add3A_96 = arith.addi %add3A_87, %xor3A_95 : vector<16xi32>
        %shift_left3A_97 = arith.constant 16 : i32
        %shift_left3A_98 = vector.broadcast %shift_left3A_97 : i32 to vector<16xi32>
        %shift_left3A_99 = arith.shli %xor3A_95, %shift_left3A_98 : vector<16xi32>
        %shift_right_logical3A_100 = arith.constant 16 : i32
        %shift_right_logical3A_101 = vector.broadcast %shift_right_logical3A_100 : i32 to vector<16xi32>
        %shift_right_logical3A_102 = arith.shrui %xor3A_95, %shift_right_logical3A_101 : vector<16xi32>
        %or3A_103 = arith.ori %shift_left3A_99, %shift_right_logical3A_102 : vector<16xi32>
        %xor3A_104 = arith.xori %add3A_96, %or3A_103 : vector<16xi32>
        %add3A_105 = arith.addi %add3A_96, %xor3A_104 : vector<16xi32>
        %shift_left3A_106 = arith.constant 24 : i32
        %shift_left3A_107 = vector.broadcast %shift_left3A_106 : i32 to vector<16xi32>
        %shift_left3A_108 = arith.shli %xor3A_104, %shift_left3A_107 : vector<16xi32>
        %shift_right_logical3A_109 = arith.constant 8 : i32
        %shift_right_logical3A_110 = vector.broadcast %shift_right_logical3A_109 : i32 to vector<16xi32>
        %shift_right_logical3A_111 = arith.shrui %xor3A_104, %shift_right_logical3A_110 : vector<16xi32>
        %or3A_112 = arith.ori %shift_left3A_108, %shift_right_logical3A_111 : vector<16xi32>
        %xor3A_113 = arith.xori %add3A_105, %or3A_112 : vector<16xi32>
        %add3A_114 = arith.constant 466689008 : i32
        %add3A_115 = vector.broadcast %add3A_114 : i32 to vector<16xi32>
        %add3A_116 = arith.addi %add3A_105, %add3A_115 : vector<16xi32>
        %add3A_117 = arith.constant 0 : i32
        %add3A_118 = vector.broadcast %add3A_117 : i32 to vector<16xi32>
        %add3A_119 = arith.addi %xor3A_113, %add3A_118 : vector<16xi32>
        %add3A_120 = arith.constant 2 : i32
        %add3A_121 = vector.broadcast %add3A_120 : i32 to vector<16xi32>
        %add3A_122 = arith.addi %add3A_119, %add3A_121 : vector<16xi32>
        %add3A_123 = arith.addi %add3A_116, %add3A_122 : vector<16xi32>
        %shift_left3A_124 = arith.constant 13 : i32
        %shift_left3A_125 = vector.broadcast %shift_left3A_124 : i32 to vector<16xi32>
        %shift_left3A_126 = arith.shli %add3A_122, %shift_left3A_125 : vector<16xi32>
        %shift_right_logical3A_127 = arith.constant 19 : i32
        %shift_right_logical3A_128 = vector.broadcast %shift_right_logical3A_127 : i32 to vector<16xi32>
        %shift_right_logical3A_129 = arith.shrui %add3A_122, %shift_right_logical3A_128 : vector<16xi32>
        %or3A_130 = arith.ori %shift_left3A_126, %shift_right_logical3A_129 : vector<16xi32>
        %xor3A_131 = arith.xori %add3A_123, %or3A_130 : vector<16xi32>
        %add3A_132 = arith.addi %add3A_123, %xor3A_131 : vector<16xi32>
        %shift_left3A_133 = arith.constant 15 : i32
        %shift_left3A_134 = vector.broadcast %shift_left3A_133 : i32 to vector<16xi32>
        %shift_left3A_135 = arith.shli %xor3A_131, %shift_left3A_134 : vector<16xi32>
        %shift_right_logical3A_136 = arith.constant 17 : i32
        %shift_right_logical3A_137 = vector.broadcast %shift_right_logical3A_136 : i32 to vector<16xi32>
        %shift_right_logical3A_138 = arith.shrui %xor3A_131, %shift_right_logical3A_137 : vector<16xi32>
        %or3A_139 = arith.ori %shift_left3A_135, %shift_right_logical3A_138 : vector<16xi32>
        %xor3A_140 = arith.xori %add3A_132, %or3A_139 : vector<16xi32>
        %add3A_141 = arith.addi %add3A_132, %xor3A_140 : vector<16xi32>
        %shift_left3A_142 = arith.constant 26 : i32
        %shift_left3A_143 = vector.broadcast %shift_left3A_142 : i32 to vector<16xi32>
        %shift_left3A_144 = arith.shli %xor3A_140, %shift_left3A_143 : vector<16xi32>
        %shift_right_logical3A_145 = arith.constant 6 : i32
        %shift_right_logical3A_146 = vector.broadcast %shift_right_logical3A_145 : i32 to vector<16xi32>
        %shift_right_logical3A_147 = arith.shrui %xor3A_140, %shift_right_logical3A_146 : vector<16xi32>
        %or3A_148 = arith.ori %shift_left3A_144, %shift_right_logical3A_147 : vector<16xi32>
        %xor3A_149 = arith.xori %add3A_141, %or3A_148 : vector<16xi32>
        %add3A_150 = arith.addi %add3A_141, %xor3A_149 : vector<16xi32>
        %shift_left3A_151 = arith.constant 6 : i32
        %shift_left3A_152 = vector.broadcast %shift_left3A_151 : i32 to vector<16xi32>
        %shift_left3A_153 = arith.shli %xor3A_149, %shift_left3A_152 : vector<16xi32>
        %shift_right_logical3A_154 = arith.constant 26 : i32
        %shift_right_logical3A_155 = vector.broadcast %shift_right_logical3A_154 : i32 to vector<16xi32>
        %shift_right_logical3A_156 = arith.shrui %xor3A_149, %shift_right_logical3A_155 : vector<16xi32>
        %or3A_157 = arith.ori %shift_left3A_153, %shift_right_logical3A_156 : vector<16xi32>
        %xor3A_158 = arith.xori %add3A_150, %or3A_157 : vector<16xi32>
        %add3A_159 = arith.constant 0 : i32
        %add3A_160 = vector.broadcast %add3A_159 : i32 to vector<16xi32>
        %add3A_161 = arith.addi %add3A_150, %add3A_160 : vector<16xi32>
        %add3A_162 = arith.constant 42 : i32
        %add3A_163 = vector.broadcast %add3A_162 : i32 to vector<16xi32>
        %add3A_164 = arith.addi %xor3A_158, %add3A_163 : vector<16xi32>
        %add3A_165 = arith.constant 3 : i32
        %add3A_166 = vector.broadcast %add3A_165 : i32 to vector<16xi32>
        %add3A_167 = arith.addi %add3A_164, %add3A_166 : vector<16xi32>
        %add3A_168 = arith.addi %add3A_161, %add3A_167 : vector<16xi32>
        %shift_left3A_169 = arith.constant 17 : i32
        %shift_left3A_170 = vector.broadcast %shift_left3A_169 : i32 to vector<16xi32>
        %shift_left3A_171 = arith.shli %add3A_167, %shift_left3A_170 : vector<16xi32>
        %shift_right_logical3A_172 = arith.constant 15 : i32
        %shift_right_logical3A_173 = vector.broadcast %shift_right_logical3A_172 : i32 to vector<16xi32>
        %shift_right_logical3A_174 = arith.shrui %add3A_167, %shift_right_logical3A_173 : vector<16xi32>
        %or3A_175 = arith.ori %shift_left3A_171, %shift_right_logical3A_174 : vector<16xi32>
        %xor3A_176 = arith.xori %add3A_168, %or3A_175 : vector<16xi32>
        %add3A_177 = arith.addi %add3A_168, %xor3A_176 : vector<16xi32>
        %shift_left3A_178 = arith.constant 29 : i32
        %shift_left3A_179 = vector.broadcast %shift_left3A_178 : i32 to vector<16xi32>
        %shift_left3A_180 = arith.shli %xor3A_176, %shift_left3A_179 : vector<16xi32>
        %shift_right_logical3A_181 = arith.constant 3 : i32
        %shift_right_logical3A_182 = vector.broadcast %shift_right_logical3A_181 : i32 to vector<16xi32>
        %shift_right_logical3A_183 = arith.shrui %xor3A_176, %shift_right_logical3A_182 : vector<16xi32>
        %or3A_184 = arith.ori %shift_left3A_180, %shift_right_logical3A_183 : vector<16xi32>
        %xor3A_185 = arith.xori %add3A_177, %or3A_184 : vector<16xi32>
        %add3A_186 = arith.addi %add3A_177, %xor3A_185 : vector<16xi32>
        %shift_left3A_187 = arith.constant 16 : i32
        %shift_left3A_188 = vector.broadcast %shift_left3A_187 : i32 to vector<16xi32>
        %shift_left3A_189 = arith.shli %xor3A_185, %shift_left3A_188 : vector<16xi32>
        %shift_right_logical3A_190 = arith.constant 16 : i32
        %shift_right_logical3A_191 = vector.broadcast %shift_right_logical3A_190 : i32 to vector<16xi32>
        %shift_right_logical3A_192 = arith.shrui %xor3A_185, %shift_right_logical3A_191 : vector<16xi32>
        %or3A_193 = arith.ori %shift_left3A_189, %shift_right_logical3A_192 : vector<16xi32>
        %xor3A_194 = arith.xori %add3A_186, %or3A_193 : vector<16xi32>
        %add3A_195 = arith.addi %add3A_186, %xor3A_194 : vector<16xi32>
        %shift_left3A_196 = arith.constant 24 : i32
        %shift_left3A_197 = vector.broadcast %shift_left3A_196 : i32 to vector<16xi32>
        %shift_left3A_198 = arith.shli %xor3A_194, %shift_left3A_197 : vector<16xi32>
        %shift_right_logical3A_199 = arith.constant 8 : i32
        %shift_right_logical3A_200 = vector.broadcast %shift_right_logical3A_199 : i32 to vector<16xi32>
        %shift_right_logical3A_201 = arith.shrui %xor3A_194, %shift_right_logical3A_200 : vector<16xi32>
        %or3A_202 = arith.ori %shift_left3A_198, %shift_right_logical3A_201 : vector<16xi32>
        %xor3A_203 = arith.xori %add3A_195, %or3A_202 : vector<16xi32>
        %add3A_204 = arith.constant 42 : i32
        %add3A_205 = vector.broadcast %add3A_204 : i32 to vector<16xi32>
        %add3A_206 = arith.addi %add3A_195, %add3A_205 : vector<16xi32>
        %add3A_207 = arith.constant 466689008 : i32
        %add3A_208 = vector.broadcast %add3A_207 : i32 to vector<16xi32>
        %add3A_209 = arith.addi %xor3A_203, %add3A_208 : vector<16xi32>
        %add3A_210 = arith.constant 4 : i32
        %add3A_211 = vector.broadcast %add3A_210 : i32 to vector<16xi32>
        %add3A_212 = arith.addi %add3A_209, %add3A_211 : vector<16xi32>
        %add3A_213 = arith.addi %add3A_206, %add3A_212 : vector<16xi32>
        %shift_left3A_214 = arith.constant 13 : i32
        %shift_left3A_215 = vector.broadcast %shift_left3A_214 : i32 to vector<16xi32>
        %shift_left3A_216 = arith.shli %add3A_212, %shift_left3A_215 : vector<16xi32>
        %shift_right_logical3A_217 = arith.constant 19 : i32
        %shift_right_logical3A_218 = vector.broadcast %shift_right_logical3A_217 : i32 to vector<16xi32>
        %shift_right_logical3A_219 = arith.shrui %add3A_212, %shift_right_logical3A_218 : vector<16xi32>
        %or3A_220 = arith.ori %shift_left3A_216, %shift_right_logical3A_219 : vector<16xi32>
        %xor3A_221 = arith.xori %add3A_213, %or3A_220 : vector<16xi32>
        %add3A_222 = arith.addi %add3A_213, %xor3A_221 : vector<16xi32>
        %shift_left3A_223 = arith.constant 15 : i32
        %shift_left3A_224 = vector.broadcast %shift_left3A_223 : i32 to vector<16xi32>
        %shift_left3A_225 = arith.shli %xor3A_221, %shift_left3A_224 : vector<16xi32>
        %shift_right_logical3A_226 = arith.constant 17 : i32
        %shift_right_logical3A_227 = vector.broadcast %shift_right_logical3A_226 : i32 to vector<16xi32>
        %shift_right_logical3A_228 = arith.shrui %xor3A_221, %shift_right_logical3A_227 : vector<16xi32>
        %or3A_229 = arith.ori %shift_left3A_225, %shift_right_logical3A_228 : vector<16xi32>
        %xor3A_230 = arith.xori %add3A_222, %or3A_229 : vector<16xi32>
        %add3A_231 = arith.addi %add3A_222, %xor3A_230 : vector<16xi32>
        %shift_left3A_232 = arith.constant 26 : i32
        %shift_left3A_233 = vector.broadcast %shift_left3A_232 : i32 to vector<16xi32>
        %shift_left3A_234 = arith.shli %xor3A_230, %shift_left3A_233 : vector<16xi32>
        %shift_right_logical3A_235 = arith.constant 6 : i32
        %shift_right_logical3A_236 = vector.broadcast %shift_right_logical3A_235 : i32 to vector<16xi32>
        %shift_right_logical3A_237 = arith.shrui %xor3A_230, %shift_right_logical3A_236 : vector<16xi32>
        %or3A_238 = arith.ori %shift_left3A_234, %shift_right_logical3A_237 : vector<16xi32>
        %xor3A_239 = arith.xori %add3A_231, %or3A_238 : vector<16xi32>
        %add3A_240 = arith.addi %add3A_231, %xor3A_239 : vector<16xi32>
        %shift_left3A_241 = arith.constant 6 : i32
        %shift_left3A_242 = vector.broadcast %shift_left3A_241 : i32 to vector<16xi32>
        %shift_left3A_243 = arith.shli %xor3A_239, %shift_left3A_242 : vector<16xi32>
        %shift_right_logical3A_244 = arith.constant 26 : i32
        %shift_right_logical3A_245 = vector.broadcast %shift_right_logical3A_244 : i32 to vector<16xi32>
        %shift_right_logical3A_246 = arith.shrui %xor3A_239, %shift_right_logical3A_245 : vector<16xi32>
        %or3A_247 = arith.ori %shift_left3A_243, %shift_right_logical3A_246 : vector<16xi32>
        %xor3A_248 = arith.xori %add3A_240, %or3A_247 : vector<16xi32>
        %add3A_249 = arith.constant 466689008 : i32
        %add3A_250 = vector.broadcast %add3A_249 : i32 to vector<16xi32>
        %add3A_251 = arith.addi %add3A_240, %add3A_250 : vector<16xi32>
        %add3A_252 = arith.constant 0 : i32
        %add3A_253 = vector.broadcast %add3A_252 : i32 to vector<16xi32>
        %add3A_254 = arith.addi %xor3A_248, %add3A_253 : vector<16xi32>
        %add3A_255 = arith.constant 5 : i32
        %add3A_256 = vector.broadcast %add3A_255 : i32 to vector<16xi32>
        %add3A_257 = arith.addi %add3A_254, %add3A_256 : vector<16xi32>
        %xor3A_258 = arith.xori %add3A_251, %add3A_257 : vector<16xi32>
        %swap3A = arith.index_cast %mul3A_26 : i32 to index
        %swap3A_259 = tpu.vector_load %arg3[%swap3A] {strides = array<i32>} : memref<8192xi32, #tpu.memory_space<vmem>>, vector<16xi32>,
        %swap3A_260 = vector.shape_cast %swap3A_259 : vector<16xi32> to vector<16xi32>
        %swap3A_261 = vector.shape_cast %xor3A_258 : vector<16xi32> to vector<16xi32>
        tpu.vector_store %arg3[%swap3A], %swap3A_261 {strides = array<i32>} : memref<8192xi32, #tpu.memory_space<vmem>>, vector<16xi32>,
        %mul3A_262 = arith.constant 8 : i32
        %mul3A_263 = arith.muli %scan3A_20, %mul3A_262 : i32
        %add3A_264 = arith.constant 1 : i32
        %add3A_265 = arith.addi %mul3A_263, %add3A_264 : i32
        %mul3A_266 = arith.constant 16 : i32
        %mul3A_267 = arith.muli %add3A_265, %mul3A_266 : i32
        %mul3A_268 = arith.constant 8192 : i32
        %mul3A_269 = arith.muli %scan3A_10, %mul3A_268 : i32
        %add3A_270 = arith.addi %mul3A_269, %mul3A_267 : i32
        %add3A_271 = arith.addi %add3A_4, %add3A_270 : i32
        %add3A_272 = vector.broadcast %add3A_271 : i32 to vector<16xi32>
        %add3A_273 = arith.addi %add3A_272, %iota3A : vector<16xi32>
        %broadcast_in_dim3A_274 = arith.constant 0 : i32
        %broadcast_in_dim3A_275 = vector.broadcast %broadcast_in_dim3A_274 : i32 to vector<16xi32>
        %add3A_276 = arith.constant 42 : i32
        %add3A_277 = vector.broadcast %add3A_276 : i32 to vector<16xi32>
        %add3A_278 = arith.addi %add3A_273, %add3A_277 : vector<16xi32>
        %add3A_279 = arith.addi %broadcast_in_dim3A_275, %add3A_278 : vector<16xi32>
        %shift_left3A_280 = arith.constant 13 : i32
        %shift_left3A_281 = vector.broadcast %shift_left3A_280 : i32 to vector<16xi32>
        %shift_left3A_282 = arith.shli %add3A_278, %shift_left3A_281 : vector<16xi32>
        %shift_right_logical3A_283 = arith.constant 19 : i32
        %shift_right_logical3A_284 = vector.broadcast %shift_right_logical3A_283 : i32 to vector<16xi32>
        %shift_right_logical3A_285 = arith.shrui %add3A_278, %shift_right_logical3A_284 : vector<16xi32>
        %or3A_286 = arith.ori %shift_left3A_282, %shift_right_logical3A_285 : vector<16xi32>
        %xor3A_287 = arith.xori %add3A_279, %or3A_286 : vector<16xi32>
        %add3A_288 = arith.addi %add3A_279, %xor3A_287 : vector<16xi32>
        %shift_left3A_289 = arith.constant 15 : i32
        %shift_left3A_290 = vector.broadcast %shift_left3A_289 : i32 to vector<16xi32>
        %shift_left3A_291 = arith.shli %xor3A_287, %shift_left3A_290 : vector<16xi32>
        %shift_right_logical3A_292 = arith.constant 17 : i32
        %shift_right_logical3A_293 = vector.broadcast %shift_right_logical3A_292 : i32 to vector<16xi32>
        %shift_right_logical3A_294 = arith.shrui %xor3A_287, %shift_right_logical3A_293 : vector<16xi32>
        %or3A_295 = arith.ori %shift_left3A_291, %shift_right_logical3A_294 : vector<16xi32>
        %xor3A_296 = arith.xori %add3A_288, %or3A_295 : vector<16xi32>
        %add3A_297 = arith.addi %add3A_288, %xor3A_296 : vector<16xi32>
        %shift_left3A_298 = arith.constant 26 : i32
        %shift_left3A_299 = vector.broadcast %shift_left3A_298 : i32 to vector<16xi32>
        %shift_left3A_300 = arith.shli %xor3A_296, %shift_left3A_299 : vector<16xi32>
        %shift_right_logical3A_301 = arith.constant 6 : i32
        %shift_right_logical3A_302 = vector.broadcast %shift_right_logical3A_301 : i32 to vector<16xi32>
        %shift_right_logical3A_303 = arith.shrui %xor3A_296, %shift_right_logical3A_302 : vector<16xi32>
        %or3A_304 = arith.ori %shift_left3A_300, %shift_right_logical3A_303 : vector<16xi32>
        %xor3A_305 = arith.xori %add3A_297, %or3A_304 : vector<16xi32>
        %add3A_306 = arith.addi %add3A_297, %xor3A_305 : vector<16xi32>
        %shift_left3A_307 = arith.constant 6 : i32
        %shift_left3A_308 = vector.broadcast %shift_left3A_307 : i32 to vector<16xi32>
        %shift_left3A_309 = arith.shli %xor3A_305, %shift_left3A_308 : vector<16xi32>
        %shift_right_logical3A_310 = arith.constant 26 : i32
        %shift_right_logical3A_311 = vector.broadcast %shift_right_logical3A_310 : i32 to vector<16xi32>
        %shift_right_logical3A_312 = arith.shrui %xor3A_305, %shift_right_logical3A_311 : vector<16xi32>
        %or3A_313 = arith.ori %shift_left3A_309, %shift_right_logical3A_312 : vector<16xi32>
        %xor3A_314 = arith.xori %add3A_306, %or3A_313 : vector<16xi32>
        %add3A_315 = arith.constant 42 : i32
        %add3A_316 = vector.broadcast %add3A_315 : i32 to vector<16xi32>
        %add3A_317 = arith.addi %add3A_306, %add3A_316 : vector<16xi32>
        %add3A_318 = arith.constant 466689008 : i32
        %add3A_319 = vector.broadcast %add3A_318 : i32 to vector<16xi32>
        %add3A_320 = arith.addi %xor3A_314, %add3A_319 : vector<16xi32>
        %add3A_321 = arith.constant 1 : i32
        %add3A_322 = vector.broadcast %add3A_321 : i32 to vector<16xi32>
        %add3A_323 = arith.addi %add3A_320, %add3A_322 : vector<16xi32>
        %add3A_324 = arith.addi %add3A_317, %add3A_323 : vector<16xi32>
        %shift_left3A_325 = arith.constant 17 : i32
        %shift_left3A_326 = vector.broadcast %shift_left3A_325 : i32 to vector<16xi32>
        %shift_left3A_327 = arith.shli %add3A_323, %shift_left3A_326 : vector<16xi32>
        %shift_right_logical3A_328 = arith.constant 15 : i32
        %shift_right_logical3A_329 = vector.broadcast %shift_right_logical3A_328 : i32 to vector<16xi32>
        %shift_right_logical3A_330 = arith.shrui %add3A_323, %shift_right_logical3A_329 : vector<16xi32>
        %or3A_331 = arith.ori %shift_left3A_327, %shift_right_logical3A_330 : vector<16xi32>
        %xor3A_332 = arith.xori %add3A_324, %or3A_331 : vector<16xi32>
        %add3A_333 = arith.addi %add3A_324, %xor3A_332 : vector<16xi32>
        %shift_left3A_334 = arith.constant 29 : i32
        %shift_left3A_335 = vector.broadcast %shift_left3A_334 : i32 to vector<16xi32>
        %shift_left3A_336 = arith.shli %xor3A_332, %shift_left3A_335 : vector<16xi32>
        %shift_right_logical3A_337 = arith.constant 3 : i32
        %shift_right_logical3A_338 = vector.broadcast %shift_right_logical3A_337 : i32 to vector<16xi32>
        %shift_right_logical3A_339 = arith.shrui %xor3A_332, %shift_right_logical3A_338 : vector<16xi32>
        %or3A_340 = arith.ori %shift_left3A_336, %shift_right_logical3A_339 : vector<16xi32>
        %xor3A_341 = arith.xori %add3A_333, %or3A_340 : vector<16xi32>
        %add3A_342 = arith.addi %add3A_333, %xor3A_341 : vector<16xi32>
        %shift_left3A_343 = arith.constant 16 : i32
        %shift_left3A_344 = vector.broadcast %shift_left3A_343 : i32 to vector<16xi32>
        %shift_left3A_345 = arith.shli %xor3A_341, %shift_left3A_344 : vector<16xi32>
        %shift_right_logical3A_346 = arith.constant 16 : i32
        %shift_right_logical3A_347 = vector.broadcast %shift_right_logical3A_346 : i32 to vector<16xi32>
        %shift_right_logical3A_348 = arith.shrui %xor3A_341, %shift_right_logical3A_347 : vector<16xi32>
        %or3A_349 = arith.ori %shift_left3A_345, %shift_right_logical3A_348 : vector<16xi32>
        %xor3A_350 = arith.xori %add3A_342, %or3A_349 : vector<16xi32>
        %add3A_351 = arith.addi %add3A_342, %xor3A_350 : vector<16xi32>
        %shift_left3A_352 = arith.constant 24 : i32
        %shift_left3A_353 = vector.broadcast %shift_left3A_352 : i32 to vector<16xi32>
        %shift_left3A_354 = arith.shli %xor3A_350, %shift_left3A_353 : vector<16xi32>
        %shift_right_logical3A_355 = arith.constant 8 : i32
        %shift_right_logical3A_356 = vector.broadcast %shift_right_logical3A_355 : i32 to vector<16xi32>
        %shift_right_logical3A_357 = arith.shrui %xor3A_350, %shift_right_logical3A_356 : vector<16xi32>
        %or3A_358 = arith.ori %shift_left3A_354, %shift_right_logical3A_357 : vector<16xi32>
        %xor3A_359 = arith.xori %add3A_351, %or3A_358 : vector<16xi32>
        %add3A_360 = arith.constant 466689008 : i32
        %add3A_361 = vector.broadcast %add3A_360 : i32 to vector<16xi32>
        %add3A_362 = arith.addi %add3A_351, %add3A_361 : vector<16xi32>
        %add3A_363 = arith.constant 0 : i32
        %add3A_364 = vector.broadcast %add3A_363 : i32 to vector<16xi32>
        %add3A_365 = arith.addi %xor3A_359, %add3A_364 : vector<16xi32>
        %add3A_366 = arith.constant 2 : i32
        %add3A_367 = vector.broadcast %add3A_366 : i32 to vector<16xi32>
        %add3A_368 = arith.addi %add3A_365, %add3A_367 : vector<16xi32>
        %add3A_369 = arith.addi %add3A_362, %add3A_368 : vector<16xi32>
        %shift_left3A_370 = arith.constant 13 : i32
        %shift_left3A_371 = vector.broadcast %shift_left3A_370 : i32 to vector<16xi32>
        %shift_left3A_372 = arith.shli %add3A_368, %shift_left3A_371 : vector<16xi32>
        %shift_right_logical3A_373 = arith.constant 19 : i32
        %shift_right_logical3A_374 = vector.broadcast %shift_right_logical3A_373 : i32 to vector<16xi32>
        %shift_right_logical3A_375 = arith.shrui %add3A_368, %shift_right_logical3A_374 : vector<16xi32>
        %or3A_376 = arith.ori %shift_left3A_372, %shift_right_logical3A_375 : vector<16xi32>
        %xor3A_377 = arith.xori %add3A_369, %or3A_376 : vector<16xi32>
        %add3A_378 = arith.addi %add3A_369, %xor3A_377 : vector<16xi32>
        %shift_left3A_379 = arith.constant 15 : i32
        %shift_left3A_380 = vector.broadcast %shift_left3A_379 : i32 to vector<16xi32>
        %shift_left3A_381 = arith.shli %xor3A_377, %shift_left3A_380 : vector<16xi32>
        %shift_right_logical3A_382 = arith.constant 17 : i32
        %shift_right_logical3A_383 = vector.broadcast %shift_right_logical3A_382 : i32 to vector<16xi32>
        %shift_right_logical3A_384 = arith.shrui %xor3A_377, %shift_right_logical3A_383 : vector<16xi32>
        %or3A_385 = arith.ori %shift_left3A_381, %shift_right_logical3A_384 : vector<16xi32>
        %xor3A_386 = arith.xori %add3A_378, %or3A_385 : vector<16xi32>
        %add3A_387 = arith.addi %add3A_378, %xor3A_386 : vector<16xi32>
        %shift_left3A_388 = arith.constant 26 : i32
        %shift_left3A_389 = vector.broadcast %shift_left3A_388 : i32 to vector<16xi32>
        %shift_left3A_390 = arith.shli %xor3A_386, %shift_left3A_389 : vector<16xi32>
        %shift_right_logical3A_391 = arith.constant 6 : i32
        %shift_right_logical3A_392 = vector.broadcast %shift_right_logical3A_391 : i32 to vector<16xi32>
        %shift_right_logical3A_393 = arith.shrui %xor3A_386, %shift_right_logical3A_392 : vector<16xi32>
        %or3A_394 = arith.ori %shift_left3A_390, %shift_right_logical3A_393 : vector<16xi32>
        %xor3A_395 = arith.xori %add3A_387, %or3A_394 : vector<16xi32>
        %add3A_396 = arith.addi %add3A_387, %xor3A_395 : vector<16xi32>
        %shift_left3A_397 = arith.constant 6 : i32
        %shift_left3A_398 = vector.broadcast %shift_left3A_397 : i32 to vector<16xi32>
        %shift_left3A_399 = arith.shli %xor3A_395, %shift_left3A_398 : vector<16xi32>
        %shift_right_logical3A_400 = arith.constant 26 : i32
        %shift_right_logical3A_401 = vector.broadcast %shift_right_logical3A_400 : i32 to vector<16xi32>
        %shift_right_logical3A_402 = arith.shrui %xor3A_395, %shift_right_logical3A_401 : vector<16xi32>
        %or3A_403 = arith.ori %shift_left3A_399, %shift_right_logical3A_402 : vector<16xi32>
        %xor3A_404 = arith.xori %add3A_396, %or3A_403 : vector<16xi32>
        %add3A_405 = arith.constant 0 : i32
        %add3A_406 = vector.broadcast %add3A_405 : i32 to vector<16xi32>
        %add3A_407 = arith.addi %add3A_396, %add3A_406 : vector<16xi32>
        %add3A_408 = arith.constant 42 : i32
        %add3A_409 = vector.broadcast %add3A_408 : i32 to vector<16xi32>
        %add3A_410 = arith.addi %xor3A_404, %add3A_409 : vector<16xi32>
        %add3A_411 = arith.constant 3 : i32
        %add3A_412 = vector.broadcast %add3A_411 : i32 to vector<16xi32>
        %add3A_413 = arith.addi %add3A_410, %add3A_412 : vector<16xi32>
        %add3A_414 = arith.addi %add3A_407, %add3A_413 : vector<16xi32>
        %shift_left3A_415 = arith.constant 17 : i32
        %shift_left3A_416 = vector.broadcast %shift_left3A_415 : i32 to vector<16xi32>
        %shift_left3A_417 = arith.shli %add3A_413, %shift_left3A_416 : vector<16xi32>
        %shift_right_logical3A_418 = arith.constant 15 : i32
        %shift_right_logical3A_419 = vector.broadcast %shift_right_logical3A_418 : i32 to vector<16xi32>
        %shift_right_logical3A_420 = arith.shrui %add3A_413, %shift_right_logical3A_419 : vector<16xi32>
        %or3A_421 = arith.ori %shift_left3A_417, %shift_right_logical3A_420 : vector<16xi32>
        %xor3A_422 = arith.xori %add3A_414, %or3A_421 : vector<16xi32>
        %add3A_423 = arith.addi %add3A_414, %xor3A_422 : vector<16xi32>
        %shift_left3A_424 = arith.constant 29 : i32
        %shift_left3A_425 = vector.broadcast %shift_left3A_424 : i32 to vector<16xi32>
        %shift_left3A_426 = arith.shli %xor3A_422, %shift_left3A_425 : vector<16xi32>
        %shift_right_logical3A_427 = arith.constant 3 : i32
        %shift_right_logical3A_428 = vector.broadcast %shift_right_logical3A_427 : i32 to vector<16xi32>
        %shift_right_logical3A_429 = arith.shrui %xor3A_422, %shift_right_logical3A_428 : vector<16xi32>
        %or3A_430 = arith.ori %shift_left3A_426, %shift_right_logical3A_429 : vector<16xi32>
        %xor3A_431 = arith.xori %add3A_423, %or3A_430 : vector<16xi32>
        %add3A_432 = arith.addi %add3A_423, %xor3A_431 : vector<16xi32>
        %shift_left3A_433 = arith.constant 16 : i32
        %shift_left3A_434 = vector.broadcast %shift_left3A_433 : i32 to vector<16xi32>
        %shift_left3A_435 = arith.shli %xor3A_431, %shift_left3A_434 : vector<16xi32>
        %shift_right_logical3A_436 = arith.constant 16 : i32
        %shift_right_logical3A_437 = vector.broadcast %shift_right_logical3A_436 : i32 to vector<16xi32>
        %shift_right_logical3A_438 = arith.shrui %xor3A_431, %shift_right_logical3A_437 : vector<16xi32>
        %or3A_439 = arith.ori %shift_left3A_435, %shift_right_logical3A_438 : vector<16xi32>
        %xor3A_440 = arith.xori %add3A_432, %or3A_439 : vector<16xi32>
        %add3A_441 = arith.addi %add3A_432, %xor3A_440 : vector<16xi32>
        %shift_left3A_442 = arith.constant 24 : i32
        %shift_left3A_443 = vector.broadcast %shift_left3A_442 : i32 to vector<16xi32>
        %shift_left3A_444 = arith.shli %xor3A_440, %shift_left3A_443 : vector<16xi32>
        %shift_right_logical3A_445 = arith.constant 8 : i32
        %shift_right_logical3A_446 = vector.broadcast %shift_right_logical3A_445 : i32 to vector<16xi32>
        %shift_right_logical3A_447 = arith.shrui %xor3A_440, %shift_right_logical3A_446 : vector<16xi32>
        %or3A_448 = arith.ori %shift_left3A_444, %shift_right_logical3A_447 : vector<16xi32>
        %xor3A_449 = arith.xori %add3A_441, %or3A_448 : vector<16xi32>
        %add3A_450 = arith.constant 42 : i32
        %add3A_451 = vector.broadcast %add3A_450 : i32 to vector<16xi32>
        %add3A_452 = arith.addi %add3A_441, %add3A_451 : vector<16xi32>
        %add3A_453 = arith.constant 466689008 : i32
        %add3A_454 = vector.broadcast %add3A_453 : i32 to vector<16xi32>
        %add3A_455 = arith.addi %xor3A_449, %add3A_454 : vector<16xi32>
        %add3A_456 = arith.constant 4 : i32
        %add3A_457 = vector.broadcast %add3A_456 : i32 to vector<16xi32>
        %add3A_458 = arith.addi %add3A_455, %add3A_457 : vector<16xi32>
        %add3A_459 = arith.addi %add3A_452, %add3A_458 : vector<16xi32>
        %shift_left3A_460 = arith.constant 13 : i32
        %shift_left3A_461 = vector.broadcast %shift_left3A_460 : i32 to vector<16xi32>
        %shift_left3A_462 = arith.shli %add3A_458, %shift_left3A_461 : vector<16xi32>
        %shift_right_logical3A_463 = arith.constant 19 : i32
        %shift_right_logical3A_464 = vector.broadcast %shift_right_logical3A_463 : i32 to vector<16xi32>
        %shift_right_logical3A_465 = arith.shrui %add3A_458, %shift_right_logical3A_464 : vector<16xi32>
        %or3A_466 = arith.ori %shift_left3A_462, %shift_right_logical3A_465 : vector<16xi32>
        %xor3A_467 = arith.xori %add3A_459, %or3A_466 : vector<16xi32>
        %add3A_468 = arith.addi %add3A_459, %xor3A_467 : vector<16xi32>
        %shift_left3A_469 = arith.constant 15 : i32
        %shift_left3A_470 = vector.broadcast %shift_left3A_469 : i32 to vector<16xi32>
        %shift_left3A_471 = arith.shli %xor3A_467, %shift_left3A_470 : vector<16xi32>
        %shift_right_logical3A_472 = arith.constant 17 : i32
        %shift_right_logical3A_473 = vector.broadcast %shift_right_logical3A_472 : i32 to vector<16xi32>
        %shift_right_logical3A_474 = arith.shrui %xor3A_467, %shift_right_logical3A_473 : vector<16xi32>
        %or3A_475 = arith.ori %shift_left3A_471, %shift_right_logical3A_474 : vector<16xi32>
        %xor3A_476 = arith.xori %add3A_468, %or3A_475 : vector<16xi32>
        %add3A_477 = arith.addi %add3A_468, %xor3A_476 : vector<16xi32>
        %shift_left3A_478 = arith.constant 26 : i32
        %shift_left3A_479 = vector.broadcast %shift_left3A_478 : i32 to vector<16xi32>
        %shift_left3A_480 = arith.shli %xor3A_476, %shift_left3A_479 : vector<16xi32>
        %shift_right_logical3A_481 = arith.constant 6 : i32
        %shift_right_logical3A_482 = vector.broadcast %shift_right_logical3A_481 : i32 to vector<16xi32>
        %shift_right_logical3A_483 = arith.shrui %xor3A_476, %shift_right_logical3A_482 : vector<16xi32>
        %or3A_484 = arith.ori %shift_left3A_480, %shift_right_logical3A_483 : vector<16xi32>
        %xor3A_485 = arith.xori %add3A_477, %or3A_484 : vector<16xi32>
        %add3A_486 = arith.addi %add3A_477, %xor3A_485 : vector<16xi32>
        %shift_left3A_487 = arith.constant 6 : i32
        %shift_left3A_488 = vector.broadcast %shift_left3A_487 : i32 to vector<16xi32>
        %shift_left3A_489 = arith.shli %xor3A_485, %shift_left3A_488 : vector<16xi32>
        %shift_right_logical3A_490 = arith.constant 26 : i32
        %shift_right_logical3A_491 = vector.broadcast %shift_right_logical3A_490 : i32 to vector<16xi32>
        %shift_right_logical3A_492 = arith.shrui %xor3A_485, %shift_right_logical3A_491 : vector<16xi32>
        %or3A_493 = arith.ori %shift_left3A_489, %shift_right_logical3A_492 : vector<16xi32>
        %xor3A_494 = arith.xori %add3A_486, %or3A_493 : vector<16xi32>
        %add3A_495 = arith.constant 466689008 : i32
        %add3A_496 = vector.broadcast %add3A_495 : i32 to vector<16xi32>
        %add3A_497 = arith.addi %add3A_486, %add3A_496 : vector<16xi32>
        %add3A_498 = arith.constant 0 : i32
        %add3A_499 = vector.broadcast %add3A_498 : i32 to vector<16xi32>
        %add3A_500 = arith.addi %xor3A_494, %add3A_499 : vector<16xi32>
        %add3A_501 = arith.constant 5 : i32
        %add3A_502 = vector.broadcast %add3A_501 : i32 to vector<16xi32>
        %add3A_503 = arith.addi %add3A_500, %add3A_502 : vector<16xi32>
        %xor3A_504 = arith.xori %add3A_497, %add3A_503 : vector<16xi32>
        %swap3A_505 = arith.index_cast %mul3A_267 : i32 to index
        %swap3A_506 = tpu.vector_load %arg3[%swap3A_505] {strides = array<i32>} : memref<8192xi32, #tpu.memory_space<vmem>>, vector<16xi32>,
        %swap3A_507 = vector.shape_cast %swap3A_506 : vector<16xi32> to vector<16xi32>
        %swap3A_508 = vector.shape_cast %xor3A_504 : vector<16xi32> to vector<16xi32>
        tpu.vector_store %arg3[%swap3A_505], %swap3A_508 {strides = array<i32>} : memref<8192xi32, #tpu.memory_space<vmem>>, vector<16xi32>,
        %mul3A_509 = arith.constant 8 : i32
        %mul3A_510 = arith.muli %scan3A_20, %mul3A_509 : i32
        %add3A_511 = arith.constant 2 : i32
        %add3A_512 = arith.addi %mul3A_510, %add3A_511 : i32
        %mul3A_513 = arith.constant 16 : i32
        %mul3A_514 = arith.muli %add3A_512, %mul3A_513 : i32
        %mul3A_515 = arith.constant 8192 : i32
        %mul3A_516 = arith.muli %scan3A_10, %mul3A_515 : i32
        %add3A_517 = arith.addi %mul3A_516, %mul3A_514 : i32
        %add3A_518 = arith.addi %add3A_4, %add3A_517 : i32
        %add3A_519 = vector.broadcast %add3A_518 : i32 to vector<16xi32>
        %add3A_520 = arith.addi %add3A_519, %iota3A : vector<16xi32>
        %broadcast_in_dim3A_521 = arith.constant 0 : i32
        %broadcast_in_dim3A_522 = vector.broadcast %broadcast_in_dim3A_521 : i32 to vector<16xi32>
        %add3A_523 = arith.constant 42 : i32
        %add3A_524 = vector.broadcast %add3A_523 : i32 to vector<16xi32>
        %add3A_525 = arith.addi %add3A_520, %add3A_524 : vector<16xi32>
        %add3A_526 = arith.addi %broadcast_in_dim3A_522, %add3A_525 : vector<16xi32>
        %shift_left3A_527 = arith.constant 13 : i32
        %shift_left3A_528 = vector.broadcast %shift_left3A_527 : i32 to vector<16xi32>
        %shift_left3A_529 = arith.shli %add3A_525, %shift_left3A_528 : vector<16xi32>
        %shift_right_logical3A_530 = arith.constant 19 : i32
        %shift_right_logical3A_531 = vector.broadcast %shift_right_logical3A_530 : i32 to vector<16xi32>
        %shift_right_logical3A_532 = arith.shrui %add3A_525, %shift_right_logical3A_531 : vector<16xi32>
        %or3A_533 = arith.ori %shift_left3A_529, %shift_right_logical3A_532 : vector<16xi32>
        %xor3A_534 = arith.xori %add3A_526, %or3A_533 : vector<16xi32>
        %add3A_535 = arith.addi %add3A_526, %xor3A_534 : vector<16xi32>
        %shift_left3A_536 = arith.constant 15 : i32
        %shift_left3A_537 = vector.broadcast %shift_left3A_536 : i32 to vector<16xi32>
        %shift_left3A_538 = arith.shli %xor3A_534, %shift_left3A_537 : vector<16xi32>
        %shift_right_logical3A_539 = arith.constant 17 : i32
        %shift_right_logical3A_540 = vector.broadcast %shift_right_logical3A_539 : i32 to vector<16xi32>
        %shift_right_logical3A_541 = arith.shrui %xor3A_534, %shift_right_logical3A_540 : vector<16xi32>
        %or3A_542 = arith.ori %shift_left3A_538, %shift_right_logical3A_541 : vector<16xi32>
        %xor3A_543 = arith.xori %add3A_535, %or3A_542 : vector<16xi32>
        %add3A_544 = arith.addi %add3A_535, %xor3A_543 : vector<16xi32>
        %shift_left3A_545 = arith.constant 26 : i32
        %shift_left3A_546 = vector.broadcast %shift_left3A_545 : i32 to vector<16xi32>
        %shift_left3A_547 = arith.shli %xor3A_543, %shift_left3A_546 : vector<16xi32>
        %shift_right_logical3A_548 = arith.constant 6 : i32
        %shift_right_logical3A_549 = vector.broadcast %shift_right_logical3A_548 : i32 to vector<16xi32>
        %shift_right_logical3A_550 = arith.shrui %xor3A_543, %shift_right_logical3A_549 : vector<16xi32>
        %or3A_551 = arith.ori %shift_left3A_547, %shift_right_logical3A_550 : vector<16xi32>
        %xor3A_552 = arith.xori %add3A_544, %or3A_551 : vector<16xi32>
        %add3A_553 = arith.addi %add3A_544, %xor3A_552 : vector<16xi32>
        %shift_left3A_554 = arith.constant 6 : i32
        %shift_left3A_555 = vector.broadcast %shift_left3A_554 : i32 to vector<16xi32>
        %shift_left3A_556 = arith.shli %xor3A_552, %shift_left3A_555 : vector<16xi32>
        %shift_right_logical3A_557 = arith.constant 26 : i32
        %shift_right_logical3A_558 = vector.broadcast %shift_right_logical3A_557 : i32 to vector<16xi32>
        %shift_right_logical3A_559 = arith.shrui %xor3A_552, %shift_right_logical3A_558 : vector<16xi32>
        %or3A_560 = arith.ori %shift_left3A_556, %shift_right_logical3A_559 : vector<16xi32>
        %xor3A_561 = arith.xori %add3A_553, %or3A_560 : vector<16xi32>
        %add3A_562 = arith.constant 42 : i32
        %add3A_563 = vector.broadcast %add3A_562 : i32 to vector<16xi32>
        %add3A_564 = arith.addi %add3A_553, %add3A_563 : vector<16xi32>
        %add3A_565 = arith.constant 466689008 : i32
        %add3A_566 = vector.broadcast %add3A_565 : i32 to vector<16xi32>
        %add3A_567 = arith.addi %xor3A_561, %add3A_566 : vector<16xi32>
        %add3A_568 = arith.constant 1 : i32
        %add3A_569 = vector.broadcast %add3A_568 : i32 to vector<16xi32>
        %add3A_570 = arith.addi %add3A_567, %add3A_569 : vector<16xi32>
        %add3A_571 = arith.addi %add3A_564, %add3A_570 : vector<16xi32>
        %shift_left3A_572 = arith.constant 17 : i32
        %shift_left3A_573 = vector.broadcast %shift_left3A_572 : i32 to vector<16xi32>
        %shift_left3A_574 = arith.shli %add3A_570, %shift_left3A_573 : vector<16xi32>
        %shift_right_logical3A_575 = arith.constant 15 : i32
        %shift_right_logical3A_576 = vector.broadcast %shift_right_logical3A_575 : i32 to vector<16xi32>
        %shift_right_logical3A_577 = arith.shrui %add3A_570, %shift_right_logical3A_576 : vector<16xi32>
        %or3A_578 = arith.ori %shift_left3A_574, %shift_right_logical3A_577 : vector<16xi32>
        %xor3A_579 = arith.xori %add3A_571, %or3A_578 : vector<16xi32>
        %add3A_580 = arith.addi %add3A_571, %xor3A_579 : vector<16xi32>
        %shift_left3A_581 = arith.constant 29 : i32
        %shift_left3A_582 = vector.broadcast %shift_left3A_581 : i32 to vector<16xi32>
        %shift_left3A_583 = arith.shli %xor3A_579, %shift_left3A_582 : vector<16xi32>
        %shift_right_logical3A_584 = arith.constant 3 : i32
        %shift_right_logical3A_585 = vector.broadcast %shift_right_logical3A_584 : i32 to vector<16xi32>
        %shift_right_logical3A_586 = arith.shrui %xor3A_579, %shift_right_logical3A_585 : vector<16xi32>
        %or3A_587 = arith.ori %shift_left3A_583, %shift_right_logical3A_586 : vector<16xi32>
        %xor3A_588 = arith.xori %add3A_580, %or3A_587 : vector<16xi32>
        %add3A_589 = arith.addi %add3A_580, %xor3A_588 : vector<16xi32>
        %shift_left3A_590 = arith.constant 16 : i32
        %shift_left3A_591 = vector.broadcast %shift_left3A_590 : i32 to vector<16xi32>
        %shift_left3A_592 = arith.shli %xor3A_588, %shift_left3A_591 : vector<16xi32>
        %shift_right_logical3A_593 = arith.constant 16 : i32
        %shift_right_logical3A_594 = vector.broadcast %shift_right_logical3A_593 : i32 to vector<16xi32>
        %shift_right_logical3A_595 = arith.shrui %xor3A_588, %shift_right_logical3A_594 : vector<16xi32>
        %or3A_596 = arith.ori %shift_left3A_592, %shift_right_logical3A_595 : vector<16xi32>
        %xor3A_597 = arith.xori %add3A_589, %or3A_596 : vector<16xi32>
        %add3A_598 = arith.addi %add3A_589, %xor3A_597 : vector<16xi32>
        %shift_left3A_599 = arith.constant 24 : i32
        %shift_left3A_600 = vector.broadcast %shift_left3A_599 : i32 to vector<16xi32>
        %shift_left3A_601 = arith.shli %xor3A_597, %shift_left3A_600 : vector<16xi32>
        %shift_right_logical3A_602 = arith.constant 8 : i32
        %shift_right_logical3A_603 = vector.broadcast %shift_right_logical3A_602 : i32 to vector<16xi32>
        %shift_right_logical3A_604 = arith.shrui %xor3A_597, %shift_right_logical3A_603 : vector<16xi32>
        %or3A_605 = arith.ori %shift_left3A_601, %shift_right_logical3A_604 : vector<16xi32>
        %xor3A_606 = arith.xori %add3A_598, %or3A_605 : vector<16xi32>
        %add3A_607 = arith.constant 466689008 : i32
        %add3A_608 = vector.broadcast %add3A_607 : i32 to vector<16xi32>
        %add3A_609 = arith.addi %add3A_598, %add3A_608 : vector<16xi32>
        %add3A_610 = arith.constant 0 : i32
        %add3A_611 = vector.broadcast %add3A_610 : i32 to vector<16xi32>
        %add3A_612 = arith.addi %xor3A_606, %add3A_611 : vector<16xi32>
        %add3A_613 = arith.constant 2 : i32
        %add3A_614 = vector.broadcast %add3A_613 : i32 to vector<16xi32>
        %add3A_615 = arith.addi %add3A_612, %add3A_614 : vector<16xi32>
        %add3A_616 = arith.addi %add3A_609, %add3A_615 : vector<16xi32>
        %shift_left3A_617 = arith.constant 13 : i32
        %shift_left3A_618 = vector.broadcast %shift_left3A_617 : i32 to vector<16xi32>
        %shift_left3A_619 = arith.shli %add3A_615, %shift_left3A_618 : vector<16xi32>
        %shift_right_logical3A_620 = arith.constant 19 : i32
        %shift_right_logical3A_621 = vector.broadcast %shift_right_logical3A_620 : i32 to vector<16xi32>
        %shift_right_logical3A_622 = arith.shrui %add3A_615, %shift_right_logical3A_621 : vector<16xi32>
        %or3A_623 = arith.ori %shift_left3A_619, %shift_right_logical3A_622 : vector<16xi32>
        %xor3A_624 = arith.xori %add3A_616, %or3A_623 : vector<16xi32>
        %add3A_625 = arith.addi %add3A_616, %xor3A_624 : vector<16xi32>
        %shift_left3A_626 = arith.constant 15 : i32
        %shift_left3A_627 = vector.broadcast %shift_left3A_626 : i32 to vector<16xi32>
        %shift_left3A_628 = arith.shli %xor3A_624, %shift_left3A_627 : vector<16xi32>
        %shift_right_logical3A_629 = arith.constant 17 : i32
        %shift_right_logical3A_630 = vector.broadcast %shift_right_logical3A_629 : i32 to vector<16xi32>
        %shift_right_logical3A_631 = arith.shrui %xor3A_624, %shift_right_logical3A_630 : vector<16xi32>
        %or3A_632 = arith.ori %shift_left3A_628, %shift_right_logical3A_631 : vector<16xi32>
        %xor3A_633 = arith.xori %add3A_625, %or3A_632 : vector<16xi32>
        %add3A_634 = arith.addi %add3A_625, %xor3A_633 : vector<16xi32>
        %shift_left3A_635 = arith.constant 26 : i32
        %shift_left3A_636 = vector.broadcast %shift_left3A_635 : i32 to vector<16xi32>
        %shift_left3A_637 = arith.shli %xor3A_633, %shift_left3A_636 : vector<16xi32>
        %shift_right_logical3A_638 = arith.constant 6 : i32
        %shift_right_logical3A_639 = vector.broadcast %shift_right_logical3A_638 : i32 to vector<16xi32>
        %shift_right_logical3A_640 = arith.shrui %xor3A_633, %shift_right_logical3A_639 : vector<16xi32>
        %or3A_641 = arith.ori %shift_left3A_637, %shift_right_logical3A_640 : vector<16xi32>
        %xor3A_642 = arith.xori %add3A_634, %or3A_641 : vector<16xi32>
        %add3A_643 = arith.addi %add3A_634, %xor3A_642 : vector<16xi32>
        %shift_left3A_644 = arith.constant 6 : i32
        %shift_left3A_645 = vector.broadcast %shift_left3A_644 : i32 to vector<16xi32>
        %shift_left3A_646 = arith.shli %xor3A_642, %shift_left3A_645 : vector<16xi32>
        %shift_right_logical3A_647 = arith.constant 26 : i32
        %shift_right_logical3A_648 = vector.broadcast %shift_right_logical3A_647 : i32 to vector<16xi32>
        %shift_right_logical3A_649 = arith.shrui %xor3A_642, %shift_right_logical3A_648 : vector<16xi32>
        %or3A_650 = arith.ori %shift_left3A_646, %shift_right_logical3A_649 : vector<16xi32>
        %xor3A_651 = arith.xori %add3A_643, %or3A_650 : vector<16xi32>
        %add3A_652 = arith.constant 0 : i32
        %add3A_653 = vector.broadcast %add3A_652 : i32 to vector<16xi32>
        %add3A_654 = arith.addi %add3A_643, %add3A_653 : vector<16xi32>
        %add3A_655 = arith.constant 42 : i32
        %add3A_656 = vector.broadcast %add3A_655 : i32 to vector<16xi32>
        %add3A_657 = arith.addi %xor3A_651, %add3A_656 : vector<16xi32>
        %add3A_658 = arith.constant 3 : i32
        %add3A_659 = vector.broadcast %add3A_658 : i32 to vector<16xi32>
        %add3A_660 = arith.addi %add3A_657, %add3A_659 : vector<16xi32>
        %add3A_661 = arith.addi %add3A_654, %add3A_660 : vector<16xi32>
        %shift_left3A_662 = arith.constant 17 : i32
        %shift_left3A_663 = vector.broadcast %shift_left3A_662 : i32 to vector<16xi32>
        %shift_left3A_664 = arith.shli %add3A_660, %shift_left3A_663 : vector<16xi32>
        %shift_right_logical3A_665 = arith.constant 15 : i32
        %shift_right_logical3A_666 = vector.broadcast %shift_right_logical3A_665 : i32 to vector<16xi32>
        %shift_right_logical3A_667 = arith.shrui %add3A_660, %shift_right_logical3A_666 : vector<16xi32>
        %or3A_668 = arith.ori %shift_left3A_664, %shift_right_logical3A_667 : vector<16xi32>
        %xor3A_669 = arith.xori %add3A_661, %or3A_668 : vector<16xi32>
        %add3A_670 = arith.addi %add3A_661, %xor3A_669 : vector<16xi32>
        %shift_left3A_671 = arith.constant 29 : i32
        %shift_left3A_672 = vector.broadcast %shift_left3A_671 : i32 to vector<16xi32>
        %shift_left3A_673 = arith.shli %xor3A_669, %shift_left3A_672 : vector<16xi32>
        %shift_right_logical3A_674 = arith.constant 3 : i32
        %shift_right_logical3A_675 = vector.broadcast %shift_right_logical3A_674 : i32 to vector<16xi32>
        %shift_right_logical3A_676 = arith.shrui %xor3A_669, %shift_right_logical3A_675 : vector<16xi32>
        %or3A_677 = arith.ori %shift_left3A_673, %shift_right_logical3A_676 : vector<16xi32>
        %xor3A_678 = arith.xori %add3A_670, %or3A_677 : vector<16xi32>
        %add3A_679 = arith.addi %add3A_670, %xor3A_678 : vector<16xi32>
        %shift_left3A_680 = arith.constant 16 : i32
        %shift_left3A_681 = vector.broadcast %shift_left3A_680 : i32 to vector<16xi32>
        %shift_left3A_682 = arith.shli %xor3A_678, %shift_left3A_681 : vector<16xi32>
        %shift_right_logical3A_683 = arith.constant 16 : i32
        %shift_right_logical3A_684 = vector.broadcast %shift_right_logical3A_683 : i32 to vector<16xi32>
        %shift_right_logical3A_685 = arith.shrui %xor3A_678, %shift_right_logical3A_684 : vector<16xi32>
        %or3A_686 = arith.ori %shift_left3A_682, %shift_right_logical3A_685 : vector<16xi32>
        %xor3A_687 = arith.xori %add3A_679, %or3A_686 : vector<16xi32>
        %add3A_688 = arith.addi %add3A_679, %xor3A_687 : vector<16xi32>
        %shift_left3A_689 = arith.constant 24 : i32
        %shift_left3A_690 = vector.broadcast %shift_left3A_689 : i32 to vector<16xi32>
        %shift_left3A_691 = arith.shli %xor3A_687, %shift_left3A_690 : vector<16xi32>
        %shift_right_logical3A_692 = arith.constant 8 : i32
        %shift_right_logical3A_693 = vector.broadcast %shift_right_logical3A_692 : i32 to vector<16xi32>
        %shift_right_logical3A_694 = arith.shrui %xor3A_687, %shift_right_logical3A_693 : vector<16xi32>
        %or3A_695 = arith.ori %shift_left3A_691, %shift_right_logical3A_694 : vector<16xi32>
        %xor3A_696 = arith.xori %add3A_688, %or3A_695 : vector<16xi32>
        %add3A_697 = arith.constant 42 : i32
        %add3A_698 = vector.broadcast %add3A_697 : i32 to vector<16xi32>
        %add3A_699 = arith.addi %add3A_688, %add3A_698 : vector<16xi32>
        %add3A_700 = arith.constant 466689008 : i32
        %add3A_701 = vector.broadcast %add3A_700 : i32 to vector<16xi32>
        %add3A_702 = arith.addi %xor3A_696, %add3A_701 : vector<16xi32>
        %add3A_703 = arith.constant 4 : i32
        %add3A_704 = vector.broadcast %add3A_703 : i32 to vector<16xi32>
        %add3A_705 = arith.addi %add3A_702, %add3A_704 : vector<16xi32>
        %add3A_706 = arith.addi %add3A_699, %add3A_705 : vector<16xi32>
        %shift_left3A_707 = arith.constant 13 : i32
        %shift_left3A_708 = vector.broadcast %shift_left3A_707 : i32 to vector<16xi32>
        %shift_left3A_709 = arith.shli %add3A_705, %shift_left3A_708 : vector<16xi32>
        %shift_right_logical3A_710 = arith.constant 19 : i32
        %shift_right_logical3A_711 = vector.broadcast %shift_right_logical3A_710 : i32 to vector<16xi32>
        %shift_right_logical3A_712 = arith.shrui %add3A_705, %shift_right_logical3A_711 : vector<16xi32>
        %or3A_713 = arith.ori %shift_left3A_709, %shift_right_logical3A_712 : vector<16xi32>
        %xor3A_714 = arith.xori %add3A_706, %or3A_713 : vector<16xi32>
        %add3A_715 = arith.addi %add3A_706, %xor3A_714 : vector<16xi32>
        %shift_left3A_716 = arith.constant 15 : i32
        %shift_left3A_717 = vector.broadcast %shift_left3A_716 : i32 to vector<16xi32>
        %shift_left3A_718 = arith.shli %xor3A_714, %shift_left3A_717 : vector<16xi32>
        %shift_right_logical3A_719 = arith.constant 17 : i32
        %shift_right_logical3A_720 = vector.broadcast %shift_right_logical3A_719 : i32 to vector<16xi32>
        %shift_right_logical3A_721 = arith.shrui %xor3A_714, %shift_right_logical3A_720 : vector<16xi32>
        %or3A_722 = arith.ori %shift_left3A_718, %shift_right_logical3A_721 : vector<16xi32>
        %xor3A_723 = arith.xori %add3A_715, %or3A_722 : vector<16xi32>
        %add3A_724 = arith.addi %add3A_715, %xor3A_723 : vector<16xi32>
        %shift_left3A_725 = arith.constant 26 : i32
        %shift_left3A_726 = vector.broadcast %shift_left3A_725 : i32 to vector<16xi32>
        %shift_left3A_727 = arith.shli %xor3A_723, %shift_left3A_726 : vector<16xi32>
        %shift_right_logical3A_728 = arith.constant 6 : i32
        %shift_right_logical3A_729 = vector.broadcast %shift_right_logical3A_728 : i32 to vector<16xi32>
        %shift_right_logical3A_730 = arith.shrui %xor3A_723, %shift_right_logical3A_729 : vector<16xi32>
        %or3A_731 = arith.ori %shift_left3A_727, %shift_right_logical3A_730 : vector<16xi32>
        %xor3A_732 = arith.xori %add3A_724, %or3A_731 : vector<16xi32>
        %add3A_733 = arith.addi %add3A_724, %xor3A_732 : vector<16xi32>
        %shift_left3A_734 = arith.constant 6 : i32
        %shift_left3A_735 = vector.broadcast %shift_left3A_734 : i32 to vector<16xi32>
        %shift_left3A_736 = arith.shli %xor3A_732, %shift_left3A_735 : vector<16xi32>
        %shift_right_logical3A_737 = arith.constant 26 : i32
        %shift_right_logical3A_738 = vector.broadcast %shift_right_logical3A_737 : i32 to vector<16xi32>
        %shift_right_logical3A_739 = arith.shrui %xor3A_732, %shift_right_logical3A_738 : vector<16xi32>
        %or3A_740 = arith.ori %shift_left3A_736, %shift_right_logical3A_739 : vector<16xi32>
        %xor3A_741 = arith.xori %add3A_733, %or3A_740 : vector<16xi32>
        %add3A_742 = arith.constant 466689008 : i32
        %add3A_743 = vector.broadcast %add3A_742 : i32 to vector<16xi32>
        %add3A_744 = arith.addi %add3A_733, %add3A_743 : vector<16xi32>
        %add3A_745 = arith.constant 0 : i32
        %add3A_746 = vector.broadcast %add3A_745 : i32 to vector<16xi32>
        %add3A_747 = arith.addi %xor3A_741, %add3A_746 : vector<16xi32>
        %add3A_748 = arith.constant 5 : i32
        %add3A_749 = vector.broadcast %add3A_748 : i32 to vector<16xi32>
        %add3A_750 = arith.addi %add3A_747, %add3A_749 : vector<16xi32>
        %xor3A_751 = arith.xori %add3A_744, %add3A_750 : vector<16xi32>
        %swap3A_752 = arith.index_cast %mul3A_514 : i32 to index
        %swap3A_753 = tpu.vector_load %arg3[%swap3A_752] {strides = array<i32>} : memref<8192xi32, #tpu.memory_space<vmem>>, vector<16xi32>,
        %swap3A_754 = vector.shape_cast %swap3A_753 : vector<16xi32> to vector<16xi32>
        %swap3A_755 = vector.shape_cast %xor3A_751 : vector<16xi32> to vector<16xi32>
        tpu.vector_store %arg3[%swap3A_752], %swap3A_755 {strides = array<i32>} : memref<8192xi32, #tpu.memory_space<vmem>>, vector<16xi32>,
        %mul3A_756 = arith.constant 8 : i32
        %mul3A_757 = arith.muli %scan3A_20, %mul3A_756 : i32
        %add3A_758 = arith.constant 3 : i32
        %add3A_759 = arith.addi %mul3A_757, %add3A_758 : i32
        %mul3A_760 = arith.constant 16 : i32
        %mul3A_761 = arith.muli %add3A_759, %mul3A_760 : i32
        %mul3A_762 = arith.constant 8192 : i32
        %mul3A_763 = arith.muli %scan3A_10, %mul3A_762 : i32
        %add3A_764 = arith.addi %mul3A_763, %mul3A_761 : i32
        %add3A_765 = arith.addi %add3A_4, %add3A_764 : i32
        %add3A_766 = vector.broadcast %add3A_765 : i32 to vector<16xi32>
        %add3A_767 = arith.addi %add3A_766, %iota3A : vector<16xi32>
        %broadcast_in_dim3A_768 = arith.constant 0 : i32
        %broadcast_in_dim3A_769 = vector.broadcast %broadcast_in_dim3A_768 : i32 to vector<16xi32>
        %add3A_770 = arith.constant 42 : i32
        %add3A_771 = vector.broadcast %add3A_770 : i32 to vector<16xi32>
        %add3A_772 = arith.addi %add3A_767, %add3A_771 : vector<16xi32>
        %add3A_773 = arith.addi %broadcast_in_dim3A_769, %add3A_772 : vector<16xi32>
        %shift_left3A_774 = arith.constant 13 : i32
        %shift_left3A_775 = vector.broadcast %shift_left3A_774 : i32 to vector<16xi32>
        %shift_left3A_776 = arith.shli %add3A_772, %shift_left3A_775 : vector<16xi32>
        %shift_right_logical3A_777 = arith.constant 19 : i32
        %shift_right_logical3A_778 = vector.broadcast %shift_right_logical3A_777 : i32 to vector<16xi32>
        %shift_right_logical3A_779 = arith.shrui %add3A_772, %shift_right_logical3A_778 : vector<16xi32>
        %or3A_780 = arith.ori %shift_left3A_776, %shift_right_logical3A_779 : vector<16xi32>
        %xor3A_781 = arith.xori %add3A_773, %or3A_780 : vector<16xi32>
        %add3A_782 = arith.addi %add3A_773, %xor3A_781 : vector<16xi32>
        %shift_left3A_783 = arith.constant 15 : i32
        %shift_left3A_784 = vector.broadcast %shift_left3A_783 : i32 to vector<16xi32>
        %shift_left3A_785 = arith.shli %xor3A_781, %shift_left3A_784 : vector<16xi32>
        %shift_right_logical3A_786 = arith.constant 17 : i32
        %shift_right_logical3A_787 = vector.broadcast %shift_right_logical3A_786 : i32 to vector<16xi32>
        %shift_right_logical3A_788 = arith.shrui %xor3A_781, %shift_right_logical3A_787 : vector<16xi32>
        %or3A_789 = arith.ori %shift_left3A_785, %shift_right_logical3A_788 : vector<16xi32>
        %xor3A_790 = arith.xori %add3A_782, %or3A_789 : vector<16xi32>
        %add3A_791 = arith.addi %add3A_782, %xor3A_790 : vector<16xi32>
        %shift_left3A_792 = arith.constant 26 : i32
        %shift_left3A_793 = vector.broadcast %shift_left3A_792 : i32 to vector<16xi32>
        %shift_left3A_794 = arith.shli %xor3A_790, %shift_left3A_793 : vector<16xi32>
        %shift_right_logical3A_795 = arith.constant 6 : i32
        %shift_right_logical3A_796 = vector.broadcast %shift_right_logical3A_795 : i32 to vector<16xi32>
        %shift_right_logical3A_797 = arith.shrui %xor3A_790, %shift_right_logical3A_796 : vector<16xi32>
        %or3A_798 = arith.ori %shift_left3A_794, %shift_right_logical3A_797 : vector<16xi32>
        %xor3A_799 = arith.xori %add3A_791, %or3A_798 : vector<16xi32>
        %add3A_800 = arith.addi %add3A_791, %xor3A_799 : vector<16xi32>
        %shift_left3A_801 = arith.constant 6 : i32
        %shift_left3A_802 = vector.broadcast %shift_left3A_801 : i32 to vector<16xi32>
        %shift_left3A_803 = arith.shli %xor3A_799, %shift_left3A_802 : vector<16xi32>
        %shift_right_logical3A_804 = arith.constant 26 : i32
        %shift_right_logical3A_805 = vector.broadcast %shift_right_logical3A_804 : i32 to vector<16xi32>
        %shift_right_logical3A_806 = arith.shrui %xor3A_799, %shift_right_logical3A_805 : vector<16xi32>
        %or3A_807 = arith.ori %shift_left3A_803, %shift_right_logical3A_806 : vector<16xi32>
        %xor3A_808 = arith.xori %add3A_800, %or3A_807 : vector<16xi32>
        %add3A_809 = arith.constant 42 : i32
        %add3A_810 = vector.broadcast %add3A_809 : i32 to vector<16xi32>
        %add3A_811 = arith.addi %add3A_800, %add3A_810 : vector<16xi32>
        %add3A_812 = arith.constant 466689008 : i32
        %add3A_813 = vector.broadcast %add3A_812 : i32 to vector<16xi32>
        %add3A_814 = arith.addi %xor3A_808, %add3A_813 : vector<16xi32>
        %add3A_815 = arith.constant 1 : i32
        %add3A_816 = vector.broadcast %add3A_815 : i32 to vector<16xi32>
        %add3A_817 = arith.addi %add3A_814, %add3A_816 : vector<16xi32>
        %add3A_818 = arith.addi %add3A_811, %add3A_817 : vector<16xi32>
        %shift_left3A_819 = arith.constant 17 : i32
        %shift_left3A_820 = vector.broadcast %shift_left3A_819 : i32 to vector<16xi32>
        %shift_left3A_821 = arith.shli %add3A_817, %shift_left3A_820 : vector<16xi32>
        %shift_right_logical3A_822 = arith.constant 15 : i32
        %shift_right_logical3A_823 = vector.broadcast %shift_right_logical3A_822 : i32 to vector<16xi32>
        %shift_right_logical3A_824 = arith.shrui %add3A_817, %shift_right_logical3A_823 : vector<16xi32>
        %or3A_825 = arith.ori %shift_left3A_821, %shift_right_logical3A_824 : vector<16xi32>
        %xor3A_826 = arith.xori %add3A_818, %or3A_825 : vector<16xi32>
        %add3A_827 = arith.addi %add3A_818, %xor3A_826 : vector<16xi32>
        %shift_left3A_828 = arith.constant 29 : i32
        %shift_left3A_829 = vector.broadcast %shift_left3A_828 : i32 to vector<16xi32>
        %shift_left3A_830 = arith.shli %xor3A_826, %shift_left3A_829 : vector<16xi32>
        %shift_right_logical3A_831 = arith.constant 3 : i32
        %shift_right_logical3A_832 = vector.broadcast %shift_right_logical3A_831 : i32 to vector<16xi32>
        %shift_right_logical3A_833 = arith.shrui %xor3A_826, %shift_right_logical3A_832 : vector<16xi32>
        %or3A_834 = arith.ori %shift_left3A_830, %shift_right_logical3A_833 : vector<16xi32>
        %xor3A_835 = arith.xori %add3A_827, %or3A_834 : vector<16xi32>
        %add3A_836 = arith.addi %add3A_827, %xor3A_835 : vector<16xi32>
        %shift_left3A_837 = arith.constant 16 : i32
        %shift_left3A_838 = vector.broadcast %shift_left3A_837 : i32 to vector<16xi32>
        %shift_left3A_839 = arith.shli %xor3A_835, %shift_left3A_838 : vector<16xi32>
        %shift_right_logical3A_840 = arith.constant 16 : i32
        %shift_right_logical3A_841 = vector.broadcast %shift_right_logical3A_840 : i32 to vector<16xi32>
        %shift_right_logical3A_842 = arith.shrui %xor3A_835, %shift_right_logical3A_841 : vector<16xi32>
        %or3A_843 = arith.ori %shift_left3A_839, %shift_right_logical3A_842 : vector<16xi32>
        %xor3A_844 = arith.xori %add3A_836, %or3A_843 : vector<16xi32>
        %add3A_845 = arith.addi %add3A_836, %xor3A_844 : vector<16xi32>
        %shift_left3A_846 = arith.constant 24 : i32
        %shift_left3A_847 = vector.broadcast %shift_left3A_846 : i32 to vector<16xi32>
        %shift_left3A_848 = arith.shli %xor3A_844, %shift_left3A_847 : vector<16xi32>
        %shift_right_logical3A_849 = arith.constant 8 : i32
        %shift_right_logical3A_850 = vector.broadcast %shift_right_logical3A_849 : i32 to vector<16xi32>
        %shift_right_logical3A_851 = arith.shrui %xor3A_844, %shift_right_logical3A_850 : vector<16xi32>
        %or3A_852 = arith.ori %shift_left3A_848, %shift_right_logical3A_851 : vector<16xi32>
        %xor3A_853 = arith.xori %add3A_845, %or3A_852 : vector<16xi32>
        %add3A_854 = arith.constant 466689008 : i32
        %add3A_855 = vector.broadcast %add3A_854 : i32 to vector<16xi32>
        %add3A_856 = arith.addi %add3A_845, %add3A_855 : vector<16xi32>
        %add3A_857 = arith.constant 0 : i32
        %add3A_858 = vector.broadcast %add3A_857 : i32 to vector<16xi32>
        %add3A_859 = arith.addi %xor3A_853, %add3A_858 : vector<16xi32>
        %add3A_860 = arith.constant 2 : i32
        %add3A_861 = vector.broadcast %add3A_860 : i32 to vector<16xi32>
        %add3A_862 = arith.addi %add3A_859, %add3A_861 : vector<16xi32>
        %add3A_863 = arith.addi %add3A_856, %add3A_862 : vector<16xi32>
        %shift_left3A_864 = arith.constant 13 : i32
        %shift_left3A_865 = vector.broadcast %shift_left3A_864 : i32 to vector<16xi32>
        %shift_left3A_866 = arith.shli %add3A_862, %shift_left3A_865 : vector<16xi32>
        %shift_right_logical3A_867 = arith.constant 19 : i32
        %shift_right_logical3A_868 = vector.broadcast %shift_right_logical3A_867 : i32 to vector<16xi32>
        %shift_right_logical3A_869 = arith.shrui %add3A_862, %shift_right_logical3A_868 : vector<16xi32>
        %or3A_870 = arith.ori %shift_left3A_866, %shift_right_logical3A_869 : vector<16xi32>
        %xor3A_871 = arith.xori %add3A_863, %or3A_870 : vector<16xi32>
        %add3A_872 = arith.addi %add3A_863, %xor3A_871 : vector<16xi32>
        %shift_left3A_873 = arith.constant 15 : i32
        %shift_left3A_874 = vector.broadcast %shift_left3A_873 : i32 to vector<16xi32>
        %shift_left3A_875 = arith.shli %xor3A_871, %shift_left3A_874 : vector<16xi32>
        %shift_right_logical3A_876 = arith.constant 17 : i32
        %shift_right_logical3A_877 = vector.broadcast %shift_right_logical3A_876 : i32 to vector<16xi32>
        %shift_right_logical3A_878 = arith.shrui %xor3A_871, %shift_right_logical3A_877 : vector<16xi32>
        %or3A_879 = arith.ori %shift_left3A_875, %shift_right_logical3A_878 : vector<16xi32>
        %xor3A_880 = arith.xori %add3A_872, %or3A_879 : vector<16xi32>
        %add3A_881 = arith.addi %add3A_872, %xor3A_880 : vector<16xi32>
        %shift_left3A_882 = arith.constant 26 : i32
        %shift_left3A_883 = vector.broadcast %shift_left3A_882 : i32 to vector<16xi32>
        %shift_left3A_884 = arith.shli %xor3A_880, %shift_left3A_883 : vector<16xi32>
        %shift_right_logical3A_885 = arith.constant 6 : i32
        %shift_right_logical3A_886 = vector.broadcast %shift_right_logical3A_885 : i32 to vector<16xi32>
        %shift_right_logical3A_887 = arith.shrui %xor3A_880, %shift_right_logical3A_886 : vector<16xi32>
        %or3A_888 = arith.ori %shift_left3A_884, %shift_right_logical3A_887 : vector<16xi32>
        %xor3A_889 = arith.xori %add3A_881, %or3A_888 : vector<16xi32>
        %add3A_890 = arith.addi %add3A_881, %xor3A_889 : vector<16xi32>
        %shift_left3A_891 = arith.constant 6 : i32
        %shift_left3A_892 = vector.broadcast %shift_left3A_891 : i32 to vector<16xi32>
        %shift_left3A_893 = arith.shli %xor3A_889, %shift_left3A_892 : vector<16xi32>
        %shift_right_logical3A_894 = arith.constant 26 : i32
        %shift_right_logical3A_895 = vector.broadcast %shift_right_logical3A_894 : i32 to vector<16xi32>
        %shift_right_logical3A_896 = arith.shrui %xor3A_889, %shift_right_logical3A_895 : vector<16xi32>
        %or3A_897 = arith.ori %shift_left3A_893, %shift_right_logical3A_896 : vector<16xi32>
        %xor3A_898 = arith.xori %add3A_890, %or3A_897 : vector<16xi32>
        %add3A_899 = arith.constant 0 : i32
        %add3A_900 = vector.broadcast %add3A_899 : i32 to vector<16xi32>
        %add3A_901 = arith.addi %add3A_890, %add3A_900 : vector<16xi32>
        %add3A_902 = arith.constant 42 : i32
        %add3A_903 = vector.broadcast %add3A_902 : i32 to vector<16xi32>
        %add3A_904 = arith.addi %xor3A_898, %add3A_903 : vector<16xi32>
        %add3A_905 = arith.constant 3 : i32
        %add3A_906 = vector.broadcast %add3A_905 : i32 to vector<16xi32>
        %add3A_907 = arith.addi %add3A_904, %add3A_906 : vector<16xi32>
        %add3A_908 = arith.addi %add3A_901, %add3A_907 : vector<16xi32>
        %shift_left3A_909 = arith.constant 17 : i32
        %shift_left3A_910 = vector.broadcast %shift_left3A_909 : i32 to vector<16xi32>
        %shift_left3A_911 = arith.shli %add3A_907, %shift_left3A_910 : vector<16xi32>
        %shift_right_logical3A_912 = arith.constant 15 : i32
        %shift_right_logical3A_913 = vector.broadcast %shift_right_logical3A_912 : i32 to vector<16xi32>
        %shift_right_logical3A_914 = arith.shrui %add3A_907, %shift_right_logical3A_913 : vector<16xi32>
        %or3A_915 = arith.ori %shift_left3A_911, %shift_right_logical3A_914 : vector<16xi32>
        %xor3A_916 = arith.xori %add3A_908, %or3A_915 : vector<16xi32>
        %add3A_917 = arith.addi %add3A_908, %xor3A_916 : vector<16xi32>
        %shift_left3A_918 = arith.constant 29 : i32
        %shift_left3A_919 = vector.broadcast %shift_left3A_918 : i32 to vector<16xi32>
        %shift_left3A_920 = arith.shli %xor3A_916, %shift_left3A_919 : vector<16xi32>
        %shift_right_logical3A_921 = arith.constant 3 : i32
        %shift_right_logical3A_922 = vector.broadcast %shift_right_logical3A_921 : i32 to vector<16xi32>
        %shift_right_logical3A_923 = arith.shrui %xor3A_916, %shift_right_logical3A_922 : vector<16xi32>
        %or3A_924 = arith.ori %shift_left3A_920, %shift_right_logical3A_923 : vector<16xi32>
        %xor3A_925 = arith.xori %add3A_917, %or3A_924 : vector<16xi32>
        %add3A_926 = arith.addi %add3A_917, %xor3A_925 : vector<16xi32>
        %shift_left3A_927 = arith.constant 16 : i32
        %shift_left3A_928 = vector.broadcast %shift_left3A_927 : i32 to vector<16xi32>
        %shift_left3A_929 = arith.shli %xor3A_925, %shift_left3A_928 : vector<16xi32>
        %shift_right_logical3A_930 = arith.constant 16 : i32
        %shift_right_logical3A_931 = vector.broadcast %shift_right_logical3A_930 : i32 to vector<16xi32>
        %shift_right_logical3A_932 = arith.shrui %xor3A_925, %shift_right_logical3A_931 : vector<16xi32>
        %or3A_933 = arith.ori %shift_left3A_929, %shift_right_logical3A_932 : vector<16xi32>
        %xor3A_934 = arith.xori %add3A_926, %or3A_933 : vector<16xi32>
        %add3A_935 = arith.addi %add3A_926, %xor3A_934 : vector<16xi32>
        %shift_left3A_936 = arith.constant 24 : i32
        %shift_left3A_937 = vector.broadcast %shift_left3A_936 : i32 to vector<16xi32>
        %shift_left3A_938 = arith.shli %xor3A_934, %shift_left3A_937 : vector<16xi32>
        %shift_right_logical3A_939 = arith.constant 8 : i32
        %shift_right_logical3A_940 = vector.broadcast %shift_right_logical3A_939 : i32 to vector<16xi32>
        %shift_right_logical3A_941 = arith.shrui %xor3A_934, %shift_right_logical3A_940 : vector<16xi32>
        %or3A_942 = arith.ori %shift_left3A_938, %shift_right_logical3A_941 : vector<16xi32>
        %xor3A_943 = arith.xori %add3A_935, %or3A_942 : vector<16xi32>
        %add3A_944 = arith.constant 42 : i32
        %add3A_945 = vector.broadcast %add3A_944 : i32 to vector<16xi32>
        %add3A_946 = arith.addi %add3A_935, %add3A_945 : vector<16xi32>
        %add3A_947 = arith.constant 466689008 : i32
        %add3A_948 = vector.broadcast %add3A_947 : i32 to vector<16xi32>
        %add3A_949 = arith.addi %xor3A_943, %add3A_948 : vector<16xi32>
        %add3A_950 = arith.constant 4 : i32
        %add3A_951 = vector.broadcast %add3A_950 : i32 to vector<16xi32>
        %add3A_952 = arith.addi %add3A_949, %add3A_951 : vector<16xi32>
        %add3A_953 = arith.addi %add3A_946, %add3A_952 : vector<16xi32>
        %shift_left3A_954 = arith.constant 13 : i32
        %shift_left3A_955 = vector.broadcast %shift_left3A_954 : i32 to vector<16xi32>
        %shift_left3A_956 = arith.shli %add3A_952, %shift_left3A_955 : vector<16xi32>
        %shift_right_logical3A_957 = arith.constant 19 : i32
        %shift_right_logical3A_958 = vector.broadcast %shift_right_logical3A_957 : i32 to vector<16xi32>
        %shift_right_logical3A_959 = arith.shrui %add3A_952, %shift_right_logical3A_958 : vector<16xi32>
        %or3A_960 = arith.ori %shift_left3A_956, %shift_right_logical3A_959 : vector<16xi32>
        %xor3A_961 = arith.xori %add3A_953, %or3A_960 : vector<16xi32>
        %add3A_962 = arith.addi %add3A_953, %xor3A_961 : vector<16xi32>
        %shift_left3A_963 = arith.constant 15 : i32
        %shift_left3A_964 = vector.broadcast %shift_left3A_963 : i32 to vector<16xi32>
        %shift_left3A_965 = arith.shli %xor3A_961, %shift_left3A_964 : vector<16xi32>
        %shift_right_logical3A_966 = arith.constant 17 : i32
        %shift_right_logical3A_967 = vector.broadcast %shift_right_logical3A_966 : i32 to vector<16xi32>
        %shift_right_logical3A_968 = arith.shrui %xor3A_961, %shift_right_logical3A_967 : vector<16xi32>
        %or3A_969 = arith.ori %shift_left3A_965, %shift_right_logical3A_968 : vector<16xi32>
        %xor3A_970 = arith.xori %add3A_962, %or3A_969 : vector<16xi32>
        %add3A_971 = arith.addi %add3A_962, %xor3A_970 : vector<16xi32>
        %shift_left3A_972 = arith.constant 26 : i32
        %shift_left3A_973 = vector.broadcast %shift_left3A_972 : i32 to vector<16xi32>
        %shift_left3A_974 = arith.shli %xor3A_970, %shift_left3A_973 : vector<16xi32>
        %shift_right_logical3A_975 = arith.constant 6 : i32
        %shift_right_logical3A_976 = vector.broadcast %shift_right_logical3A_975 : i32 to vector<16xi32>
        %shift_right_logical3A_977 = arith.shrui %xor3A_970, %shift_right_logical3A_976 : vector<16xi32>
        %or3A_978 = arith.ori %shift_left3A_974, %shift_right_logical3A_977 : vector<16xi32>
        %xor3A_979 = arith.xori %add3A_971, %or3A_978 : vector<16xi32>
        %add3A_980 = arith.addi %add3A_971, %xor3A_979 : vector<16xi32>
        %shift_left3A_981 = arith.constant 6 : i32
        %shift_left3A_982 = vector.broadcast %shift_left3A_981 : i32 to vector<16xi32>
        %shift_left3A_983 = arith.shli %xor3A_979, %shift_left3A_982 : vector<16xi32>
        %shift_right_logical3A_984 = arith.constant 26 : i32
        %shift_right_logical3A_985 = vector.broadcast %shift_right_logical3A_984 : i32 to vector<16xi32>
        %shift_right_logical3A_986 = arith.shrui %xor3A_979, %shift_right_logical3A_985 : vector<16xi32>
        %or3A_987 = arith.ori %shift_left3A_983, %shift_right_logical3A_986 : vector<16xi32>
        %xor3A_988 = arith.xori %add3A_980, %or3A_987 : vector<16xi32>
        %add3A_989 = arith.constant 466689008 : i32
        %add3A_990 = vector.broadcast %add3A_989 : i32 to vector<16xi32>
        %add3A_991 = arith.addi %add3A_980, %add3A_990 : vector<16xi32>
        %add3A_992 = arith.constant 0 : i32
        %add3A_993 = vector.broadcast %add3A_992 : i32 to vector<16xi32>
        %add3A_994 = arith.addi %xor3A_988, %add3A_993 : vector<16xi32>
        %add3A_995 = arith.constant 5 : i32
        %add3A_996 = vector.broadcast %add3A_995 : i32 to vector<16xi32>
        %add3A_997 = arith.addi %add3A_994, %add3A_996 : vector<16xi32>
        %xor3A_998 = arith.xori %add3A_991, %add3A_997 : vector<16xi32>
        %swap3A_999 = arith.index_cast %mul3A_761 : i32 to index
        %swap3A_1000 = tpu.vector_load %arg3[%swap3A_999] {strides = array<i32>} : memref<8192xi32, #tpu.memory_space<vmem>>, vector<16xi32>,
        %swap3A_1001 = vector.shape_cast %swap3A_1000 : vector<16xi32> to vector<16xi32>
        %swap3A_1002 = vector.shape_cast %xor3A_998 : vector<16xi32> to vector<16xi32>
        tpu.vector_store %arg3[%swap3A_999], %swap3A_1002 {strides = array<i32>} : memref<8192xi32, #tpu.memory_space<vmem>>, vector<16xi32>,
        %mul3A_1003 = arith.constant 8 : i32
        %mul3A_1004 = arith.muli %scan3A_20, %mul3A_1003 : i32
        %add3A_1005 = arith.constant 4 : i32
        %add3A_1006 = arith.addi %mul3A_1004, %add3A_1005 : i32
        %mul3A_1007 = arith.constant 16 : i32
        %mul3A_1008 = arith.muli %add3A_1006, %mul3A_1007 : i32
        %mul3A_1009 = arith.constant 8192 : i32
        %mul3A_1010 = arith.muli %scan3A_10, %mul3A_1009 : i32
        %add3A_1011 = arith.addi %mul3A_1010, %mul3A_1008 : i32
        %add3A_1012 = arith.addi %add3A_4, %add3A_1011 : i32
        %add3A_1013 = vector.broadcast %add3A_1012 : i32 to vector<16xi32>
        %add3A_1014 = arith.addi %add3A_1013, %iota3A : vector<16xi32>
        %broadcast_in_dim3A_1015 = arith.constant 0 : i32
        %broadcast_in_dim3A_1016 = vector.broadcast %broadcast_in_dim3A_1015 : i32 to vector<16xi32>
        %add3A_1017 = arith.constant 42 : i32
        %add3A_1018 = vector.broadcast %add3A_1017 : i32 to vector<16xi32>
        %add3A_1019 = arith.addi %add3A_1014, %add3A_1018 : vector<16xi32>
        %add3A_1020 = arith.addi %broadcast_in_dim3A_1016, %add3A_1019 : vector<16xi32>
        %shift_left3A_1021 = arith.constant 13 : i32
        %shift_left3A_1022 = vector.broadcast %shift_left3A_1021 : i32 to vector<16xi32>
        %shift_left3A_1023 = arith.shli %add3A_1019, %shift_left3A_1022 : vector<16xi32>
        %shift_right_logical3A_1024 = arith.constant 19 : i32
        %shift_right_logical3A_1025 = vector.broadcast %shift_right_logical3A_1024 : i32 to vector<16xi32>
        %shift_right_logical3A_1026 = arith.shrui %add3A_1019, %shift_right_logical3A_1025 : vector<16xi32>
        %or3A_1027 = arith.ori %shift_left3A_1023, %shift_right_logical3A_1026 : vector<16xi32>
        %xor3A_1028 = arith.xori %add3A_1020, %or3A_1027 : vector<16xi32>
        %add3A_1029 = arith.addi %add3A_1020, %xor3A_1028 : vector<16xi32>
        %shift_left3A_1030 = arith.constant 15 : i32
        %shift_left3A_1031 = vector.broadcast %shift_left3A_1030 : i32 to vector<16xi32>
        %shift_left3A_1032 = arith.shli %xor3A_1028, %shift_left3A_1031 : vector<16xi32>
        %shift_right_logical3A_1033 = arith.constant 17 : i32
        %shift_right_logical3A_1034 = vector.broadcast %shift_right_logical3A_1033 : i32 to vector<16xi32>
        %shift_right_logical3A_1035 = arith.shrui %xor3A_1028, %shift_right_logical3A_1034 : vector<16xi32>
        %or3A_1036 = arith.ori %shift_left3A_1032, %shift_right_logical3A_1035 : vector<16xi32>
        %xor3A_1037 = arith.xori %add3A_1029, %or3A_1036 : vector<16xi32>
        %add3A_1038 = arith.addi %add3A_1029, %xor3A_1037 : vector<16xi32>
        %shift_left3A_1039 = arith.constant 26 : i32
        %shift_left3A_1040 = vector.broadcast %shift_left3A_1039 : i32 to vector<16xi32>
        %shift_left3A_1041 = arith.shli %xor3A_1037, %shift_left3A_1040 : vector<16xi32>
        %shift_right_logical3A_1042 = arith.constant 6 : i32
        %shift_right_logical3A_1043 = vector.broadcast %shift_right_logical3A_1042 : i32 to vector<16xi32>
        %shift_right_logical3A_1044 = arith.shrui %xor3A_1037, %shift_right_logical3A_1043 : vector<16xi32>
        %or3A_1045 = arith.ori %shift_left3A_1041, %shift_right_logical3A_1044 : vector<16xi32>
        %xor3A_1046 = arith.xori %add3A_1038, %or3A_1045 : vector<16xi32>
        %add3A_1047 = arith.addi %add3A_1038, %xor3A_1046 : vector<16xi32>
        %shift_left3A_1048 = arith.constant 6 : i32
        %shift_left3A_1049 = vector.broadcast %shift_left3A_1048 : i32 to vector<16xi32>
        %shift_left3A_1050 = arith.shli %xor3A_1046, %shift_left3A_1049 : vector<16xi32>
        %shift_right_logical3A_1051 = arith.constant 26 : i32
        %shift_right_logical3A_1052 = vector.broadcast %shift_right_logical3A_1051 : i32 to vector<16xi32>
        %shift_right_logical3A_1053 = arith.shrui %xor3A_1046, %shift_right_logical3A_1052 : vector<16xi32>
        %or3A_1054 = arith.ori %shift_left3A_1050, %shift_right_logical3A_1053 : vector<16xi32>
        %xor3A_1055 = arith.xori %add3A_1047, %or3A_1054 : vector<16xi32>
        %add3A_1056 = arith.constant 42 : i32
        %add3A_1057 = vector.broadcast %add3A_1056 : i32 to vector<16xi32>
        %add3A_1058 = arith.addi %add3A_1047, %add3A_1057 : vector<16xi32>
        %add3A_1059 = arith.constant 466689008 : i32
        %add3A_1060 = vector.broadcast %add3A_1059 : i32 to vector<16xi32>
        %add3A_1061 = arith.addi %xor3A_1055, %add3A_1060 : vector<16xi32>
        %add3A_1062 = arith.constant 1 : i32
        %add3A_1063 = vector.broadcast %add3A_1062 : i32 to vector<16xi32>
        %add3A_1064 = arith.addi %add3A_1061, %add3A_1063 : vector<16xi32>
        %add3A_1065 = arith.addi %add3A_1058, %add3A_1064 : vector<16xi32>
        %shift_left3A_1066 = arith.constant 17 : i32
        %shift_left3A_1067 = vector.broadcast %shift_left3A_1066 : i32 to vector<16xi32>
        %shift_left3A_1068 = arith.shli %add3A_1064, %shift_left3A_1067 : vector<16xi32>
        %shift_right_logical3A_1069 = arith.constant 15 : i32
        %shift_right_logical3A_1070 = vector.broadcast %shift_right_logical3A_1069 : i32 to vector<16xi32>
        %shift_right_logical3A_1071 = arith.shrui %add3A_1064, %shift_right_logical3A_1070 : vector<16xi32>
        %or3A_1072 = arith.ori %shift_left3A_1068, %shift_right_logical3A_1071 : vector<16xi32>
        %xor3A_1073 = arith.xori %add3A_1065, %or3A_1072 : vector<16xi32>
        %add3A_1074 = arith.addi %add3A_1065, %xor3A_1073 : vector<16xi32>
        %shift_left3A_1075 = arith.constant 29 : i32
        %shift_left3A_1076 = vector.broadcast %shift_left3A_1075 : i32 to vector<16xi32>
        %shift_left3A_1077 = arith.shli %xor3A_1073, %shift_left3A_1076 : vector<16xi32>
        %shift_right_logical3A_1078 = arith.constant 3 : i32
        %shift_right_logical3A_1079 = vector.broadcast %shift_right_logical3A_1078 : i32 to vector<16xi32>
        %shift_right_logical3A_1080 = arith.shrui %xor3A_1073, %shift_right_logical3A_1079 : vector<16xi32>
        %or3A_1081 = arith.ori %shift_left3A_1077, %shift_right_logical3A_1080 : vector<16xi32>
        %xor3A_1082 = arith.xori %add3A_1074, %or3A_1081 : vector<16xi32>
        %add3A_1083 = arith.addi %add3A_1074, %xor3A_1082 : vector<16xi32>
        %shift_left3A_1084 = arith.constant 16 : i32
        %shift_left3A_1085 = vector.broadcast %shift_left3A_1084 : i32 to vector<16xi32>
        %shift_left3A_1086 = arith.shli %xor3A_1082, %shift_left3A_1085 : vector<16xi32>
        %shift_right_logical3A_1087 = arith.constant 16 : i32
        %shift_right_logical3A_1088 = vector.broadcast %shift_right_logical3A_1087 : i32 to vector<16xi32>
        %shift_right_logical3A_1089 = arith.shrui %xor3A_1082, %shift_right_logical3A_1088 : vector<16xi32>
        %or3A_1090 = arith.ori %shift_left3A_1086, %shift_right_logical3A_1089 : vector<16xi32>
        %xor3A_1091 = arith.xori %add3A_1083, %or3A_1090 : vector<16xi32>
        %add3A_1092 = arith.addi %add3A_1083, %xor3A_1091 : vector<16xi32>
        %shift_left3A_1093 = arith.constant 24 : i32
        %shift_left3A_1094 = vector.broadcast %shift_left3A_1093 : i32 to vector<16xi32>
        %shift_left3A_1095 = arith.shli %xor3A_1091, %shift_left3A_1094 : vector<16xi32>
        %shift_right_logical3A_1096 = arith.constant 8 : i32
        %shift_right_logical3A_1097 = vector.broadcast %shift_right_logical3A_1096 : i32 to vector<16xi32>
        %shift_right_logical3A_1098 = arith.shrui %xor3A_1091, %shift_right_logical3A_1097 : vector<16xi32>
        %or3A_1099 = arith.ori %shift_left3A_1095, %shift_right_logical3A_1098 : vector<16xi32>
        %xor3A_1100 = arith.xori %add3A_1092, %or3A_1099 : vector<16xi32>
        %add3A_1101 = arith.constant 466689008 : i32
        %add3A_1102 = vector.broadcast %add3A_1101 : i32 to vector<16xi32>
        %add3A_1103 = arith.addi %add3A_1092, %add3A_1102 : vector<16xi32>
        %add3A_1104 = arith.constant 0 : i32
        %add3A_1105 = vector.broadcast %add3A_1104 : i32 to vector<16xi32>
        %add3A_1106 = arith.addi %xor3A_1100, %add3A_1105 : vector<16xi32>
        %add3A_1107 = arith.constant 2 : i32
        %add3A_1108 = vector.broadcast %add3A_1107 : i32 to vector<16xi32>
        %add3A_1109 = arith.addi %add3A_1106, %add3A_1108 : vector<16xi32>
        %add3A_1110 = arith.addi %add3A_1103, %add3A_1109 : vector<16xi32>
        %shift_left3A_1111 = arith.constant 13 : i32
        %shift_left3A_1112 = vector.broadcast %shift_left3A_1111 : i32 to vector<16xi32>
        %shift_left3A_1113 = arith.shli %add3A_1109, %shift_left3A_1112 : vector<16xi32>
        %shift_right_logical3A_1114 = arith.constant 19 : i32
        %shift_right_logical3A_1115 = vector.broadcast %shift_right_logical3A_1114 : i32 to vector<16xi32>
        %shift_right_logical3A_1116 = arith.shrui %add3A_1109, %shift_right_logical3A_1115 : vector<16xi32>
        %or3A_1117 = arith.ori %shift_left3A_1113, %shift_right_logical3A_1116 : vector<16xi32>
        %xor3A_1118 = arith.xori %add3A_1110, %or3A_1117 : vector<16xi32>
        %add3A_1119 = arith.addi %add3A_1110, %xor3A_1118 : vector<16xi32>
        %shift_left3A_1120 = arith.constant 15 : i32
        %shift_left3A_1121 = vector.broadcast %shift_left3A_1120 : i32 to vector<16xi32>
        %shift_left3A_1122 = arith.shli %xor3A_1118, %shift_left3A_1121 : vector<16xi32>
        %shift_right_logical3A_1123 = arith.constant 17 : i32
        %shift_right_logical3A_1124 = vector.broadcast %shift_right_logical3A_1123 : i32 to vector<16xi32>
        %shift_right_logical3A_1125 = arith.shrui %xor3A_1118, %shift_right_logical3A_1124 : vector<16xi32>
        %or3A_1126 = arith.ori %shift_left3A_1122, %shift_right_logical3A_1125 : vector<16xi32>
        %xor3A_1127 = arith.xori %add3A_1119, %or3A_1126 : vector<16xi32>
        %add3A_1128 = arith.addi %add3A_1119, %xor3A_1127 : vector<16xi32>
        %shift_left3A_1129 = arith.constant 26 : i32
        %shift_left3A_1130 = vector.broadcast %shift_left3A_1129 : i32 to vector<16xi32>
        %shift_left3A_1131 = arith.shli %xor3A_1127, %shift_left3A_1130 : vector<16xi32>
        %shift_right_logical3A_1132 = arith.constant 6 : i32
        %shift_right_logical3A_1133 = vector.broadcast %shift_right_logical3A_1132 : i32 to vector<16xi32>
        %shift_right_logical3A_1134 = arith.shrui %xor3A_1127, %shift_right_logical3A_1133 : vector<16xi32>
        %or3A_1135 = arith.ori %shift_left3A_1131, %shift_right_logical3A_1134 : vector<16xi32>
        %xor3A_1136 = arith.xori %add3A_1128, %or3A_1135 : vector<16xi32>
        %add3A_1137 = arith.addi %add3A_1128, %xor3A_1136 : vector<16xi32>
        %shift_left3A_1138 = arith.constant 6 : i32
        %shift_left3A_1139 = vector.broadcast %shift_left3A_1138 : i32 to vector<16xi32>
        %shift_left3A_1140 = arith.shli %xor3A_1136, %shift_left3A_1139 : vector<16xi32>
        %shift_right_logical3A_1141 = arith.constant 26 : i32
        %shift_right_logical3A_1142 = vector.broadcast %shift_right_logical3A_1141 : i32 to vector<16xi32>
        %shift_right_logical3A_1143 = arith.shrui %xor3A_1136, %shift_right_logical3A_1142 : vector<16xi32>
        %or3A_1144 = arith.ori %shift_left3A_1140, %shift_right_logical3A_1143 : vector<16xi32>
        %xor3A_1145 = arith.xori %add3A_1137, %or3A_1144 : vector<16xi32>
        %add3A_1146 = arith.constant 0 : i32
        %add3A_1147 = vector.broadcast %add3A_1146 : i32 to vector<16xi32>
        %add3A_1148 = arith.addi %add3A_1137, %add3A_1147 : vector<16xi32>
        %add3A_1149 = arith.constant 42 : i32
        %add3A_1150 = vector.broadcast %add3A_1149 : i32 to vector<16xi32>
        %add3A_1151 = arith.addi %xor3A_1145, %add3A_1150 : vector<16xi32>
        %add3A_1152 = arith.constant 3 : i32
        %add3A_1153 = vector.broadcast %add3A_1152 : i32 to vector<16xi32>
        %add3A_1154 = arith.addi %add3A_1151, %add3A_1153 : vector<16xi32>
        %add3A_1155 = arith.addi %add3A_1148, %add3A_1154 : vector<16xi32>
        %shift_left3A_1156 = arith.constant 17 : i32
        %shift_left3A_1157 = vector.broadcast %shift_left3A_1156 : i32 to vector<16xi32>
        %shift_left3A_1158 = arith.shli %add3A_1154, %shift_left3A_1157 : vector<16xi32>
        %shift_right_logical3A_1159 = arith.constant 15 : i32
        %shift_right_logical3A_1160 = vector.broadcast %shift_right_logical3A_1159 : i32 to vector<16xi32>
        %shift_right_logical3A_1161 = arith.shrui %add3A_1154, %shift_right_logical3A_1160 : vector<16xi32>
        %or3A_1162 = arith.ori %shift_left3A_1158, %shift_right_logical3A_1161 : vector<16xi32>
        %xor3A_1163 = arith.xori %add3A_1155, %or3A_1162 : vector<16xi32>
        %add3A_1164 = arith.addi %add3A_1155, %xor3A_1163 : vector<16xi32>
        %shift_left3A_1165 = arith.constant 29 : i32
        %shift_left3A_1166 = vector.broadcast %shift_left3A_1165 : i32 to vector<16xi32>
        %shift_left3A_1167 = arith.shli %xor3A_1163, %shift_left3A_1166 : vector<16xi32>
        %shift_right_logical3A_1168 = arith.constant 3 : i32
        %shift_right_logical3A_1169 = vector.broadcast %shift_right_logical3A_1168 : i32 to vector<16xi32>
        %shift_right_logical3A_1170 = arith.shrui %xor3A_1163, %shift_right_logical3A_1169 : vector<16xi32>
        %or3A_1171 = arith.ori %shift_left3A_1167, %shift_right_logical3A_1170 : vector<16xi32>
        %xor3A_1172 = arith.xori %add3A_1164, %or3A_1171 : vector<16xi32>
        %add3A_1173 = arith.addi %add3A_1164, %xor3A_1172 : vector<16xi32>
        %shift_left3A_1174 = arith.constant 16 : i32
        %shift_left3A_1175 = vector.broadcast %shift_left3A_1174 : i32 to vector<16xi32>
        %shift_left3A_1176 = arith.shli %xor3A_1172, %shift_left3A_1175 : vector<16xi32>
        %shift_right_logical3A_1177 = arith.constant 16 : i32
        %shift_right_logical3A_1178 = vector.broadcast %shift_right_logical3A_1177 : i32 to vector<16xi32>
        %shift_right_logical3A_1179 = arith.shrui %xor3A_1172, %shift_right_logical3A_1178 : vector<16xi32>
        %or3A_1180 = arith.ori %shift_left3A_1176, %shift_right_logical3A_1179 : vector<16xi32>
        %xor3A_1181 = arith.xori %add3A_1173, %or3A_1180 : vector<16xi32>
        %add3A_1182 = arith.addi %add3A_1173, %xor3A_1181 : vector<16xi32>
        %shift_left3A_1183 = arith.constant 24 : i32
        %shift_left3A_1184 = vector.broadcast %shift_left3A_1183 : i32 to vector<16xi32>
        %shift_left3A_1185 = arith.shli %xor3A_1181, %shift_left3A_1184 : vector<16xi32>
        %shift_right_logical3A_1186 = arith.constant 8 : i32
        %shift_right_logical3A_1187 = vector.broadcast %shift_right_logical3A_1186 : i32 to vector<16xi32>
        %shift_right_logical3A_1188 = arith.shrui %xor3A_1181, %shift_right_logical3A_1187 : vector<16xi32>
        %or3A_1189 = arith.ori %shift_left3A_1185, %shift_right_logical3A_1188 : vector<16xi32>
        %xor3A_1190 = arith.xori %add3A_1182, %or3A_1189 : vector<16xi32>
        %add3A_1191 = arith.constant 42 : i32
        %add3A_1192 = vector.broadcast %add3A_1191 : i32 to vector<16xi32>
        %add3A_1193 = arith.addi %add3A_1182, %add3A_1192 : vector<16xi32>
        %add3A_1194 = arith.constant 466689008 : i32
        %add3A_1195 = vector.broadcast %add3A_1194 : i32 to vector<16xi32>
        %add3A_1196 = arith.addi %xor3A_1190, %add3A_1195 : vector<16xi32>
        %add3A_1197 = arith.constant 4 : i32
        %add3A_1198 = vector.broadcast %add3A_1197 : i32 to vector<16xi32>
        %add3A_1199 = arith.addi %add3A_1196, %add3A_1198 : vector<16xi32>
        %add3A_1200 = arith.addi %add3A_1193, %add3A_1199 : vector<16xi32>
        %shift_left3A_1201 = arith.constant 13 : i32
        %shift_left3A_1202 = vector.broadcast %shift_left3A_1201 : i32 to vector<16xi32>
        %shift_left3A_1203 = arith.shli %add3A_1199, %shift_left3A_1202 : vector<16xi32>
        %shift_right_logical3A_1204 = arith.constant 19 : i32
        %shift_right_logical3A_1205 = vector.broadcast %shift_right_logical3A_1204 : i32 to vector<16xi32>
        %shift_right_logical3A_1206 = arith.shrui %add3A_1199, %shift_right_logical3A_1205 : vector<16xi32>
        %or3A_1207 = arith.ori %shift_left3A_1203, %shift_right_logical3A_1206 : vector<16xi32>
        %xor3A_1208 = arith.xori %add3A_1200, %or3A_1207 : vector<16xi32>
        %add3A_1209 = arith.addi %add3A_1200, %xor3A_1208 : vector<16xi32>
        %shift_left3A_1210 = arith.constant 15 : i32
        %shift_left3A_1211 = vector.broadcast %shift_left3A_1210 : i32 to vector<16xi32>
        %shift_left3A_1212 = arith.shli %xor3A_1208, %shift_left3A_1211 : vector<16xi32>
        %shift_right_logical3A_1213 = arith.constant 17 : i32
        %shift_right_logical3A_1214 = vector.broadcast %shift_right_logical3A_1213 : i32 to vector<16xi32>
        %shift_right_logical3A_1215 = arith.shrui %xor3A_1208, %shift_right_logical3A_1214 : vector<16xi32>
        %or3A_1216 = arith.ori %shift_left3A_1212, %shift_right_logical3A_1215 : vector<16xi32>
        %xor3A_1217 = arith.xori %add3A_1209, %or3A_1216 : vector<16xi32>
        %add3A_1218 = arith.addi %add3A_1209, %xor3A_1217 : vector<16xi32>
        %shift_left3A_1219 = arith.constant 26 : i32
        %shift_left3A_1220 = vector.broadcast %shift_left3A_1219 : i32 to vector<16xi32>
        %shift_left3A_1221 = arith.shli %xor3A_1217, %shift_left3A_1220 : vector<16xi32>
        %shift_right_logical3A_1222 = arith.constant 6 : i32
        %shift_right_logical3A_1223 = vector.broadcast %shift_right_logical3A_1222 : i32 to vector<16xi32>
        %shift_right_logical3A_1224 = arith.shrui %xor3A_1217, %shift_right_logical3A_1223 : vector<16xi32>
        %or3A_1225 = arith.ori %shift_left3A_1221, %shift_right_logical3A_1224 : vector<16xi32>
        %xor3A_1226 = arith.xori %add3A_1218, %or3A_1225 : vector<16xi32>
        %add3A_1227 = arith.addi %add3A_1218, %xor3A_1226 : vector<16xi32>
        %shift_left3A_1228 = arith.constant 6 : i32
        %shift_left3A_1229 = vector.broadcast %shift_left3A_1228 : i32 to vector<16xi32>
        %shift_left3A_1230 = arith.shli %xor3A_1226, %shift_left3A_1229 : vector<16xi32>
        %shift_right_logical3A_1231 = arith.constant 26 : i32
        %shift_right_logical3A_1232 = vector.broadcast %shift_right_logical3A_1231 : i32 to vector<16xi32>
        %shift_right_logical3A_1233 = arith.shrui %xor3A_1226, %shift_right_logical3A_1232 : vector<16xi32>
        %or3A_1234 = arith.ori %shift_left3A_1230, %shift_right_logical3A_1233 : vector<16xi32>
        %xor3A_1235 = arith.xori %add3A_1227, %or3A_1234 : vector<16xi32>
        %add3A_1236 = arith.constant 466689008 : i32
        %add3A_1237 = vector.broadcast %add3A_1236 : i32 to vector<16xi32>
        %add3A_1238 = arith.addi %add3A_1227, %add3A_1237 : vector<16xi32>
        %add3A_1239 = arith.constant 0 : i32
        %add3A_1240 = vector.broadcast %add3A_1239 : i32 to vector<16xi32>
        %add3A_1241 = arith.addi %xor3A_1235, %add3A_1240 : vector<16xi32>
        %add3A_1242 = arith.constant 5 : i32
        %add3A_1243 = vector.broadcast %add3A_1242 : i32 to vector<16xi32>
        %add3A_1244 = arith.addi %add3A_1241, %add3A_1243 : vector<16xi32>
        %xor3A_1245 = arith.xori %add3A_1238, %add3A_1244 : vector<16xi32>
        %swap3A_1246 = arith.index_cast %mul3A_1008 : i32 to index
        %swap3A_1247 = tpu.vector_load %arg3[%swap3A_1246] {strides = array<i32>} : memref<8192xi32, #tpu.memory_space<vmem>>, vector<16xi32>,
        %swap3A_1248 = vector.shape_cast %swap3A_1247 : vector<16xi32> to vector<16xi32>
        %swap3A_1249 = vector.shape_cast %xor3A_1245 : vector<16xi32> to vector<16xi32>
        tpu.vector_store %arg3[%swap3A_1246], %swap3A_1249 {strides = array<i32>} : memref<8192xi32, #tpu.memory_space<vmem>>, vector<16xi32>,
        %mul3A_1250 = arith.constant 8 : i32
        %mul3A_1251 = arith.muli %scan3A_20, %mul3A_1250 : i32
        %add3A_1252 = arith.constant 5 : i32
        %add3A_1253 = arith.addi %mul3A_1251, %add3A_1252 : i32
        %mul3A_1254 = arith.constant 16 : i32
        %mul3A_1255 = arith.muli %add3A_1253, %mul3A_1254 : i32
        %mul3A_1256 = arith.constant 8192 : i32
        %mul3A_1257 = arith.muli %scan3A_10, %mul3A_1256 : i32
        %add3A_1258 = arith.addi %mul3A_1257, %mul3A_1255 : i32
        %add3A_1259 = arith.addi %add3A_4, %add3A_1258 : i32
        %add3A_1260 = vector.broadcast %add3A_1259 : i32 to vector<16xi32>
        %add3A_1261 = arith.addi %add3A_1260, %iota3A : vector<16xi32>
        %broadcast_in_dim3A_1262 = arith.constant 0 : i32
        %broadcast_in_dim3A_1263 = vector.broadcast %broadcast_in_dim3A_1262 : i32 to vector<16xi32>
        %add3A_1264 = arith.constant 42 : i32
        %add3A_1265 = vector.broadcast %add3A_1264 : i32 to vector<16xi32>
        %add3A_1266 = arith.addi %add3A_1261, %add3A_1265 : vector<16xi32>
        %add3A_1267 = arith.addi %broadcast_in_dim3A_1263, %add3A_1266 : vector<16xi32>
        %shift_left3A_1268 = arith.constant 13 : i32
        %shift_left3A_1269 = vector.broadcast %shift_left3A_1268 : i32 to vector<16xi32>
        %shift_left3A_1270 = arith.shli %add3A_1266, %shift_left3A_1269 : vector<16xi32>
        %shift_right_logical3A_1271 = arith.constant 19 : i32
        %shift_right_logical3A_1272 = vector.broadcast %shift_right_logical3A_1271 : i32 to vector<16xi32>
        %shift_right_logical3A_1273 = arith.shrui %add3A_1266, %shift_right_logical3A_1272 : vector<16xi32>
        %or3A_1274 = arith.ori %shift_left3A_1270, %shift_right_logical3A_1273 : vector<16xi32>
        %xor3A_1275 = arith.xori %add3A_1267, %or3A_1274 : vector<16xi32>
        %add3A_1276 = arith.addi %add3A_1267, %xor3A_1275 : vector<16xi32>
        %shift_left3A_1277 = arith.constant 15 : i32
        %shift_left3A_1278 = vector.broadcast %shift_left3A_1277 : i32 to vector<16xi32>
        %shift_left3A_1279 = arith.shli %xor3A_1275, %shift_left3A_1278 : vector<16xi32>
        %shift_right_logical3A_1280 = arith.constant 17 : i32
        %shift_right_logical3A_1281 = vector.broadcast %shift_right_logical3A_1280 : i32 to vector<16xi32>
        %shift_right_logical3A_1282 = arith.shrui %xor3A_1275, %shift_right_logical3A_1281 : vector<16xi32>
        %or3A_1283 = arith.ori %shift_left3A_1279, %shift_right_logical3A_1282 : vector<16xi32>
        %xor3A_1284 = arith.xori %add3A_1276, %or3A_1283 : vector<16xi32>
        %add3A_1285 = arith.addi %add3A_1276, %xor3A_1284 : vector<16xi32>
        %shift_left3A_1286 = arith.constant 26 : i32
        %shift_left3A_1287 = vector.broadcast %shift_left3A_1286 : i32 to vector<16xi32>
        %shift_left3A_1288 = arith.shli %xor3A_1284, %shift_left3A_1287 : vector<16xi32>
        %shift_right_logical3A_1289 = arith.constant 6 : i32
        %shift_right_logical3A_1290 = vector.broadcast %shift_right_logical3A_1289 : i32 to vector<16xi32>
        %shift_right_logical3A_1291 = arith.shrui %xor3A_1284, %shift_right_logical3A_1290 : vector<16xi32>
        %or3A_1292 = arith.ori %shift_left3A_1288, %shift_right_logical3A_1291 : vector<16xi32>
        %xor3A_1293 = arith.xori %add3A_1285, %or3A_1292 : vector<16xi32>
        %add3A_1294 = arith.addi %add3A_1285, %xor3A_1293 : vector<16xi32>
        %shift_left3A_1295 = arith.constant 6 : i32
        %shift_left3A_1296 = vector.broadcast %shift_left3A_1295 : i32 to vector<16xi32>
        %shift_left3A_1297 = arith.shli %xor3A_1293, %shift_left3A_1296 : vector<16xi32>
        %shift_right_logical3A_1298 = arith.constant 26 : i32
        %shift_right_logical3A_1299 = vector.broadcast %shift_right_logical3A_1298 : i32 to vector<16xi32>
        %shift_right_logical3A_1300 = arith.shrui %xor3A_1293, %shift_right_logical3A_1299 : vector<16xi32>
        %or3A_1301 = arith.ori %shift_left3A_1297, %shift_right_logical3A_1300 : vector<16xi32>
        %xor3A_1302 = arith.xori %add3A_1294, %or3A_1301 : vector<16xi32>
        %add3A_1303 = arith.constant 42 : i32
        %add3A_1304 = vector.broadcast %add3A_1303 : i32 to vector<16xi32>
        %add3A_1305 = arith.addi %add3A_1294, %add3A_1304 : vector<16xi32>
        %add3A_1306 = arith.constant 466689008 : i32
        %add3A_1307 = vector.broadcast %add3A_1306 : i32 to vector<16xi32>
        %add3A_1308 = arith.addi %xor3A_1302, %add3A_1307 : vector<16xi32>
        %add3A_1309 = arith.constant 1 : i32
        %add3A_1310 = vector.broadcast %add3A_1309 : i32 to vector<16xi32>
        %add3A_1311 = arith.addi %add3A_1308, %add3A_1310 : vector<16xi32>
        %add3A_1312 = arith.addi %add3A_1305, %add3A_1311 : vector<16xi32>
        %shift_left3A_1313 = arith.constant 17 : i32
        %shift_left3A_1314 = vector.broadcast %shift_left3A_1313 : i32 to vector<16xi32>
        %shift_left3A_1315 = arith.shli %add3A_1311, %shift_left3A_1314 : vector<16xi32>
        %shift_right_logical3A_1316 = arith.constant 15 : i32
        %shift_right_logical3A_1317 = vector.broadcast %shift_right_logical3A_1316 : i32 to vector<16xi32>
        %shift_right_logical3A_1318 = arith.shrui %add3A_1311, %shift_right_logical3A_1317 : vector<16xi32>
        %or3A_1319 = arith.ori %shift_left3A_1315, %shift_right_logical3A_1318 : vector<16xi32>
        %xor3A_1320 = arith.xori %add3A_1312, %or3A_1319 : vector<16xi32>
        %add3A_1321 = arith.addi %add3A_1312, %xor3A_1320 : vector<16xi32>
        %shift_left3A_1322 = arith.constant 29 : i32
        %shift_left3A_1323 = vector.broadcast %shift_left3A_1322 : i32 to vector<16xi32>
        %shift_left3A_1324 = arith.shli %xor3A_1320, %shift_left3A_1323 : vector<16xi32>
        %shift_right_logical3A_1325 = arith.constant 3 : i32
        %shift_right_logical3A_1326 = vector.broadcast %shift_right_logical3A_1325 : i32 to vector<16xi32>
        %shift_right_logical3A_1327 = arith.shrui %xor3A_1320, %shift_right_logical3A_1326 : vector<16xi32>
        %or3A_1328 = arith.ori %shift_left3A_1324, %shift_right_logical3A_1327 : vector<16xi32>
        %xor3A_1329 = arith.xori %add3A_1321, %or3A_1328 : vector<16xi32>
        %add3A_1330 = arith.addi %add3A_1321, %xor3A_1329 : vector<16xi32>
        %shift_left3A_1331 = arith.constant 16 : i32
        %shift_left3A_1332 = vector.broadcast %shift_left3A_1331 : i32 to vector<16xi32>
        %shift_left3A_1333 = arith.shli %xor3A_1329, %shift_left3A_1332 : vector<16xi32>
        %shift_right_logical3A_1334 = arith.constant 16 : i32
        %shift_right_logical3A_1335 = vector.broadcast %shift_right_logical3A_1334 : i32 to vector<16xi32>
        %shift_right_logical3A_1336 = arith.shrui %xor3A_1329, %shift_right_logical3A_1335 : vector<16xi32>
        %or3A_1337 = arith.ori %shift_left3A_1333, %shift_right_logical3A_1336 : vector<16xi32>
        %xor3A_1338 = arith.xori %add3A_1330, %or3A_1337 : vector<16xi32>
        %add3A_1339 = arith.addi %add3A_1330, %xor3A_1338 : vector<16xi32>
        %shift_left3A_1340 = arith.constant 24 : i32
        %shift_left3A_1341 = vector.broadcast %shift_left3A_1340 : i32 to vector<16xi32>
        %shift_left3A_1342 = arith.shli %xor3A_1338, %shift_left3A_1341 : vector<16xi32>
        %shift_right_logical3A_1343 = arith.constant 8 : i32
        %shift_right_logical3A_1344 = vector.broadcast %shift_right_logical3A_1343 : i32 to vector<16xi32>
        %shift_right_logical3A_1345 = arith.shrui %xor3A_1338, %shift_right_logical3A_1344 : vector<16xi32>
        %or3A_1346 = arith.ori %shift_left3A_1342, %shift_right_logical3A_1345 : vector<16xi32>
        %xor3A_1347 = arith.xori %add3A_1339, %or3A_1346 : vector<16xi32>
        %add3A_1348 = arith.constant 466689008 : i32
        %add3A_1349 = vector.broadcast %add3A_1348 : i32 to vector<16xi32>
        %add3A_1350 = arith.addi %add3A_1339, %add3A_1349 : vector<16xi32>
        %add3A_1351 = arith.constant 0 : i32
        %add3A_1352 = vector.broadcast %add3A_1351 : i32 to vector<16xi32>
        %add3A_1353 = arith.addi %xor3A_1347, %add3A_1352 : vector<16xi32>
        %add3A_1354 = arith.constant 2 : i32
        %add3A_1355 = vector.broadcast %add3A_1354 : i32 to vector<16xi32>
        %add3A_1356 = arith.addi %add3A_1353, %add3A_1355 : vector<16xi32>
        %add3A_1357 = arith.addi %add3A_1350, %add3A_1356 : vector<16xi32>
        %shift_left3A_1358 = arith.constant 13 : i32
        %shift_left3A_1359 = vector.broadcast %shift_left3A_1358 : i32 to vector<16xi32>
        %shift_left3A_1360 = arith.shli %add3A_1356, %shift_left3A_1359 : vector<16xi32>
        %shift_right_logical3A_1361 = arith.constant 19 : i32
        %shift_right_logical3A_1362 = vector.broadcast %shift_right_logical3A_1361 : i32 to vector<16xi32>
        %shift_right_logical3A_1363 = arith.shrui %add3A_1356, %shift_right_logical3A_1362 : vector<16xi32>
        %or3A_1364 = arith.ori %shift_left3A_1360, %shift_right_logical3A_1363 : vector<16xi32>
        %xor3A_1365 = arith.xori %add3A_1357, %or3A_1364 : vector<16xi32>
        %add3A_1366 = arith.addi %add3A_1357, %xor3A_1365 : vector<16xi32>
        %shift_left3A_1367 = arith.constant 15 : i32
        %shift_left3A_1368 = vector.broadcast %shift_left3A_1367 : i32 to vector<16xi32>
        %shift_left3A_1369 = arith.shli %xor3A_1365, %shift_left3A_1368 : vector<16xi32>
        %shift_right_logical3A_1370 = arith.constant 17 : i32
        %shift_right_logical3A_1371 = vector.broadcast %shift_right_logical3A_1370 : i32 to vector<16xi32>
        %shift_right_logical3A_1372 = arith.shrui %xor3A_1365, %shift_right_logical3A_1371 : vector<16xi32>
        %or3A_1373 = arith.ori %shift_left3A_1369, %shift_right_logical3A_1372 : vector<16xi32>
        %xor3A_1374 = arith.xori %add3A_1366, %or3A_1373 : vector<16xi32>
        %add3A_1375 = arith.addi %add3A_1366, %xor3A_1374 : vector<16xi32>
        %shift_left3A_1376 = arith.constant 26 : i32
        %shift_left3A_1377 = vector.broadcast %shift_left3A_1376 : i32 to vector<16xi32>
        %shift_left3A_1378 = arith.shli %xor3A_1374, %shift_left3A_1377 : vector<16xi32>
        %shift_right_logical3A_1379 = arith.constant 6 : i32
        %shift_right_logical3A_1380 = vector.broadcast %shift_right_logical3A_1379 : i32 to vector<16xi32>
        %shift_right_logical3A_1381 = arith.shrui %xor3A_1374, %shift_right_logical3A_1380 : vector<16xi32>
        %or3A_1382 = arith.ori %shift_left3A_1378, %shift_right_logical3A_1381 : vector<16xi32>
        %xor3A_1383 = arith.xori %add3A_1375, %or3A_1382 : vector<16xi32>
        %add3A_1384 = arith.addi %add3A_1375, %xor3A_1383 : vector<16xi32>
        %shift_left3A_1385 = arith.constant 6 : i32
        %shift_left3A_1386 = vector.broadcast %shift_left3A_1385 : i32 to vector<16xi32>
        %shift_left3A_1387 = arith.shli %xor3A_1383, %shift_left3A_1386 : vector<16xi32>
        %shift_right_logical3A_1388 = arith.constant 26 : i32
        %shift_right_logical3A_1389 = vector.broadcast %shift_right_logical3A_1388 : i32 to vector<16xi32>
        %shift_right_logical3A_1390 = arith.shrui %xor3A_1383, %shift_right_logical3A_1389 : vector<16xi32>
        %or3A_1391 = arith.ori %shift_left3A_1387, %shift_right_logical3A_1390 : vector<16xi32>
        %xor3A_1392 = arith.xori %add3A_1384, %or3A_1391 : vector<16xi32>
        %add3A_1393 = arith.constant 0 : i32
        %add3A_1394 = vector.broadcast %add3A_1393 : i32 to vector<16xi32>
        %add3A_1395 = arith.addi %add3A_1384, %add3A_1394 : vector<16xi32>
        %add3A_1396 = arith.constant 42 : i32
        %add3A_1397 = vector.broadcast %add3A_1396 : i32 to vector<16xi32>
        %add3A_1398 = arith.addi %xor3A_1392, %add3A_1397 : vector<16xi32>
        %add3A_1399 = arith.constant 3 : i32
        %add3A_1400 = vector.broadcast %add3A_1399 : i32 to vector<16xi32>
        %add3A_1401 = arith.addi %add3A_1398, %add3A_1400 : vector<16xi32>
        %add3A_1402 = arith.addi %add3A_1395, %add3A_1401 : vector<16xi32>
        %shift_left3A_1403 = arith.constant 17 : i32
        %shift_left3A_1404 = vector.broadcast %shift_left3A_1403 : i32 to vector<16xi32>
        %shift_left3A_1405 = arith.shli %add3A_1401, %shift_left3A_1404 : vector<16xi32>
        %shift_right_logical3A_1406 = arith.constant 15 : i32
        %shift_right_logical3A_1407 = vector.broadcast %shift_right_logical3A_1406 : i32 to vector<16xi32>
        %shift_right_logical3A_1408 = arith.shrui %add3A_1401, %shift_right_logical3A_1407 : vector<16xi32>
        %or3A_1409 = arith.ori %shift_left3A_1405, %shift_right_logical3A_1408 : vector<16xi32>
        %xor3A_1410 = arith.xori %add3A_1402, %or3A_1409 : vector<16xi32>
        %add3A_1411 = arith.addi %add3A_1402, %xor3A_1410 : vector<16xi32>
        %shift_left3A_1412 = arith.constant 29 : i32
        %shift_left3A_1413 = vector.broadcast %shift_left3A_1412 : i32 to vector<16xi32>
        %shift_left3A_1414 = arith.shli %xor3A_1410, %shift_left3A_1413 : vector<16xi32>
        %shift_right_logical3A_1415 = arith.constant 3 : i32
        %shift_right_logical3A_1416 = vector.broadcast %shift_right_logical3A_1415 : i32 to vector<16xi32>
        %shift_right_logical3A_1417 = arith.shrui %xor3A_1410, %shift_right_logical3A_1416 : vector<16xi32>
        %or3A_1418 = arith.ori %shift_left3A_1414, %shift_right_logical3A_1417 : vector<16xi32>
        %xor3A_1419 = arith.xori %add3A_1411, %or3A_1418 : vector<16xi32>
        %add3A_1420 = arith.addi %add3A_1411, %xor3A_1419 : vector<16xi32>
        %shift_left3A_1421 = arith.constant 16 : i32
        %shift_left3A_1422 = vector.broadcast %shift_left3A_1421 : i32 to vector<16xi32>
        %shift_left3A_1423 = arith.shli %xor3A_1419, %shift_left3A_1422 : vector<16xi32>
        %shift_right_logical3A_1424 = arith.constant 16 : i32
        %shift_right_logical3A_1425 = vector.broadcast %shift_right_logical3A_1424 : i32 to vector<16xi32>
        %shift_right_logical3A_1426 = arith.shrui %xor3A_1419, %shift_right_logical3A_1425 : vector<16xi32>
        %or3A_1427 = arith.ori %shift_left3A_1423, %shift_right_logical3A_1426 : vector<16xi32>
        %xor3A_1428 = arith.xori %add3A_1420, %or3A_1427 : vector<16xi32>
        %add3A_1429 = arith.addi %add3A_1420, %xor3A_1428 : vector<16xi32>
        %shift_left3A_1430 = arith.constant 24 : i32
        %shift_left3A_1431 = vector.broadcast %shift_left3A_1430 : i32 to vector<16xi32>
        %shift_left3A_1432 = arith.shli %xor3A_1428, %shift_left3A_1431 : vector<16xi32>
        %shift_right_logical3A_1433 = arith.constant 8 : i32
        %shift_right_logical3A_1434 = vector.broadcast %shift_right_logical3A_1433 : i32 to vector<16xi32>
        %shift_right_logical3A_1435 = arith.shrui %xor3A_1428, %shift_right_logical3A_1434 : vector<16xi32>
        %or3A_1436 = arith.ori %shift_left3A_1432, %shift_right_logical3A_1435 : vector<16xi32>
        %xor3A_1437 = arith.xori %add3A_1429, %or3A_1436 : vector<16xi32>
        %add3A_1438 = arith.constant 42 : i32
        %add3A_1439 = vector.broadcast %add3A_1438 : i32 to vector<16xi32>
        %add3A_1440 = arith.addi %add3A_1429, %add3A_1439 : vector<16xi32>
        %add3A_1441 = arith.constant 466689008 : i32
        %add3A_1442 = vector.broadcast %add3A_1441 : i32 to vector<16xi32>
        %add3A_1443 = arith.addi %xor3A_1437, %add3A_1442 : vector<16xi32>
        %add3A_1444 = arith.constant 4 : i32
        %add3A_1445 = vector.broadcast %add3A_1444 : i32 to vector<16xi32>
        %add3A_1446 = arith.addi %add3A_1443, %add3A_1445 : vector<16xi32>
        %add3A_1447 = arith.addi %add3A_1440, %add3A_1446 : vector<16xi32>
        %shift_left3A_1448 = arith.constant 13 : i32
        %shift_left3A_1449 = vector.broadcast %shift_left3A_1448 : i32 to vector<16xi32>
        %shift_left3A_1450 = arith.shli %add3A_1446, %shift_left3A_1449 : vector<16xi32>
        %shift_right_logical3A_1451 = arith.constant 19 : i32
        %shift_right_logical3A_1452 = vector.broadcast %shift_right_logical3A_1451 : i32 to vector<16xi32>
        %shift_right_logical3A_1453 = arith.shrui %add3A_1446, %shift_right_logical3A_1452 : vector<16xi32>
        %or3A_1454 = arith.ori %shift_left3A_1450, %shift_right_logical3A_1453 : vector<16xi32>
        %xor3A_1455 = arith.xori %add3A_1447, %or3A_1454 : vector<16xi32>
        %add3A_1456 = arith.addi %add3A_1447, %xor3A_1455 : vector<16xi32>
        %shift_left3A_1457 = arith.constant 15 : i32
        %shift_left3A_1458 = vector.broadcast %shift_left3A_1457 : i32 to vector<16xi32>
        %shift_left3A_1459 = arith.shli %xor3A_1455, %shift_left3A_1458 : vector<16xi32>
        %shift_right_logical3A_1460 = arith.constant 17 : i32
        %shift_right_logical3A_1461 = vector.broadcast %shift_right_logical3A_1460 : i32 to vector<16xi32>
        %shift_right_logical3A_1462 = arith.shrui %xor3A_1455, %shift_right_logical3A_1461 : vector<16xi32>
        %or3A_1463 = arith.ori %shift_left3A_1459, %shift_right_logical3A_1462 : vector<16xi32>
        %xor3A_1464 = arith.xori %add3A_1456, %or3A_1463 : vector<16xi32>
        %add3A_1465 = arith.addi %add3A_1456, %xor3A_1464 : vector<16xi32>
        %shift_left3A_1466 = arith.constant 26 : i32
        %shift_left3A_1467 = vector.broadcast %shift_left3A_1466 : i32 to vector<16xi32>
        %shift_left3A_1468 = arith.shli %xor3A_1464, %shift_left3A_1467 : vector<16xi32>
        %shift_right_logical3A_1469 = arith.constant 6 : i32
        %shift_right_logical3A_1470 = vector.broadcast %shift_right_logical3A_1469 : i32 to vector<16xi32>
        %shift_right_logical3A_1471 = arith.shrui %xor3A_1464, %shift_right_logical3A_1470 : vector<16xi32>
        %or3A_1472 = arith.ori %shift_left3A_1468, %shift_right_logical3A_1471 : vector<16xi32>
        %xor3A_1473 = arith.xori %add3A_1465, %or3A_1472 : vector<16xi32>
        %add3A_1474 = arith.addi %add3A_1465, %xor3A_1473 : vector<16xi32>
        %shift_left3A_1475 = arith.constant 6 : i32
        %shift_left3A_1476 = vector.broadcast %shift_left3A_1475 : i32 to vector<16xi32>
        %shift_left3A_1477 = arith.shli %xor3A_1473, %shift_left3A_1476 : vector<16xi32>
        %shift_right_logical3A_1478 = arith.constant 26 : i32
        %shift_right_logical3A_1479 = vector.broadcast %shift_right_logical3A_1478 : i32 to vector<16xi32>
        %shift_right_logical3A_1480 = arith.shrui %xor3A_1473, %shift_right_logical3A_1479 : vector<16xi32>
        %or3A_1481 = arith.ori %shift_left3A_1477, %shift_right_logical3A_1480 : vector<16xi32>
        %xor3A_1482 = arith.xori %add3A_1474, %or3A_1481 : vector<16xi32>
        %add3A_1483 = arith.constant 466689008 : i32
        %add3A_1484 = vector.broadcast %add3A_1483 : i32 to vector<16xi32>
        %add3A_1485 = arith.addi %add3A_1474, %add3A_1484 : vector<16xi32>
        %add3A_1486 = arith.constant 0 : i32
        %add3A_1487 = vector.broadcast %add3A_1486 : i32 to vector<16xi32>
        %add3A_1488 = arith.addi %xor3A_1482, %add3A_1487 : vector<16xi32>
        %add3A_1489 = arith.constant 5 : i32
        %add3A_1490 = vector.broadcast %add3A_1489 : i32 to vector<16xi32>
        %add3A_1491 = arith.addi %add3A_1488, %add3A_1490 : vector<16xi32>
        %xor3A_1492 = arith.xori %add3A_1485, %add3A_1491 : vector<16xi32>
        %swap3A_1493 = arith.index_cast %mul3A_1255 : i32 to index
        %swap3A_1494 = tpu.vector_load %arg3[%swap3A_1493] {strides = array<i32>} : memref<8192xi32, #tpu.memory_space<vmem>>, vector<16xi32>,
        %swap3A_1495 = vector.shape_cast %swap3A_1494 : vector<16xi32> to vector<16xi32>
        %swap3A_1496 = vector.shape_cast %xor3A_1492 : vector<16xi32> to vector<16xi32>
        tpu.vector_store %arg3[%swap3A_1493], %swap3A_1496 {strides = array<i32>} : memref<8192xi32, #tpu.memory_space<vmem>>, vector<16xi32>,
        %mul3A_1497 = arith.constant 8 : i32
        %mul3A_1498 = arith.muli %scan3A_20, %mul3A_1497 : i32
        %add3A_1499 = arith.constant 6 : i32
        %add3A_1500 = arith.addi %mul3A_1498, %add3A_1499 : i32
        %mul3A_1501 = arith.constant 16 : i32
        %mul3A_1502 = arith.muli %add3A_1500, %mul3A_1501 : i32
        %mul3A_1503 = arith.constant 8192 : i32
        %mul3A_1504 = arith.muli %scan3A_10, %mul3A_1503 : i32
        %add3A_1505 = arith.addi %mul3A_1504, %mul3A_1502 : i32
        %add3A_1506 = arith.addi %add3A_4, %add3A_1505 : i32
        %add3A_1507 = vector.broadcast %add3A_1506 : i32 to vector<16xi32>
        %add3A_1508 = arith.addi %add3A_1507, %iota3A : vector<16xi32>
        %broadcast_in_dim3A_1509 = arith.constant 0 : i32
        %broadcast_in_dim3A_1510 = vector.broadcast %broadcast_in_dim3A_1509 : i32 to vector<16xi32>
        %add3A_1511 = arith.constant 42 : i32
        %add3A_1512 = vector.broadcast %add3A_1511 : i32 to vector<16xi32>
        %add3A_1513 = arith.addi %add3A_1508, %add3A_1512 : vector<16xi32>
        %add3A_1514 = arith.addi %broadcast_in_dim3A_1510, %add3A_1513 : vector<16xi32>
        %shift_left3A_1515 = arith.constant 13 : i32
        %shift_left3A_1516 = vector.broadcast %shift_left3A_1515 : i32 to vector<16xi32>
        %shift_left3A_1517 = arith.shli %add3A_1513, %shift_left3A_1516 : vector<16xi32>
        %shift_right_logical3A_1518 = arith.constant 19 : i32
        %shift_right_logical3A_1519 = vector.broadcast %shift_right_logical3A_1518 : i32 to vector<16xi32>
        %shift_right_logical3A_1520 = arith.shrui %add3A_1513, %shift_right_logical3A_1519 : vector<16xi32>
        %or3A_1521 = arith.ori %shift_left3A_1517, %shift_right_logical3A_1520 : vector<16xi32>
        %xor3A_1522 = arith.xori %add3A_1514, %or3A_1521 : vector<16xi32>
        %add3A_1523 = arith.addi %add3A_1514, %xor3A_1522 : vector<16xi32>
        %shift_left3A_1524 = arith.constant 15 : i32
        %shift_left3A_1525 = vector.broadcast %shift_left3A_1524 : i32 to vector<16xi32>
        %shift_left3A_1526 = arith.shli %xor3A_1522, %shift_left3A_1525 : vector<16xi32>
        %shift_right_logical3A_1527 = arith.constant 17 : i32
        %shift_right_logical3A_1528 = vector.broadcast %shift_right_logical3A_1527 : i32 to vector<16xi32>
        %shift_right_logical3A_1529 = arith.shrui %xor3A_1522, %shift_right_logical3A_1528 : vector<16xi32>
        %or3A_1530 = arith.ori %shift_left3A_1526, %shift_right_logical3A_1529 : vector<16xi32>
        %xor3A_1531 = arith.xori %add3A_1523, %or3A_1530 : vector<16xi32>
        %add3A_1532 = arith.addi %add3A_1523, %xor3A_1531 : vector<16xi32>
        %shift_left3A_1533 = arith.constant 26 : i32
        %shift_left3A_1534 = vector.broadcast %shift_left3A_1533 : i32 to vector<16xi32>
        %shift_left3A_1535 = arith.shli %xor3A_1531, %shift_left3A_1534 : vector<16xi32>
        %shift_right_logical3A_1536 = arith.constant 6 : i32
        %shift_right_logical3A_1537 = vector.broadcast %shift_right_logical3A_1536 : i32 to vector<16xi32>
        %shift_right_logical3A_1538 = arith.shrui %xor3A_1531, %shift_right_logical3A_1537 : vector<16xi32>
        %or3A_1539 = arith.ori %shift_left3A_1535, %shift_right_logical3A_1538 : vector<16xi32>
        %xor3A_1540 = arith.xori %add3A_1532, %or3A_1539 : vector<16xi32>
        %add3A_1541 = arith.addi %add3A_1532, %xor3A_1540 : vector<16xi32>
        %shift_left3A_1542 = arith.constant 6 : i32
        %shift_left3A_1543 = vector.broadcast %shift_left3A_1542 : i32 to vector<16xi32>
        %shift_left3A_1544 = arith.shli %xor3A_1540, %shift_left3A_1543 : vector<16xi32>
        %shift_right_logical3A_1545 = arith.constant 26 : i32
        %shift_right_logical3A_1546 = vector.broadcast %shift_right_logical3A_1545 : i32 to vector<16xi32>
        %shift_right_logical3A_1547 = arith.shrui %xor3A_1540, %shift_right_logical3A_1546 : vector<16xi32>
        %or3A_1548 = arith.ori %shift_left3A_1544, %shift_right_logical3A_1547 : vector<16xi32>
        %xor3A_1549 = arith.xori %add3A_1541, %or3A_1548 : vector<16xi32>
        %add3A_1550 = arith.constant 42 : i32
        %add3A_1551 = vector.broadcast %add3A_1550 : i32 to vector<16xi32>
        %add3A_1552 = arith.addi %add3A_1541, %add3A_1551 : vector<16xi32>
        %add3A_1553 = arith.constant 466689008 : i32
        %add3A_1554 = vector.broadcast %add3A_1553 : i32 to vector<16xi32>
        %add3A_1555 = arith.addi %xor3A_1549, %add3A_1554 : vector<16xi32>
        %add3A_1556 = arith.constant 1 : i32
        %add3A_1557 = vector.broadcast %add3A_1556 : i32 to vector<16xi32>
        %add3A_1558 = arith.addi %add3A_1555, %add3A_1557 : vector<16xi32>
        %add3A_1559 = arith.addi %add3A_1552, %add3A_1558 : vector<16xi32>
        %shift_left3A_1560 = arith.constant 17 : i32
        %shift_left3A_1561 = vector.broadcast %shift_left3A_1560 : i32 to vector<16xi32>
        %shift_left3A_1562 = arith.shli %add3A_1558, %shift_left3A_1561 : vector<16xi32>
        %shift_right_logical3A_1563 = arith.constant 15 : i32
        %shift_right_logical3A_1564 = vector.broadcast %shift_right_logical3A_1563 : i32 to vector<16xi32>
        %shift_right_logical3A_1565 = arith.shrui %add3A_1558, %shift_right_logical3A_1564 : vector<16xi32>
        %or3A_1566 = arith.ori %shift_left3A_1562, %shift_right_logical3A_1565 : vector<16xi32>
        %xor3A_1567 = arith.xori %add3A_1559, %or3A_1566 : vector<16xi32>
        %add3A_1568 = arith.addi %add3A_1559, %xor3A_1567 : vector<16xi32>
        %shift_left3A_1569 = arith.constant 29 : i32
        %shift_left3A_1570 = vector.broadcast %shift_left3A_1569 : i32 to vector<16xi32>
        %shift_left3A_1571 = arith.shli %xor3A_1567, %shift_left3A_1570 : vector<16xi32>
        %shift_right_logical3A_1572 = arith.constant 3 : i32
        %shift_right_logical3A_1573 = vector.broadcast %shift_right_logical3A_1572 : i32 to vector<16xi32>
        %shift_right_logical3A_1574 = arith.shrui %xor3A_1567, %shift_right_logical3A_1573 : vector<16xi32>
        %or3A_1575 = arith.ori %shift_left3A_1571, %shift_right_logical3A_1574 : vector<16xi32>
        %xor3A_1576 = arith.xori %add3A_1568, %or3A_1575 : vector<16xi32>
        %add3A_1577 = arith.addi %add3A_1568, %xor3A_1576 : vector<16xi32>
        %shift_left3A_1578 = arith.constant 16 : i32
        %shift_left3A_1579 = vector.broadcast %shift_left3A_1578 : i32 to vector<16xi32>
        %shift_left3A_1580 = arith.shli %xor3A_1576, %shift_left3A_1579 : vector<16xi32>
        %shift_right_logical3A_1581 = arith.constant 16 : i32
        %shift_right_logical3A_1582 = vector.broadcast %shift_right_logical3A_1581 : i32 to vector<16xi32>
        %shift_right_logical3A_1583 = arith.shrui %xor3A_1576, %shift_right_logical3A_1582 : vector<16xi32>
        %or3A_1584 = arith.ori %shift_left3A_1580, %shift_right_logical3A_1583 : vector<16xi32>
        %xor3A_1585 = arith.xori %add3A_1577, %or3A_1584 : vector<16xi32>
        %add3A_1586 = arith.addi %add3A_1577, %xor3A_1585 : vector<16xi32>
        %shift_left3A_1587 = arith.constant 24 : i32
        %shift_left3A_1588 = vector.broadcast %shift_left3A_1587 : i32 to vector<16xi32>
        %shift_left3A_1589 = arith.shli %xor3A_1585, %shift_left3A_1588 : vector<16xi32>
        %shift_right_logical3A_1590 = arith.constant 8 : i32
        %shift_right_logical3A_1591 = vector.broadcast %shift_right_logical3A_1590 : i32 to vector<16xi32>
        %shift_right_logical3A_1592 = arith.shrui %xor3A_1585, %shift_right_logical3A_1591 : vector<16xi32>
        %or3A_1593 = arith.ori %shift_left3A_1589, %shift_right_logical3A_1592 : vector<16xi32>
        %xor3A_1594 = arith.xori %add3A_1586, %or3A_1593 : vector<16xi32>
        %add3A_1595 = arith.constant 466689008 : i32
        %add3A_1596 = vector.broadcast %add3A_1595 : i32 to vector<16xi32>
        %add3A_1597 = arith.addi %add3A_1586, %add3A_1596 : vector<16xi32>
        %add3A_1598 = arith.constant 0 : i32
        %add3A_1599 = vector.broadcast %add3A_1598 : i32 to vector<16xi32>
        %add3A_1600 = arith.addi %xor3A_1594, %add3A_1599 : vector<16xi32>
        %add3A_1601 = arith.constant 2 : i32
        %add3A_1602 = vector.broadcast %add3A_1601 : i32 to vector<16xi32>
        %add3A_1603 = arith.addi %add3A_1600, %add3A_1602 : vector<16xi32>
        %add3A_1604 = arith.addi %add3A_1597, %add3A_1603 : vector<16xi32>
        %shift_left3A_1605 = arith.constant 13 : i32
        %shift_left3A_1606 = vector.broadcast %shift_left3A_1605 : i32 to vector<16xi32>
        %shift_left3A_1607 = arith.shli %add3A_1603, %shift_left3A_1606 : vector<16xi32>
        %shift_right_logical3A_1608 = arith.constant 19 : i32
        %shift_right_logical3A_1609 = vector.broadcast %shift_right_logical3A_1608 : i32 to vector<16xi32>
        %shift_right_logical3A_1610 = arith.shrui %add3A_1603, %shift_right_logical3A_1609 : vector<16xi32>
        %or3A_1611 = arith.ori %shift_left3A_1607, %shift_right_logical3A_1610 : vector<16xi32>
        %xor3A_1612 = arith.xori %add3A_1604, %or3A_1611 : vector<16xi32>
        %add3A_1613 = arith.addi %add3A_1604, %xor3A_1612 : vector<16xi32>
        %shift_left3A_1614 = arith.constant 15 : i32
        %shift_left3A_1615 = vector.broadcast %shift_left3A_1614 : i32 to vector<16xi32>
        %shift_left3A_1616 = arith.shli %xor3A_1612, %shift_left3A_1615 : vector<16xi32>
        %shift_right_logical3A_1617 = arith.constant 17 : i32
        %shift_right_logical3A_1618 = vector.broadcast %shift_right_logical3A_1617 : i32 to vector<16xi32>
        %shift_right_logical3A_1619 = arith.shrui %xor3A_1612, %shift_right_logical3A_1618 : vector<16xi32>
        %or3A_1620 = arith.ori %shift_left3A_1616, %shift_right_logical3A_1619 : vector<16xi32>
        %xor3A_1621 = arith.xori %add3A_1613, %or3A_1620 : vector<16xi32>
        %add3A_1622 = arith.addi %add3A_1613, %xor3A_1621 : vector<16xi32>
        %shift_left3A_1623 = arith.constant 26 : i32
        %shift_left3A_1624 = vector.broadcast %shift_left3A_1623 : i32 to vector<16xi32>
        %shift_left3A_1625 = arith.shli %xor3A_1621, %shift_left3A_1624 : vector<16xi32>
        %shift_right_logical3A_1626 = arith.constant 6 : i32
        %shift_right_logical3A_1627 = vector.broadcast %shift_right_logical3A_1626 : i32 to vector<16xi32>
        %shift_right_logical3A_1628 = arith.shrui %xor3A_1621, %shift_right_logical3A_1627 : vector<16xi32>
        %or3A_1629 = arith.ori %shift_left3A_1625, %shift_right_logical3A_1628 : vector<16xi32>
        %xor3A_1630 = arith.xori %add3A_1622, %or3A_1629 : vector<16xi32>
        %add3A_1631 = arith.addi %add3A_1622, %xor3A_1630 : vector<16xi32>
        %shift_left3A_1632 = arith.constant 6 : i32
        %shift_left3A_1633 = vector.broadcast %shift_left3A_1632 : i32 to vector<16xi32>
        %shift_left3A_1634 = arith.shli %xor3A_1630, %shift_left3A_1633 : vector<16xi32>
        %shift_right_logical3A_1635 = arith.constant 26 : i32
        %shift_right_logical3A_1636 = vector.broadcast %shift_right_logical3A_1635 : i32 to vector<16xi32>
        %shift_right_logical3A_1637 = arith.shrui %xor3A_1630, %shift_right_logical3A_1636 : vector<16xi32>
        %or3A_1638 = arith.ori %shift_left3A_1634, %shift_right_logical3A_1637 : vector<16xi32>
        %xor3A_1639 = arith.xori %add3A_1631, %or3A_1638 : vector<16xi32>
        %add3A_1640 = arith.constant 0 : i32
        %add3A_1641 = vector.broadcast %add3A_1640 : i32 to vector<16xi32>
        %add3A_1642 = arith.addi %add3A_1631, %add3A_1641 : vector<16xi32>
        %add3A_1643 = arith.constant 42 : i32
        %add3A_1644 = vector.broadcast %add3A_1643 : i32 to vector<16xi32>
        %add3A_1645 = arith.addi %xor3A_1639, %add3A_1644 : vector<16xi32>
        %add3A_1646 = arith.constant 3 : i32
        %add3A_1647 = vector.broadcast %add3A_1646 : i32 to vector<16xi32>
        %add3A_1648 = arith.addi %add3A_1645, %add3A_1647 : vector<16xi32>
        %add3A_1649 = arith.addi %add3A_1642, %add3A_1648 : vector<16xi32>
        %shift_left3A_1650 = arith.constant 17 : i32
        %shift_left3A_1651 = vector.broadcast %shift_left3A_1650 : i32 to vector<16xi32>
        %shift_left3A_1652 = arith.shli %add3A_1648, %shift_left3A_1651 : vector<16xi32>
        %shift_right_logical3A_1653 = arith.constant 15 : i32
        %shift_right_logical3A_1654 = vector.broadcast %shift_right_logical3A_1653 : i32 to vector<16xi32>
        %shift_right_logical3A_1655 = arith.shrui %add3A_1648, %shift_right_logical3A_1654 : vector<16xi32>
        %or3A_1656 = arith.ori %shift_left3A_1652, %shift_right_logical3A_1655 : vector<16xi32>
        %xor3A_1657 = arith.xori %add3A_1649, %or3A_1656 : vector<16xi32>
        %add3A_1658 = arith.addi %add3A_1649, %xor3A_1657 : vector<16xi32>
        %shift_left3A_1659 = arith.constant 29 : i32
        %shift_left3A_1660 = vector.broadcast %shift_left3A_1659 : i32 to vector<16xi32>
        %shift_left3A_1661 = arith.shli %xor3A_1657, %shift_left3A_1660 : vector<16xi32>
        %shift_right_logical3A_1662 = arith.constant 3 : i32
        %shift_right_logical3A_1663 = vector.broadcast %shift_right_logical3A_1662 : i32 to vector<16xi32>
        %shift_right_logical3A_1664 = arith.shrui %xor3A_1657, %shift_right_logical3A_1663 : vector<16xi32>
        %or3A_1665 = arith.ori %shift_left3A_1661, %shift_right_logical3A_1664 : vector<16xi32>
        %xor3A_1666 = arith.xori %add3A_1658, %or3A_1665 : vector<16xi32>
        %add3A_1667 = arith.addi %add3A_1658, %xor3A_1666 : vector<16xi32>
        %shift_left3A_1668 = arith.constant 16 : i32
        %shift_left3A_1669 = vector.broadcast %shift_left3A_1668 : i32 to vector<16xi32>
        %shift_left3A_1670 = arith.shli %xor3A_1666, %shift_left3A_1669 : vector<16xi32>
        %shift_right_logical3A_1671 = arith.constant 16 : i32
        %shift_right_logical3A_1672 = vector.broadcast %shift_right_logical3A_1671 : i32 to vector<16xi32>
        %shift_right_logical3A_1673 = arith.shrui %xor3A_1666, %shift_right_logical3A_1672 : vector<16xi32>
        %or3A_1674 = arith.ori %shift_left3A_1670, %shift_right_logical3A_1673 : vector<16xi32>
        %xor3A_1675 = arith.xori %add3A_1667, %or3A_1674 : vector<16xi32>
        %add3A_1676 = arith.addi %add3A_1667, %xor3A_1675 : vector<16xi32>
        %shift_left3A_1677 = arith.constant 24 : i32
        %shift_left3A_1678 = vector.broadcast %shift_left3A_1677 : i32 to vector<16xi32>
        %shift_left3A_1679 = arith.shli %xor3A_1675, %shift_left3A_1678 : vector<16xi32>
        %shift_right_logical3A_1680 = arith.constant 8 : i32
        %shift_right_logical3A_1681 = vector.broadcast %shift_right_logical3A_1680 : i32 to vector<16xi32>
        %shift_right_logical3A_1682 = arith.shrui %xor3A_1675, %shift_right_logical3A_1681 : vector<16xi32>
        %or3A_1683 = arith.ori %shift_left3A_1679, %shift_right_logical3A_1682 : vector<16xi32>
        %xor3A_1684 = arith.xori %add3A_1676, %or3A_1683 : vector<16xi32>
        %add3A_1685 = arith.constant 42 : i32
        %add3A_1686 = vector.broadcast %add3A_1685 : i32 to vector<16xi32>
        %add3A_1687 = arith.addi %add3A_1676, %add3A_1686 : vector<16xi32>
        %add3A_1688 = arith.constant 466689008 : i32
        %add3A_1689 = vector.broadcast %add3A_1688 : i32 to vector<16xi32>
        %add3A_1690 = arith.addi %xor3A_1684, %add3A_1689 : vector<16xi32>
        %add3A_1691 = arith.constant 4 : i32
        %add3A_1692 = vector.broadcast %add3A_1691 : i32 to vector<16xi32>
        %add3A_1693 = arith.addi %add3A_1690, %add3A_1692 : vector<16xi32>
        %add3A_1694 = arith.addi %add3A_1687, %add3A_1693 : vector<16xi32>
        %shift_left3A_1695 = arith.constant 13 : i32
        %shift_left3A_1696 = vector.broadcast %shift_left3A_1695 : i32 to vector<16xi32>
        %shift_left3A_1697 = arith.shli %add3A_1693, %shift_left3A_1696 : vector<16xi32>
        %shift_right_logical3A_1698 = arith.constant 19 : i32
        %shift_right_logical3A_1699 = vector.broadcast %shift_right_logical3A_1698 : i32 to vector<16xi32>
        %shift_right_logical3A_1700 = arith.shrui %add3A_1693, %shift_right_logical3A_1699 : vector<16xi32>
        %or3A_1701 = arith.ori %shift_left3A_1697, %shift_right_logical3A_1700 : vector<16xi32>
        %xor3A_1702 = arith.xori %add3A_1694, %or3A_1701 : vector<16xi32>
        %add3A_1703 = arith.addi %add3A_1694, %xor3A_1702 : vector<16xi32>
        %shift_left3A_1704 = arith.constant 15 : i32
        %shift_left3A_1705 = vector.broadcast %shift_left3A_1704 : i32 to vector<16xi32>
        %shift_left3A_1706 = arith.shli %xor3A_1702, %shift_left3A_1705 : vector<16xi32>
        %shift_right_logical3A_1707 = arith.constant 17 : i32
        %shift_right_logical3A_1708 = vector.broadcast %shift_right_logical3A_1707 : i32 to vector<16xi32>
        %shift_right_logical3A_1709 = arith.shrui %xor3A_1702, %shift_right_logical3A_1708 : vector<16xi32>
        %or3A_1710 = arith.ori %shift_left3A_1706, %shift_right_logical3A_1709 : vector<16xi32>
        %xor3A_1711 = arith.xori %add3A_1703, %or3A_1710 : vector<16xi32>
        %add3A_1712 = arith.addi %add3A_1703, %xor3A_1711 : vector<16xi32>
        %shift_left3A_1713 = arith.constant 26 : i32
        %shift_left3A_1714 = vector.broadcast %shift_left3A_1713 : i32 to vector<16xi32>
        %shift_left3A_1715 = arith.shli %xor3A_1711, %shift_left3A_1714 : vector<16xi32>
        %shift_right_logical3A_1716 = arith.constant 6 : i32
        %shift_right_logical3A_1717 = vector.broadcast %shift_right_logical3A_1716 : i32 to vector<16xi32>
        %shift_right_logical3A_1718 = arith.shrui %xor3A_1711, %shift_right_logical3A_1717 : vector<16xi32>
        %or3A_1719 = arith.ori %shift_left3A_1715, %shift_right_logical3A_1718 : vector<16xi32>
        %xor3A_1720 = arith.xori %add3A_1712, %or3A_1719 : vector<16xi32>
        %add3A_1721 = arith.addi %add3A_1712, %xor3A_1720 : vector<16xi32>
        %shift_left3A_1722 = arith.constant 6 : i32
        %shift_left3A_1723 = vector.broadcast %shift_left3A_1722 : i32 to vector<16xi32>
        %shift_left3A_1724 = arith.shli %xor3A_1720, %shift_left3A_1723 : vector<16xi32>
        %shift_right_logical3A_1725 = arith.constant 26 : i32
        %shift_right_logical3A_1726 = vector.broadcast %shift_right_logical3A_1725 : i32 to vector<16xi32>
        %shift_right_logical3A_1727 = arith.shrui %xor3A_1720, %shift_right_logical3A_1726 : vector<16xi32>
        %or3A_1728 = arith.ori %shift_left3A_1724, %shift_right_logical3A_1727 : vector<16xi32>
        %xor3A_1729 = arith.xori %add3A_1721, %or3A_1728 : vector<16xi32>
        %add3A_1730 = arith.constant 466689008 : i32
        %add3A_1731 = vector.broadcast %add3A_1730 : i32 to vector<16xi32>
        %add3A_1732 = arith.addi %add3A_1721, %add3A_1731 : vector<16xi32>
        %add3A_1733 = arith.constant 0 : i32
        %add3A_1734 = vector.broadcast %add3A_1733 : i32 to vector<16xi32>
        %add3A_1735 = arith.addi %xor3A_1729, %add3A_1734 : vector<16xi32>
        %add3A_1736 = arith.constant 5 : i32
        %add3A_1737 = vector.broadcast %add3A_1736 : i32 to vector<16xi32>
        %add3A_1738 = arith.addi %add3A_1735, %add3A_1737 : vector<16xi32>
        %xor3A_1739 = arith.xori %add3A_1732, %add3A_1738 : vector<16xi32>
        %swap3A_1740 = arith.index_cast %mul3A_1502 : i32 to index
        %swap3A_1741 = tpu.vector_load %arg3[%swap3A_1740] {strides = array<i32>} : memref<8192xi32, #tpu.memory_space<vmem>>, vector<16xi32>,
        %swap3A_1742 = vector.shape_cast %swap3A_1741 : vector<16xi32> to vector<16xi32>
        %swap3A_1743 = vector.shape_cast %xor3A_1739 : vector<16xi32> to vector<16xi32>
        tpu.vector_store %arg3[%swap3A_1740], %swap3A_1743 {strides = array<i32>} : memref<8192xi32, #tpu.memory_space<vmem>>, vector<16xi32>,
        %mul3A_1744 = arith.constant 8 : i32
        %mul3A_1745 = arith.muli %scan3A_20, %mul3A_1744 : i32
        %add3A_1746 = arith.constant 7 : i32
        %add3A_1747 = arith.addi %mul3A_1745, %add3A_1746 : i32
        %mul3A_1748 = arith.constant 16 : i32
        %mul3A_1749 = arith.muli %add3A_1747, %mul3A_1748 : i32
        %mul3A_1750 = arith.constant 8192 : i32
        %mul3A_1751 = arith.muli %scan3A_10, %mul3A_1750 : i32
        %add3A_1752 = arith.addi %mul3A_1751, %mul3A_1749 : i32
        %add3A_1753 = arith.addi %add3A_4, %add3A_1752 : i32
        %add3A_1754 = vector.broadcast %add3A_1753 : i32 to vector<16xi32>
        %add3A_1755 = arith.addi %add3A_1754, %iota3A : vector<16xi32>
        %broadcast_in_dim3A_1756 = arith.constant 0 : i32
        %broadcast_in_dim3A_1757 = vector.broadcast %broadcast_in_dim3A_1756 : i32 to vector<16xi32>
        %add3A_1758 = arith.constant 42 : i32
        %add3A_1759 = vector.broadcast %add3A_1758 : i32 to vector<16xi32>
        %add3A_1760 = arith.addi %add3A_1755, %add3A_1759 : vector<16xi32>
        %add3A_1761 = arith.addi %broadcast_in_dim3A_1757, %add3A_1760 : vector<16xi32>
        %shift_left3A_1762 = arith.constant 13 : i32
        %shift_left3A_1763 = vector.broadcast %shift_left3A_1762 : i32 to vector<16xi32>
        %shift_left3A_1764 = arith.shli %add3A_1760, %shift_left3A_1763 : vector<16xi32>
        %shift_right_logical3A_1765 = arith.constant 19 : i32
        %shift_right_logical3A_1766 = vector.broadcast %shift_right_logical3A_1765 : i32 to vector<16xi32>
        %shift_right_logical3A_1767 = arith.shrui %add3A_1760, %shift_right_logical3A_1766 : vector<16xi32>
        %or3A_1768 = arith.ori %shift_left3A_1764, %shift_right_logical3A_1767 : vector<16xi32>
        %xor3A_1769 = arith.xori %add3A_1761, %or3A_1768 : vector<16xi32>
        %add3A_1770 = arith.addi %add3A_1761, %xor3A_1769 : vector<16xi32>
        %shift_left3A_1771 = arith.constant 15 : i32
        %shift_left3A_1772 = vector.broadcast %shift_left3A_1771 : i32 to vector<16xi32>
        %shift_left3A_1773 = arith.shli %xor3A_1769, %shift_left3A_1772 : vector<16xi32>
        %shift_right_logical3A_1774 = arith.constant 17 : i32
        %shift_right_logical3A_1775 = vector.broadcast %shift_right_logical3A_1774 : i32 to vector<16xi32>
        %shift_right_logical3A_1776 = arith.shrui %xor3A_1769, %shift_right_logical3A_1775 : vector<16xi32>
        %or3A_1777 = arith.ori %shift_left3A_1773, %shift_right_logical3A_1776 : vector<16xi32>
        %xor3A_1778 = arith.xori %add3A_1770, %or3A_1777 : vector<16xi32>
        %add3A_1779 = arith.addi %add3A_1770, %xor3A_1778 : vector<16xi32>
        %shift_left3A_1780 = arith.constant 26 : i32
        %shift_left3A_1781 = vector.broadcast %shift_left3A_1780 : i32 to vector<16xi32>
        %shift_left3A_1782 = arith.shli %xor3A_1778, %shift_left3A_1781 : vector<16xi32>
        %shift_right_logical3A_1783 = arith.constant 6 : i32
        %shift_right_logical3A_1784 = vector.broadcast %shift_right_logical3A_1783 : i32 to vector<16xi32>
        %shift_right_logical3A_1785 = arith.shrui %xor3A_1778, %shift_right_logical3A_1784 : vector<16xi32>
        %or3A_1786 = arith.ori %shift_left3A_1782, %shift_right_logical3A_1785 : vector<16xi32>
        %xor3A_1787 = arith.xori %add3A_1779, %or3A_1786 : vector<16xi32>
        %add3A_1788 = arith.addi %add3A_1779, %xor3A_1787 : vector<16xi32>
        %shift_left3A_1789 = arith.constant 6 : i32
        %shift_left3A_1790 = vector.broadcast %shift_left3A_1789 : i32 to vector<16xi32>
        %shift_left3A_1791 = arith.shli %xor3A_1787, %shift_left3A_1790 : vector<16xi32>
        %shift_right_logical3A_1792 = arith.constant 26 : i32
        %shift_right_logical3A_1793 = vector.broadcast %shift_right_logical3A_1792 : i32 to vector<16xi32>
        %shift_right_logical3A_1794 = arith.shrui %xor3A_1787, %shift_right_logical3A_1793 : vector<16xi32>
        %or3A_1795 = arith.ori %shift_left3A_1791, %shift_right_logical3A_1794 : vector<16xi32>
        %xor3A_1796 = arith.xori %add3A_1788, %or3A_1795 : vector<16xi32>
        %add3A_1797 = arith.constant 42 : i32
        %add3A_1798 = vector.broadcast %add3A_1797 : i32 to vector<16xi32>
        %add3A_1799 = arith.addi %add3A_1788, %add3A_1798 : vector<16xi32>
        %add3A_1800 = arith.constant 466689008 : i32
        %add3A_1801 = vector.broadcast %add3A_1800 : i32 to vector<16xi32>
        %add3A_1802 = arith.addi %xor3A_1796, %add3A_1801 : vector<16xi32>
        %add3A_1803 = arith.constant 1 : i32
        %add3A_1804 = vector.broadcast %add3A_1803 : i32 to vector<16xi32>
        %add3A_1805 = arith.addi %add3A_1802, %add3A_1804 : vector<16xi32>
        %add3A_1806 = arith.addi %add3A_1799, %add3A_1805 : vector<16xi32>
        %shift_left3A_1807 = arith.constant 17 : i32
        %shift_left3A_1808 = vector.broadcast %shift_left3A_1807 : i32 to vector<16xi32>
        %shift_left3A_1809 = arith.shli %add3A_1805, %shift_left3A_1808 : vector<16xi32>
        %shift_right_logical3A_1810 = arith.constant 15 : i32
        %shift_right_logical3A_1811 = vector.broadcast %shift_right_logical3A_1810 : i32 to vector<16xi32>
        %shift_right_logical3A_1812 = arith.shrui %add3A_1805, %shift_right_logical3A_1811 : vector<16xi32>
        %or3A_1813 = arith.ori %shift_left3A_1809, %shift_right_logical3A_1812 : vector<16xi32>
        %xor3A_1814 = arith.xori %add3A_1806, %or3A_1813 : vector<16xi32>
        %add3A_1815 = arith.addi %add3A_1806, %xor3A_1814 : vector<16xi32>
        %shift_left3A_1816 = arith.constant 29 : i32
        %shift_left3A_1817 = vector.broadcast %shift_left3A_1816 : i32 to vector<16xi32>
        %shift_left3A_1818 = arith.shli %xor3A_1814, %shift_left3A_1817 : vector<16xi32>
        %shift_right_logical3A_1819 = arith.constant 3 : i32
        %shift_right_logical3A_1820 = vector.broadcast %shift_right_logical3A_1819 : i32 to vector<16xi32>
        %shift_right_logical3A_1821 = arith.shrui %xor3A_1814, %shift_right_logical3A_1820 : vector<16xi32>
        %or3A_1822 = arith.ori %shift_left3A_1818, %shift_right_logical3A_1821 : vector<16xi32>
        %xor3A_1823 = arith.xori %add3A_1815, %or3A_1822 : vector<16xi32>
        %add3A_1824 = arith.addi %add3A_1815, %xor3A_1823 : vector<16xi32>
        %shift_left3A_1825 = arith.constant 16 : i32
        %shift_left3A_1826 = vector.broadcast %shift_left3A_1825 : i32 to vector<16xi32>
        %shift_left3A_1827 = arith.shli %xor3A_1823, %shift_left3A_1826 : vector<16xi32>
        %shift_right_logical3A_1828 = arith.constant 16 : i32
        %shift_right_logical3A_1829 = vector.broadcast %shift_right_logical3A_1828 : i32 to vector<16xi32>
        %shift_right_logical3A_1830 = arith.shrui %xor3A_1823, %shift_right_logical3A_1829 : vector<16xi32>
        %or3A_1831 = arith.ori %shift_left3A_1827, %shift_right_logical3A_1830 : vector<16xi32>
        %xor3A_1832 = arith.xori %add3A_1824, %or3A_1831 : vector<16xi32>
        %add3A_1833 = arith.addi %add3A_1824, %xor3A_1832 : vector<16xi32>
        %shift_left3A_1834 = arith.constant 24 : i32
        %shift_left3A_1835 = vector.broadcast %shift_left3A_1834 : i32 to vector<16xi32>
        %shift_left3A_1836 = arith.shli %xor3A_1832, %shift_left3A_1835 : vector<16xi32>
        %shift_right_logical3A_1837 = arith.constant 8 : i32
        %shift_right_logical3A_1838 = vector.broadcast %shift_right_logical3A_1837 : i32 to vector<16xi32>
        %shift_right_logical3A_1839 = arith.shrui %xor3A_1832, %shift_right_logical3A_1838 : vector<16xi32>
        %or3A_1840 = arith.ori %shift_left3A_1836, %shift_right_logical3A_1839 : vector<16xi32>
        %xor3A_1841 = arith.xori %add3A_1833, %or3A_1840 : vector<16xi32>
        %add3A_1842 = arith.constant 466689008 : i32
        %add3A_1843 = vector.broadcast %add3A_1842 : i32 to vector<16xi32>
        %add3A_1844 = arith.addi %add3A_1833, %add3A_1843 : vector<16xi32>
        %add3A_1845 = arith.constant 0 : i32
        %add3A_1846 = vector.broadcast %add3A_1845 : i32 to vector<16xi32>
        %add3A_1847 = arith.addi %xor3A_1841, %add3A_1846 : vector<16xi32>
        %add3A_1848 = arith.constant 2 : i32
        %add3A_1849 = vector.broadcast %add3A_1848 : i32 to vector<16xi32>
        %add3A_1850 = arith.addi %add3A_1847, %add3A_1849 : vector<16xi32>
        %add3A_1851 = arith.addi %add3A_1844, %add3A_1850 : vector<16xi32>
        %shift_left3A_1852 = arith.constant 13 : i32
        %shift_left3A_1853 = vector.broadcast %shift_left3A_1852 : i32 to vector<16xi32>
        %shift_left3A_1854 = arith.shli %add3A_1850, %shift_left3A_1853 : vector<16xi32>
        %shift_right_logical3A_1855 = arith.constant 19 : i32
        %shift_right_logical3A_1856 = vector.broadcast %shift_right_logical3A_1855 : i32 to vector<16xi32>
        %shift_right_logical3A_1857 = arith.shrui %add3A_1850, %shift_right_logical3A_1856 : vector<16xi32>
        %or3A_1858 = arith.ori %shift_left3A_1854, %shift_right_logical3A_1857 : vector<16xi32>
        %xor3A_1859 = arith.xori %add3A_1851, %or3A_1858 : vector<16xi32>
        %add3A_1860 = arith.addi %add3A_1851, %xor3A_1859 : vector<16xi32>
        %shift_left3A_1861 = arith.constant 15 : i32
        %shift_left3A_1862 = vector.broadcast %shift_left3A_1861 : i32 to vector<16xi32>
        %shift_left3A_1863 = arith.shli %xor3A_1859, %shift_left3A_1862 : vector<16xi32>
        %shift_right_logical3A_1864 = arith.constant 17 : i32
        %shift_right_logical3A_1865 = vector.broadcast %shift_right_logical3A_1864 : i32 to vector<16xi32>
        %shift_right_logical3A_1866 = arith.shrui %xor3A_1859, %shift_right_logical3A_1865 : vector<16xi32>
        %or3A_1867 = arith.ori %shift_left3A_1863, %shift_right_logical3A_1866 : vector<16xi32>
        %xor3A_1868 = arith.xori %add3A_1860, %or3A_1867 : vector<16xi32>
        %add3A_1869 = arith.addi %add3A_1860, %xor3A_1868 : vector<16xi32>
        %shift_left3A_1870 = arith.constant 26 : i32
        %shift_left3A_1871 = vector.broadcast %shift_left3A_1870 : i32 to vector<16xi32>
        %shift_left3A_1872 = arith.shli %xor3A_1868, %shift_left3A_1871 : vector<16xi32>
        %shift_right_logical3A_1873 = arith.constant 6 : i32
        %shift_right_logical3A_1874 = vector.broadcast %shift_right_logical3A_1873 : i32 to vector<16xi32>
        %shift_right_logical3A_1875 = arith.shrui %xor3A_1868, %shift_right_logical3A_1874 : vector<16xi32>
        %or3A_1876 = arith.ori %shift_left3A_1872, %shift_right_logical3A_1875 : vector<16xi32>
        %xor3A_1877 = arith.xori %add3A_1869, %or3A_1876 : vector<16xi32>
        %add3A_1878 = arith.addi %add3A_1869, %xor3A_1877 : vector<16xi32>
        %shift_left3A_1879 = arith.constant 6 : i32
        %shift_left3A_1880 = vector.broadcast %shift_left3A_1879 : i32 to vector<16xi32>
        %shift_left3A_1881 = arith.shli %xor3A_1877, %shift_left3A_1880 : vector<16xi32>
        %shift_right_logical3A_1882 = arith.constant 26 : i32
        %shift_right_logical3A_1883 = vector.broadcast %shift_right_logical3A_1882 : i32 to vector<16xi32>
        %shift_right_logical3A_1884 = arith.shrui %xor3A_1877, %shift_right_logical3A_1883 : vector<16xi32>
        %or3A_1885 = arith.ori %shift_left3A_1881, %shift_right_logical3A_1884 : vector<16xi32>
        %xor3A_1886 = arith.xori %add3A_1878, %or3A_1885 : vector<16xi32>
        %add3A_1887 = arith.constant 0 : i32
        %add3A_1888 = vector.broadcast %add3A_1887 : i32 to vector<16xi32>
        %add3A_1889 = arith.addi %add3A_1878, %add3A_1888 : vector<16xi32>
        %add3A_1890 = arith.constant 42 : i32
        %add3A_1891 = vector.broadcast %add3A_1890 : i32 to vector<16xi32>
        %add3A_1892 = arith.addi %xor3A_1886, %add3A_1891 : vector<16xi32>
        %add3A_1893 = arith.constant 3 : i32
        %add3A_1894 = vector.broadcast %add3A_1893 : i32 to vector<16xi32>
        %add3A_1895 = arith.addi %add3A_1892, %add3A_1894 : vector<16xi32>
        %add3A_1896 = arith.addi %add3A_1889, %add3A_1895 : vector<16xi32>
        %shift_left3A_1897 = arith.constant 17 : i32
        %shift_left3A_1898 = vector.broadcast %shift_left3A_1897 : i32 to vector<16xi32>
        %shift_left3A_1899 = arith.shli %add3A_1895, %shift_left3A_1898 : vector<16xi32>
        %shift_right_logical3A_1900 = arith.constant 15 : i32
        %shift_right_logical3A_1901 = vector.broadcast %shift_right_logical3A_1900 : i32 to vector<16xi32>
        %shift_right_logical3A_1902 = arith.shrui %add3A_1895, %shift_right_logical3A_1901 : vector<16xi32>
        %or3A_1903 = arith.ori %shift_left3A_1899, %shift_right_logical3A_1902 : vector<16xi32>
        %xor3A_1904 = arith.xori %add3A_1896, %or3A_1903 : vector<16xi32>
        %add3A_1905 = arith.addi %add3A_1896, %xor3A_1904 : vector<16xi32>
        %shift_left3A_1906 = arith.constant 29 : i32
        %shift_left3A_1907 = vector.broadcast %shift_left3A_1906 : i32 to vector<16xi32>
        %shift_left3A_1908 = arith.shli %xor3A_1904, %shift_left3A_1907 : vector<16xi32>
        %shift_right_logical3A_1909 = arith.constant 3 : i32
        %shift_right_logical3A_1910 = vector.broadcast %shift_right_logical3A_1909 : i32 to vector<16xi32>
        %shift_right_logical3A_1911 = arith.shrui %xor3A_1904, %shift_right_logical3A_1910 : vector<16xi32>
        %or3A_1912 = arith.ori %shift_left3A_1908, %shift_right_logical3A_1911 : vector<16xi32>
        %xor3A_1913 = arith.xori %add3A_1905, %or3A_1912 : vector<16xi32>
        %add3A_1914 = arith.addi %add3A_1905, %xor3A_1913 : vector<16xi32>
        %shift_left3A_1915 = arith.constant 16 : i32
        %shift_left3A_1916 = vector.broadcast %shift_left3A_1915 : i32 to vector<16xi32>
        %shift_left3A_1917 = arith.shli %xor3A_1913, %shift_left3A_1916 : vector<16xi32>
        %shift_right_logical3A_1918 = arith.constant 16 : i32
        %shift_right_logical3A_1919 = vector.broadcast %shift_right_logical3A_1918 : i32 to vector<16xi32>
        %shift_right_logical3A_1920 = arith.shrui %xor3A_1913, %shift_right_logical3A_1919 : vector<16xi32>
        %or3A_1921 = arith.ori %shift_left3A_1917, %shift_right_logical3A_1920 : vector<16xi32>
        %xor3A_1922 = arith.xori %add3A_1914, %or3A_1921 : vector<16xi32>
        %add3A_1923 = arith.addi %add3A_1914, %xor3A_1922 : vector<16xi32>
        %shift_left3A_1924 = arith.constant 24 : i32
        %shift_left3A_1925 = vector.broadcast %shift_left3A_1924 : i32 to vector<16xi32>
        %shift_left3A_1926 = arith.shli %xor3A_1922, %shift_left3A_1925 : vector<16xi32>
        %shift_right_logical3A_1927 = arith.constant 8 : i32
        %shift_right_logical3A_1928 = vector.broadcast %shift_right_logical3A_1927 : i32 to vector<16xi32>
        %shift_right_logical3A_1929 = arith.shrui %xor3A_1922, %shift_right_logical3A_1928 : vector<16xi32>
        %or3A_1930 = arith.ori %shift_left3A_1926, %shift_right_logical3A_1929 : vector<16xi32>
        %xor3A_1931 = arith.xori %add3A_1923, %or3A_1930 : vector<16xi32>
        %add3A_1932 = arith.constant 42 : i32
        %add3A_1933 = vector.broadcast %add3A_1932 : i32 to vector<16xi32>
        %add3A_1934 = arith.addi %add3A_1923, %add3A_1933 : vector<16xi32>
        %add3A_1935 = arith.constant 466689008 : i32
        %add3A_1936 = vector.broadcast %add3A_1935 : i32 to vector<16xi32>
        %add3A_1937 = arith.addi %xor3A_1931, %add3A_1936 : vector<16xi32>
        %add3A_1938 = arith.constant 4 : i32
        %add3A_1939 = vector.broadcast %add3A_1938 : i32 to vector<16xi32>
        %add3A_1940 = arith.addi %add3A_1937, %add3A_1939 : vector<16xi32>
        %add3A_1941 = arith.addi %add3A_1934, %add3A_1940 : vector<16xi32>
        %shift_left3A_1942 = arith.constant 13 : i32
        %shift_left3A_1943 = vector.broadcast %shift_left3A_1942 : i32 to vector<16xi32>
        %shift_left3A_1944 = arith.shli %add3A_1940, %shift_left3A_1943 : vector<16xi32>
        %shift_right_logical3A_1945 = arith.constant 19 : i32
        %shift_right_logical3A_1946 = vector.broadcast %shift_right_logical3A_1945 : i32 to vector<16xi32>
        %shift_right_logical3A_1947 = arith.shrui %add3A_1940, %shift_right_logical3A_1946 : vector<16xi32>
        %or3A_1948 = arith.ori %shift_left3A_1944, %shift_right_logical3A_1947 : vector<16xi32>
        %xor3A_1949 = arith.xori %add3A_1941, %or3A_1948 : vector<16xi32>
        %add3A_1950 = arith.addi %add3A_1941, %xor3A_1949 : vector<16xi32>
        %shift_left3A_1951 = arith.constant 15 : i32
        %shift_left3A_1952 = vector.broadcast %shift_left3A_1951 : i32 to vector<16xi32>
        %shift_left3A_1953 = arith.shli %xor3A_1949, %shift_left3A_1952 : vector<16xi32>
        %shift_right_logical3A_1954 = arith.constant 17 : i32
        %shift_right_logical3A_1955 = vector.broadcast %shift_right_logical3A_1954 : i32 to vector<16xi32>
        %shift_right_logical3A_1956 = arith.shrui %xor3A_1949, %shift_right_logical3A_1955 : vector<16xi32>
        %or3A_1957 = arith.ori %shift_left3A_1953, %shift_right_logical3A_1956 : vector<16xi32>
        %xor3A_1958 = arith.xori %add3A_1950, %or3A_1957 : vector<16xi32>
        %add3A_1959 = arith.addi %add3A_1950, %xor3A_1958 : vector<16xi32>
        %shift_left3A_1960 = arith.constant 26 : i32
        %shift_left3A_1961 = vector.broadcast %shift_left3A_1960 : i32 to vector<16xi32>
        %shift_left3A_1962 = arith.shli %xor3A_1958, %shift_left3A_1961 : vector<16xi32>
        %shift_right_logical3A_1963 = arith.constant 6 : i32
        %shift_right_logical3A_1964 = vector.broadcast %shift_right_logical3A_1963 : i32 to vector<16xi32>
        %shift_right_logical3A_1965 = arith.shrui %xor3A_1958, %shift_right_logical3A_1964 : vector<16xi32>
        %or3A_1966 = arith.ori %shift_left3A_1962, %shift_right_logical3A_1965 : vector<16xi32>
        %xor3A_1967 = arith.xori %add3A_1959, %or3A_1966 : vector<16xi32>
        %add3A_1968 = arith.addi %add3A_1959, %xor3A_1967 : vector<16xi32>
        %shift_left3A_1969 = arith.constant 6 : i32
        %shift_left3A_1970 = vector.broadcast %shift_left3A_1969 : i32 to vector<16xi32>
        %shift_left3A_1971 = arith.shli %xor3A_1967, %shift_left3A_1970 : vector<16xi32>
        %shift_right_logical3A_1972 = arith.constant 26 : i32
        %shift_right_logical3A_1973 = vector.broadcast %shift_right_logical3A_1972 : i32 to vector<16xi32>
        %shift_right_logical3A_1974 = arith.shrui %xor3A_1967, %shift_right_logical3A_1973 : vector<16xi32>
        %or3A_1975 = arith.ori %shift_left3A_1971, %shift_right_logical3A_1974 : vector<16xi32>
        %xor3A_1976 = arith.xori %add3A_1968, %or3A_1975 : vector<16xi32>
        %add3A_1977 = arith.constant 466689008 : i32
        %add3A_1978 = vector.broadcast %add3A_1977 : i32 to vector<16xi32>
        %add3A_1979 = arith.addi %add3A_1968, %add3A_1978 : vector<16xi32>
        %add3A_1980 = arith.constant 0 : i32
        %add3A_1981 = vector.broadcast %add3A_1980 : i32 to vector<16xi32>
        %add3A_1982 = arith.addi %xor3A_1976, %add3A_1981 : vector<16xi32>
        %add3A_1983 = arith.constant 5 : i32
        %add3A_1984 = vector.broadcast %add3A_1983 : i32 to vector<16xi32>
        %add3A_1985 = arith.addi %add3A_1982, %add3A_1984 : vector<16xi32>
        %xor3A_1986 = arith.xori %add3A_1979, %add3A_1985 : vector<16xi32>
        %swap3A_1987 = arith.index_cast %mul3A_1749 : i32 to index
        %swap3A_1988 = tpu.vector_load %arg3[%swap3A_1987] {strides = array<i32>} : memref<8192xi32, #tpu.memory_space<vmem>>, vector<16xi32>,
        %swap3A_1989 = vector.shape_cast %swap3A_1988 : vector<16xi32> to vector<16xi32>
        %swap3A_1990 = vector.shape_cast %xor3A_1986 : vector<16xi32> to vector<16xi32>
        tpu.vector_store %arg3[%swap3A_1987], %swap3A_1990 {strides = array<i32>} : memref<8192xi32, #tpu.memory_space<vmem>>, vector<16xi32>,
      }
      %scan3A_16 = arith.constant 64 : i32
      %mul3A_17 = arith.constant 8192 : i32
      %mul3A_18 = arith.muli %scan3A_10, %mul3A_17 : i32
      %add3A_19 = arith.addi %mul3A_2, %mul3A_18 : i32
      "tpu.region"() ({
        %run_scoped3A = tpu.sem_alloc : memref<!tpu.dma_semaphore, #tpu.memory_space<semaphore_mem>>
        %dma_start3A = tpu.memref_slice %arg2[%add3A_19] : memref<5767168xi32, #tpu.memory_space<hbm>> -> memref<8192xi32, #tpu.memory_space<hbm>>
        %dma_start3A_20 = tpu.memref_slice %arg2[%add3A_19] : memref<5767168xi32, #tpu.memory_space<hbm>> -> memref<8192xi32, #tpu.memory_space<hbm>>
        tpu.enqueue_dma source(%arg3 : memref<8192xi32, #tpu.memory_space<vmem>>) target(%dma_start3A_20 : memref<8192xi32, #tpu.memory_space<hbm>>) target_semaphore(%run_scoped3A : memref<!tpu.dma_semaphore, #tpu.memory_space<semaphore_mem>>)
        %dma_wait3A = tpu.memref_slice %arg2[%add3A_19] : memref<5767168xi32, #tpu.memory_space<hbm>> -> memref<8192xi32, #tpu.memory_space<hbm>>
        %dma_wait3A_21 = tpu.memref_slice %arg2[%add3A_19] : memref<5767168xi32, #tpu.memory_space<hbm>> -> memref<8192xi32, #tpu.memory_space<hbm>>
        tpu.wait_dma2 semaphore(%run_scoped3A : memref<!tpu.dma_semaphore, #tpu.memory_space<semaphore_mem>>) src(%arg3 : memref<8192xi32, #tpu.memory_space<vmem>>) dst(%dma_wait3A_21 : memref<8192xi32, #tpu.memory_space<hbm>>)
        tpu.yield
      }) : () -> ()
    }
    %scan3A_9 = arith.constant 22 : i32
    return
  }
}

module attributes {stable_mosaic.version = 14 : i64} {
  func.func @_head_kernel(%arg0: i32, %arg1: memref<9x256xf32, #tpu.memory_space<vmem>>, %arg2: memref<8x256xf32, #tpu.memory_space<vmem>>, %arg3: memref<2048x256xf32, #tpu.memory_space<vmem>>, %arg4: memref<2048x256xf32, #tpu.memory_space<vmem>>) attributes {dimension_semantics = [#tpu.dimension_semantics<arbitrary>], iteration_bounds = array<i64: 21>, scalar_prefetch = 0 : i64, scratch_operands = 0 : i64, tpu.core_type = #tpu.core_type<tc>, window_params = [{pipeline_mode = #tpu.pipeline_mode<synchronous>, transform_indices = @transform_0, window_bounds = array<i64: 9, 256>}, {pipeline_mode = #tpu.pipeline_mode<synchronous>, transform_indices = @transform_1, window_bounds = array<i64: 8, 256>}, {transform_indices = @transform_2, window_bounds = array<i64: 2048, 256>}, {transform_indices = @transform_3, window_bounds = array<i64: 2048, 256>}]} {
    %iota3A = tpu.iota {dimensions = array<i32: 0>} : vector<2048x256xi32>
    %iota3A_0 = tpu.iota {dimensions = array<i32: 1>} : vector<2048x256xi32>
    %mul3A = arith.constant 2048 : i32
    %mul3A_1 = arith.muli %mul3A, %arg0 : i32
    %add3A = vector.broadcast %mul3A_1 : i32 to vector<2048x256xi32>
    %add3A_2 = arith.addi %add3A, %iota3A : vector<2048x256xi32>
    %mul3A_3 = arith.constant 256 : i32
    %mul3A_4 = vector.broadcast %mul3A_3 : i32 to vector<2048x256xi32>
    %mul3A_5 = arith.muli %add3A_2, %mul3A_4 : vector<2048x256xi32>
    %add3A_6 = arith.addi %mul3A_5, %iota3A_0 : vector<2048x256xi32>
    %broadcast_in_dim3A = arith.constant 0 : i32
    %broadcast_in_dim3A_7 = vector.broadcast %broadcast_in_dim3A : i32 to vector<2048x256xi32>
    %add3A_8 = arith.constant 42 : i32
    %add3A_9 = vector.broadcast %add3A_8 : i32 to vector<2048x256xi32>
    %add3A_10 = arith.addi %add3A_6, %add3A_9 : vector<2048x256xi32>
    %add3A_11 = arith.addi %broadcast_in_dim3A_7, %add3A_10 : vector<2048x256xi32>
    %shift_left3A = arith.constant 13 : i32
    %shift_left3A_12 = vector.broadcast %shift_left3A : i32 to vector<2048x256xi32>
    %shift_left3A_13 = arith.shli %add3A_10, %shift_left3A_12 : vector<2048x256xi32>
    %shift_right_logical3A = arith.constant 19 : i32
    %shift_right_logical3A_14 = vector.broadcast %shift_right_logical3A : i32 to vector<2048x256xi32>
    %shift_right_logical3A_15 = arith.shrui %add3A_10, %shift_right_logical3A_14 : vector<2048x256xi32>
    %or3A = arith.ori %shift_left3A_13, %shift_right_logical3A_15 : vector<2048x256xi32>
    %xor3A = arith.xori %add3A_11, %or3A : vector<2048x256xi32>
    %add3A_16 = arith.addi %add3A_11, %xor3A : vector<2048x256xi32>
    %shift_left3A_17 = arith.constant 15 : i32
    %shift_left3A_18 = vector.broadcast %shift_left3A_17 : i32 to vector<2048x256xi32>
    %shift_left3A_19 = arith.shli %xor3A, %shift_left3A_18 : vector<2048x256xi32>
    %shift_right_logical3A_20 = arith.constant 17 : i32
    %shift_right_logical3A_21 = vector.broadcast %shift_right_logical3A_20 : i32 to vector<2048x256xi32>
    %shift_right_logical3A_22 = arith.shrui %xor3A, %shift_right_logical3A_21 : vector<2048x256xi32>
    %or3A_23 = arith.ori %shift_left3A_19, %shift_right_logical3A_22 : vector<2048x256xi32>
    %xor3A_24 = arith.xori %add3A_16, %or3A_23 : vector<2048x256xi32>
    %add3A_25 = arith.addi %add3A_16, %xor3A_24 : vector<2048x256xi32>
    %shift_left3A_26 = arith.constant 26 : i32
    %shift_left3A_27 = vector.broadcast %shift_left3A_26 : i32 to vector<2048x256xi32>
    %shift_left3A_28 = arith.shli %xor3A_24, %shift_left3A_27 : vector<2048x256xi32>
    %shift_right_logical3A_29 = arith.constant 6 : i32
    %shift_right_logical3A_30 = vector.broadcast %shift_right_logical3A_29 : i32 to vector<2048x256xi32>
    %shift_right_logical3A_31 = arith.shrui %xor3A_24, %shift_right_logical3A_30 : vector<2048x256xi32>
    %or3A_32 = arith.ori %shift_left3A_28, %shift_right_logical3A_31 : vector<2048x256xi32>
    %xor3A_33 = arith.xori %add3A_25, %or3A_32 : vector<2048x256xi32>
    %add3A_34 = arith.addi %add3A_25, %xor3A_33 : vector<2048x256xi32>
    %shift_left3A_35 = arith.constant 6 : i32
    %shift_left3A_36 = vector.broadcast %shift_left3A_35 : i32 to vector<2048x256xi32>
    %shift_left3A_37 = arith.shli %xor3A_33, %shift_left3A_36 : vector<2048x256xi32>
    %shift_right_logical3A_38 = arith.constant 26 : i32
    %shift_right_logical3A_39 = vector.broadcast %shift_right_logical3A_38 : i32 to vector<2048x256xi32>
    %shift_right_logical3A_40 = arith.shrui %xor3A_33, %shift_right_logical3A_39 : vector<2048x256xi32>
    %or3A_41 = arith.ori %shift_left3A_37, %shift_right_logical3A_40 : vector<2048x256xi32>
    %xor3A_42 = arith.xori %add3A_34, %or3A_41 : vector<2048x256xi32>
    %add3A_43 = arith.constant 42 : i32
    %add3A_44 = vector.broadcast %add3A_43 : i32 to vector<2048x256xi32>
    %add3A_45 = arith.addi %add3A_34, %add3A_44 : vector<2048x256xi32>
    %add3A_46 = arith.constant 466689008 : i32
    %add3A_47 = vector.broadcast %add3A_46 : i32 to vector<2048x256xi32>
    %add3A_48 = arith.addi %xor3A_42, %add3A_47 : vector<2048x256xi32>
    %add3A_49 = arith.constant 1 : i32
    %add3A_50 = vector.broadcast %add3A_49 : i32 to vector<2048x256xi32>
    %add3A_51 = arith.addi %add3A_48, %add3A_50 : vector<2048x256xi32>
    %add3A_52 = arith.addi %add3A_45, %add3A_51 : vector<2048x256xi32>
    %shift_left3A_53 = arith.constant 17 : i32
    %shift_left3A_54 = vector.broadcast %shift_left3A_53 : i32 to vector<2048x256xi32>
    %shift_left3A_55 = arith.shli %add3A_51, %shift_left3A_54 : vector<2048x256xi32>
    %shift_right_logical3A_56 = arith.constant 15 : i32
    %shift_right_logical3A_57 = vector.broadcast %shift_right_logical3A_56 : i32 to vector<2048x256xi32>
    %shift_right_logical3A_58 = arith.shrui %add3A_51, %shift_right_logical3A_57 : vector<2048x256xi32>
    %or3A_59 = arith.ori %shift_left3A_55, %shift_right_logical3A_58 : vector<2048x256xi32>
    %xor3A_60 = arith.xori %add3A_52, %or3A_59 : vector<2048x256xi32>
    %add3A_61 = arith.addi %add3A_52, %xor3A_60 : vector<2048x256xi32>
    %shift_left3A_62 = arith.constant 29 : i32
    %shift_left3A_63 = vector.broadcast %shift_left3A_62 : i32 to vector<2048x256xi32>
    %shift_left3A_64 = arith.shli %xor3A_60, %shift_left3A_63 : vector<2048x256xi32>
    %shift_right_logical3A_65 = arith.constant 3 : i32
    %shift_right_logical3A_66 = vector.broadcast %shift_right_logical3A_65 : i32 to vector<2048x256xi32>
    %shift_right_logical3A_67 = arith.shrui %xor3A_60, %shift_right_logical3A_66 : vector<2048x256xi32>
    %or3A_68 = arith.ori %shift_left3A_64, %shift_right_logical3A_67 : vector<2048x256xi32>
    %xor3A_69 = arith.xori %add3A_61, %or3A_68 : vector<2048x256xi32>
    %add3A_70 = arith.addi %add3A_61, %xor3A_69 : vector<2048x256xi32>
    %shift_left3A_71 = arith.constant 16 : i32
    %shift_left3A_72 = vector.broadcast %shift_left3A_71 : i32 to vector<2048x256xi32>
    %shift_left3A_73 = arith.shli %xor3A_69, %shift_left3A_72 : vector<2048x256xi32>
    %shift_right_logical3A_74 = arith.constant 16 : i32
    %shift_right_logical3A_75 = vector.broadcast %shift_right_logical3A_74 : i32 to vector<2048x256xi32>
    %shift_right_logical3A_76 = arith.shrui %xor3A_69, %shift_right_logical3A_75 : vector<2048x256xi32>
    %or3A_77 = arith.ori %shift_left3A_73, %shift_right_logical3A_76 : vector<2048x256xi32>
    %xor3A_78 = arith.xori %add3A_70, %or3A_77 : vector<2048x256xi32>
    %add3A_79 = arith.addi %add3A_70, %xor3A_78 : vector<2048x256xi32>
    %shift_left3A_80 = arith.constant 24 : i32
    %shift_left3A_81 = vector.broadcast %shift_left3A_80 : i32 to vector<2048x256xi32>
    %shift_left3A_82 = arith.shli %xor3A_78, %shift_left3A_81 : vector<2048x256xi32>
    %shift_right_logical3A_83 = arith.constant 8 : i32
    %shift_right_logical3A_84 = vector.broadcast %shift_right_logical3A_83 : i32 to vector<2048x256xi32>
    %shift_right_logical3A_85 = arith.shrui %xor3A_78, %shift_right_logical3A_84 : vector<2048x256xi32>
    %or3A_86 = arith.ori %shift_left3A_82, %shift_right_logical3A_85 : vector<2048x256xi32>
    %xor3A_87 = arith.xori %add3A_79, %or3A_86 : vector<2048x256xi32>
    %add3A_88 = arith.constant 466689008 : i32
    %add3A_89 = vector.broadcast %add3A_88 : i32 to vector<2048x256xi32>
    %add3A_90 = arith.addi %add3A_79, %add3A_89 : vector<2048x256xi32>
    %add3A_91 = arith.constant 0 : i32
    %add3A_92 = vector.broadcast %add3A_91 : i32 to vector<2048x256xi32>
    %add3A_93 = arith.addi %xor3A_87, %add3A_92 : vector<2048x256xi32>
    %add3A_94 = arith.constant 2 : i32
    %add3A_95 = vector.broadcast %add3A_94 : i32 to vector<2048x256xi32>
    %add3A_96 = arith.addi %add3A_93, %add3A_95 : vector<2048x256xi32>
    %add3A_97 = arith.addi %add3A_90, %add3A_96 : vector<2048x256xi32>
    %shift_left3A_98 = arith.constant 13 : i32
    %shift_left3A_99 = vector.broadcast %shift_left3A_98 : i32 to vector<2048x256xi32>
    %shift_left3A_100 = arith.shli %add3A_96, %shift_left3A_99 : vector<2048x256xi32>
    %shift_right_logical3A_101 = arith.constant 19 : i32
    %shift_right_logical3A_102 = vector.broadcast %shift_right_logical3A_101 : i32 to vector<2048x256xi32>
    %shift_right_logical3A_103 = arith.shrui %add3A_96, %shift_right_logical3A_102 : vector<2048x256xi32>
    %or3A_104 = arith.ori %shift_left3A_100, %shift_right_logical3A_103 : vector<2048x256xi32>
    %xor3A_105 = arith.xori %add3A_97, %or3A_104 : vector<2048x256xi32>
    %add3A_106 = arith.addi %add3A_97, %xor3A_105 : vector<2048x256xi32>
    %shift_left3A_107 = arith.constant 15 : i32
    %shift_left3A_108 = vector.broadcast %shift_left3A_107 : i32 to vector<2048x256xi32>
    %shift_left3A_109 = arith.shli %xor3A_105, %shift_left3A_108 : vector<2048x256xi32>
    %shift_right_logical3A_110 = arith.constant 17 : i32
    %shift_right_logical3A_111 = vector.broadcast %shift_right_logical3A_110 : i32 to vector<2048x256xi32>
    %shift_right_logical3A_112 = arith.shrui %xor3A_105, %shift_right_logical3A_111 : vector<2048x256xi32>
    %or3A_113 = arith.ori %shift_left3A_109, %shift_right_logical3A_112 : vector<2048x256xi32>
    %xor3A_114 = arith.xori %add3A_106, %or3A_113 : vector<2048x256xi32>
    %add3A_115 = arith.addi %add3A_106, %xor3A_114 : vector<2048x256xi32>
    %shift_left3A_116 = arith.constant 26 : i32
    %shift_left3A_117 = vector.broadcast %shift_left3A_116 : i32 to vector<2048x256xi32>
    %shift_left3A_118 = arith.shli %xor3A_114, %shift_left3A_117 : vector<2048x256xi32>
    %shift_right_logical3A_119 = arith.constant 6 : i32
    %shift_right_logical3A_120 = vector.broadcast %shift_right_logical3A_119 : i32 to vector<2048x256xi32>
    %shift_right_logical3A_121 = arith.shrui %xor3A_114, %shift_right_logical3A_120 : vector<2048x256xi32>
    %or3A_122 = arith.ori %shift_left3A_118, %shift_right_logical3A_121 : vector<2048x256xi32>
    %xor3A_123 = arith.xori %add3A_115, %or3A_122 : vector<2048x256xi32>
    %add3A_124 = arith.addi %add3A_115, %xor3A_123 : vector<2048x256xi32>
    %shift_left3A_125 = arith.constant 6 : i32
    %shift_left3A_126 = vector.broadcast %shift_left3A_125 : i32 to vector<2048x256xi32>
    %shift_left3A_127 = arith.shli %xor3A_123, %shift_left3A_126 : vector<2048x256xi32>
    %shift_right_logical3A_128 = arith.constant 26 : i32
    %shift_right_logical3A_129 = vector.broadcast %shift_right_logical3A_128 : i32 to vector<2048x256xi32>
    %shift_right_logical3A_130 = arith.shrui %xor3A_123, %shift_right_logical3A_129 : vector<2048x256xi32>
    %or3A_131 = arith.ori %shift_left3A_127, %shift_right_logical3A_130 : vector<2048x256xi32>
    %xor3A_132 = arith.xori %add3A_124, %or3A_131 : vector<2048x256xi32>
    %add3A_133 = arith.constant 0 : i32
    %add3A_134 = vector.broadcast %add3A_133 : i32 to vector<2048x256xi32>
    %add3A_135 = arith.addi %add3A_124, %add3A_134 : vector<2048x256xi32>
    %add3A_136 = arith.constant 42 : i32
    %add3A_137 = vector.broadcast %add3A_136 : i32 to vector<2048x256xi32>
    %add3A_138 = arith.addi %xor3A_132, %add3A_137 : vector<2048x256xi32>
    %add3A_139 = arith.constant 3 : i32
    %add3A_140 = vector.broadcast %add3A_139 : i32 to vector<2048x256xi32>
    %add3A_141 = arith.addi %add3A_138, %add3A_140 : vector<2048x256xi32>
    %add3A_142 = arith.addi %add3A_135, %add3A_141 : vector<2048x256xi32>
    %shift_left3A_143 = arith.constant 17 : i32
    %shift_left3A_144 = vector.broadcast %shift_left3A_143 : i32 to vector<2048x256xi32>
    %shift_left3A_145 = arith.shli %add3A_141, %shift_left3A_144 : vector<2048x256xi32>
    %shift_right_logical3A_146 = arith.constant 15 : i32
    %shift_right_logical3A_147 = vector.broadcast %shift_right_logical3A_146 : i32 to vector<2048x256xi32>
    %shift_right_logical3A_148 = arith.shrui %add3A_141, %shift_right_logical3A_147 : vector<2048x256xi32>
    %or3A_149 = arith.ori %shift_left3A_145, %shift_right_logical3A_148 : vector<2048x256xi32>
    %xor3A_150 = arith.xori %add3A_142, %or3A_149 : vector<2048x256xi32>
    %add3A_151 = arith.addi %add3A_142, %xor3A_150 : vector<2048x256xi32>
    %shift_left3A_152 = arith.constant 29 : i32
    %shift_left3A_153 = vector.broadcast %shift_left3A_152 : i32 to vector<2048x256xi32>
    %shift_left3A_154 = arith.shli %xor3A_150, %shift_left3A_153 : vector<2048x256xi32>
    %shift_right_logical3A_155 = arith.constant 3 : i32
    %shift_right_logical3A_156 = vector.broadcast %shift_right_logical3A_155 : i32 to vector<2048x256xi32>
    %shift_right_logical3A_157 = arith.shrui %xor3A_150, %shift_right_logical3A_156 : vector<2048x256xi32>
    %or3A_158 = arith.ori %shift_left3A_154, %shift_right_logical3A_157 : vector<2048x256xi32>
    %xor3A_159 = arith.xori %add3A_151, %or3A_158 : vector<2048x256xi32>
    %add3A_160 = arith.addi %add3A_151, %xor3A_159 : vector<2048x256xi32>
    %shift_left3A_161 = arith.constant 16 : i32
    %shift_left3A_162 = vector.broadcast %shift_left3A_161 : i32 to vector<2048x256xi32>
    %shift_left3A_163 = arith.shli %xor3A_159, %shift_left3A_162 : vector<2048x256xi32>
    %shift_right_logical3A_164 = arith.constant 16 : i32
    %shift_right_logical3A_165 = vector.broadcast %shift_right_logical3A_164 : i32 to vector<2048x256xi32>
    %shift_right_logical3A_166 = arith.shrui %xor3A_159, %shift_right_logical3A_165 : vector<2048x256xi32>
    %or3A_167 = arith.ori %shift_left3A_163, %shift_right_logical3A_166 : vector<2048x256xi32>
    %xor3A_168 = arith.xori %add3A_160, %or3A_167 : vector<2048x256xi32>
    %add3A_169 = arith.addi %add3A_160, %xor3A_168 : vector<2048x256xi32>
    %shift_left3A_170 = arith.constant 24 : i32
    %shift_left3A_171 = vector.broadcast %shift_left3A_170 : i32 to vector<2048x256xi32>
    %shift_left3A_172 = arith.shli %xor3A_168, %shift_left3A_171 : vector<2048x256xi32>
    %shift_right_logical3A_173 = arith.constant 8 : i32
    %shift_right_logical3A_174 = vector.broadcast %shift_right_logical3A_173 : i32 to vector<2048x256xi32>
    %shift_right_logical3A_175 = arith.shrui %xor3A_168, %shift_right_logical3A_174 : vector<2048x256xi32>
    %or3A_176 = arith.ori %shift_left3A_172, %shift_right_logical3A_175 : vector<2048x256xi32>
    %xor3A_177 = arith.xori %add3A_169, %or3A_176 : vector<2048x256xi32>
    %add3A_178 = arith.constant 42 : i32
    %add3A_179 = vector.broadcast %add3A_178 : i32 to vector<2048x256xi32>
    %add3A_180 = arith.addi %add3A_169, %add3A_179 : vector<2048x256xi32>
    %add3A_181 = arith.constant 466689008 : i32
    %add3A_182 = vector.broadcast %add3A_181 : i32 to vector<2048x256xi32>
    %add3A_183 = arith.addi %xor3A_177, %add3A_182 : vector<2048x256xi32>
    %add3A_184 = arith.constant 4 : i32
    %add3A_185 = vector.broadcast %add3A_184 : i32 to vector<2048x256xi32>
    %add3A_186 = arith.addi %add3A_183, %add3A_185 : vector<2048x256xi32>
    %add3A_187 = arith.addi %add3A_180, %add3A_186 : vector<2048x256xi32>
    %shift_left3A_188 = arith.constant 13 : i32
    %shift_left3A_189 = vector.broadcast %shift_left3A_188 : i32 to vector<2048x256xi32>
    %shift_left3A_190 = arith.shli %add3A_186, %shift_left3A_189 : vector<2048x256xi32>
    %shift_right_logical3A_191 = arith.constant 19 : i32
    %shift_right_logical3A_192 = vector.broadcast %shift_right_logical3A_191 : i32 to vector<2048x256xi32>
    %shift_right_logical3A_193 = arith.shrui %add3A_186, %shift_right_logical3A_192 : vector<2048x256xi32>
    %or3A_194 = arith.ori %shift_left3A_190, %shift_right_logical3A_193 : vector<2048x256xi32>
    %xor3A_195 = arith.xori %add3A_187, %or3A_194 : vector<2048x256xi32>
    %add3A_196 = arith.addi %add3A_187, %xor3A_195 : vector<2048x256xi32>
    %shift_left3A_197 = arith.constant 15 : i32
    %shift_left3A_198 = vector.broadcast %shift_left3A_197 : i32 to vector<2048x256xi32>
    %shift_left3A_199 = arith.shli %xor3A_195, %shift_left3A_198 : vector<2048x256xi32>
    %shift_right_logical3A_200 = arith.constant 17 : i32
    %shift_right_logical3A_201 = vector.broadcast %shift_right_logical3A_200 : i32 to vector<2048x256xi32>
    %shift_right_logical3A_202 = arith.shrui %xor3A_195, %shift_right_logical3A_201 : vector<2048x256xi32>
    %or3A_203 = arith.ori %shift_left3A_199, %shift_right_logical3A_202 : vector<2048x256xi32>
    %xor3A_204 = arith.xori %add3A_196, %or3A_203 : vector<2048x256xi32>
    %add3A_205 = arith.addi %add3A_196, %xor3A_204 : vector<2048x256xi32>
    %shift_left3A_206 = arith.constant 26 : i32
    %shift_left3A_207 = vector.broadcast %shift_left3A_206 : i32 to vector<2048x256xi32>
    %shift_left3A_208 = arith.shli %xor3A_204, %shift_left3A_207 : vector<2048x256xi32>
    %shift_right_logical3A_209 = arith.constant 6 : i32
    %shift_right_logical3A_210 = vector.broadcast %shift_right_logical3A_209 : i32 to vector<2048x256xi32>
    %shift_right_logical3A_211 = arith.shrui %xor3A_204, %shift_right_logical3A_210 : vector<2048x256xi32>
    %or3A_212 = arith.ori %shift_left3A_208, %shift_right_logical3A_211 : vector<2048x256xi32>
    %xor3A_213 = arith.xori %add3A_205, %or3A_212 : vector<2048x256xi32>
    %add3A_214 = arith.addi %add3A_205, %xor3A_213 : vector<2048x256xi32>
    %shift_left3A_215 = arith.constant 6 : i32
    %shift_left3A_216 = vector.broadcast %shift_left3A_215 : i32 to vector<2048x256xi32>
    %shift_left3A_217 = arith.shli %xor3A_213, %shift_left3A_216 : vector<2048x256xi32>
    %shift_right_logical3A_218 = arith.constant 26 : i32
    %shift_right_logical3A_219 = vector.broadcast %shift_right_logical3A_218 : i32 to vector<2048x256xi32>
    %shift_right_logical3A_220 = arith.shrui %xor3A_213, %shift_right_logical3A_219 : vector<2048x256xi32>
    %or3A_221 = arith.ori %shift_left3A_217, %shift_right_logical3A_220 : vector<2048x256xi32>
    %xor3A_222 = arith.xori %add3A_214, %or3A_221 : vector<2048x256xi32>
    %add3A_223 = arith.constant 466689008 : i32
    %add3A_224 = vector.broadcast %add3A_223 : i32 to vector<2048x256xi32>
    %add3A_225 = arith.addi %add3A_214, %add3A_224 : vector<2048x256xi32>
    %add3A_226 = arith.constant 0 : i32
    %add3A_227 = vector.broadcast %add3A_226 : i32 to vector<2048x256xi32>
    %add3A_228 = arith.addi %xor3A_222, %add3A_227 : vector<2048x256xi32>
    %add3A_229 = arith.constant 5 : i32
    %add3A_230 = vector.broadcast %add3A_229 : i32 to vector<2048x256xi32>
    %add3A_231 = arith.addi %add3A_228, %add3A_230 : vector<2048x256xi32>
    %xor3A_232 = arith.xori %add3A_225, %add3A_231 : vector<2048x256xi32>
    %shift_right_logical3A_233 = arith.constant 9 : i32
    %shift_right_logical3A_234 = vector.broadcast %shift_right_logical3A_233 : i32 to vector<2048x256xi32>
    %shift_right_logical3A_235 = arith.shrui %xor3A_232, %shift_right_logical3A_234 : vector<2048x256xi32>
    %or3A_236 = arith.constant 1065353216 : i32
    %or3A_237 = vector.broadcast %or3A_236 : i32 to vector<2048x256xi32>
    %or3A_238 = arith.ori %shift_right_logical3A_235, %or3A_237 : vector<2048x256xi32>
    %bitcast_convert_type3A = tpu.bitcast %or3A_238 : vector<2048x256xi32> -> vector<2048x256xf32>
    %sub3A = arith.constant 1.000000e+00 : f32
    %sub3A_239 = vector.broadcast %sub3A : f32 to vector<2048x256xf32>
    %sub3A_240 = arith.subf %bitcast_convert_type3A, %sub3A_239 : vector<2048x256xf32>
    %mul3A_241 = arith.constant 2.000000e+00 : f32
    %mul3A_242 = vector.broadcast %mul3A_241 : f32 to vector<2048x256xf32>
    %mul3A_243 = arith.mulf %sub3A_240, %mul3A_242 : vector<2048x256xf32>
    %add3A_244 = arith.constant -0.99999994 : f32
    %add3A_245 = vector.broadcast %add3A_244 : f32 to vector<2048x256xf32>
    %add3A_246 = arith.addf %mul3A_243, %add3A_245 : vector<2048x256xf32>
    %neg3A = arith.constant 0.000000e+00 : f32
    %neg3A_247 = vector.broadcast %neg3A : f32 to vector<2048x256xf32>
    %neg3A_248 = arith.subf %neg3A_247, %add3A_246 : vector<2048x256xf32>
    %mul3A_249 = arith.mulf %neg3A_248, %add3A_246 : vector<2048x256xf32>
    %log1p3A = math.log1p %mul3A_249 : vector<2048x256xf32>
    %neg3A_250 = arith.constant 0.000000e+00 : f32
    %neg3A_251 = vector.broadcast %neg3A_250 : f32 to vector<2048x256xf32>
    %neg3A_252 = arith.subf %neg3A_251, %log1p3A : vector<2048x256xf32>
    %sub3A_253 = arith.constant 2.500000e+00 : f32
    %sub3A_254 = vector.broadcast %sub3A_253 : f32 to vector<2048x256xf32>
    %sub3A_255 = arith.subf %neg3A_252, %sub3A_254 : vector<2048x256xf32>
    %mul3A_256 = arith.constant 3.97426021E-8 : f32
    %mul3A_257 = vector.broadcast %mul3A_256 : f32 to vector<2048x256xf32>
    %mul3A_258 = arith.mulf %mul3A_257, %sub3A_255 : vector<2048x256xf32>
    %add3A_259 = arith.constant 4.85462635E-7 : f32
    %add3A_260 = vector.broadcast %add3A_259 : f32 to vector<2048x256xf32>
    %add3A_261 = arith.addf %mul3A_258, %add3A_260 : vector<2048x256xf32>
    %mul3A_262 = arith.mulf %add3A_261, %sub3A_255 : vector<2048x256xf32>
    %add3A_263 = arith.constant -4.9828227E-6 : f32
    %add3A_264 = vector.broadcast %add3A_263 : f32 to vector<2048x256xf32>
    %add3A_265 = arith.addf %mul3A_262, %add3A_264 : vector<2048x256xf32>
    %mul3A_266 = arith.mulf %add3A_265, %sub3A_255 : vector<2048x256xf32>
    %add3A_267 = arith.constant -6.21052823E-6 : f32
    %add3A_268 = vector.broadcast %add3A_267 : f32 to vector<2048x256xf32>
    %add3A_269 = arith.addf %mul3A_266, %add3A_268 : vector<2048x256xf32>
    %mul3A_270 = arith.mulf %add3A_269, %sub3A_255 : vector<2048x256xf32>
    %add3A_271 = arith.constant 3.0912002E-4 : f32
    %add3A_272 = vector.broadcast %add3A_271 : f32 to vector<2048x256xf32>
    %add3A_273 = arith.addf %mul3A_270, %add3A_272 : vector<2048x256xf32>
    %mul3A_274 = arith.mulf %add3A_273, %sub3A_255 : vector<2048x256xf32>
    %add3A_275 = arith.constant -0.00177303492 : f32
    %add3A_276 = vector.broadcast %add3A_275 : f32 to vector<2048x256xf32>
    %add3A_277 = arith.addf %mul3A_274, %add3A_276 : vector<2048x256xf32>
    %mul3A_278 = arith.mulf %add3A_277, %sub3A_255 : vector<2048x256xf32>
    %add3A_279 = arith.constant -0.00590813393 : f32
    %add3A_280 = vector.broadcast %add3A_279 : f32 to vector<2048x256xf32>
    %add3A_281 = arith.addf %mul3A_278, %add3A_280 : vector<2048x256xf32>
    %mul3A_282 = arith.mulf %add3A_281, %sub3A_255 : vector<2048x256xf32>
    %add3A_283 = arith.constant 0.348802656 : f32
    %add3A_284 = vector.broadcast %add3A_283 : f32 to vector<2048x256xf32>
    %add3A_285 = arith.addf %mul3A_282, %add3A_284 : vector<2048x256xf32>
    %mul3A_286 = arith.mulf %add3A_285, %sub3A_255 : vector<2048x256xf32>
    %add3A_287 = arith.constant 2.12331367 : f32
    %add3A_288 = vector.broadcast %add3A_287 : f32 to vector<2048x256xf32>
    %add3A_289 = arith.addf %mul3A_286, %add3A_288 : vector<2048x256xf32>
    %mul3A_290 = arith.mulf %add3A_289, %add3A_246 : vector<2048x256xf32>
    %get3A = arith.constant 0 : index
    %get3A_291 = arith.constant 0 : index
    %get3A_292 = vector.load %arg3[%get3A, %get3A_291] : memref<2048x256xf32, #tpu.memory_space<vmem>>, vector<2048x256xf32>
    %get3A_293 = arith.constant 0 : index
    %get3A_294 = arith.constant 0 : index
    %get3A_295 = vector.load %arg2[%get3A_293, %get3A_294] : memref<8x256xf32, #tpu.memory_space<vmem>>, vector<8x256xf32>
    %logistic3A = arith.negf %get3A_295 : vector<8x256xf32>
    %logistic3A_296 = math.exp %logistic3A : vector<8x256xf32>
    %logistic3A_297 = arith.constant 1.000000e+00 : f32
    %logistic3A_298 = vector.broadcast %logistic3A_297 : f32 to vector<8x256xf32>
    %logistic3A_299 = arith.addf %logistic3A_298, %logistic3A_296 : vector<8x256xf32>
    %logistic3A_300 = arith.divf %logistic3A_298, %logistic3A_299 : vector<8x256xf32>
    %mul3A_301 = arith.constant 1.000000e-01 : f32
    %mul3A_302 = vector.broadcast %mul3A_301 : f32 to vector<8x256xf32>
    %mul3A_303 = arith.mulf %logistic3A_300, %mul3A_302 : vector<8x256xf32>
    %broadcast_in_dim3A_304 = arith.constant 0.000000e+00 : f32
    %broadcast_in_dim3A_305 = vector.broadcast %broadcast_in_dim3A_304 : f32 to vector<2048x256xf32>
    %slice3A = vector.extract_strided_slice %mul3A_303 {offsets = [0, 0], sizes = [1, 256], strides = [1, 1]} : vector<8x256xf32> to vector<1x256xf32>
    %squeeze3A = vector.shape_cast %slice3A : vector<1x256xf32> to vector<256xf32>
    %get3A_306 = arith.constant 0 : index
    %get3A_307 = arith.constant 0 : index
    %get3A_308 = vector.load %arg1[%get3A_306, %get3A_307] : memref<9x256xf32, #tpu.memory_space<vmem>>, vector<1x256xf32>
    %get3A_309 = vector.shape_cast %get3A_308 : vector<1x256xf32> to vector<256xf32>
    %broadcast_in_dim3A_310 = vector.shape_cast %get3A_309 : vector<256xf32> to vector<1x256xf32>
    %ge3A = vector.broadcast %broadcast_in_dim3A_310 : vector<1x256xf32> to vector<2048x256xf32>
    %ge3A_311 = arith.cmpf oge, %get3A_292, %ge3A : vector<2048x256xf32>
    %broadcast_in_dim3A_312 = vector.shape_cast %squeeze3A : vector<256xf32> to vector<1x256xf32>
    %jit3A = arith.constant 0.000000e+00 : f32
    %broadcast_in_dim3A_313 = vector.shape_cast %broadcast_in_dim3A_312 : vector<1x256xf32> to vector<1x256xf32>
    %broadcast_in_dim3A_314 = vector.broadcast %broadcast_in_dim3A_313 : vector<1x256xf32> to vector<2048x256xf32>
    %broadcast_in_dim3A_315 = vector.broadcast %jit3A : f32 to vector<2048x256xf32>
    %select_n3A = arith.select %ge3A_311, %broadcast_in_dim3A_314, %broadcast_in_dim3A_315 : vector<2048x256xi1>, vector<2048x256xf32>
    %add3A_316 = arith.addf %broadcast_in_dim3A_305, %select_n3A : vector<2048x256xf32>
    %slice3A_317 = vector.extract_strided_slice %mul3A_303 {offsets = [1, 0], sizes = [1, 256], strides = [1, 1]} : vector<8x256xf32> to vector<1x256xf32>
    %squeeze3A_318 = vector.shape_cast %slice3A_317 : vector<1x256xf32> to vector<256xf32>
    %slice3A_319 = vector.extract_strided_slice %mul3A_303 {offsets = [0, 0], sizes = [1, 256], strides = [1, 1]} : vector<8x256xf32> to vector<1x256xf32>
    %squeeze3A_320 = vector.shape_cast %slice3A_319 : vector<1x256xf32> to vector<256xf32>
    %sub3A_321 = arith.subf %squeeze3A_318, %squeeze3A_320 : vector<256xf32>
    %get3A_322 = arith.constant 1 : index
    %get3A_323 = arith.constant 0 : index
    %get3A_324 = vector.load %arg1[%get3A_322, %get3A_323] : memref<9x256xf32, #tpu.memory_space<vmem>>, vector<1x256xf32>
    %get3A_325 = vector.shape_cast %get3A_324 : vector<1x256xf32> to vector<256xf32>
    %broadcast_in_dim3A_326 = vector.shape_cast %get3A_325 : vector<256xf32> to vector<1x256xf32>
    %ge3A_327 = vector.broadcast %broadcast_in_dim3A_326 : vector<1x256xf32> to vector<2048x256xf32>
    %ge3A_328 = arith.cmpf oge, %get3A_292, %ge3A_327 : vector<2048x256xf32>
    %broadcast_in_dim3A_329 = vector.shape_cast %sub3A_321 : vector<256xf32> to vector<1x256xf32>
    %jit3A_330 = arith.constant 0.000000e+00 : f32
    %broadcast_in_dim3A_331 = vector.shape_cast %broadcast_in_dim3A_329 : vector<1x256xf32> to vector<1x256xf32>
    %broadcast_in_dim3A_332 = vector.broadcast %broadcast_in_dim3A_331 : vector<1x256xf32> to vector<2048x256xf32>
    %broadcast_in_dim3A_333 = vector.broadcast %jit3A_330 : f32 to vector<2048x256xf32>
    %select_n3A_334 = arith.select %ge3A_328, %broadcast_in_dim3A_332, %broadcast_in_dim3A_333 : vector<2048x256xi1>, vector<2048x256xf32>
    %add3A_335 = arith.addf %add3A_316, %select_n3A_334 : vector<2048x256xf32>
    %slice3A_336 = vector.extract_strided_slice %mul3A_303 {offsets = [2, 0], sizes = [1, 256], strides = [1, 1]} : vector<8x256xf32> to vector<1x256xf32>
    %squeeze3A_337 = vector.shape_cast %slice3A_336 : vector<1x256xf32> to vector<256xf32>
    %slice3A_338 = vector.extract_strided_slice %mul3A_303 {offsets = [1, 0], sizes = [1, 256], strides = [1, 1]} : vector<8x256xf32> to vector<1x256xf32>
    %squeeze3A_339 = vector.shape_cast %slice3A_338 : vector<1x256xf32> to vector<256xf32>
    %sub3A_340 = arith.subf %squeeze3A_337, %squeeze3A_339 : vector<256xf32>
    %get3A_341 = arith.constant 2 : index
    %get3A_342 = arith.constant 0 : index
    %get3A_343 = vector.load %arg1[%get3A_341, %get3A_342] : memref<9x256xf32, #tpu.memory_space<vmem>>, vector<1x256xf32>
    %get3A_344 = vector.shape_cast %get3A_343 : vector<1x256xf32> to vector<256xf32>
    %broadcast_in_dim3A_345 = vector.shape_cast %get3A_344 : vector<256xf32> to vector<1x256xf32>
    %ge3A_346 = vector.broadcast %broadcast_in_dim3A_345 : vector<1x256xf32> to vector<2048x256xf32>
    %ge3A_347 = arith.cmpf oge, %get3A_292, %ge3A_346 : vector<2048x256xf32>
    %broadcast_in_dim3A_348 = vector.shape_cast %sub3A_340 : vector<256xf32> to vector<1x256xf32>
    %jit3A_349 = arith.constant 0.000000e+00 : f32
    %broadcast_in_dim3A_350 = vector.shape_cast %broadcast_in_dim3A_348 : vector<1x256xf32> to vector<1x256xf32>
    %broadcast_in_dim3A_351 = vector.broadcast %broadcast_in_dim3A_350 : vector<1x256xf32> to vector<2048x256xf32>
    %broadcast_in_dim3A_352 = vector.broadcast %jit3A_349 : f32 to vector<2048x256xf32>
    %select_n3A_353 = arith.select %ge3A_347, %broadcast_in_dim3A_351, %broadcast_in_dim3A_352 : vector<2048x256xi1>, vector<2048x256xf32>
    %add3A_354 = arith.addf %add3A_335, %select_n3A_353 : vector<2048x256xf32>
    %slice3A_355 = vector.extract_strided_slice %mul3A_303 {offsets = [3, 0], sizes = [1, 256], strides = [1, 1]} : vector<8x256xf32> to vector<1x256xf32>
    %squeeze3A_356 = vector.shape_cast %slice3A_355 : vector<1x256xf32> to vector<256xf32>
    %slice3A_357 = vector.extract_strided_slice %mul3A_303 {offsets = [2, 0], sizes = [1, 256], strides = [1, 1]} : vector<8x256xf32> to vector<1x256xf32>
    %squeeze3A_358 = vector.shape_cast %slice3A_357 : vector<1x256xf32> to vector<256xf32>
    %sub3A_359 = arith.subf %squeeze3A_356, %squeeze3A_358 : vector<256xf32>
    %get3A_360 = arith.constant 3 : index
    %get3A_361 = arith.constant 0 : index
    %get3A_362 = vector.load %arg1[%get3A_360, %get3A_361] : memref<9x256xf32, #tpu.memory_space<vmem>>, vector<1x256xf32>
    %get3A_363 = vector.shape_cast %get3A_362 : vector<1x256xf32> to vector<256xf32>
    %broadcast_in_dim3A_364 = vector.shape_cast %get3A_363 : vector<256xf32> to vector<1x256xf32>
    %ge3A_365 = vector.broadcast %broadcast_in_dim3A_364 : vector<1x256xf32> to vector<2048x256xf32>
    %ge3A_366 = arith.cmpf oge, %get3A_292, %ge3A_365 : vector<2048x256xf32>
    %broadcast_in_dim3A_367 = vector.shape_cast %sub3A_359 : vector<256xf32> to vector<1x256xf32>
    %jit3A_368 = arith.constant 0.000000e+00 : f32
    %broadcast_in_dim3A_369 = vector.shape_cast %broadcast_in_dim3A_367 : vector<1x256xf32> to vector<1x256xf32>
    %broadcast_in_dim3A_370 = vector.broadcast %broadcast_in_dim3A_369 : vector<1x256xf32> to vector<2048x256xf32>
    %broadcast_in_dim3A_371 = vector.broadcast %jit3A_368 : f32 to vector<2048x256xf32>
    %select_n3A_372 = arith.select %ge3A_366, %broadcast_in_dim3A_370, %broadcast_in_dim3A_371 : vector<2048x256xi1>, vector<2048x256xf32>
    %add3A_373 = arith.addf %add3A_354, %select_n3A_372 : vector<2048x256xf32>
    %slice3A_374 = vector.extract_strided_slice %mul3A_303 {offsets = [4, 0], sizes = [1, 256], strides = [1, 1]} : vector<8x256xf32> to vector<1x256xf32>
    %squeeze3A_375 = vector.shape_cast %slice3A_374 : vector<1x256xf32> to vector<256xf32>
    %slice3A_376 = vector.extract_strided_slice %mul3A_303 {offsets = [3, 0], sizes = [1, 256], strides = [1, 1]} : vector<8x256xf32> to vector<1x256xf32>
    %squeeze3A_377 = vector.shape_cast %slice3A_376 : vector<1x256xf32> to vector<256xf32>
    %sub3A_378 = arith.subf %squeeze3A_375, %squeeze3A_377 : vector<256xf32>
    %get3A_379 = arith.constant 4 : index
    %get3A_380 = arith.constant 0 : index
    %get3A_381 = vector.load %arg1[%get3A_379, %get3A_380] : memref<9x256xf32, #tpu.memory_space<vmem>>, vector<1x256xf32>
    %get3A_382 = vector.shape_cast %get3A_381 : vector<1x256xf32> to vector<256xf32>
    %broadcast_in_dim3A_383 = vector.shape_cast %get3A_382 : vector<256xf32> to vector<1x256xf32>
    %ge3A_384 = vector.broadcast %broadcast_in_dim3A_383 : vector<1x256xf32> to vector<2048x256xf32>
    %ge3A_385 = arith.cmpf oge, %get3A_292, %ge3A_384 : vector<2048x256xf32>
    %broadcast_in_dim3A_386 = vector.shape_cast %sub3A_378 : vector<256xf32> to vector<1x256xf32>
    %jit3A_387 = arith.constant 0.000000e+00 : f32
    %broadcast_in_dim3A_388 = vector.shape_cast %broadcast_in_dim3A_386 : vector<1x256xf32> to vector<1x256xf32>
    %broadcast_in_dim3A_389 = vector.broadcast %broadcast_in_dim3A_388 : vector<1x256xf32> to vector<2048x256xf32>
    %broadcast_in_dim3A_390 = vector.broadcast %jit3A_387 : f32 to vector<2048x256xf32>
    %select_n3A_391 = arith.select %ge3A_385, %broadcast_in_dim3A_389, %broadcast_in_dim3A_390 : vector<2048x256xi1>, vector<2048x256xf32>
    %add3A_392 = arith.addf %add3A_373, %select_n3A_391 : vector<2048x256xf32>
    %slice3A_393 = vector.extract_strided_slice %mul3A_303 {offsets = [5, 0], sizes = [1, 256], strides = [1, 1]} : vector<8x256xf32> to vector<1x256xf32>
    %squeeze3A_394 = vector.shape_cast %slice3A_393 : vector<1x256xf32> to vector<256xf32>
    %slice3A_395 = vector.extract_strided_slice %mul3A_303 {offsets = [4, 0], sizes = [1, 256], strides = [1, 1]} : vector<8x256xf32> to vector<1x256xf32>
    %squeeze3A_396 = vector.shape_cast %slice3A_395 : vector<1x256xf32> to vector<256xf32>
    %sub3A_397 = arith.subf %squeeze3A_394, %squeeze3A_396 : vector<256xf32>
    %get3A_398 = arith.constant 5 : index
    %get3A_399 = arith.constant 0 : index
    %get3A_400 = vector.load %arg1[%get3A_398, %get3A_399] : memref<9x256xf32, #tpu.memory_space<vmem>>, vector<1x256xf32>
    %get3A_401 = vector.shape_cast %get3A_400 : vector<1x256xf32> to vector<256xf32>
    %broadcast_in_dim3A_402 = vector.shape_cast %get3A_401 : vector<256xf32> to vector<1x256xf32>
    %ge3A_403 = vector.broadcast %broadcast_in_dim3A_402 : vector<1x256xf32> to vector<2048x256xf32>
    %ge3A_404 = arith.cmpf oge, %get3A_292, %ge3A_403 : vector<2048x256xf32>
    %broadcast_in_dim3A_405 = vector.shape_cast %sub3A_397 : vector<256xf32> to vector<1x256xf32>
    %jit3A_406 = arith.constant 0.000000e+00 : f32
    %broadcast_in_dim3A_407 = vector.shape_cast %broadcast_in_dim3A_405 : vector<1x256xf32> to vector<1x256xf32>
    %broadcast_in_dim3A_408 = vector.broadcast %broadcast_in_dim3A_407 : vector<1x256xf32> to vector<2048x256xf32>
    %broadcast_in_dim3A_409 = vector.broadcast %jit3A_406 : f32 to vector<2048x256xf32>
    %select_n3A_410 = arith.select %ge3A_404, %broadcast_in_dim3A_408, %broadcast_in_dim3A_409 : vector<2048x256xi1>, vector<2048x256xf32>
    %add3A_411 = arith.addf %add3A_392, %select_n3A_410 : vector<2048x256xf32>
    %slice3A_412 = vector.extract_strided_slice %mul3A_303 {offsets = [6, 0], sizes = [1, 256], strides = [1, 1]} : vector<8x256xf32> to vector<1x256xf32>
    %squeeze3A_413 = vector.shape_cast %slice3A_412 : vector<1x256xf32> to vector<256xf32>
    %slice3A_414 = vector.extract_strided_slice %mul3A_303 {offsets = [5, 0], sizes = [1, 256], strides = [1, 1]} : vector<8x256xf32> to vector<1x256xf32>
    %squeeze3A_415 = vector.shape_cast %slice3A_414 : vector<1x256xf32> to vector<256xf32>
    %sub3A_416 = arith.subf %squeeze3A_413, %squeeze3A_415 : vector<256xf32>
    %get3A_417 = arith.constant 6 : index
    %get3A_418 = arith.constant 0 : index
    %get3A_419 = vector.load %arg1[%get3A_417, %get3A_418] : memref<9x256xf32, #tpu.memory_space<vmem>>, vector<1x256xf32>
    %get3A_420 = vector.shape_cast %get3A_419 : vector<1x256xf32> to vector<256xf32>
    %broadcast_in_dim3A_421 = vector.shape_cast %get3A_420 : vector<256xf32> to vector<1x256xf32>
    %ge3A_422 = vector.broadcast %broadcast_in_dim3A_421 : vector<1x256xf32> to vector<2048x256xf32>
    %ge3A_423 = arith.cmpf oge, %get3A_292, %ge3A_422 : vector<2048x256xf32>
    %broadcast_in_dim3A_424 = vector.shape_cast %sub3A_416 : vector<256xf32> to vector<1x256xf32>
    %jit3A_425 = arith.constant 0.000000e+00 : f32
    %broadcast_in_dim3A_426 = vector.shape_cast %broadcast_in_dim3A_424 : vector<1x256xf32> to vector<1x256xf32>
    %broadcast_in_dim3A_427 = vector.broadcast %broadcast_in_dim3A_426 : vector<1x256xf32> to vector<2048x256xf32>
    %broadcast_in_dim3A_428 = vector.broadcast %jit3A_425 : f32 to vector<2048x256xf32>
    %select_n3A_429 = arith.select %ge3A_423, %broadcast_in_dim3A_427, %broadcast_in_dim3A_428 : vector<2048x256xi1>, vector<2048x256xf32>
    %add3A_430 = arith.addf %add3A_411, %select_n3A_429 : vector<2048x256xf32>
    %slice3A_431 = vector.extract_strided_slice %mul3A_303 {offsets = [7, 0], sizes = [1, 256], strides = [1, 1]} : vector<8x256xf32> to vector<1x256xf32>
    %squeeze3A_432 = vector.shape_cast %slice3A_431 : vector<1x256xf32> to vector<256xf32>
    %slice3A_433 = vector.extract_strided_slice %mul3A_303 {offsets = [6, 0], sizes = [1, 256], strides = [1, 1]} : vector<8x256xf32> to vector<1x256xf32>
    %squeeze3A_434 = vector.shape_cast %slice3A_433 : vector<1x256xf32> to vector<256xf32>
    %sub3A_435 = arith.subf %squeeze3A_432, %squeeze3A_434 : vector<256xf32>
    %get3A_436 = arith.constant 7 : index
    %get3A_437 = arith.constant 0 : index
    %get3A_438 = vector.load %arg1[%get3A_436, %get3A_437] : memref<9x256xf32, #tpu.memory_space<vmem>>, vector<1x256xf32>
    %get3A_439 = vector.shape_cast %get3A_438 : vector<1x256xf32> to vector<256xf32>
    %broadcast_in_dim3A_440 = vector.shape_cast %get3A_439 : vector<256xf32> to vector<1x256xf32>
    %ge3A_441 = vector.broadcast %broadcast_in_dim3A_440 : vector<1x256xf32> to vector<2048x256xf32>
    %ge3A_442 = arith.cmpf oge, %get3A_292, %ge3A_441 : vector<2048x256xf32>
    %broadcast_in_dim3A_443 = vector.shape_cast %sub3A_435 : vector<256xf32> to vector<1x256xf32>
    %jit3A_444 = arith.constant 0.000000e+00 : f32
    %broadcast_in_dim3A_445 = vector.shape_cast %broadcast_in_dim3A_443 : vector<1x256xf32> to vector<1x256xf32>
    %broadcast_in_dim3A_446 = vector.broadcast %broadcast_in_dim3A_445 : vector<1x256xf32> to vector<2048x256xf32>
    %broadcast_in_dim3A_447 = vector.broadcast %jit3A_444 : f32 to vector<2048x256xf32>
    %select_n3A_448 = arith.select %ge3A_442, %broadcast_in_dim3A_446, %broadcast_in_dim3A_447 : vector<2048x256xi1>, vector<2048x256xf32>
    %add3A_449 = arith.addf %add3A_430, %select_n3A_448 : vector<2048x256xf32>
    %slice3A_450 = vector.extract_strided_slice %mul3A_303 {offsets = [7, 0], sizes = [1, 256], strides = [1, 1]} : vector<8x256xf32> to vector<1x256xf32>
    %squeeze3A_451 = vector.shape_cast %slice3A_450 : vector<1x256xf32> to vector<256xf32>
    %neg3A_452 = arith.constant 0.000000e+00 : f32
    %neg3A_453 = vector.broadcast %neg3A_452 : f32 to vector<256xf32>
    %neg3A_454 = arith.subf %neg3A_453, %squeeze3A_451 : vector<256xf32>
    %get3A_455 = arith.constant 8 : index
    %get3A_456 = arith.constant 0 : index
    %get3A_457 = vector.load %arg1[%get3A_455, %get3A_456] : memref<9x256xf32, #tpu.memory_space<vmem>>, vector<1x256xf32>
    %get3A_458 = vector.shape_cast %get3A_457 : vector<1x256xf32> to vector<256xf32>
    %broadcast_in_dim3A_459 = vector.shape_cast %get3A_458 : vector<256xf32> to vector<1x256xf32>
    %ge3A_460 = vector.broadcast %broadcast_in_dim3A_459 : vector<1x256xf32> to vector<2048x256xf32>
    %ge3A_461 = arith.cmpf oge, %get3A_292, %ge3A_460 : vector<2048x256xf32>
    %broadcast_in_dim3A_462 = vector.shape_cast %neg3A_454 : vector<256xf32> to vector<1x256xf32>
    %jit3A_463 = arith.constant 0.000000e+00 : f32
    %broadcast_in_dim3A_464 = vector.shape_cast %broadcast_in_dim3A_462 : vector<1x256xf32> to vector<1x256xf32>
    %broadcast_in_dim3A_465 = vector.broadcast %broadcast_in_dim3A_464 : vector<1x256xf32> to vector<2048x256xf32>
    %broadcast_in_dim3A_466 = vector.broadcast %jit3A_463 : f32 to vector<2048x256xf32>
    %select_n3A_467 = arith.select %ge3A_461, %broadcast_in_dim3A_465, %broadcast_in_dim3A_466 : vector<2048x256xi1>, vector<2048x256xf32>
    %add3A_468 = arith.addf %add3A_449, %select_n3A_467 : vector<2048x256xf32>
    %mul3A_469 = arith.mulf %add3A_468, %mul3A_290 : vector<2048x256xf32>
    %add3A_470 = arith.addf %get3A_292, %mul3A_469 : vector<2048x256xf32>
    %swap3A = arith.constant 0 : index
    %swap3A_471 = arith.constant 0 : index
    %swap3A_472 = vector.load %arg4[%swap3A, %swap3A_471] : memref<2048x256xf32, #tpu.memory_space<vmem>>, vector<2048x256xf32>
    tpu.vector_store %arg4[%swap3A, %swap3A_471], %add3A_470 {strides = array<i32>} : memref<2048x256xf32, #tpu.memory_space<vmem>>, vector<2048x256xf32>,
    return
  }
  func.func @transform_0(%arg0: i32) -> (i32, i32) {
    %c0_i32 = arith.constant 0 : i32
    %c0_i32_0 = arith.constant 0 : i32
    %c0_i32_1 = arith.constant 0 : i32
    return %c0_i32, %c0_i32_0 : i32, i32
  }
  func.func @transform_1(%arg0: i32) -> (i32, i32) {
    %c0_i32 = arith.constant 0 : i32
    %c0_i32_0 = arith.constant 0 : i32
    %c0_i32_1 = arith.constant 0 : i32
    return %c0_i32, %c0_i32_0 : i32, i32
  }
  func.func @transform_2(%arg0: i32) -> (i32, i32) {
    %c0_i32 = arith.constant 0 : i32
    %c0_i32_0 = arith.constant 0 : i32
    return %arg0, %c0_i32 : i32, i32
  }
  func.func @transform_3(%arg0: i32) -> (i32, i32) {
    %c0_i32 = arith.constant 0 : i32
    %c0_i32_0 = arith.constant 0 : i32
    return %arg0, %c0_i32 : i32, i32
  }
}

module attributes {stable_mosaic.version = 14 : i64} {
  func.func @_tail_kernel(%arg0: i32, %arg1: memref<9x256xf32, #tpu.memory_space<vmem>>, %arg2: memref<8x256xf32, #tpu.memory_space<vmem>>, %arg3: memref<2048x256xf32, #tpu.memory_space<vmem>>, %arg4: memref<2048x256xi32, #tpu.memory_space<vmem>>, %arg5: memref<65536x256xf32, #tpu.memory_space<any>>, %arg6: memref<2048x256xf32, #tpu.memory_space<vmem>>) attributes {dimension_semantics = [#tpu.dimension_semantics<arbitrary>], iteration_bounds = array<i64: 11>, scalar_prefetch = 0 : i64, scratch_operands = 0 : i64, tpu.core_type = #tpu.core_type<tc>, window_params = [{pipeline_mode = #tpu.pipeline_mode<synchronous>, transform_indices = @transform_0, window_bounds = array<i64: 9, 256>}, {pipeline_mode = #tpu.pipeline_mode<synchronous>, transform_indices = @transform_1, window_bounds = array<i64: 8, 256>}, {transform_indices = @transform_2, window_bounds = array<i64: 2048, 256>}, {transform_indices = @transform_3, window_bounds = array<i64: 2048, 256>}, {}, {transform_indices = @transform_5, window_bounds = array<i64: 2048, 256>}]} {
    %get3A = arith.constant 0 : index
    %get3A_0 = arith.constant 0 : index
    %get3A_1 = vector.load %arg3[%get3A, %get3A_0] : memref<2048x256xf32, #tpu.memory_space<vmem>>, vector<2048x256xf32>
    %get3A_2 = arith.constant 0 : index
    %get3A_3 = arith.constant 0 : index
    %get3A_4 = vector.load %arg4[%get3A_2, %get3A_3] : memref<2048x256xi32, #tpu.memory_space<vmem>>, vector<2048x256xi32>
    %shift_right_logical3A = arith.constant 9 : i32
    %shift_right_logical3A_5 = vector.broadcast %shift_right_logical3A : i32 to vector<2048x256xi32>
    %shift_right_logical3A_6 = arith.shrui %get3A_4, %shift_right_logical3A_5 : vector<2048x256xi32>
    %or3A = arith.constant 1065353216 : i32
    %or3A_7 = vector.broadcast %or3A : i32 to vector<2048x256xi32>
    %or3A_8 = arith.ori %shift_right_logical3A_6, %or3A_7 : vector<2048x256xi32>
    %bitcast_convert_type3A = tpu.bitcast %or3A_8 : vector<2048x256xi32> -> vector<2048x256xf32>
    %sub3A = arith.constant 1.000000e+00 : f32
    %sub3A_9 = vector.broadcast %sub3A : f32 to vector<2048x256xf32>
    %sub3A_10 = arith.subf %bitcast_convert_type3A, %sub3A_9 : vector<2048x256xf32>
    %mul3A = arith.constant 2.000000e+00 : f32
    %mul3A_11 = vector.broadcast %mul3A : f32 to vector<2048x256xf32>
    %mul3A_12 = arith.mulf %sub3A_10, %mul3A_11 : vector<2048x256xf32>
    %add3A = arith.constant -0.99999994 : f32
    %add3A_13 = vector.broadcast %add3A : f32 to vector<2048x256xf32>
    %add3A_14 = arith.addf %mul3A_12, %add3A_13 : vector<2048x256xf32>
    %neg3A = arith.constant 0.000000e+00 : f32
    %neg3A_15 = vector.broadcast %neg3A : f32 to vector<2048x256xf32>
    %neg3A_16 = arith.subf %neg3A_15, %add3A_14 : vector<2048x256xf32>
    %mul3A_17 = arith.mulf %neg3A_16, %add3A_14 : vector<2048x256xf32>
    %log1p3A = math.log1p %mul3A_17 : vector<2048x256xf32>
    %neg3A_18 = arith.constant 0.000000e+00 : f32
    %neg3A_19 = vector.broadcast %neg3A_18 : f32 to vector<2048x256xf32>
    %neg3A_20 = arith.subf %neg3A_19, %log1p3A : vector<2048x256xf32>
    %sub3A_21 = arith.constant 2.500000e+00 : f32
    %sub3A_22 = vector.broadcast %sub3A_21 : f32 to vector<2048x256xf32>
    %sub3A_23 = arith.subf %neg3A_20, %sub3A_22 : vector<2048x256xf32>
    %mul3A_24 = arith.constant 3.97426021E-8 : f32
    %mul3A_25 = vector.broadcast %mul3A_24 : f32 to vector<2048x256xf32>
    %mul3A_26 = arith.mulf %mul3A_25, %sub3A_23 : vector<2048x256xf32>
    %add3A_27 = arith.constant 4.85462635E-7 : f32
    %add3A_28 = vector.broadcast %add3A_27 : f32 to vector<2048x256xf32>
    %add3A_29 = arith.addf %mul3A_26, %add3A_28 : vector<2048x256xf32>
    %mul3A_30 = arith.mulf %add3A_29, %sub3A_23 : vector<2048x256xf32>
    %add3A_31 = arith.constant -4.9828227E-6 : f32
    %add3A_32 = vector.broadcast %add3A_31 : f32 to vector<2048x256xf32>
    %add3A_33 = arith.addf %mul3A_30, %add3A_32 : vector<2048x256xf32>
    %mul3A_34 = arith.mulf %add3A_33, %sub3A_23 : vector<2048x256xf32>
    %add3A_35 = arith.constant -6.21052823E-6 : f32
    %add3A_36 = vector.broadcast %add3A_35 : f32 to vector<2048x256xf32>
    %add3A_37 = arith.addf %mul3A_34, %add3A_36 : vector<2048x256xf32>
    %mul3A_38 = arith.mulf %add3A_37, %sub3A_23 : vector<2048x256xf32>
    %add3A_39 = arith.constant 3.0912002E-4 : f32
    %add3A_40 = vector.broadcast %add3A_39 : f32 to vector<2048x256xf32>
    %add3A_41 = arith.addf %mul3A_38, %add3A_40 : vector<2048x256xf32>
    %mul3A_42 = arith.mulf %add3A_41, %sub3A_23 : vector<2048x256xf32>
    %add3A_43 = arith.constant -0.00177303492 : f32
    %add3A_44 = vector.broadcast %add3A_43 : f32 to vector<2048x256xf32>
    %add3A_45 = arith.addf %mul3A_42, %add3A_44 : vector<2048x256xf32>
    %mul3A_46 = arith.mulf %add3A_45, %sub3A_23 : vector<2048x256xf32>
    %add3A_47 = arith.constant -0.00590813393 : f32
    %add3A_48 = vector.broadcast %add3A_47 : f32 to vector<2048x256xf32>
    %add3A_49 = arith.addf %mul3A_46, %add3A_48 : vector<2048x256xf32>
    %mul3A_50 = arith.mulf %add3A_49, %sub3A_23 : vector<2048x256xf32>
    %add3A_51 = arith.constant 0.348802656 : f32
    %add3A_52 = vector.broadcast %add3A_51 : f32 to vector<2048x256xf32>
    %add3A_53 = arith.addf %mul3A_50, %add3A_52 : vector<2048x256xf32>
    %mul3A_54 = arith.mulf %add3A_53, %sub3A_23 : vector<2048x256xf32>
    %add3A_55 = arith.constant 2.12331367 : f32
    %add3A_56 = vector.broadcast %add3A_55 : f32 to vector<2048x256xf32>
    %add3A_57 = arith.addf %mul3A_54, %add3A_56 : vector<2048x256xf32>
    %mul3A_58 = arith.mulf %add3A_57, %add3A_14 : vector<2048x256xf32>
    %get3A_59 = arith.constant 0 : index
    %get3A_60 = arith.constant 0 : index
    %get3A_61 = vector.load %arg2[%get3A_59, %get3A_60] : memref<8x256xf32, #tpu.memory_space<vmem>>, vector<8x256xf32>
    %logistic3A = arith.negf %get3A_61 : vector<8x256xf32>
    %logistic3A_62 = math.exp %logistic3A : vector<8x256xf32>
    %logistic3A_63 = arith.constant 1.000000e+00 : f32
    %logistic3A_64 = vector.broadcast %logistic3A_63 : f32 to vector<8x256xf32>
    %logistic3A_65 = arith.addf %logistic3A_64, %logistic3A_62 : vector<8x256xf32>
    %logistic3A_66 = arith.divf %logistic3A_64, %logistic3A_65 : vector<8x256xf32>
    %mul3A_67 = arith.constant 1.000000e-01 : f32
    %mul3A_68 = vector.broadcast %mul3A_67 : f32 to vector<8x256xf32>
    %mul3A_69 = arith.mulf %logistic3A_66, %mul3A_68 : vector<8x256xf32>
    %broadcast_in_dim3A = arith.constant 0.000000e+00 : f32
    %broadcast_in_dim3A_70 = vector.broadcast %broadcast_in_dim3A : f32 to vector<2048x256xf32>
    %slice3A = vector.extract_strided_slice %mul3A_69 {offsets = [0, 0], sizes = [1, 256], strides = [1, 1]} : vector<8x256xf32> to vector<1x256xf32>
    %squeeze3A = vector.shape_cast %slice3A : vector<1x256xf32> to vector<256xf32>
    %get3A_71 = arith.constant 0 : index
    %get3A_72 = arith.constant 0 : index
    %get3A_73 = vector.load %arg1[%get3A_71, %get3A_72] : memref<9x256xf32, #tpu.memory_space<vmem>>, vector<1x256xf32>
    %get3A_74 = vector.shape_cast %get3A_73 : vector<1x256xf32> to vector<256xf32>
    %broadcast_in_dim3A_75 = vector.shape_cast %get3A_74 : vector<256xf32> to vector<1x256xf32>
    %ge3A = vector.broadcast %broadcast_in_dim3A_75 : vector<1x256xf32> to vector<2048x256xf32>
    %ge3A_76 = arith.cmpf oge, %get3A_1, %ge3A : vector<2048x256xf32>
    %broadcast_in_dim3A_77 = vector.shape_cast %squeeze3A : vector<256xf32> to vector<1x256xf32>
    %jit3A = arith.constant 0.000000e+00 : f32
    %broadcast_in_dim3A_78 = vector.shape_cast %broadcast_in_dim3A_77 : vector<1x256xf32> to vector<1x256xf32>
    %broadcast_in_dim3A_79 = vector.broadcast %broadcast_in_dim3A_78 : vector<1x256xf32> to vector<2048x256xf32>
    %broadcast_in_dim3A_80 = vector.broadcast %jit3A : f32 to vector<2048x256xf32>
    %select_n3A = arith.select %ge3A_76, %broadcast_in_dim3A_79, %broadcast_in_dim3A_80 : vector<2048x256xi1>, vector<2048x256xf32>
    %add3A_81 = arith.addf %broadcast_in_dim3A_70, %select_n3A : vector<2048x256xf32>
    %slice3A_82 = vector.extract_strided_slice %mul3A_69 {offsets = [1, 0], sizes = [1, 256], strides = [1, 1]} : vector<8x256xf32> to vector<1x256xf32>
    %squeeze3A_83 = vector.shape_cast %slice3A_82 : vector<1x256xf32> to vector<256xf32>
    %slice3A_84 = vector.extract_strided_slice %mul3A_69 {offsets = [0, 0], sizes = [1, 256], strides = [1, 1]} : vector<8x256xf32> to vector<1x256xf32>
    %squeeze3A_85 = vector.shape_cast %slice3A_84 : vector<1x256xf32> to vector<256xf32>
    %sub3A_86 = arith.subf %squeeze3A_83, %squeeze3A_85 : vector<256xf32>
    %get3A_87 = arith.constant 1 : index
    %get3A_88 = arith.constant 0 : index
    %get3A_89 = vector.load %arg1[%get3A_87, %get3A_88] : memref<9x256xf32, #tpu.memory_space<vmem>>, vector<1x256xf32>
    %get3A_90 = vector.shape_cast %get3A_89 : vector<1x256xf32> to vector<256xf32>
    %broadcast_in_dim3A_91 = vector.shape_cast %get3A_90 : vector<256xf32> to vector<1x256xf32>
    %ge3A_92 = vector.broadcast %broadcast_in_dim3A_91 : vector<1x256xf32> to vector<2048x256xf32>
    %ge3A_93 = arith.cmpf oge, %get3A_1, %ge3A_92 : vector<2048x256xf32>
    %broadcast_in_dim3A_94 = vector.shape_cast %sub3A_86 : vector<256xf32> to vector<1x256xf32>
    %jit3A_95 = arith.constant 0.000000e+00 : f32
    %broadcast_in_dim3A_96 = vector.shape_cast %broadcast_in_dim3A_94 : vector<1x256xf32> to vector<1x256xf32>
    %broadcast_in_dim3A_97 = vector.broadcast %broadcast_in_dim3A_96 : vector<1x256xf32> to vector<2048x256xf32>
    %broadcast_in_dim3A_98 = vector.broadcast %jit3A_95 : f32 to vector<2048x256xf32>
    %select_n3A_99 = arith.select %ge3A_93, %broadcast_in_dim3A_97, %broadcast_in_dim3A_98 : vector<2048x256xi1>, vector<2048x256xf32>
    %add3A_100 = arith.addf %add3A_81, %select_n3A_99 : vector<2048x256xf32>
    %slice3A_101 = vector.extract_strided_slice %mul3A_69 {offsets = [2, 0], sizes = [1, 256], strides = [1, 1]} : vector<8x256xf32> to vector<1x256xf32>
    %squeeze3A_102 = vector.shape_cast %slice3A_101 : vector<1x256xf32> to vector<256xf32>
    %slice3A_103 = vector.extract_strided_slice %mul3A_69 {offsets = [1, 0], sizes = [1, 256], strides = [1, 1]} : vector<8x256xf32> to vector<1x256xf32>
    %squeeze3A_104 = vector.shape_cast %slice3A_103 : vector<1x256xf32> to vector<256xf32>
    %sub3A_105 = arith.subf %squeeze3A_102, %squeeze3A_104 : vector<256xf32>
    %get3A_106 = arith.constant 2 : index
    %get3A_107 = arith.constant 0 : index
    %get3A_108 = vector.load %arg1[%get3A_106, %get3A_107] : memref<9x256xf32, #tpu.memory_space<vmem>>, vector<1x256xf32>
    %get3A_109 = vector.shape_cast %get3A_108 : vector<1x256xf32> to vector<256xf32>
    %broadcast_in_dim3A_110 = vector.shape_cast %get3A_109 : vector<256xf32> to vector<1x256xf32>
    %ge3A_111 = vector.broadcast %broadcast_in_dim3A_110 : vector<1x256xf32> to vector<2048x256xf32>
    %ge3A_112 = arith.cmpf oge, %get3A_1, %ge3A_111 : vector<2048x256xf32>
    %broadcast_in_dim3A_113 = vector.shape_cast %sub3A_105 : vector<256xf32> to vector<1x256xf32>
    %jit3A_114 = arith.constant 0.000000e+00 : f32
    %broadcast_in_dim3A_115 = vector.shape_cast %broadcast_in_dim3A_113 : vector<1x256xf32> to vector<1x256xf32>
    %broadcast_in_dim3A_116 = vector.broadcast %broadcast_in_dim3A_115 : vector<1x256xf32> to vector<2048x256xf32>
    %broadcast_in_dim3A_117 = vector.broadcast %jit3A_114 : f32 to vector<2048x256xf32>
    %select_n3A_118 = arith.select %ge3A_112, %broadcast_in_dim3A_116, %broadcast_in_dim3A_117 : vector<2048x256xi1>, vector<2048x256xf32>
    %add3A_119 = arith.addf %add3A_100, %select_n3A_118 : vector<2048x256xf32>
    %slice3A_120 = vector.extract_strided_slice %mul3A_69 {offsets = [3, 0], sizes = [1, 256], strides = [1, 1]} : vector<8x256xf32> to vector<1x256xf32>
    %squeeze3A_121 = vector.shape_cast %slice3A_120 : vector<1x256xf32> to vector<256xf32>
    %slice3A_122 = vector.extract_strided_slice %mul3A_69 {offsets = [2, 0], sizes = [1, 256], strides = [1, 1]} : vector<8x256xf32> to vector<1x256xf32>
    %squeeze3A_123 = vector.shape_cast %slice3A_122 : vector<1x256xf32> to vector<256xf32>
    %sub3A_124 = arith.subf %squeeze3A_121, %squeeze3A_123 : vector<256xf32>
    %get3A_125 = arith.constant 3 : index
    %get3A_126 = arith.constant 0 : index
    %get3A_127 = vector.load %arg1[%get3A_125, %get3A_126] : memref<9x256xf32, #tpu.memory_space<vmem>>, vector<1x256xf32>
    %get3A_128 = vector.shape_cast %get3A_127 : vector<1x256xf32> to vector<256xf32>
    %broadcast_in_dim3A_129 = vector.shape_cast %get3A_128 : vector<256xf32> to vector<1x256xf32>
    %ge3A_130 = vector.broadcast %broadcast_in_dim3A_129 : vector<1x256xf32> to vector<2048x256xf32>
    %ge3A_131 = arith.cmpf oge, %get3A_1, %ge3A_130 : vector<2048x256xf32>
    %broadcast_in_dim3A_132 = vector.shape_cast %sub3A_124 : vector<256xf32> to vector<1x256xf32>
    %jit3A_133 = arith.constant 0.000000e+00 : f32
    %broadcast_in_dim3A_134 = vector.shape_cast %broadcast_in_dim3A_132 : vector<1x256xf32> to vector<1x256xf32>
    %broadcast_in_dim3A_135 = vector.broadcast %broadcast_in_dim3A_134 : vector<1x256xf32> to vector<2048x256xf32>
    %broadcast_in_dim3A_136 = vector.broadcast %jit3A_133 : f32 to vector<2048x256xf32>
    %select_n3A_137 = arith.select %ge3A_131, %broadcast_in_dim3A_135, %broadcast_in_dim3A_136 : vector<2048x256xi1>, vector<2048x256xf32>
    %add3A_138 = arith.addf %add3A_119, %select_n3A_137 : vector<2048x256xf32>
    %slice3A_139 = vector.extract_strided_slice %mul3A_69 {offsets = [4, 0], sizes = [1, 256], strides = [1, 1]} : vector<8x256xf32> to vector<1x256xf32>
    %squeeze3A_140 = vector.shape_cast %slice3A_139 : vector<1x256xf32> to vector<256xf32>
    %slice3A_141 = vector.extract_strided_slice %mul3A_69 {offsets = [3, 0], sizes = [1, 256], strides = [1, 1]} : vector<8x256xf32> to vector<1x256xf32>
    %squeeze3A_142 = vector.shape_cast %slice3A_141 : vector<1x256xf32> to vector<256xf32>
    %sub3A_143 = arith.subf %squeeze3A_140, %squeeze3A_142 : vector<256xf32>
    %get3A_144 = arith.constant 4 : index
    %get3A_145 = arith.constant 0 : index
    %get3A_146 = vector.load %arg1[%get3A_144, %get3A_145] : memref<9x256xf32, #tpu.memory_space<vmem>>, vector<1x256xf32>
    %get3A_147 = vector.shape_cast %get3A_146 : vector<1x256xf32> to vector<256xf32>
    %broadcast_in_dim3A_148 = vector.shape_cast %get3A_147 : vector<256xf32> to vector<1x256xf32>
    %ge3A_149 = vector.broadcast %broadcast_in_dim3A_148 : vector<1x256xf32> to vector<2048x256xf32>
    %ge3A_150 = arith.cmpf oge, %get3A_1, %ge3A_149 : vector<2048x256xf32>
    %broadcast_in_dim3A_151 = vector.shape_cast %sub3A_143 : vector<256xf32> to vector<1x256xf32>
    %jit3A_152 = arith.constant 0.000000e+00 : f32
    %broadcast_in_dim3A_153 = vector.shape_cast %broadcast_in_dim3A_151 : vector<1x256xf32> to vector<1x256xf32>
    %broadcast_in_dim3A_154 = vector.broadcast %broadcast_in_dim3A_153 : vector<1x256xf32> to vector<2048x256xf32>
    %broadcast_in_dim3A_155 = vector.broadcast %jit3A_152 : f32 to vector<2048x256xf32>
    %select_n3A_156 = arith.select %ge3A_150, %broadcast_in_dim3A_154, %broadcast_in_dim3A_155 : vector<2048x256xi1>, vector<2048x256xf32>
    %add3A_157 = arith.addf %add3A_138, %select_n3A_156 : vector<2048x256xf32>
    %slice3A_158 = vector.extract_strided_slice %mul3A_69 {offsets = [5, 0], sizes = [1, 256], strides = [1, 1]} : vector<8x256xf32> to vector<1x256xf32>
    %squeeze3A_159 = vector.shape_cast %slice3A_158 : vector<1x256xf32> to vector<256xf32>
    %slice3A_160 = vector.extract_strided_slice %mul3A_69 {offsets = [4, 0], sizes = [1, 256], strides = [1, 1]} : vector<8x256xf32> to vector<1x256xf32>
    %squeeze3A_161 = vector.shape_cast %slice3A_160 : vector<1x256xf32> to vector<256xf32>
    %sub3A_162 = arith.subf %squeeze3A_159, %squeeze3A_161 : vector<256xf32>
    %get3A_163 = arith.constant 5 : index
    %get3A_164 = arith.constant 0 : index
    %get3A_165 = vector.load %arg1[%get3A_163, %get3A_164] : memref<9x256xf32, #tpu.memory_space<vmem>>, vector<1x256xf32>
    %get3A_166 = vector.shape_cast %get3A_165 : vector<1x256xf32> to vector<256xf32>
    %broadcast_in_dim3A_167 = vector.shape_cast %get3A_166 : vector<256xf32> to vector<1x256xf32>
    %ge3A_168 = vector.broadcast %broadcast_in_dim3A_167 : vector<1x256xf32> to vector<2048x256xf32>
    %ge3A_169 = arith.cmpf oge, %get3A_1, %ge3A_168 : vector<2048x256xf32>
    %broadcast_in_dim3A_170 = vector.shape_cast %sub3A_162 : vector<256xf32> to vector<1x256xf32>
    %jit3A_171 = arith.constant 0.000000e+00 : f32
    %broadcast_in_dim3A_172 = vector.shape_cast %broadcast_in_dim3A_170 : vector<1x256xf32> to vector<1x256xf32>
    %broadcast_in_dim3A_173 = vector.broadcast %broadcast_in_dim3A_172 : vector<1x256xf32> to vector<2048x256xf32>
    %broadcast_in_dim3A_174 = vector.broadcast %jit3A_171 : f32 to vector<2048x256xf32>
    %select_n3A_175 = arith.select %ge3A_169, %broadcast_in_dim3A_173, %broadcast_in_dim3A_174 : vector<2048x256xi1>, vector<2048x256xf32>
    %add3A_176 = arith.addf %add3A_157, %select_n3A_175 : vector<2048x256xf32>
    %slice3A_177 = vector.extract_strided_slice %mul3A_69 {offsets = [6, 0], sizes = [1, 256], strides = [1, 1]} : vector<8x256xf32> to vector<1x256xf32>
    %squeeze3A_178 = vector.shape_cast %slice3A_177 : vector<1x256xf32> to vector<256xf32>
    %slice3A_179 = vector.extract_strided_slice %mul3A_69 {offsets = [5, 0], sizes = [1, 256], strides = [1, 1]} : vector<8x256xf32> to vector<1x256xf32>
    %squeeze3A_180 = vector.shape_cast %slice3A_179 : vector<1x256xf32> to vector<256xf32>
    %sub3A_181 = arith.subf %squeeze3A_178, %squeeze3A_180 : vector<256xf32>
    %get3A_182 = arith.constant 6 : index
    %get3A_183 = arith.constant 0 : index
    %get3A_184 = vector.load %arg1[%get3A_182, %get3A_183] : memref<9x256xf32, #tpu.memory_space<vmem>>, vector<1x256xf32>
    %get3A_185 = vector.shape_cast %get3A_184 : vector<1x256xf32> to vector<256xf32>
    %broadcast_in_dim3A_186 = vector.shape_cast %get3A_185 : vector<256xf32> to vector<1x256xf32>
    %ge3A_187 = vector.broadcast %broadcast_in_dim3A_186 : vector<1x256xf32> to vector<2048x256xf32>
    %ge3A_188 = arith.cmpf oge, %get3A_1, %ge3A_187 : vector<2048x256xf32>
    %broadcast_in_dim3A_189 = vector.shape_cast %sub3A_181 : vector<256xf32> to vector<1x256xf32>
    %jit3A_190 = arith.constant 0.000000e+00 : f32
    %broadcast_in_dim3A_191 = vector.shape_cast %broadcast_in_dim3A_189 : vector<1x256xf32> to vector<1x256xf32>
    %broadcast_in_dim3A_192 = vector.broadcast %broadcast_in_dim3A_191 : vector<1x256xf32> to vector<2048x256xf32>
    %broadcast_in_dim3A_193 = vector.broadcast %jit3A_190 : f32 to vector<2048x256xf32>
    %select_n3A_194 = arith.select %ge3A_188, %broadcast_in_dim3A_192, %broadcast_in_dim3A_193 : vector<2048x256xi1>, vector<2048x256xf32>
    %add3A_195 = arith.addf %add3A_176, %select_n3A_194 : vector<2048x256xf32>
    %slice3A_196 = vector.extract_strided_slice %mul3A_69 {offsets = [7, 0], sizes = [1, 256], strides = [1, 1]} : vector<8x256xf32> to vector<1x256xf32>
    %squeeze3A_197 = vector.shape_cast %slice3A_196 : vector<1x256xf32> to vector<256xf32>
    %slice3A_198 = vector.extract_strided_slice %mul3A_69 {offsets = [6, 0], sizes = [1, 256], strides = [1, 1]} : vector<8x256xf32> to vector<1x256xf32>
    %squeeze3A_199 = vector.shape_cast %slice3A_198 : vector<1x256xf32> to vector<256xf32>
    %sub3A_200 = arith.subf %squeeze3A_197, %squeeze3A_199 : vector<256xf32>
    %get3A_201 = arith.constant 7 : index
    %get3A_202 = arith.constant 0 : index
    %get3A_203 = vector.load %arg1[%get3A_201, %get3A_202] : memref<9x256xf32, #tpu.memory_space<vmem>>, vector<1x256xf32>
    %get3A_204 = vector.shape_cast %get3A_203 : vector<1x256xf32> to vector<256xf32>
    %broadcast_in_dim3A_205 = vector.shape_cast %get3A_204 : vector<256xf32> to vector<1x256xf32>
    %ge3A_206 = vector.broadcast %broadcast_in_dim3A_205 : vector<1x256xf32> to vector<2048x256xf32>
    %ge3A_207 = arith.cmpf oge, %get3A_1, %ge3A_206 : vector<2048x256xf32>
    %broadcast_in_dim3A_208 = vector.shape_cast %sub3A_200 : vector<256xf32> to vector<1x256xf32>
    %jit3A_209 = arith.constant 0.000000e+00 : f32
    %broadcast_in_dim3A_210 = vector.shape_cast %broadcast_in_dim3A_208 : vector<1x256xf32> to vector<1x256xf32>
    %broadcast_in_dim3A_211 = vector.broadcast %broadcast_in_dim3A_210 : vector<1x256xf32> to vector<2048x256xf32>
    %broadcast_in_dim3A_212 = vector.broadcast %jit3A_209 : f32 to vector<2048x256xf32>
    %select_n3A_213 = arith.select %ge3A_207, %broadcast_in_dim3A_211, %broadcast_in_dim3A_212 : vector<2048x256xi1>, vector<2048x256xf32>
    %add3A_214 = arith.addf %add3A_195, %select_n3A_213 : vector<2048x256xf32>
    %slice3A_215 = vector.extract_strided_slice %mul3A_69 {offsets = [7, 0], sizes = [1, 256], strides = [1, 1]} : vector<8x256xf32> to vector<1x256xf32>
    %squeeze3A_216 = vector.shape_cast %slice3A_215 : vector<1x256xf32> to vector<256xf32>
    %neg3A_217 = arith.constant 0.000000e+00 : f32
    %neg3A_218 = vector.broadcast %neg3A_217 : f32 to vector<256xf32>
    %neg3A_219 = arith.subf %neg3A_218, %squeeze3A_216 : vector<256xf32>
    %get3A_220 = arith.constant 8 : index
    %get3A_221 = arith.constant 0 : index
    %get3A_222 = vector.load %arg1[%get3A_220, %get3A_221] : memref<9x256xf32, #tpu.memory_space<vmem>>, vector<1x256xf32>
    %get3A_223 = vector.shape_cast %get3A_222 : vector<1x256xf32> to vector<256xf32>
    %broadcast_in_dim3A_224 = vector.shape_cast %get3A_223 : vector<256xf32> to vector<1x256xf32>
    %ge3A_225 = vector.broadcast %broadcast_in_dim3A_224 : vector<1x256xf32> to vector<2048x256xf32>
    %ge3A_226 = arith.cmpf oge, %get3A_1, %ge3A_225 : vector<2048x256xf32>
    %broadcast_in_dim3A_227 = vector.shape_cast %neg3A_219 : vector<256xf32> to vector<1x256xf32>
    %jit3A_228 = arith.constant 0.000000e+00 : f32
    %broadcast_in_dim3A_229 = vector.shape_cast %broadcast_in_dim3A_227 : vector<1x256xf32> to vector<1x256xf32>
    %broadcast_in_dim3A_230 = vector.broadcast %broadcast_in_dim3A_229 : vector<1x256xf32> to vector<2048x256xf32>
    %broadcast_in_dim3A_231 = vector.broadcast %jit3A_228 : f32 to vector<2048x256xf32>
    %select_n3A_232 = arith.select %ge3A_226, %broadcast_in_dim3A_230, %broadcast_in_dim3A_231 : vector<2048x256xi1>, vector<2048x256xf32>
    %add3A_233 = arith.addf %add3A_214, %select_n3A_232 : vector<2048x256xf32>
    %mul3A_234 = arith.mulf %add3A_233, %mul3A_58 : vector<2048x256xf32>
    %add3A_235 = arith.addf %get3A_1, %mul3A_234 : vector<2048x256xf32>
    %swap3A = arith.constant 0 : index
    %swap3A_236 = arith.constant 0 : index
    %swap3A_237 = vector.load %arg6[%swap3A, %swap3A_236] : memref<2048x256xf32, #tpu.memory_space<vmem>>, vector<2048x256xf32>
    tpu.vector_store %arg6[%swap3A, %swap3A_236], %add3A_235 {strides = array<i32>} : memref<2048x256xf32, #tpu.memory_space<vmem>>, vector<2048x256xf32>,
    return
  }
  func.func @transform_0(%arg0: i32) -> (i32, i32) {
    %c0_i32 = arith.constant 0 : i32
    %c0_i32_0 = arith.constant 0 : i32
    %c0_i32_1 = arith.constant 0 : i32
    return %c0_i32, %c0_i32_0 : i32, i32
  }
  func.func @transform_1(%arg0: i32) -> (i32, i32) {
    %c0_i32 = arith.constant 0 : i32
    %c0_i32_0 = arith.constant 0 : i32
    %c0_i32_1 = arith.constant 0 : i32
    return %c0_i32, %c0_i32_0 : i32, i32
  }
  func.func @transform_2(%arg0: i32) -> (i32, i32) {
    %add3A = arith.constant 21 : i32
    %add3A_0 = arith.addi %arg0, %add3A : i32
    %c0_i32 = arith.constant 0 : i32
    %c0_i32_1 = arith.constant 0 : i32
    return %add3A_0, %c0_i32 : i32, i32
  }
  func.func @transform_3(%arg0: i32) -> (i32, i32) {
    %c0_i32 = arith.constant 0 : i32
    %c0_i32_0 = arith.constant 0 : i32
    return %arg0, %c0_i32 : i32, i32
  }
  func.func @transform_5(%arg0: i32) -> (i32, i32) {
    %add3A = arith.constant 21 : i32
    %add3A_0 = arith.addi %arg0, %add3A : i32
    %c0_i32 = arith.constant 0 : i32
    %c0_i32_1 = arith.constant 0 : i32
    return %add3A_0, %c0_i32 : i32, i32
  }
}

</mosaic_0001>

<sc_bundles>
// kernel: kernel.5.cloned.1.call-start
scs
__scs_entry_jumppad:
0x0: {  	(pc) =	sbr.rel $0x88, $3  }
0x1: {  	(tag) =	ssettag $0x0;
	lr =	simm.s32 $0x1  }
0x2: {  	[smem:$0x3F9E] =	sst lr;
	_ =	strace $0xD0000000  }
0x3: {  	_ = 	snop  }
0x4: {  	_ = 	snop  }
0x5: {  	_ = 	snop  }
0x6: {  	_ = 	snop  }
0x7: {  	_ = 	snop  }
__scs_overlays_trampoline_lowered:
0x8: {  	[smem:$0x3FAD] =	sst s0  }
0x9: {  	[smem:$0x3FAE] =	sst s1  }
0xa: {  	[smem:$0x3FAF] =	sst s2  }
0xb: {  	[smem:$0x3FB0] =	sst s3  }
0xc: {  	[smem:$0x3FB1] =	sst s4  }
0xd: {  	[smem:$0x3FB2] =	sst s5  }
0xe: {  	[smem:$0x3FB3] =	sst s6  }
0xf: {  	[smem:$0x3FB4] =	sst s7  }
0x10: {  	[smem:$0x3FB5] =	sst s8  }
0x11: {  	[smem:$0x3FB6] =	sst s9;
	s0 =	simm.s32 @!p0 $0x0  }
0x12: {  	s1 =	sld [smem:$0x3F9C];
	s0 =	simm.s32 @p0 $0x1  }
0x13: {  	[smem:$0x3FB7] =	sst s0;
	s0 =	simm.s32 @!p1 $0x0  }
0x14: {  	s2 =	sld [smem:$0x3F9B];
	s0 =	simm.s32 @p1 $0x1  }
0x15: {  	[smem:$0x3FB8] =	sst s0;
	s0 =	simm.s32 @!p2 $0x0  }
0x16: {  	s3 =	sld [smem:$0x3FDB];
	s0 =	simm.s32 @p2 $0x1  }
0x17: {  	s4 =	simm.s32 $0x1BF5;
	[smem:$0x3FBA] =	sst s0  }
0x18: {  	s0 =	sld [smem:$0x3F9D];
	_ =	swait.ge [sflag:s4], $0x0  }
0x19: {  	s7 =	sld [smem:$0x3F9E]  }
0x1a: {  	s8 =	sadd.s32 $0xFFFFE003, lr  }
0x1b: {  	s9 =	sadd.s32 $0xFFFFFEF7, lr;
	s5 =	simm.s32 $0xFFFFFFFF;
	p2 =	slt.u32 s8, $0xFFFFF086  }
0x1c: {  	p1 =	slt.u32 s9, $0xF7A;
	s5 =	simm.s32 @!p2 $0x0  }
0x1d: {  	s5 =	simm.s32 @p1 $0x1;
	p0 =	seq.s32 s7, s2  }
0x1e: {  	s7 =	smul.u32 @!p0 $0xF7A, s2;
	p2 =	seq.s32 @!p0 s5, $0x0  }
0x1f: {  	s9 =	smul.u32 $0xF7A, s1;
	s8 =	simm.s32 @!p0 $0x1BF5;
	p2 =	por !p2, p0  }
0x20: {  	[sflag:s8] =	ssyncset.s32 @!p0 $0xFFFFF086;
	s6 =	sadd.s32 @!p0 s3, s7;
	s7 =	simm.s32 @!p0 $0x108  }
0x21: {  	s3 =	sadd.s32 s3, s9;
	s6 =	sadd.s32 @!p0 $0x88, s6;
	s7 =	simm.s32 @p2 $0x1082  }
0x22: {  	[simem:s7], [sflag:s8] =	dma.local @!p0 [hbm:s6], $0xF7A  }
0x23: {  	s9 =	sor.u32 $0xD0000000, s2;
	s6 =	simm.s32 $0x108;
	_ =	swait.ge @!p0 [sflag:s8], $0x0  }
0x24: {  	s3 =	sadd.s32 $0x88, s3;
	s6 =	simm.s32 @!p1 $0x1082;
	[sflag:s4] =	ssyncset.s32 $0xFFFFF086  }
0x25: {  	[simem:s6], [sflag:s4] =	dma.local [hbm:s3], $0xF7A  }
0x26: {  	[smem:$0x3F9E] =	sst s1;
	(tag) =	ssettag s2;
	_ =	strace s9  }
0x27: {  	s1 =	sld [smem:$0x3FAE]  }
0x28: {  	s2 =	sld [smem:$0x3FAF]  }
0x29: {  	s4 =	sld [smem:$0x3FB1]  }
0x2a: {  	p0 =	seq.s32 s5, $0x0;
	s5 =	sld [smem:$0x3FB2]  }
0x2b: {  	s6 =	sld [smem:$0x3FB3]  }
0x2c: {  	s7 =	sld [smem:$0x3FB4]  }
0x2d: {  	s3 =	simm.s32 $0x108;
	s8 =	sld [smem:$0x3FB5]  }
0x2e: {  	s3 =	simm.s32 @!p0 $0x1082;
	s9 =	sld [smem:$0x3FB6]  }
0x2f: {  	lr =	sadd.s32 s0, s3;
	s0 =	sld [smem:$0x3FAD]  }
0x30: {  	s3 =	sld [smem:$0x3FB0]  }
0x31: {  	[smem:$0x3FB9] =	sst s10  }
0x32: {  	s10 =	sld [smem:$0x3FB7];
	_ =	sdelay $0x3  }
0x33: {  	p0 =	seq.s32 s10, $0x1;
	s10 =	sld [smem:$0x3FB9];
	_ =	sdelay $0x3  }
0x34: {  	[smem:$0x3FB9] =	sst s10  }
0x35: {  	s10 =	sld [smem:$0x3FB8];
	_ =	sdelay $0x3  }
0x36: {  	p1 =	seq.s32 s10, $0x1;
	s10 =	sld [smem:$0x3FB9];
	_ =	sdelay $0x3  }
0x37: {  	[smem:$0x3FB9] =	sst s10  }
0x38: {  	s10 =	sld [smem:$0x3FBA]  }
0x39: {  	_ = 	snop;
	(pc) =	sbr.ind lr, $3  }
0x3a: {  	_ = 	snop  }
0x3b: {  	_ = 	snop  }
0x3c: {  	p2 =	seq.s32 s10, $0x1;
	s10 =	sld [smem:$0x3FB9]  }
0x3d: {  	_ =	shalt  }
0x3e: {  	_ =	shalt  }
0x3f: {  	_ =	shalt  }
0x40: {  	_ =	shalt  }
0x41: {  	_ =	shalt  }
0x42: {  	_ =	shalt  }
0x43: {  	_ =	shalt  }
0x44: {  	_ =	shalt  }
0x45: {  	_ =	shalt  }
0x46: {  	_ =	shalt  }
0x47: {  	_ =	shalt  }
0x48: {  	_ =	shalt  }
0x49: {  	_ =	shalt  }
0x4a: {  	_ =	shalt  }
0x4b: {  	_ =	shalt  }
0x4c: {  	_ =	shalt  }
0x4d: {  	_ =	shalt  }
0x4e: {  	_ =	shalt  }
0x4f: {  	_ =	shalt  }
0x50: {  	_ =	shalt  }
0x51: {  	_ =	shalt  }
0x52: {  	_ =	shalt  }
0x53: {  	_ =	shalt  }
0x54: {  	_ =	shalt  }
0x55: {  	_ =	shalt  }
0x56: {  	_ =	shalt  }
0x57: {  	_ =	shalt  }
0x58: {  	_ =	shalt  }
0x59: {  	_ =	shalt  }
0x5a: {  	_ =	shalt  }
0x5b: {  	_ =	shalt  }
0x5c: {  	_ =	shalt  }
0x5d: {  	_ =	shalt  }
0x5e: {  	_ =	shalt  }
0x5f: {  	_ =	shalt  }
0x60: {  	_ =	shalt  }
0x61: {  	_ =	shalt  }
0x62: {  	_ =	shalt  }
0x63: {  	_ =	shalt  }
0x64: {  	_ =	shalt  }
0x65: {  	_ =	shalt  }
0x66: {  	_ =	shalt  }
0x67: {  	_ =	shalt  }
0x68: {  	_ =	shalt  }
0x69: {  	_ =	shalt  }
0x6a: {  	_ =	shalt  }
0x6b: {  	_ =	shalt  }
0x6c: {  	_ =	shalt  }
0x6d: {  	_ =	shalt  }
0x6e: {  	_ =	shalt  }
0x6f: {  	_ =	shalt  }
0x70: {  	_ =	shalt  }
0x71: {  	_ =	shalt  }
0x72: {  	_ =	shalt  }
0x73: {  	_ =	shalt  }
0x74: {  	_ =	shalt  }
0x75: {  	_ =	shalt  }
0x76: {  	_ =	shalt  }
0x77: {  	_ =	shalt  }
0x78: {  	_ =	shalt  }
0x79: {  	_ =	shalt  }
0x7a: {  	_ =	shalt  }
0x7b: {  	_ =	shalt  }
0x7c: {  	_ =	shalt  }
0x7d: {  	_ =	shalt  }
0x7e: {  	_ =	shalt  }
0x7f: {  	_ =	shalt  }
0x80: {  	_ =	shalt  }
0x81: {  	_ =	shalt  }
0x82: {  	_ =	shalt  }
0x83: {  	_ =	shalt  }
0x84: {  	_ =	shalt  }
0x85: {  	_ =	shalt  }
0x86: {  	_ =	shalt  }
0x87: {  	_ =	shalt  }
.Lfunc_end0:
.L_simem_size_0:
called_computation_lowered:
.L_overlay_start_0:
0x88: {  	s2 =	sld [smem:$0x3FD9]  }
0x89: {  	s3 =	sld [smem:$0x3FFE];
	_ =	sdelay $0x1  }
0x8a: {  	s1 =	srdreg.scid  }
0x8b: {  	s0 =	sand.u32 $0x1, s1  }
0x8c: {  	s16 =	sshll.u32 s0, $0xA;
	s2 =	sadd.s32 s3, s2  }
0x8d: {  	s2 =	sadd.s32 s2, s16  }
0x8e: {  	[smem:$0x3FC5] =	sst s2  }
0x8f: {  	_ = 	snop  }
0x90: {  	(tm) =	ssettm $0x1  }
0x91: {  	s17 =	sld [smem:$0x3FFB];
	_ =	sdelay $0x3  }
0x92: {  	_ =	strace s17  }
0x93: {  	s2 =	sld [smem:$0x3FFC];
	_ =	sdelay $0x3  }
0x94: {  	_ =	strace s2  }
0x95: {  	s2 =	sld [smem:$0x3FFD];
	_ =	sdelay $0x3  }
0x96: {  	_ =	strace s2  }
0x97: {  	_ =	strace $0x8FFFFFFF  }
0x98: {  	s18 =	sld [smem:$0x3FDB];
	_ =	sdelay $0x1  }
0x99: {  	s19 =	simm.s32 $_scs_section_size  }
0x9a: {  	s4 =	simm.s32 $_size__tile_overlayer_lowered;
	s5 =	simm.s32 $_tile_overlayer_lowered  }
0x9b: {  	s22 =	simm.s32 $0x1BFF;
	s21 =	sshll.u32 s5, $0x1;
	s2 =	sadd.s32 s19, s18  }
0x9c: {  	s6 =	simm.s32 $0x0;
	s20 =	sshll.u32 s4, $0x1;
	s4 =	sadd.s32 s21, s2  }
0x9d: {  	[timem:s6], [sflag:s22] =	dma.local [hbm:s4], s20  }
0x9e: {  	_ =	swait.ge [sflag:s22], s20  }
0x9f: {  	s3 =	ssub.s32 $0x0, s20;
	[sflag:s22] =	ssyncset.done $0x0  }
0xa0: {  	[sflag:s22] =	ssyncadd.s32 s3;
	_ =	sdelay $0x1  }
0xa1: {  	s23 =	simm.s32 $0x1B8B  }
0xa2: {  	_ =	swait.ge [sflag:s23], $0x1  }
0xa3: {  	[sflag:s23] =	ssyncset.done $0x0  }
0xa4: {  	s25 =	simm.s32 $0x1B8E;
	s24 =	sld [smem:$0x3FFE];
	[sflag:s23] =	ssyncadd.s32 $0xFFFFFFFF  }
0xa5: {  	s26 =	simm.s32 $execute0_lowered;
	[smem:$0x3FD2] =	sst s25  }
0xa6: {  	s4 =	sshll.u32 s26, $0x1;
	_ =	strace $0x80000046;
	[dreg:$0x1] =	wrdreg $0xFFFFFFFF  }
0xa7: {  	s28 =	simm.s32 $_size_execute0_lowered;
	s2 =	sadd.s32 s2, s4;
	[dreg:$0x0] =	wrdreg $0x0  }
0xa8: {  	s4 =	sshll.u32 s28, $0x1;
	[dreg:$0x2] =	wrdreg s2  }
0xa9: {  	[dreg:$0x3] =	wrdreg s4  }
0xaa: {  	[dreg:$0x4] =	wrdreg $0xC0  }
0xab: {  	_ =	task [dreg:s6], $0x5FFFF  }
0xac: {  	[dreg:$0x1] =	wrdreg $0xFFFFFFFF  }
0xad: {  	[dreg:$0x0] =	wrdreg $0x60  }
0xae: {  	[dreg:$0x2] =	wrdreg s24  }
0xaf: {  	[dreg:$0x3] =	wrdreg $0x9  }
0xb0: {  	_ =	task.clear_ibuf [dreg:s6], $0x4FFFF;
	_ =	strace $0x90000046  }
0xb1: {  	s29 =	simm.s32 $0x9;
	_ =	strace $0x80000048  }
0xb2: {  	_ =	swait.ge [sflag:s29], $0x1  }
0xb3: {  	[sflag:s29] =	ssyncadd.s32 $0xFFFFFFFF  }
0xb4: {  	_ =	strace $0x90000048  }
0xb5: {  	_ =	sfence  }
0xb6: {  	s30 =	sld [smem:$0x0];
	_ =	sdelay $0x2  }
0xb7: {  	s31 =	sshll.u32 s1, $0xD;
	s1 =	sshrl.u32 s1, $0x2  }
0xb8: {  	s3 =	sand.u32 $0x4000, s31;
	s1 =	sadd.s32 s1, s30  }
0xb9: {  	s0 =	sor.u32 s3, s0;
	s1 =	sshll.u32 s1, $0x11  }
0xba: {  	s0 =	sor.u32 s1, s0  }
0xbb: {  	s0 =	sadd.s32 $0x8F2B, s0  }
0xbc: {  	[sflag:s0] =	ssyncadd.remote.s32 $0x1  }
0xbd: {  	_ =	sfence.sel $0xFFFF  }
0xbe: {  	[dreg:$0x0] =	wrdreg $0xFFFFFFFF;
	(pc) =	sbr.abs _section_cstart, $3  }
0xbf: {  	[dreg:$0x1] =	wrdreg $0xFFFFFFFF  }
0xc0: {  	_ =	task.clear_ibuf [dreg:s6], $0x2FFFF;
	_ =	strace $0x9FFFFFFF  }
0xc1: {  	(tm) =	ssettm $0x7FFFFFFF  }
tec
execute0_lowered:
.L_overlay_start_1:
0x0: {  	(tag) =	ssettag $0x1  }
0x1: {  	s3 =	rddreg [dreg:$0x0]  }
0x2: {  	s0 =	rddreg [dreg:$0x1];
	s1 =	simm.s32 $0x0;
	s2 =	srdreg.scid  }
0x3: {  	[smem:$0x7FF] =	sst s1;
	s4 =	sand.u32 $0x1, s2  }
0x4: {  	s2 =	stileid.u32;
	s3 =	sadd.s32 $0x800, s3;
	_ =	strace $0x80000047  }
0x5: {  	s5 =	ssub.s32 $0x2, s4;
	s7 =	sshll.u32 s2, $0x1;
	s8 =	smul.u32 $0x58000, s2  }
0x6: {  	s31 =	smul.u32 $0x2C000, s4;
	s6 =	sshrl.u32 s5, $0x1;
	s30 =	sor.u32 s4, s7  }
0x7: {  	v0 =	vlaneseq.u32;
	s7 =	simm.s32 $0x1;
	s5 =	ssub.s32 s5, s6;
	s4 =	smul.u32 $0x2C000, s30  }
0x8: {  	v0 =	vadd.s32 $0x2A, v0;
	s6 =	sadd.s32 s31, s8;
	s8 =	simm.s32 $0x0;
	s5 =	smax.u32 s5, $0x1  }
.LBB2_1:
0x9: {  	s9 =	smov.u32 s6;
	s10 =	simm.s32 $0x0  }
.LBB2_2:
0xa: {  	s11 =	sadd.s32 $0x0, s9  }
0xb: {  	s12 =	sadd.s32 $0xA80000, s11;
	s13 =	sadd.s32 $0xA80070, s11  }
0xc: {  	s28 =	sadd.s32 $0xA80010, s11;
	s29 =	sadd.s32 $0xA80020, s11  }
0xd: {  	s30 =	sadd.s32 $0xA80030, s11;
	s14 =	sadd.s32 $0xA80040, s11;
	v4 =	vmov s12;
	v1 =	vor.u32 s12, v0;
	v5 =	vadd.s32 s13, v0  }
0xe: {  	s31 =	sadd.s32 $0xA80050, s11;
	s11 =	sadd.s32 $0xA80060, s11;
	v2 =	vadd.s32 s28, v0;
	v8 =	vadd.s32 s29, v0;
	v3 =	vadd.s32 s30, v0  }
0xf: {  	v9 =	vor.u32 s14, v0;
	v10 =	vadd.s32 s31, v0;
	v13 =	vadd.s32 s11, v0  }
0x10: {  	v6 =	vshrl.u32 v5, $0x13;
	v7 =	vshll.u32 v5, $0xD;
	v4 =	vshrl.u32 v4, $0x13  }
0x11: {  	v45 =	vshrl.u32 v2, $0x13;
	v16 =	vshll.u32 v2, $0xD;
	v46 =	vshrl.u32 v8, $0x13  }
0x12: {  	v47 =	vshll.u32 v8, $0xD;
	v17 =	vshrl.u32 v3, $0x13;
	v20 =	vshll.u32 v3, $0xD  }
0x13: {  	v48 =	vshll.u32 v9, $0xD;
	v49 =	vshrl.u32 v10, $0x13;
	v21 =	vshll.u32 v10, $0xD  }
0x14: {  	v23 =	vshrl.u32 v13, $0x13;
	v6 =	vor.u32 v6, v7;
	v7 =	vmov s14  }
0x15: {  	v52 =	vor.u32 v17, v20;
	v53 =	vor.u32 v49, v21;
	v6 =	vxor.u32 v5, v6  }
0x16: {  	v7 =	vshrl.u32 v7, $0x13;
	v11 =	vshrl.u32 v6, $0x11;
	v12 =	vshll.u32 v6, $0xF  }
0x17: {  	v5 =	vadd.s32 v5, v6;
	v7 =	vor.u32 v7, v48;
	v6 =	vor.u32 v11, v12  }
0x18: {  	v11 =	vshll.u32 v1, $0xD;
	v12 =	vor.u32 v45, v16;
	v7 =	vxor.u32 v9, v7  }
0x19: {  	v16 =	vxor.u32 v10, v53;
	v6 =	vxor.u32 v6, v5;
	v4 =	vor.u32 v4, v11  }
0x1a: {  	v11 =	vshll.u32 v13, $0xD;
	v12 =	vxor.u32 v2, v12;
	v25 =	vshrl.u32 v7, $0x11  }
0x1b: {  	v28 =	vshll.u32 v7, $0xF;
	v40 =	vshrl.u32 v16, $0x11;
	v41 =	vshll.u32 v16, $0xF  }
0x1c: {  	v7 =	vadd.s32 v9, v7;
	v9 =	vadd.s32 v10, v16;
	v14 =	vshrl.u32 v6, $0x6  }
0x1d: {  	v15 =	vshll.u32 v6, $0x1A;
	v5 =	vadd.s32 v5, v6;
	v11 =	vor.u32 v23, v11  }
0x1e: {  	v4 =	vxor.u32 v1, v4;
	v61 =	vshrl.u32 v12, $0x11;
	v6 =	vor.u32 v14, v15  }
0x1f: {  	v62 =	vshll.u32 v12, $0xF;
	v44 =	vor.u32 v25, v28;
	v6 =	vxor.u32 v6, v5  }
0x20: {  	v2 =	vadd.s32 v2, v12;
	v18 =	vshrl.u32 v6, $0x1A;
	v19 =	vshll.u32 v6, $0x6  }
0x21: {  	v14 =	vor.u32 v46, v47;
	v5 =	vadd.s32 v5, v6;
	v6 =	vor.u32 v18, v19  }
0x22: {  	v15 =	vxor.u32 v3, v52;
	v58 =	vshrl.u32 v4, $0x11;
	v6 =	vxor.u32 v6, v5  }
0x23: {  	v11 =	vxor.u32 v13, v11;
	v60 =	vshll.u32 v4, $0xF;
	v6 =	vadd.s32 $0x1BD11BF1, v6  }
0x24: {  	v5 =	vadd.s32 v6, v5;
	v22 =	vshrl.u32 v6, $0xF;
	v6 =	vshll.u32 v6, $0x11  }
0x25: {  	v47 =	vor.u32 v40, v41;
	v5 =	vadd.s32 $0x2A, v5;
	v6 =	vor.u32 v22, v6  }
0x26: {  	v4 =	vadd.s32 v1, v4;
	v14 =	vxor.u32 v8, v14;
	v6 =	vxor.u32 v6, v5  }
0x27: {  	v38 =	vshrl.u32 v15, $0x11;
	v50 =	vshrl.u32 v6, $0x3;
	v51 =	vshll.u32 v6, $0x1D  }
0x28: {  	v39 =	vshll.u32 v15, $0xF;
	v5 =	vadd.s32 v5, v6;
	v6 =	vor.u32 v50, v51  }
0x29: {  	v29 =	vshrl.u32 v11, $0x11;
	v32 =	vshll.u32 v11, $0xF;
	v6 =	vxor.u32 v6, v5  }
0x2a: {  	v17 =	vor.u32 v58, v60;
	v54 =	vshrl.u32 v6, $0x10;
	v55 =	vshll.u32 v6, $0x10  }
0x2b: {  	v3 =	vadd.s32 v3, v15;
	v5 =	vadd.s32 v5, v6;
	v6 =	vor.u32 v54, v55  }
0x2c: {  	v11 =	vadd.s32 v13, v11;
	v63 =	vshrl.u32 v14, $0x11;
	v6 =	vxor.u32 v6, v5  }
0x2d: {  	v24 =	vshll.u32 v14, $0xF;
	v56 =	vshrl.u32 v6, $0x8;
	v57 =	vshll.u32 v6, $0x18  }
0x2e: {  	v43 =	vor.u32 v38, v39;
	v5 =	vadd.s32 v5, v6;
	v6 =	vor.u32 v56, v57  }
0x2f: {  	v1 =	vor.u32 v29, v32;
	v8 =	vadd.s32 v8, v14;
	v6 =	vxor.u32 v6, v5  }
0x30: {  	v18 =	vor.u32 v61, v62;
	v42 =	vor.u32 v63, v24;
	v6 =	vadd.s32 $0x2, v6  }
0x31: {  	v5 =	vadd.s32 v6, v5;
	v59 =	vshrl.u32 v6, $0x13;
	v6 =	vshll.u32 v6, $0xD  }
0x32: {  	v12 =	vxor.u32 v18, v2;
	v5 =	vadd.s32 $0x1BD11BF0, v5;
	v6 =	vor.u32 v59, v6  }
0x33: {  	v2 =	vadd.s32 v2, v12;
	v51 =	vxor.u32 v42, v8;
	v6 =	vxor.u32 v6, v5  }
0x34: {  	v60 =	vshrl.u32 v51, $0x6;
	v36 =	vshrl.u32 v6, $0x11;
	v37 =	vshll.u32 v6, $0xF  }
0x35: {  	v63 =	vshll.u32 v51, $0x1A;
	v5 =	vadd.s32 v5, v6;
	v6 =	vor.u32 v36, v37  }
0x36: {  	v8 =	vadd.s32 v8, v51;
	v54 =	vxor.u32 v43, v3;
	v6 =	vxor.u32 v6, v5  }
0x37: {  	v55 =	vxor.u32 v44, v7;
	v26 =	vshrl.u32 v6, $0x6;
	v27 =	vshll.u32 v6, $0x1A  }
0x38: {  	v38 =	vshrl.u32 v55, $0x6;
	v5 =	vadd.s32 v5, v6;
	v6 =	vor.u32 v26, v27  }
0x39: {  	v41 =	vshll.u32 v55, $0x1A;
	v3 =	vadd.s32 v3, v54;
	v6 =	vxor.u32 v6, v5  }
0x3a: {  	v7 =	vadd.s32 v7, v55;
	v30 =	vshrl.u32 v6, $0x1A;
	v31 =	vshll.u32 v6, $0x6  }
0x3b: {  	v56 =	vxor.u32 v47, v9;
	v5 =	vadd.s32 v5, v6;
	v6 =	vor.u32 v30, v31  }
0x3c: {  	v57 =	vxor.u32 v1, v11;
	v42 =	vshrl.u32 v56, $0x6;
	v6 =	vxor.u32 v6, v5  }
0x3d: {  	v43 =	vshll.u32 v56, $0x1A;
	v44 =	vshrl.u32 v57, $0x6;
	v6 =	vadd.s32 $0x2D, v6  }
0x3e: {  	v47 =	vshll.u32 v57, $0x1A;
	v45 =	vshrl.u32 v6, $0xF;
	v46 =	vshll.u32 v6, $0x11  }
0x3f: {  	v9 =	vadd.s32 v9, v56;
	v5 =	vadd.s32 v5, v6;
	v6 =	vor.u32 v45, v46  }
0x40: {  	v11 =	vadd.s32 v11, v57;
	v59 =	vshll.u32 v12, $0x1A;
	v6 =	vxor.u32 v6, v5  }
0x41: {  	v36 =	vshrl.u32 v54, $0x6;
	v48 =	vshrl.u32 v6, $0x3;
	v49 =	vshll.u32 v6, $0x1D  }
0x42: {  	v37 =	vshll.u32 v54, $0x1A;
	v5 =	vadd.s32 v5, v6;
	v6 =	vor.u32 v48, v49  }
0x43: {  	v48 =	vor.u32 v60, v63;
	v49 =	vor.u32 v36, v37;
	v6 =	vxor.u32 v6, v5  }
0x44: {  	v13 =	vxor.u32 v48, v8;
	v10 =	vshrl.u32 v6, $0x10;
	v50 =	vshll.u32 v6, $0x10  }
0x45: {  	v5 =	vadd.s32 v5, v6;
	v57 =	vshrl.u32 v13, $0x1A;
	v8 =	vadd.s32 v8, v13  }
0x46: {  	v6 =	vor.u32 v10, v50;
	v10 =	vxor.u32 v17, v4;
	v50 =	vor.u32 v38, v41  }
0x47: {  	v6 =	vxor.u32 v6, v5;
	v17 =	vshrl.u32 v10, $0x6;
	v58 =	vshll.u32 v10, $0x1A  }
0x48: {  	v4 =	vadd.s32 v4, v10;
	v10 =	vor.u32 v44, v47;
	v52 =	vshrl.u32 v6, $0x8  }
0x49: {  	v53 =	vshll.u32 v6, $0x18;
	v5 =	vadd.s32 v5, v6;
	v17 =	vor.u32 v17, v58  }
0x4a: {  	v10 =	vxor.u32 v10, v11;
	v58 =	vshll.u32 v13, $0x6;
	v6 =	vor.u32 v52, v53  }
0x4b: {  	v51 =	vxor.u32 v17, v4;
	v52 =	vxor.u32 v49, v3;
	v53 =	vxor.u32 v50, v7  }
0x4c: {  	v33 =	vshrl.u32 v10, $0x1A;
	v34 =	vshll.u32 v10, $0x6;
	v36 =	vor.u32 v57, v58  }
0x4d: {  	v6 =	vxor.u32 v6, v5;
	v54 =	vshrl.u32 v51, $0x1A;
	v17 =	vshll.u32 v51, $0x6  }
0x4e: {  	v60 =	vshll.u32 v52, $0x6;
	v4 =	vadd.s32 v4, v51;
	v3 =	vadd.s32 v3, v52  }
0x4f: {  	v7 =	vadd.s32 v7, v53;
	v1 =	vadd.s32 $0x1BD11BF4, v6;
	v16 =	vor.u32 v54, v17  }
0x50: {  	v5 =	vadd.s32 v1, v5;
	v6 =	vshrl.u32 v1, $0x13;
	v1 =	vshll.u32 v1, $0xD  }
0x51: {  	v5 =	vadd.s32 $0x2A, v5;
	v1 =	vor.u32 v6, v1;
	v6 =	vshrl.u32 v12, $0x6  }
0x52: {  	v12 =	vxor.u32 v16, v4;
	v1 =	vxor.u32 v1, v5;
	v6 =	vor.u32 v6, v59  }
0x53: {  	v59 =	vshrl.u32 v52, $0x1A;
	v12 =	vadd.s32 $0x1BD11BF1, v12;
	v61 =	vshrl.u32 v1, $0x11  }
0x54: {  	v62 =	vshll.u32 v1, $0xF;
	v1 =	vadd.s32 v5, v1;
	v6 =	vxor.u32 v6, v2  }
0x55: {  	v37 =	vor.u32 v59, v60;
	v4 =	vadd.s32 v12, v4;
	v5 =	vor.u32 v61, v62  }
0x56: {  	v55 =	vshrl.u32 v6, $0x1A;
	v56 =	vshll.u32 v6, $0x6;
	v61 =	vshrl.u32 v53, $0x1A  }
0x57: {  	v62 =	vshll.u32 v53, $0x6;
	v2 =	vadd.s32 v2, v6;
	v6 =	vor.u32 v33, v34  }
0x58: {  	v4 =	vadd.s32 $0x2A, v4;
	v5 =	vxor.u32 v5, v1;
	v35 =	vor.u32 v55, v56  }
0x59: {  	v38 =	vor.u32 v61, v62;
	v39 =	vshrl.u32 v5, $0x6;
	v40 =	vshll.u32 v5, $0x1A  }
0x5a: {  	v1 =	vadd.s32 v1, v5;
	v41 =	vxor.u32 v38, v7;
	v5 =	vor.u32 v39, v40  }
0x5b: {  	v40 =	vxor.u32 v37, v3;
	v14 =	vadd.s32 $0x1BD11BF1, v41;
	v5 =	vxor.u32 v5, v1  }
0x5c: {  	v13 =	vadd.s32 $0x1BD11BF1, v40;
	v7 =	vadd.s32 v14, v7;
	v47 =	vshrl.u32 v14, $0xF  }
0x5d: {  	v14 =	vshll.u32 v14, $0x11;
	v45 =	vshrl.u32 v5, $0x1A;
	v46 =	vshll.u32 v5, $0x6  }
0x5e: {  	v1 =	vadd.s32 v1, v5;
	v3 =	vadd.s32 v13, v3;
	v7 =	vadd.s32 $0x2A, v7  }
0x5f: {  	v14 =	vor.u32 v47, v14;
	v5 =	vor.u32 v45, v46;
	v46 =	vshrl.u32 v13, $0xF  }
0x60: {  	v13 =	vshll.u32 v13, $0x11;
	v3 =	vadd.s32 $0x2A, v3;
	v14 =	vxor.u32 v14, v7  }
0x61: {  	v5 =	vxor.u32 v5, v1;
	v1 =	vadd.s32 $0x1BD11BF0, v1;
	v13 =	vor.u32 v46, v13  }
0x62: {  	v58 =	vshrl.u32 v14, $0x3;
	v59 =	vshll.u32 v14, $0x1D;
	v5 =	vadd.s32 $0x5, v5  }
0x63: {  	v7 =	vadd.s32 v7, v14;
	v13 =	vxor.u32 v13, v3;
	v1 =	vxor.u32 v1, v5  }
0x64: {  	v5 =	vor.u32 v42, v43;
	v43 =	vshrl.u32 v12, $0xF;
	v12 =	vshll.u32 v12, $0x11  }
0x65: {  	v56 =	vshrl.u32 v13, $0x3;
	v57 =	vshll.u32 v13, $0x1D;
	v3 =	vadd.s32 v3, v13  }
0x66: {  	v5 =	vxor.u32 v5, v9;
	v12 =	vor.u32 v43, v12;
	v34 =	vor.u32 v56, v57  }
0x67: {  	v63 =	vshrl.u32 v5, $0x1A;
	v32 =	vshll.u32 v5, $0x6;
	v5 =	vadd.s32 v9, v5  }
0x68: {  	v9 =	vadd.s32 v11, v10;
	v10 =	vxor.u32 v35, v2;
	v11 =	vxor.u32 v36, v8  }
0x69: {  	v12 =	vxor.u32 v12, v4;
	v35 =	vor.u32 v58, v59;
	v13 =	vxor.u32 v34, v3  }
0x6a: {  	v39 =	vor.u32 v63, v32;
	v6 =	vxor.u32 v6, v9;
	v10 =	vadd.s32 $0x1BD11BF1, v10  }
0x6b: {  	v11 =	vadd.s32 $0x1BD11BF1, v11;
	v50 =	vshrl.u32 v12, $0x3;
	v51 =	vshll.u32 v12, $0x1D  }
0x6c: {  	v4 =	vadd.s32 v4, v12;
	v14 =	vxor.u32 v35, v7;
	v43 =	vshrl.u32 v13, $0x10  }
0x6d: {  	v3 =	vadd.s32 v3, v13;
	v42 =	vxor.u32 v39, v5;
	v6 =	vadd.s32 $0x1BD11BF1, v6  }
0x6e: {  	v2 =	vadd.s32 v10, v2;
	v44 =	vshrl.u32 v10, $0xF;
	v10 =	vshll.u32 v10, $0x11  }
0x6f: {  	v8 =	vadd.s32 v11, v8;
	v45 =	vshrl.u32 v11, $0xF;
	v11 =	vshll.u32 v11, $0x11  }
0x70: {  	v16 =	vor.u32 v50, v51;
	v46 =	vshll.u32 v14, $0x10;
	v7 =	vadd.s32 v7, v14  }
0x71: {  	v15 =	vadd.s32 $0x1BD11BF1, v42;
	v9 =	vadd.s32 v6, v9;
	v49 =	vshrl.u32 v6, $0xF  }
0x72: {  	v6 =	vshll.u32 v6, $0x11;
	v2 =	vadd.s32 $0x2A, v2;
	v10 =	vor.u32 v44, v10  }
0x73: {  	v8 =	vadd.s32 $0x2A, v8;
	v11 =	vor.u32 v45, v11;
	v44 =	vshll.u32 v13, $0x10  }
0x74: {  	v45 =	vshrl.u32 v14, $0x10;
	v5 =	vadd.s32 v15, v5;
	v48 =	vshrl.u32 v15, $0xF  }
0x75: {  	v15 =	vshll.u32 v15, $0x11;
	v9 =	vadd.s32 $0x2A, v9;
	v6 =	vor.u32 v49, v6  }
0x76: {  	v10 =	vxor.u32 v10, v2;
	v11 =	vxor.u32 v11, v8;
	v5 =	vadd.s32 $0x2A, v5  }
0x77: {  	v15 =	vor.u32 v48, v15;
	v6 =	vxor.u32 v6, v9;
	v52 =	vshrl.u32 v10, $0x3  }
0x78: {  	v53 =	vshll.u32 v10, $0x1D;
	v54 =	vshrl.u32 v11, $0x3;
	v55 =	vshll.u32 v11, $0x1D  }
0x79: {  	v2 =	vadd.s32 v2, v10;
	v8 =	vadd.s32 v8, v11;
	v11 =	vxor.u32 v16, v4  }
0x7a: {  	v15 =	vxor.u32 v15, v5;
	v62 =	vshrl.u32 v6, $0x3;
	v63 =	vshll.u32 v6, $0x1D  }
0x7b: {  	v32 =	vor.u32 v52, v53;
	v33 =	vor.u32 v54, v55;
	v6 =	vadd.s32 v9, v6  }
0x7c: {  	v16 =	vshrl.u32 v11, $0x10;
	v38 =	vshll.u32 v11, $0x10;
	v52 =	vor.u32 v43, v44  }
0x7d: {  	v53 =	vor.u32 v45, v46;
	v4 =	vadd.s32 v4, v11;
	v60 =	vshrl.u32 v15, $0x3  }
0x7e: {  	v61 =	vshll.u32 v15, $0x1D;
	v10 =	vor.u32 v62, v63;
	v5 =	vadd.s32 v5, v15  }
0x7f: {  	v9 =	vxor.u32 v32, v2;
	v37 =	vxor.u32 v33, v8;
	v16 =	vor.u32 v16, v38  }
0x80: {  	v55 =	vxor.u32 v52, v3;
	v56 =	vxor.u32 v53, v7;
	v36 =	vor.u32 v60, v61  }
0x81: {  	v10 =	vxor.u32 v10, v6;
	v39 =	vshrl.u32 v9, $0x10;
	v40 =	vshll.u32 v9, $0x10  }
0x82: {  	v41 =	vshrl.u32 v37, $0x10;
	v42 =	vshll.u32 v37, $0x10;
	v2 =	vadd.s32 v2, v9  }
0x83: {  	v8 =	vadd.s32 v8, v37;
	v9 =	vxor.u32 v16, v4;
	v63 =	vshrl.u32 v55, $0x8  }
0x84: {  	v32 =	vshll.u32 v55, $0x18;
	v33 =	vshrl.u32 v56, $0x8;
	v34 =	vshll.u32 v56, $0x18  }
0x85: {  	v3 =	vadd.s32 v3, v55;
	v7 =	vadd.s32 v7, v56;
	v15 =	vxor.u32 v36, v5  }
0x86: {  	v49 =	vshrl.u32 v10, $0x10;
	v50 =	vshll.u32 v10, $0x10;
	v18 =	vor.u32 v39, v40  }
0x87: {  	v51 =	vor.u32 v41, v42;
	v6 =	vadd.s32 v6, v10;
	v57 =	vshrl.u32 v9, $0x8  }
0x88: {  	v59 =	vshll.u32 v9, $0x18;
	v41 =	vor.u32 v63, v32;
	v42 =	vor.u32 v33, v34  }
0x89: {  	v4 =	vadd.s32 v4, v9;
	v47 =	vshrl.u32 v15, $0x10;
	v48 =	vshll.u32 v15, $0x10  }
0x8a: {  	v17 =	vor.u32 v49, v50;
	v5 =	vadd.s32 v5, v15;
	v11 =	vxor.u32 v18, v2  }
0x8b: {  	v10 =	vxor.u32 v51, v8;
	v14 =	vor.u32 v57, v59;
	v44 =	vxor.u32 v41, v3  }
0x8c: {  	v45 =	vxor.u32 v42, v7;
	v54 =	vor.u32 v47, v48;
	v58 =	vxor.u32 v17, v6  }
0x8d: {  	v18 =	vshrl.u32 v11, $0x8;
	v60 =	vshll.u32 v11, $0x18;
	v61 =	vshrl.u32 v10, $0x8  }
0x8e: {  	v62 =	vshll.u32 v10, $0x18;
	v2 =	vadd.s32 v2, v11;
	v8 =	vadd.s32 v8, v10  }
0x8f: {  	v10 =	vxor.u32 v14, v4;
	v13 =	vadd.s32 $0x2, v44;
	v14 =	vadd.s32 $0x2, v45  }
0x90: {  	v15 =	vxor.u32 v54, v5;
	v37 =	vshrl.u32 v58, $0x8;
	v38 =	vor.u32 v18, v60  }
0x91: {  	v39 =	vshll.u32 v58, $0x18;
	v40 =	vor.u32 v61, v62;
	v6 =	vadd.s32 v6, v58  }
0x92: {  	v10 =	vadd.s32 $0x2, v10;
	v3 =	vadd.s32 v13, v3;
	v50 =	vshrl.u32 v13, $0x13  }
0x93: {  	v13 =	vshll.u32 v13, $0xD;
	v7 =	vadd.s32 v14, v7;
	v51 =	vshrl.u32 v14, $0x13  }
0x94: {  	v14 =	vshll.u32 v14, $0xD;
	v35 =	vshrl.u32 v15, $0x8;
	v36 =	vshll.u32 v15, $0x18  }
0x95: {  	v18 =	vor.u32 v37, v39;
	v5 =	vadd.s32 v5, v15;
	v11 =	vxor.u32 v38, v2  }
0x96: {  	v43 =	vxor.u32 v40, v8;
	v4 =	vadd.s32 v10, v4;
	v47 =	vshrl.u32 v10, $0x13  }
0x97: {  	v10 =	vshll.u32 v10, $0xD;
	v3 =	vadd.s32 $0x1BD11BF0, v3;
	v13 =	vor.u32 v50, v13  }
0x98: {  	v7 =	vadd.s32 $0x1BD11BF0, v7;
	v14 =	vor.u32 v51, v14;
	v9 =	vor.u32 v35, v36  }
0x99: {  	v11 =	vadd.s32 $0x2, v11;
	v46 =	vxor.u32 v18, v6;
	v12 =	vadd.s32 $0x2, v43  }
0x9a: {  	v4 =	vadd.s32 $0x1BD11BF0, v4;
	v10 =	vor.u32 v47, v10;
	v13 =	vxor.u32 v13, v3  }
0x9b: {  	v14 =	vxor.u32 v14, v7;
	v9 =	vxor.u32 v9, v5;
	v15 =	vadd.s32 $0x2, v46  }
0x9c: {  	v2 =	vadd.s32 v11, v2;
	v48 =	vshrl.u32 v11, $0x13;
	v11 =	vshll.u32 v11, $0xD  }
0x9d: {  	v8 =	vadd.s32 v12, v8;
	v49 =	vshrl.u32 v12, $0x13;
	v12 =	vshll.u32 v12, $0xD  }
0x9e: {  	v10 =	vxor.u32 v10, v4;
	v60 =	vshrl.u32 v13, $0x11;
	v61 =	vshll.u32 v13, $0xF  }
0x9f: {  	v62 =	vshrl.u32 v14, $0x11;
	v63 =	vshll.u32 v14, $0xF;
	v3 =	vadd.s32 v3, v13  }
0xa0: {  	v7 =	vadd.s32 v7, v14;
	v9 =	vadd.s32 $0x2, v9;
	v6 =	vadd.s32 v15, v6  }
0xa1: {  	v53 =	vshrl.u32 v15, $0x13;
	v15 =	vshll.u32 v15, $0xD;
	v2 =	vadd.s32 $0x1BD11BF0, v2  }
0xa2: {  	v11 =	vor.u32 v48, v11;
	v8 =	vadd.s32 $0x1BD11BF0, v8;
	v12 =	vor.u32 v49, v12  }
0xa3: {  	v54 =	vshrl.u32 v10, $0x11;
	v55 =	vshll.u32 v10, $0xF;
	v38 =	vor.u32 v60, v61  }
0xa4: {  	v39 =	vor.u32 v62, v63;
	v4 =	vadd.s32 v4, v10;
	v5 =	vadd.s32 v9, v5  }
0xa5: {  	v52 =	vshrl.u32 v9, $0x13;
	v9 =	vshll.u32 v9, $0xD;
	v6 =	vadd.s32 $0x1BD11BF0, v6  }
0xa6: {  	v11 =	vxor.u32 v11, v2;
	v15 =	vor.u32 v53, v15;
	v12 =	vxor.u32 v12, v8  }
0xa7: {  	v16 =	vor.u32 v54, v55;
	v13 =	vxor.u32 v38, v3;
	v14 =	vxor.u32 v39, v7  }
0xa8: {  	v5 =	vadd.s32 $0x1BD11BF0, v5;
	v9 =	vor.u32 v52, v9;
	v15 =	vxor.u32 v15, v6  }
0xa9: {  	v56 =	vshrl.u32 v11, $0x11;
	v57 =	vshll.u32 v11, $0xF;
	v58 =	vshrl.u32 v12, $0x11  }
0xaa: {  	v59 =	vshll.u32 v12, $0xF;
	v2 =	vadd.s32 v2, v11;
	v8 =	vadd.s32 v8, v12  }
0xab: {  	v46 =	vshrl.u32 v13, $0x6;
	v47 =	vshll.u32 v13, $0x1A;
	v48 =	vshrl.u32 v14, $0x6  }
0xac: {  	v49 =	vshll.u32 v14, $0x1A;
	v3 =	vadd.s32 v3, v13;
	v7 =	vadd.s32 v7, v14  }
0xad: {  	v9 =	vxor.u32 v9, v5;
	v34 =	vshrl.u32 v15, $0x11;
	v35 =	vor.u32 v56, v57  }
0xae: {  	v36 =	vshll.u32 v15, $0xF;
	v37 =	vor.u32 v58, v59;
	v6 =	vadd.s32 v6, v15  }
0xaf: {  	v56 =	vor.u32 v46, v47;
	v57 =	vor.u32 v48, v49;
	v32 =	vshrl.u32 v9, $0x11  }
0xb0: {  	v33 =	vshll.u32 v9, $0xF;
	v18 =	vor.u32 v34, v36;
	v5 =	vadd.s32 v5, v9  }
0xb1: {  	v9 =	vxor.u32 v16, v4;
	v11 =	vxor.u32 v35, v2;
	v12 =	vxor.u32 v37, v8  }
0xb2: {  	v13 =	vxor.u32 v56, v3;
	v14 =	vxor.u32 v57, v7;
	v10 =	vor.u32 v32, v33  }
0xb3: {  	v40 =	vshrl.u32 v9, $0x6;
	v16 =	vshll.u32 v9, $0x1A;
	v41 =	vxor.u32 v18, v6  }
0xb4: {  	v42 =	vshrl.u32 v11, $0x6;
	v43 =	vshll.u32 v11, $0x1A;
	v44 =	vshrl.u32 v12, $0x6  }
0xb5: {  	v45 =	vshll.u32 v12, $0x1A;
	v4 =	vadd.s32 v4, v9;
	v2 =	vadd.s32 v2, v11  }
0xb6: {  	v8 =	vadd.s32 v8, v12;
	v34 =	vshrl.u32 v13, $0x1A;
	v35 =	vshll.u32 v13, $0x6  }
0xb7: {  	v36 =	vshrl.u32 v14, $0x1A;
	v37 =	vshll.u32 v14, $0x6;
	v3 =	vadd.s32 v3, v13  }
0xb8: {  	v7 =	vadd.s32 v7, v14;
	v10 =	vxor.u32 v10, v5;
	v52 =	vshrl.u32 v41, $0x6  }
0xb9: {  	v53 =	vshll.u32 v41, $0x1A;
	v15 =	vor.u32 v40, v16;
	v54 =	vor.u32 v42, v43  }
0xba: {  	v55 =	vor.u32 v44, v45;
	v6 =	vadd.s32 v6, v41;
	v43 =	vor.u32 v34, v35  }
0xbb: {  	v44 =	vor.u32 v36, v37;
	v50 =	vshrl.u32 v10, $0x6;
	v51 =	vshll.u32 v10, $0x1A  }
0xbc: {  	v9 =	vor.u32 v52, v53;
	v11 =	vxor.u32 v15, v4;
	v5 =	vadd.s32 v5, v10  }
0xbd: {  	v10 =	vxor.u32 v54, v2;
	v12 =	vxor.u32 v55, v8;
	v46 =	vxor.u32 v43, v3  }
0xbe: {  	v47 =	vxor.u32 v44, v7;
	v58 =	vor.u32 v50, v51;
	v9 =	vxor.u32 v9, v6  }
0xbf: {  	v60 =	vshrl.u32 v11, $0x1A;
	v61 =	vshll.u32 v11, $0x6;
	v62 =	vshrl.u32 v10, $0x1A  }
0xc0: {  	v63 =	vshll.u32 v10, $0x6;
	v32 =	vshrl.u32 v12, $0x1A;
	v33 =	vshll.u32 v12, $0x6  }
0xc1: {  	v4 =	vadd.s32 v4, v11;
	v2 =	vadd.s32 v2, v10;
	v8 =	vadd.s32 v8, v12  }
0xc2: {  	v12 =	vadd.s32 $0x2D, v46;
	v13 =	vadd.s32 $0x2D, v47;
	v59 =	vxor.u32 v58, v5  }
0xc3: {  	v16 =	vor.u32 v60, v61;
	v40 =	vshrl.u32 v9, $0x1A;
	v41 =	vshll.u32 v9, $0x6  }
0xc4: {  	v18 =	vor.u32 v62, v63;
	v42 =	vor.u32 v32, v33;
	v6 =	vadd.s32 v6, v9  }
0xc5: {  	v56 =	vshrl.u32 v12, $0xF;
	v57 =	vshll.u32 v12, $0x11;
	v58 =	vshrl.u32 v13, $0xF  }
0xc6: {  	v3 =	vadd.s32 v3, v12;
	v7 =	vadd.s32 v7, v13;
	v38 =	vshrl.u32 v59, $0x1A  }
0xc7: {  	v39 =	vshll.u32 v59, $0x6;
	v17 =	vor.u32 v40, v41;
	v5 =	vadd.s32 v5, v59  }
0xc8: {  	v10 =	vxor.u32 v16, v4;
	v11 =	vxor.u32 v18, v2;
	v9 =	vxor.u32 v42, v8  }
0xc9: {  	v59 =	vshll.u32 v13, $0x11;
	v32 =	vor.u32 v56, v57;
	v45 =	vor.u32 v38, v39  }
0xca: {  	v10 =	vadd.s32 $0x2D, v10;
	v49 =	vxor.u32 v17, v6;
	v11 =	vadd.s32 $0x2D, v11  }
0xcb: {  	v9 =	vadd.s32 $0x2D, v9;
	v33 =	vor.u32 v58, v59;
	v12 =	vxor.u32 v32, v3  }
0xcc: {  	v48 =	vxor.u32 v45, v5;
	v15 =	vadd.s32 $0x2D, v49;
	v50 =	vshrl.u32 v10, $0xF  }
0xcd: {  	v51 =	vshll.u32 v10, $0x11;
	v52 =	vshrl.u32 v11, $0xF;
	v53 =	vshll.u32 v11, $0x11  }
0xce: {  	v54 =	vshrl.u32 v9, $0xF;
	v55 =	vshll.u32 v9, $0x11;
	v4 =	vadd.s32 v4, v10  }
0xcf: {  	v2 =	vadd.s32 v2, v11;
	v8 =	vadd.s32 v8, v9;
	v13 =	vxor.u32 v33, v7  }
0xd0: {  	v42 =	vshrl.u32 v12, $0x3;
	v43 =	vshll.u32 v12, $0x1D;
	v3 =	vadd.s32 v3, v12  }
0xd1: {  	v14 =	vadd.s32 $0x2D, v48;
	v16 =	vor.u32 v50, v51;
	v62 =	vshrl.u32 v15, $0xF  }
0xd2: {  	v63 =	vshll.u32 v15, $0x11;
	v18 =	vor.u32 v52, v53;
	v31 =	vor.u32 v54, v55  }
0xd3: {  	v6 =	vadd.s32 v6, v15;
	v44 =	vshrl.u32 v13, $0x3;
	v45 =	vshll.u32 v13, $0x1D  }
0xd4: {  	v52 =	vor.u32 v42, v43;
	v7 =	vadd.s32 v7, v13;
	v60 =	vshrl.u32 v14, $0xF  }
0xd5: {  	v61 =	vshll.u32 v14, $0x11;
	v17 =	vor.u32 v62, v63;
	v5 =	vadd.s32 v5, v14  }
0xd6: {  	v9 =	vxor.u32 v16, v4;
	v10 =	vxor.u32 v18, v2;
	v11 =	vxor.u32 v31, v8  }
0xd7: {  	v53 =	vor.u32 v44, v45;
	v55 =	vxor.u32 v52, v3;
	v34 =	vor.u32 v60, v61  }
0xd8: {  	v35 =	vshrl.u32 v9, $0x3;
	v37 =	vxor.u32 v17, v6;
	v38 =	vshll.u32 v9, $0x1D  }
0xd9: {  	v18 =	vshrl.u32 v10, $0x3;
	v39 =	vshll.u32 v10, $0x1D;
	v40 =	vshrl.u32 v11, $0x3  }
0xda: {  	v41 =	vshll.u32 v11, $0x1D;
	v4 =	vadd.s32 v4, v9;
	v2 =	vadd.s32 v2, v10  }
0xdb: {  	v8 =	vadd.s32 v8, v11;
	v56 =	vxor.u32 v53, v7;
	v32 =	vshrl.u32 v55, $0x10  }
0xdc: {  	v33 =	vshll.u32 v55, $0x10;
	v3 =	vadd.s32 v3, v55;
	v36 =	vxor.u32 v34, v5  }
0xdd: {  	v48 =	vshrl.u32 v37, $0x3;
	v14 =	vor.u32 v35, v38;
	v49 =	vor.u32 v18, v39  }
0xde: {  	v50 =	vshll.u32 v37, $0x1D;
	v51 =	vor.u32 v40, v41;
	v6 =	vadd.s32 v6, v37  }
0xdf: {  	v34 =	vshrl.u32 v56, $0x10;
	v35 =	vshll.u32 v56, $0x10;
	v42 =	vor.u32 v32, v33  }
0xe0: {  	v7 =	vadd.s32 v7, v56;
	v46 =	vshrl.u32 v36, $0x3;
	v47 =	vshll.u32 v36, $0x1D  }
0xe1: {  	v18 =	vor.u32 v48, v50;
	v5 =	vadd.s32 v5, v36;
	v10 =	vxor.u32 v14, v4  }
0xe2: {  	v11 =	vxor.u32 v49, v2;
	v54 =	vxor.u32 v51, v8;
	v43 =	vor.u32 v34, v35  }
0xe3: {  	v13 =	vxor.u32 v42, v3;
	v9 =	vor.u32 v46, v47;
	v57 =	vshrl.u32 v10, $0x10  }
0xe4: {  	v58 =	vshll.u32 v10, $0x10;
	v59 =	vxor.u32 v18, v6;
	v60 =	vshrl.u32 v11, $0x10  }
0xe5: {  	v61 =	vshll.u32 v11, $0x10;
	v62 =	vshrl.u32 v54, $0x10;
	v63 =	vshll.u32 v54, $0x10  }
0xe6: {  	v4 =	vadd.s32 v4, v10;
	v2 =	vadd.s32 v2, v11;
	v8 =	vadd.s32 v8, v54  }
0xe7: {  	v14 =	vxor.u32 v43, v7;
	v52 =	vshrl.u32 v13, $0x8;
	v53 =	vshll.u32 v13, $0x18  }
0xe8: {  	v3 =	vadd.s32 v3, v13;
	v9 =	vxor.u32 v9, v5;
	v38 =	vshrl.u32 v59, $0x10  }
0xe9: {  	v39 =	vshll.u32 v59, $0x10;
	v15 =	vor.u32 v57, v58;
	v40 =	vor.u32 v60, v61  }
0xea: {  	v41 =	vor.u32 v62, v63;
	v6 =	vadd.s32 v6, v59;
	v54 =	vshrl.u32 v14, $0x8  }
0xeb: {  	v55 =	vshll.u32 v14, $0x18;
	v61 =	vor.u32 v52, v53;
	v7 =	vadd.s32 v7, v14  }
0xec: {  	v36 =	vshrl.u32 v9, $0x10;
	v37 =	vshll.u32 v9, $0x10;
	v10 =	vor.u32 v38, v39  }
0xed: {  	v11 =	vxor.u32 v15, v4;
	v5 =	vadd.s32 v5, v9;
	v9 =	vxor.u32 v40, v2  }
0xee: {  	v12 =	vxor.u32 v41, v8;
	v62 =	vor.u32 v54, v55;
	v20 =	vxor.u32 v61, v3  }
0xef: {  	v44 =	vor.u32 v36, v37;
	v10 =	vxor.u32 v10, v6;
	v46 =	vshrl.u32 v11, $0x8  }
0xf0: {  	v47 =	vshll.u32 v11, $0x18;
	v48 =	vshrl.u32 v9, $0x8;
	v49 =	vshll.u32 v9, $0x18  }
0xf1: {  	v50 =	vshrl.u32 v12, $0x8;
	v51 =	vshll.u32 v12, $0x18;
	v4 =	vadd.s32 v4, v11  }
0xf2: {  	v2 =	vadd.s32 v2, v9;
	v8 =	vadd.s32 v8, v12;
	v21 =	vxor.u32 v62, v7  }
0xf3: {  	v12 =	vadd.s32 $0x1BD11BF4, v20;
	v45 =	vxor.u32 v44, v5;
	v16 =	vor.u32 v46, v47  }
0xf4: {  	v58 =	vshrl.u32 v10, $0x8;
	v59 =	vshll.u32 v10, $0x18;
	v18 =	vor.u32 v48, v49  }
0xf5: {  	v60 =	vor.u32 v50, v51;
	v6 =	vadd.s32 v6, v10;
	v13 =	vadd.s32 $0x1BD11BF4, v21  }
0xf6: {  	v3 =	vadd.s32 v12, v3;
	v27 =	vshrl.u32 v12, $0x13;
	v12 =	vshll.u32 v12, $0xD  }
0xf7: {  	v56 =	vshrl.u32 v45, $0x8;
	v57 =	vshll.u32 v45, $0x18;
	v17 =	vor.u32 v58, v59  }
0xf8: {  	v5 =	vadd.s32 v5, v45;
	v9 =	vxor.u32 v16, v4;
	v11 =	vxor.u32 v18, v2  }
0xf9: {  	v10 =	vxor.u32 v60, v8;
	v7 =	vadd.s32 v13, v7;
	v28 =	vshrl.u32 v13, $0x13  }
0xfa: {  	v13 =	vshll.u32 v13, $0xD;
	v3 =	vadd.s32 $0x2A, v3;
	v12 =	vor.u32 v27, v12  }
0xfb: {  	v63 =	vor.u32 v56, v57;
	v9 =	vadd.s32 $0x1BD11BF4, v9;
	v23 =	vxor.u32 v17, v6  }
0xfc: {  	v11 =	vadd.s32 $0x1BD11BF4, v11;
	v10 =	vadd.s32 $0x1BD11BF4, v10;
	v7 =	vadd.s32 $0x2A, v7  }
0xfd: {  	v13 =	vor.u32 v28, v13;
	v12 =	vxor.u32 v12, v3;
	v22 =	vxor.u32 v63, v5  }
0xfe: {  	v15 =	vadd.s32 $0x1BD11BF4, v23;
	v4 =	vadd.s32 v9, v4;
	v24 =	vshrl.u32 v9, $0x13  }
0xff: {  	v9 =	vshll.u32 v9, $0xD;
	v2 =	vadd.s32 v11, v2;
	v25 =	vshrl.u32 v11, $0x13  }
0x100: {  	v11 =	vshll.u32 v11, $0xD;
	v8 =	vadd.s32 v10, v8;
	v26 =	vshrl.u32 v10, $0x13  }
0x101: {  	v10 =	vshll.u32 v10, $0xD;
	v13 =	vxor.u32 v13, v7;
	v37 =	vshrl.u32 v12, $0x11  }
0x102: {  	v38 =	vshll.u32 v12, $0xF;
	v3 =	vadd.s32 v3, v12;
	v14 =	vadd.s32 $0x1BD11BF4, v22  }
0x103: {  	v6 =	vadd.s32 v15, v6;
	v30 =	vshrl.u32 v15, $0x13;
	v15 =	vshll.u32 v15, $0xD  }
0x104: {  	v4 =	vadd.s32 $0x2A, v4;
	v9 =	vor.u32 v24, v9;
	v2 =	vadd.s32 $0x2A, v2  }
0x105: {  	v11 =	vor.u32 v25, v11;
	v8 =	vadd.s32 $0x2A, v8;
	v10 =	vor.u32 v26, v10  }
0x106: {  	v39 =	vshrl.u32 v13, $0x11;
	v40 =	vshll.u32 v13, $0xF;
	v46 =	vor.u32 v37, v38  }
0x107: {  	v7 =	vadd.s32 v7, v13;
	v5 =	vadd.s32 v14, v5;
	v29 =	vshrl.u32 v14, $0x13  }
0x108: {  	v14 =	vshll.u32 v14, $0xD;
	v9 =	vxor.u32 v9, v4;
	v6 =	vadd.s32 $0x2A, v6  }
0x109: {  	v15 =	vor.u32 v30, v15;
	v11 =	vxor.u32 v11, v2;
	v10 =	vxor.u32 v10, v8  }
0x10a: {  	v47 =	vor.u32 v39, v40;
	v12 =	vxor.u32 v46, v3;
	v5 =	vadd.s32 $0x2A, v5  }
0x10b: {  	v14 =	vor.u32 v29, v14;
	v15 =	vxor.u32 v15, v6;
	v31 =	vshrl.u32 v9, $0x11  }
0x10c: {  	v32 =	vshll.u32 v9, $0xF;
	v33 =	vshrl.u32 v11, $0x11;
	v34 =	vshll.u32 v11, $0xF  }
0x10d: {  	v35 =	vshrl.u32 v10, $0x11;
	v36 =	vshll.u32 v10, $0xF;
	v4 =	vadd.s32 v4, v9  }
0x10e: {  	v2 =	vadd.s32 v2, v11;
	v8 =	vadd.s32 v8, v10;
	v13 =	vxor.u32 v47, v7  }
0x10f: {  	v56 =	vshrl.u32 v12, $0x6;
	v57 =	vshll.u32 v12, $0x1A;
	v3 =	vadd.s32 v3, v12  }
0x110: {  	v14 =	vxor.u32 v14, v5;
	v16 =	vor.u32 v31, v32;
	v43 =	vshrl.u32 v15, $0x11  }
0x111: {  	v44 =	vshll.u32 v15, $0xF;
	v18 =	vor.u32 v33, v34;
	v45 =	vor.u32 v35, v36  }
0x112: {  	v6 =	vadd.s32 v6, v15;
	v58 =	vshrl.u32 v13, $0x6;
	v59 =	vshll.u32 v13, $0x1A  }
0x113: {  	v31 =	vor.u32 v56, v57;
	v7 =	vadd.s32 v7, v13;
	v41 =	vshrl.u32 v14, $0x11  }
0x114: {  	v42 =	vshll.u32 v14, $0xF;
	v17 =	vor.u32 v43, v44;
	v5 =	vadd.s32 v5, v14  }
0x115: {  	v9 =	vxor.u32 v16, v4;
	v10 =	vxor.u32 v18, v2;
	v11 =	vxor.u32 v45, v8  }
0x116: {  	v32 =	vor.u32 v58, v59;
	v34 =	vxor.u32 v31, v3;
	v48 =	vor.u32 v41, v42  }
0x117: {  	v49 =	vshrl.u32 v9, $0x6;
	v51 =	vxor.u32 v17, v6;
	v52 =	vshll.u32 v9, $0x1A  }
0x118: {  	v18 =	vshrl.u32 v10, $0x6;
	v53 =	vshll.u32 v10, $0x1A;
	v54 =	vshrl.u32 v11, $0x6  }
0x119: {  	v55 =	vshll.u32 v11, $0x1A;
	v4 =	vadd.s32 v4, v9;
	v2 =	vadd.s32 v2, v10  }
0x11a: {  	v8 =	vadd.s32 v8, v11;
	v35 =	vxor.u32 v32, v7;
	v43 =	vshrl.u32 v34, $0x1A  }
0x11b: {  	v44 =	vshll.u32 v34, $0x6;
	v3 =	vadd.s32 v3, v34;
	v50 =	vxor.u32 v48, v5  }
0x11c: {  	v62 =	vshrl.u32 v51, $0x6;
	v14 =	vor.u32 v49, v52;
	v63 =	vor.u32 v18, v53  }
0x11d: {  	v29 =	vshll.u32 v51, $0x1A;
	v30 =	vor.u32 v54, v55;
	v6 =	vadd.s32 v6, v51  }
0x11e: {  	v45 =	vshrl.u32 v35, $0x1A;
	v46 =	vshll.u32 v35, $0x6;
	v53 =	vor.u32 v43, v44  }
0x11f: {  	v60 =	vshrl.u32 v50, $0x6;
	v61 =	vshll.u32 v50, $0x1A;
	v18 =	vor.u32 v62, v29  }
0x120: {  	v5 =	vadd.s32 v5, v50;
	v10 =	vxor.u32 v14, v4;
	v11 =	vxor.u32 v63, v2  }
0x121: {  	v33 =	vxor.u32 v30, v8;
	v54 =	vor.u32 v45, v46;
	v13 =	vxor.u32 v53, v3  }
0x122: {  	v63 =	vadd.s32 $0x1BD11BF0, v3;
	v9 =	vor.u32 v60, v61;
	v36 =	vshrl.u32 v10, $0x1A  }
0x123: {  	v37 =	vshll.u32 v10, $0x6;
	v38 =	vxor.u32 v18, v6;
	v39 =	vshrl.u32 v11, $0x1A  }
0x124: {  	v40 =	vshll.u32 v11, $0x6;
	v41 =	vshrl.u32 v33, $0x1A;
	v42 =	vshll.u32 v33, $0x6  }
0x125: {  	v10 =	vadd.s32 v4, v10;
	v2 =	vadd.s32 v2, v11;
	v8 =	vadd.s32 v8, v33  }
0x126: {  	v11 =	vadd.s32 v7, v35;
	v13 =	vadd.s32 $0x5, v13;
	v9 =	vxor.u32 v9, v5  }
0x127: {  	v49 =	vshrl.u32 v38, $0x1A;
	v50 =	vshll.u32 v38, $0x6;
	v15 =	vor.u32 v36, v37  }
0x128: {  	v51 =	vor.u32 v39, v40;
	v52 =	vor.u32 v41, v42;
	v56 =	vadd.s32 v6, v38  }
0x129: {  	v14 =	vxor.u32 v54, v11;
	v62 =	vadd.s32 $0x1BD11BF0, v8;
	v47 =	vshrl.u32 v9, $0x1A  }
0x12a: {  	v48 =	vshll.u32 v9, $0x6;
	v4 =	vor.u32 v49, v50;
	v7 =	vxor.u32 v15, v10  }
0x12b: {  	v9 =	vadd.s32 v5, v9;
	v5 =	vxor.u32 v51, v2;
	v6 =	vxor.u32 v52, v8  }
0x12c: {  	v10 =	vadd.s32 $0x1BD11BF0, v10;
	v2 =	vadd.s32 $0x1BD11BF0, v2;
	v8 =	vadd.s32 $0x1BD11BF0, v56  }
0x12d: {  	v55 =	vor.u32 v47, v48;
	v58 =	vxor.u32 v4, v56;
	v59 =	vadd.s32 $0x5, v7  }
0x12e: {  	v60 =	vadd.s32 $0x5, v5;
	v61 =	vadd.s32 $0x5, v6;
	v5 =	vadd.s32 $0x5, v14  }
0x12f: {  	s12 =	simm.s32 $0x40;
	v6 =	vadd.s32 $0x1BD11BF0, v11;
	v57 =	vxor.u32 v55, v9;
	v7 =	vadd.s32 $0x5, v58  }
0x130: {  	[tilespmem:s12+$0x30] =	vst v1;
	v1 =	vxor.u32 v10, v59;
	v9 =	vadd.s32 $0x1BD11BF0, v9;
	v3 =	vxor.u32 v2, v60  }
0x131: {  	s11 =	sshll.u32 s10, $0xD;
	s13 =	simm.s32 $0x100;
	s14 =	sadd.s32 $0x80, s9;
	v2 =	vxor.u32 v62, v61;
	v4 =	vadd.s32 $0x5, v57;
	[tilespmem:s12+$0xFFFFFFC0] =	vst v1;
	v1 =	vxor.u32 v63, v13  }
.LBB2_3:
0x132: {  	p0 =	sne.s32 s13, $0x1F80;
	s15 =	sadd.s32 $0xA80000, s14;
	s16 =	sadd.s32 $0xA80070, s14;
	[tilespmem:s12+$0xFFFFFFD0] =	vst v3;
	v5 =	vxor.u32 v6, v5;
	v6 =	vxor.u32 v9, v4;
	v7 =	vxor.u32 v8, v7  }
0x133: {  	s17 =	sadd.s32 $0xA80020, s14;
	v8 =	vmov s15;
	v3 =	vor.u32 s15, v0;
	s15 =	sadd.s32 $0xA80010, s14;
	v9 =	vadd.s32 s16, v0;
	[tilespmem:s12+$0xFFFFFFE0] =	vst v2  }
0x134: {  	s16 =	sadd.s32 $0xA80040, s14;
	v2 =	vadd.s32 s15, v0;
	s15 =	sadd.s32 $0xA80030, s14;
	v10 =	vshrl.u32 v9, $0x13;
	v11 =	vshll.u32 v9, $0xD;
	[tilespmem:s12+$0x0] =	vst v5  }
0x135: {  	v5 =	vadd.s32 s17, v0;
	v4 =	vadd.s32 s15, v0;
	s15 =	sadd.s32 $0xA80050, s14;
	s14 =	sadd.s32 $0xA80060, s14;
	v10 =	vor.u32 v10, v11;
	[tilespmem:s12+$0xFFFFFFF0] =	vst v1  }
0x136: {  	v11 =	vmov s16;
	v1 =	vor.u32 s16, v0;
	v10 =	vxor.u32 v9, v10;
	[tilespmem:s12+$0x10] =	vst v6  }
0x137: {  	v6 =	vadd.s32 s15, v0;
	v12 =	vshrl.u32 v10, $0x11;
	v13 =	vshll.u32 v10, $0xF;
	[tilespmem:s12+$0x20] =	vst v7  }
0x138: {  	v7 =	vadd.s32 s14, v0;
	v9 =	vadd.s32 v9, v10;
	v10 =	vor.u32 v12, v13  }
0x139: {  	v8 =	vshrl.u32 v8, $0x13;
	v12 =	vshll.u32 v3, $0xD;
	v10 =	vxor.u32 v10, v9  }
0x13a: {  	v13 =	vshrl.u32 v2, $0x13;
	v14 =	vshrl.u32 v10, $0x6;
	v15 =	vshll.u32 v10, $0x1A  }
0x13b: {  	v16 =	vshll.u32 v2, $0xD;
	v9 =	vadd.s32 v9, v10;
	v10 =	vor.u32 v14, v15  }
0x13c: {  	v14 =	vshrl.u32 v5, $0x13;
	v15 =	vshll.u32 v5, $0xD;
	v10 =	vxor.u32 v10, v9  }
0x13d: {  	v17 =	vshrl.u32 v4, $0x13;
	v18 =	vshrl.u32 v10, $0x1A;
	v19 =	vshll.u32 v10, $0x6  }
0x13e: {  	v20 =	vshll.u32 v4, $0xD;
	v9 =	vadd.s32 v9, v10;
	v10 =	vor.u32 v18, v19  }
0x13f: {  	v11 =	vshrl.u32 v11, $0x13;
	v18 =	vshll.u32 v1, $0xD;
	v10 =	vxor.u32 v10, v9  }
0x140: {  	v21 =	vshll.u32 v6, $0xD;
	v19 =	vshrl.u32 v6, $0x13;
	v10 =	vadd.s32 $0x1BD11BF1, v10  }
0x141: {  	v9 =	vadd.s32 v10, v9;
	v22 =	vshrl.u32 v10, $0xF;
	v10 =	vshll.u32 v10, $0x11  }
0x142: {  	v23 =	vshrl.u32 v7, $0x13;
	v9 =	vadd.s32 $0x2A, v9;
	v10 =	vor.u32 v22, v10  }
0x143: {  	v8 =	vor.u32 v8, v12;
	v12 =	vshll.u32 v7, $0xD;
	v10 =	vxor.u32 v10, v9  }
0x144: {  	v13 =	vor.u32 v13, v16;
	v16 =	vshrl.u32 v10, $0x3;
	v22 =	vshll.u32 v10, $0x1D  }
0x145: {  	v14 =	vor.u32 v14, v15;
	v9 =	vadd.s32 v9, v10;
	v10 =	vor.u32 v16, v22  }
0x146: {  	v15 =	vor.u32 v17, v20;
	v11 =	vor.u32 v11, v18;
	v10 =	vxor.u32 v10, v9  }
0x147: {  	v16 =	vor.u32 v19, v21;
	v17 =	vshrl.u32 v10, $0x10;
	v18 =	vshll.u32 v10, $0x10  }
0x148: {  	v12 =	vor.u32 v23, v12;
	v9 =	vadd.s32 v9, v10;
	v10 =	vor.u32 v17, v18  }
0x149: {  	v8 =	vxor.u32 v3, v8;
	v13 =	vxor.u32 v2, v13;
	v10 =	vxor.u32 v10, v9  }
0x14a: {  	v14 =	vxor.u32 v5, v14;
	v17 =	vshrl.u32 v10, $0x8;
	v18 =	vshll.u32 v10, $0x18  }
0x14b: {  	v15 =	vxor.u32 v4, v15;
	v9 =	vadd.s32 v9, v10;
	v10 =	vor.u32 v17, v18  }
0x14c: {  	v11 =	vxor.u32 v1, v11;
	v16 =	vxor.u32 v6, v16;
	v10 =	vxor.u32 v10, v9  }
0x14d: {  	v12 =	vxor.u32 v7, v12;
	v17 =	vshrl.u32 v8, $0x11;
	v10 =	vadd.s32 $0x2, v10  }
0x14e: {  	v9 =	vadd.s32 v10, v9;
	v18 =	vshrl.u32 v10, $0x13;
	v10 =	vshll.u32 v10, $0xD  }
0x14f: {  	v19 =	vshll.u32 v8, $0xF;
	v9 =	vadd.s32 $0x1BD11BF0, v9;
	v10 =	vor.u32 v18, v10  }
0x150: {  	v20 =	vshll.u32 v13, $0xF;
	v18 =	vshrl.u32 v13, $0x11;
	v10 =	vxor.u32 v10, v9  }
0x151: {  	v21 =	vshrl.u32 v14, $0x11;
	v22 =	vshrl.u32 v10, $0x11;
	v23 =	vshll.u32 v10, $0xF  }
0x152: {  	v24 =	vshll.u32 v14, $0xF;
	v9 =	vadd.s32 v9, v10;
	v10 =	vor.u32 v22, v23  }
0x153: {  	v22 =	vshrl.u32 v15, $0x11;
	v23 =	vshll.u32 v15, $0xF;
	v10 =	vxor.u32 v10, v9  }
0x154: {  	v25 =	vshrl.u32 v11, $0x11;
	v26 =	vshrl.u32 v10, $0x6;
	v27 =	vshll.u32 v10, $0x1A  }
0x155: {  	v28 =	vshll.u32 v11, $0xF;
	v9 =	vadd.s32 v9, v10;
	v10 =	vor.u32 v26, v27  }
0x156: {  	v26 =	vshrl.u32 v16, $0x11;
	v27 =	vshll.u32 v16, $0xF;
	v10 =	vxor.u32 v10, v9  }
0x157: {  	v29 =	vshrl.u32 v12, $0x11;
	v30 =	vshrl.u32 v10, $0x1A;
	v31 =	vshll.u32 v10, $0x6  }
0x158: {  	v32 =	vshll.u32 v12, $0xF;
	v9 =	vadd.s32 v9, v10;
	v10 =	vor.u32 v30, v31  }
0x159: {  	v17 =	vor.u32 v17, v19;
	v18 =	vor.u32 v18, v20;
	v10 =	vxor.u32 v10, v9  }
0x15a: {  	v19 =	vor.u32 v21, v24;
	v20 =	vor.u32 v22, v23;
	v10 =	vadd.s32 $0x2D, v10  }
0x15b: {  	v21 =	vor.u32 v25, v28;
	v22 =	vshrl.u32 v10, $0xF;
	v23 =	vshll.u32 v10, $0x11  }
0x15c: {  	v24 =	vor.u32 v26, v27;
	v9 =	vadd.s32 v9, v10;
	v10 =	vor.u32 v22, v23  }
0x15d: {  	v3 =	vadd.s32 v3, v8;
	v8 =	vor.u32 v29, v32;
	v10 =	vxor.u32 v10, v9  }
0x15e: {  	v2 =	vadd.s32 v2, v13;
	v13 =	vshrl.u32 v10, $0x3;
	v22 =	vshll.u32 v10, $0x1D  }
0x15f: {  	v5 =	vadd.s32 v5, v14;
	v9 =	vadd.s32 v9, v10;
	v10 =	vor.u32 v13, v22  }
0x160: {  	v4 =	vadd.s32 v4, v15;
	v1 =	vadd.s32 v1, v11;
	v10 =	vxor.u32 v10, v9  }
0x161: {  	v6 =	vadd.s32 v6, v16;
	v11 =	vshrl.u32 v10, $0x10;
	v13 =	vshll.u32 v10, $0x10  }
0x162: {  	v7 =	vadd.s32 v7, v12;
	v9 =	vadd.s32 v9, v10;
	v10 =	vor.u32 v11, v13  }
0x163: {  	v12 =	vxor.u32 v18, v2;
	v11 =	vxor.u32 v17, v3;
	v10 =	vxor.u32 v10, v9  }
0x164: {  	v13 =	vxor.u32 v19, v5;
	v14 =	vshrl.u32 v10, $0x8;
	v15 =	vshll.u32 v10, $0x18  }
0x165: {  	v16 =	vxor.u32 v20, v4;
	v9 =	vadd.s32 v9, v10;
	v10 =	vor.u32 v14, v15  }
0x166: {  	v14 =	vxor.u32 v21, v1;
	v15 =	vxor.u32 v24, v6;
	v10 =	vxor.u32 v10, v9  }
0x167: {  	v8 =	vxor.u32 v8, v7;
	v17 =	vshrl.u32 v11, $0x6;
	v10 =	vadd.s32 $0x1BD11BF4, v10  }
0x168: {  	v9 =	vadd.s32 v10, v9;
	v18 =	vshrl.u32 v10, $0x13;
	v10 =	vshll.u32 v10, $0xD  }
0x169: {  	v19 =	vshll.u32 v11, $0x1A;
	v9 =	vadd.s32 $0x2A, v9;
	v10 =	vor.u32 v18, v10  }
0x16a: {  	v20 =	vshll.u32 v12, $0x1A;
	v18 =	vshrl.u32 v12, $0x6;
	v10 =	vxor.u32 v10, v9  }
0x16b: {  	v21 =	vshrl.u32 v13, $0x6;
	v22 =	vshrl.u32 v10, $0x11;
	v23 =	vshll.u32 v10, $0xF  }
0x16c: {  	v24 =	vshll.u32 v13, $0x1A;
	v9 =	vadd.s32 v9, v10;
	v10 =	vor.u32 v22, v23  }
0x16d: {  	v22 =	vshrl.u32 v16, $0x6;
	v23 =	vshll.u32 v16, $0x1A;
	v10 =	vxor.u32 v10, v9  }
0x16e: {  	v25 =	vshrl.u32 v14, $0x6;
	v26 =	vshrl.u32 v10, $0x6;
	v27 =	vshll.u32 v10, $0x1A  }
0x16f: {  	v28 =	vshll.u32 v14, $0x1A;
	v9 =	vadd.s32 v9, v10;
	v10 =	vor.u32 v26, v27  }
0x170: {  	v26 =	vshrl.u32 v15, $0x6;
	v27 =	vshll.u32 v15, $0x1A;
	v10 =	vxor.u32 v10, v9  }
0x171: {  	v29 =	vshrl.u32 v8, $0x6;
	v30 =	vshrl.u32 v10, $0x1A;
	v31 =	vshll.u32 v10, $0x6  }
0x172: {  	v32 =	vshll.u32 v8, $0x1A;
	v9 =	vadd.s32 v9, v10;
	v10 =	vor.u32 v30, v31  }
0x173: {  	v17 =	vor.u32 v17, v19;
	v18 =	vor.u32 v18, v20;
	v10 =	vxor.u32 v10, v9  }
0x174: {  	v19 =	vor.u32 v21, v24;
	v9 =	vadd.s32 $0x1BD11BF0, v9;
	v10 =	vadd.s32 $0x5, v10  }
0x175: {  	s12 =	sadd.s32 $0x80, s12;
	v21 =	vor.u32 v25, v28;
	v20 =	vor.u32 v22, v23;
	v9 =	vxor.u32 v9, v10  }
0x176: {  	v3 =	vadd.s32 v3, v11;
	v11 =	vor.u32 v29, v32;
	v10 =	vor.u32 v26, v27;
	[tilespmem:s12+$0x30] =	vst v9  }
0x177: {  	v2 =	vadd.s32 v2, v12;
	v4 =	vadd.s32 v4, v16;
	v5 =	vadd.s32 v5, v13  }
0x178: {  	v7 =	vadd.s32 v7, v8;
	v1 =	vadd.s32 v1, v14;
	v6 =	vadd.s32 v6, v15  }
0x179: {  	v8 =	vxor.u32 v17, v3;
	v12 =	vxor.u32 v19, v5;
	v9 =	vxor.u32 v18, v2  }
0x17a: {  	v14 =	vxor.u32 v21, v1;
	v13 =	vxor.u32 v20, v4;
	v10 =	vxor.u32 v10, v6  }
0x17b: {  	v11 =	vxor.u32 v11, v7;
	v16 =	vshll.u32 v8, $0x6;
	v15 =	vshrl.u32 v8, $0x1A  }
0x17c: {  	v19 =	vshrl.u32 v12, $0x1A;
	v17 =	vshrl.u32 v9, $0x1A;
	v18 =	vshll.u32 v9, $0x6  }
0x17d: {  	v20 =	vshll.u32 v12, $0x6;
	v21 =	vshrl.u32 v13, $0x1A;
	v22 =	vshll.u32 v13, $0x6  }
0x17e: {  	v24 =	vshll.u32 v14, $0x6;
	v23 =	vshrl.u32 v14, $0x1A;
	v25 =	vshrl.u32 v10, $0x1A  }
0x17f: {  	v28 =	vshll.u32 v11, $0x6;
	v27 =	vshrl.u32 v11, $0x1A;
	v26 =	vshll.u32 v10, $0x6  }
0x180: {  	v15 =	vor.u32 v15, v16;
	v16 =	vor.u32 v17, v18;
	v17 =	vor.u32 v19, v20  }
0x181: {  	v18 =	vor.u32 v21, v22;
	v19 =	vor.u32 v23, v24;
	v20 =	vor.u32 v25, v26  }
0x182: {  	v3 =	vadd.s32 v3, v8;
	v8 =	vor.u32 v27, v28;
	v2 =	vadd.s32 v2, v9  }
0x183: {  	v1 =	vadd.s32 v1, v14;
	v5 =	vadd.s32 v5, v12;
	v4 =	vadd.s32 v4, v13  }
0x184: {  	v7 =	vadd.s32 v7, v11;
	v9 =	vxor.u32 v15, v3;
	v6 =	vadd.s32 v6, v10  }
0x185: {  	v10 =	vxor.u32 v16, v2;
	v11 =	vxor.u32 v17, v5;
	v12 =	vxor.u32 v18, v4  }
0x186: {  	v8 =	vxor.u32 v8, v7;
	v13 =	vxor.u32 v19, v1;
	v14 =	vxor.u32 v20, v6  }
0x187: {  	v9 =	vadd.s32 $0x1BD11BF1, v9;
	v10 =	vadd.s32 $0x1BD11BF1, v10;
	v11 =	vadd.s32 $0x1BD11BF1, v11  }
0x188: {  	v12 =	vadd.s32 $0x1BD11BF1, v12;
	v13 =	vadd.s32 $0x1BD11BF1, v13;
	v14 =	vadd.s32 $0x1BD11BF1, v14  }
0x189: {  	v8 =	vadd.s32 $0x1BD11BF1, v8;
	v3 =	vadd.s32 v9, v3;
	v15 =	vshrl.u32 v9, $0xF  }
0x18a: {  	v9 =	vshll.u32 v9, $0x11;
	v2 =	vadd.s32 v10, v2;
	v16 =	vshrl.u32 v10, $0xF  }
0x18b: {  	v10 =	vshll.u32 v10, $0x11;
	v5 =	vadd.s32 v11, v5;
	v17 =	vshrl.u32 v11, $0xF  }
0x18c: {  	v11 =	vshll.u32 v11, $0x11;
	v4 =	vadd.s32 v12, v4;
	v18 =	vshrl.u32 v12, $0xF  }
0x18d: {  	v12 =	vshll.u32 v12, $0x11;
	v1 =	vadd.s32 v13, v1;
	v19 =	vshrl.u32 v13, $0xF  }
0x18e: {  	v13 =	vshll.u32 v13, $0x11;
	v6 =	vadd.s32 v14, v6;
	v20 =	vshrl.u32 v14, $0xF  }
0x18f: {  	v7 =	vadd.s32 v8, v7;
	v21 =	vshrl.u32 v8, $0xF;
	v14 =	vshll.u32 v14, $0x11  }
0x190: {  	v8 =	vshll.u32 v8, $0x11;
	v3 =	vadd.s32 $0x2A, v3;
	v9 =	vor.u32 v15, v9  }
0x191: {  	v2 =	vadd.s32 $0x2A, v2;
	v10 =	vor.u32 v16, v10;
	v5 =	vadd.s32 $0x2A, v5  }
0x192: {  	v11 =	vor.u32 v17, v11;
	v4 =	vadd.s32 $0x2A, v4;
	v12 =	vor.u32 v18, v12  }
0x193: {  	v1 =	vadd.s32 $0x2A, v1;
	v13 =	vor.u32 v19, v13;
	v6 =	vadd.s32 $0x2A, v6  }
0x194: {  	v7 =	vadd.s32 $0x2A, v7;
	v8 =	vor.u32 v21, v8;
	v14 =	vor.u32 v20, v14  }
0x195: {  	v9 =	vxor.u32 v9, v3;
	v10 =	vxor.u32 v10, v2;
	v11 =	vxor.u32 v11, v5  }
0x196: {  	v12 =	vxor.u32 v12, v4;
	v13 =	vxor.u32 v13, v1;
	v14 =	vxor.u32 v14, v6  }
0x197: {  	v8 =	vxor.u32 v8, v7;
	v15 =	vshrl.u32 v9, $0x3;
	v16 =	vshll.u32 v9, $0x1D  }
0x198: {  	v17 =	vshrl.u32 v10, $0x3;
	v18 =	vshll.u32 v10, $0x1D;
	v19 =	vshrl.u32 v11, $0x3  }
0x199: {  	v20 =	vshll.u32 v11, $0x1D;
	v21 =	vshrl.u32 v12, $0x3;
	v22 =	vshll.u32 v12, $0x1D  }
0x19a: {  	v23 =	vshrl.u32 v13, $0x3;
	v24 =	vshll.u32 v13, $0x1D;
	v25 =	vshrl.u32 v14, $0x3  }
0x19b: {  	v27 =	vshrl.u32 v8, $0x3;
	v28 =	vshll.u32 v8, $0x1D;
	v26 =	vshll.u32 v14, $0x1D  }
0x19c: {  	v15 =	vor.u32 v15, v16;
	v16 =	vor.u32 v17, v18;
	v17 =	vor.u32 v19, v20  }
0x19d: {  	v18 =	vor.u32 v21, v22;
	v19 =	vor.u32 v23, v24;
	v20 =	vor.u32 v25, v26  }
0x19e: {  	v3 =	vadd.s32 v3, v9;
	v9 =	vor.u32 v27, v28;
	v2 =	vadd.s32 v2, v10  }
0x19f: {  	v5 =	vadd.s32 v5, v11;
	v4 =	vadd.s32 v4, v12;
	v1 =	vadd.s32 v1, v13  }
0x1a0: {  	v7 =	vadd.s32 v7, v8;
	v10 =	vxor.u32 v15, v3;
	v6 =	vadd.s32 v6, v14  }
0x1a1: {  	v8 =	vxor.u32 v16, v2;
	v11 =	vxor.u32 v17, v5;
	v12 =	vxor.u32 v18, v4  }
0x1a2: {  	v9 =	vxor.u32 v9, v7;
	v13 =	vxor.u32 v19, v1;
	v14 =	vxor.u32 v20, v6  }
0x1a3: {  	v15 =	vshrl.u32 v10, $0x10;
	v16 =	vshll.u32 v10, $0x10;
	v17 =	vshrl.u32 v8, $0x10  }
0x1a4: {  	v18 =	vshll.u32 v8, $0x10;
	v19 =	vshrl.u32 v11, $0x10;
	v20 =	vshll.u32 v11, $0x10  }
0x1a5: {  	v21 =	vshrl.u32 v12, $0x10;
	v22 =	vshll.u32 v12, $0x10;
	v23 =	vshrl.u32 v13, $0x10  }
0x1a6: {  	v24 =	vshll.u32 v13, $0x10;
	v25 =	vshrl.u32 v14, $0x10;
	v26 =	vshll.u32 v14, $0x10  }
0x1a7: {  	v27 =	vshll.u32 v9, $0x10;
	v15 =	vor.u32 v15, v16;
	v16 =	vshrl.u32 v9, $0x10  }
0x1a8: {  	v17 =	vor.u32 v17, v18;
	v18 =	vor.u32 v19, v20;
	v19 =	vor.u32 v21, v22  }
0x1a9: {  	v20 =	vor.u32 v23, v24;
	v21 =	vor.u32 v25, v26;
	v16 =	vor.u32 v16, v27  }
0x1aa: {  	v3 =	vadd.s32 v3, v10;
	v2 =	vadd.s32 v2, v8;
	v5 =	vadd.s32 v5, v11  }
0x1ab: {  	v4 =	vadd.s32 v4, v12;
	v1 =	vadd.s32 v1, v13;
	v6 =	vadd.s32 v6, v14  }
0x1ac: {  	v7 =	vadd.s32 v7, v9;
	v8 =	vxor.u32 v15, v3;
	v10 =	vxor.u32 v17, v2  }
0x1ad: {  	v9 =	vxor.u32 v18, v5;
	v11 =	vxor.u32 v19, v4;
	v12 =	vxor.u32 v20, v1  }
0x1ae: {  	v13 =	vshrl.u32 v8, $0x8;
	v14 =	vxor.u32 v21, v6;
	v15 =	vxor.u32 v16, v7  }
0x1af: {  	v16 =	vshll.u32 v8, $0x18;
	v17 =	vshrl.u32 v10, $0x8;
	v18 =	vshll.u32 v10, $0x18  }
0x1b0: {  	v19 =	vshrl.u32 v9, $0x8;
	v20 =	vshll.u32 v9, $0x18;
	v21 =	vshrl.u32 v11, $0x8  }
0x1b1: {  	v22 =	vshll.u32 v11, $0x18;
	v23 =	vshrl.u32 v12, $0x8;
	v24 =	vshll.u32 v12, $0x18  }
0x1b2: {  	v25 =	vshrl.u32 v14, $0x8;
	v26 =	vshll.u32 v14, $0x18;
	v27 =	vshrl.u32 v15, $0x8  }
0x1b3: {  	v13 =	vor.u32 v13, v16;
	v16 =	vor.u32 v17, v18;
	v17 =	vshll.u32 v15, $0x18  }
0x1b4: {  	v18 =	vor.u32 v19, v20;
	v19 =	vor.u32 v21, v22;
	v20 =	vor.u32 v23, v24  }
0x1b5: {  	v3 =	vadd.s32 v3, v8;
	v8 =	vor.u32 v25, v26;
	v17 =	vor.u32 v27, v17  }
0x1b6: {  	v2 =	vadd.s32 v2, v10;
	v5 =	vadd.s32 v5, v9;
	v4 =	vadd.s32 v4, v11  }
0x1b7: {  	v1 =	vadd.s32 v1, v12;
	v6 =	vadd.s32 v6, v14;
	v7 =	vadd.s32 v7, v15  }
0x1b8: {  	v9 =	vxor.u32 v13, v3;
	v10 =	vxor.u32 v16, v2;
	v11 =	vxor.u32 v18, v5  }
0x1b9: {  	v12 =	vxor.u32 v19, v4;
	v13 =	vxor.u32 v20, v1;
	v8 =	vxor.u32 v8, v6  }
0x1ba: {  	v9 =	vadd.s32 $0x2, v9;
	v10 =	vadd.s32 $0x2, v10;
	v14 =	vxor.u32 v17, v7  }
0x1bb: {  	v11 =	vadd.s32 $0x2, v11;
	v12 =	vadd.s32 $0x2, v12;
	v13 =	vadd.s32 $0x2, v13  }
0x1bc: {  	v3 =	vadd.s32 v9, v3;
	v8 =	vadd.s32 $0x2, v8;
	v14 =	vadd.s32 $0x2, v14  }
0x1bd: {  	v15 =	vshrl.u32 v9, $0x13;
	v9 =	vshll.u32 v9, $0xD;
	v2 =	vadd.s32 v10, v2  }
0x1be: {  	v16 =	vshrl.u32 v10, $0x13;
	v10 =	vshll.u32 v10, $0xD;
	v5 =	vadd.s32 v11, v5  }
0x1bf: {  	v17 =	vshrl.u32 v11, $0x13;
	v11 =	vshll.u32 v11, $0xD;
	v4 =	vadd.s32 v12, v4  }
0x1c0: {  	v18 =	vshrl.u32 v12, $0x13;
	v12 =	vshll.u32 v12, $0xD;
	v1 =	vadd.s32 v13, v1  }
0x1c1: {  	v19 =	vshrl.u32 v13, $0x13;
	v13 =	vshll.u32 v13, $0xD;
	v6 =	vadd.s32 v8, v6  }
0x1c2: {  	v20 =	vshrl.u32 v8, $0x13;
	v8 =	vshll.u32 v8, $0xD;
	v7 =	vadd.s32 v14, v7  }
0x1c3: {  	v3 =	vadd.s32 $0x1BD11BF0, v3;
	v21 =	vshrl.u32 v14, $0x13;
	v14 =	vshll.u32 v14, $0xD  }
0x1c4: {  	v9 =	vor.u32 v15, v9;
	v2 =	vadd.s32 $0x1BD11BF0, v2;
	v10 =	vor.u32 v16, v10  }
0x1c5: {  	v5 =	vadd.s32 $0x1BD11BF0, v5;
	v11 =	vor.u32 v17, v11;
	v4 =	vadd.s32 $0x1BD11BF0, v4  }
0x1c6: {  	v12 =	vor.u32 v18, v12;
	v1 =	vadd.s32 $0x1BD11BF0, v1;
	v13 =	vor.u32 v19, v13  }
0x1c7: {  	v6 =	vadd.s32 $0x1BD11BF0, v6;
	v8 =	vor.u32 v20, v8;
	v7 =	vadd.s32 $0x1BD11BF0, v7  }
0x1c8: {  	v9 =	vxor.u32 v9, v3;
	v10 =	vxor.u32 v10, v2;
	v14 =	vor.u32 v21, v14  }
0x1c9: {  	v11 =	vxor.u32 v11, v5;
	v12 =	vxor.u32 v12, v4;
	v13 =	vxor.u32 v13, v1  }
0x1ca: {  	v15 =	vshrl.u32 v9, $0x11;
	v8 =	vxor.u32 v8, v6;
	v14 =	vxor.u32 v14, v7  }
0x1cb: {  	v16 =	vshll.u32 v9, $0xF;
	v17 =	vshrl.u32 v10, $0x11;
	v18 =	vshll.u32 v10, $0xF  }
0x1cc: {  	v19 =	vshrl.u32 v11, $0x11;
	v20 =	vshll.u32 v11, $0xF;
	v21 =	vshrl.u32 v12, $0x11  }
0x1cd: {  	v22 =	vshll.u32 v12, $0xF;
	v23 =	vshrl.u32 v13, $0x11;
	v24 =	vshll.u32 v13, $0xF  }
0x1ce: {  	v25 =	vshrl.u32 v8, $0x11;
	v26 =	vshll.u32 v8, $0xF;
	v27 =	vshrl.u32 v14, $0x11  }
0x1cf: {  	v15 =	vor.u32 v15, v16;
	v16 =	vor.u32 v17, v18;
	v17 =	vshll.u32 v14, $0xF  }
0x1d0: {  	v18 =	vor.u32 v19, v20;
	v19 =	vor.u32 v21, v22;
	v20 =	vor.u32 v23, v24  }
0x1d1: {  	v3 =	vadd.s32 v3, v9;
	v9 =	vor.u32 v25, v26;
	v17 =	vor.u32 v27, v17  }
0x1d2: {  	v2 =	vadd.s32 v2, v10;
	v5 =	vadd.s32 v5, v11;
	v4 =	vadd.s32 v4, v12  }
0x1d3: {  	v1 =	vadd.s32 v1, v13;
	v6 =	vadd.s32 v6, v8;
	v7 =	vadd.s32 v7, v14  }
0x1d4: {  	v8 =	vxor.u32 v15, v3;
	v10 =	vxor.u32 v16, v2;
	v11 =	vxor.u32 v18, v5  }
0x1d5: {  	v12 =	vxor.u32 v19, v4;
	v13 =	vxor.u32 v20, v1;
	v9 =	vxor.u32 v9, v6  }
0x1d6: {  	v14 =	vshrl.u32 v8, $0x6;
	v15 =	vshll.u32 v8, $0x1A;
	v16 =	vxor.u32 v17, v7  }
0x1d7: {  	v17 =	vshrl.u32 v10, $0x6;
	v18 =	vshll.u32 v10, $0x1A;
	v19 =	vshrl.u32 v11, $0x6  }
0x1d8: {  	v20 =	vshll.u32 v11, $0x1A;
	v21 =	vshrl.u32 v12, $0x6;
	v22 =	vshll.u32 v12, $0x1A  }
0x1d9: {  	v23 =	vshrl.u32 v13, $0x6;
	v24 =	vshll.u32 v13, $0x1A;
	v25 =	vshrl.u32 v9, $0x6  }
0x1da: {  	v26 =	vshll.u32 v9, $0x1A;
	v27 =	vshrl.u32 v16, $0x6;
	v28 =	vshll.u32 v16, $0x1A  }
0x1db: {  	v14 =	vor.u32 v14, v15;
	v15 =	vor.u32 v17, v18;
	v17 =	vor.u32 v19, v20  }
0x1dc: {  	v18 =	vor.u32 v21, v22;
	v19 =	vor.u32 v23, v24;
	v20 =	vor.u32 v25, v26  }
0x1dd: {  	v3 =	vadd.s32 v3, v8;
	v2 =	vadd.s32 v2, v10;
	v8 =	vor.u32 v27, v28  }
0x1de: {  	v5 =	vadd.s32 v5, v11;
	v4 =	vadd.s32 v4, v12;
	v1 =	vadd.s32 v1, v13  }
0x1df: {  	v6 =	vadd.s32 v6, v9;
	v10 =	vxor.u32 v14, v3;
	v7 =	vadd.s32 v7, v16  }
0x1e0: {  	v9 =	vxor.u32 v15, v2;
	v11 =	vxor.u32 v17, v5;
	v12 =	vxor.u32 v18, v4  }
0x1e1: {  	v13 =	vxor.u32 v19, v1;
	v14 =	vxor.u32 v20, v6;
	v8 =	vxor.u32 v8, v7  }
0x1e2: {  	v15 =	vshrl.u32 v10, $0x1A;
	v16 =	vshll.u32 v10, $0x6;
	v17 =	vshrl.u32 v9, $0x1A  }
0x1e3: {  	v18 =	vshll.u32 v9, $0x6;
	v19 =	vshrl.u32 v11, $0x1A;
	v20 =	vshll.u32 v11, $0x6  }
0x1e4: {  	v21 =	vshrl.u32 v12, $0x1A;
	v22 =	vshll.u32 v12, $0x6;
	v23 =	vshrl.u32 v13, $0x1A  }
0x1e5: {  	v24 =	vshll.u32 v13, $0x6;
	v25 =	vshrl.u32 v14, $0x1A;
	v26 =	vshll.u32 v14, $0x6  }
0x1e6: {  	v15 =	vor.u32 v15, v16;
	v16 =	vshrl.u32 v8, $0x1A;
	v27 =	vshll.u32 v8, $0x6  }
0x1e7: {  	v17 =	vor.u32 v17, v18;
	v18 =	vor.u32 v19, v20;
	v19 =	vor.u32 v21, v22  }
0x1e8: {  	v20 =	vor.u32 v23, v24;
	v21 =	vor.u32 v25, v26;
	v16 =	vor.u32 v16, v27  }
0x1e9: {  	v3 =	vadd.s32 v3, v10;
	v2 =	vadd.s32 v2, v9;
	v5 =	vadd.s32 v5, v11  }
0x1ea: {  	v4 =	vadd.s32 v4, v12;
	v1 =	vadd.s32 v1, v13;
	v6 =	vadd.s32 v6, v14  }
0x1eb: {  	v9 =	vxor.u32 v15, v3;
	v7 =	vadd.s32 v7, v8;
	v10 =	vxor.u32 v17, v2  }
0x1ec: {  	v8 =	vxor.u32 v18, v5;
	v11 =	vxor.u32 v19, v4;
	v12 =	vxor.u32 v20, v1  }
0x1ed: {  	v9 =	vadd.s32 $0x2D, v9;
	v13 =	vxor.u32 v21, v6;
	v14 =	vxor.u32 v16, v7  }
0x1ee: {  	v10 =	vadd.s32 $0x2D, v10;
	v8 =	vadd.s32 $0x2D, v8;
	v11 =	vadd.s32 $0x2D, v11  }
0x1ef: {  	v12 =	vadd.s32 $0x2D, v12;
	v13 =	vadd.s32 $0x2D, v13;
	v14 =	vadd.s32 $0x2D, v14  }
0x1f0: {  	v15 =	vshrl.u32 v9, $0xF;
	v16 =	vshll.u32 v9, $0x11;
	v17 =	vshrl.u32 v10, $0xF  }
0x1f1: {  	v18 =	vshll.u32 v10, $0x11;
	v19 =	vshrl.u32 v8, $0xF;
	v20 =	vshll.u32 v8, $0x11  }
0x1f2: {  	v21 =	vshrl.u32 v11, $0xF;
	v22 =	vshll.u32 v11, $0x11;
	v23 =	vshrl.u32 v12, $0xF  }
0x1f3: {  	v24 =	vshll.u32 v12, $0x11;
	v25 =	vshrl.u32 v13, $0xF;
	v26 =	vshll.u32 v13, $0x11  }
0x1f4: {  	v15 =	vor.u32 v15, v16;
	v16 =	vshrl.u32 v14, $0xF;
	v27 =	vshll.u32 v14, $0x11  }
0x1f5: {  	v17 =	vor.u32 v17, v18;
	v18 =	vor.u32 v19, v20;
	v19 =	vor.u32 v21, v22  }
0x1f6: {  	v20 =	vor.u32 v23, v24;
	v21 =	vor.u32 v25, v26;
	v16 =	vor.u32 v16, v27  }
0x1f7: {  	v3 =	vadd.s32 v3, v9;
	v2 =	vadd.s32 v2, v10;
	v5 =	vadd.s32 v5, v8  }
0x1f8: {  	v4 =	vadd.s32 v4, v11;
	v1 =	vadd.s32 v1, v12;
	v6 =	vadd.s32 v6, v13  }
0x1f9: {  	v8 =	vxor.u32 v15, v3;
	v7 =	vadd.s32 v7, v14;
	v9 =	vxor.u32 v17, v2  }
0x1fa: {  	v10 =	vxor.u32 v18, v5;
	v11 =	vxor.u32 v19, v4;
	v12 =	vxor.u32 v20, v1  }
0x1fb: {  	v13 =	vshrl.u32 v8, $0x3;
	v14 =	vxor.u32 v21, v6;
	v15 =	vxor.u32 v16, v7  }
0x1fc: {  	v16 =	vshll.u32 v8, $0x1D;
	v17 =	vshrl.u32 v9, $0x3;
	v18 =	vshll.u32 v9, $0x1D  }
0x1fd: {  	v19 =	vshrl.u32 v10, $0x3;
	v20 =	vshll.u32 v10, $0x1D;
	v21 =	vshrl.u32 v11, $0x3  }
0x1fe: {  	v22 =	vshll.u32 v11, $0x1D;
	v23 =	vshrl.u32 v12, $0x3;
	v24 =	vshll.u32 v12, $0x1D  }
0x1ff: {  	v25 =	vshrl.u32 v14, $0x3;
	v26 =	vshll.u32 v14, $0x1D;
	v27 =	vshrl.u32 v15, $0x3  }
0x200: {  	v13 =	vor.u32 v13, v16;
	v16 =	vor.u32 v17, v18;
	v17 =	vshll.u32 v15, $0x1D  }
0x201: {  	v18 =	vor.u32 v19, v20;
	v19 =	vor.u32 v21, v22;
	v20 =	vor.u32 v23, v24  }
0x202: {  	v3 =	vadd.s32 v3, v8;
	v8 =	vor.u32 v25, v26;
	v17 =	vor.u32 v27, v17  }
0x203: {  	v2 =	vadd.s32 v2, v9;
	v5 =	vadd.s32 v5, v10;
	v4 =	vadd.s32 v4, v11  }
0x204: {  	v1 =	vadd.s32 v1, v12;
	v6 =	vadd.s32 v6, v14;
	v7 =	vadd.s32 v7, v15  }
0x205: {  	v9 =	vxor.u32 v13, v3;
	v10 =	vxor.u32 v16, v2;
	v11 =	vxor.u32 v18, v5  }
0x206: {  	v12 =	vxor.u32 v19, v4;
	v13 =	vxor.u32 v20, v1;
	v8 =	vxor.u32 v8, v6  }
0x207: {  	v14 =	vshrl.u32 v9, $0x10;
	v15 =	vshll.u32 v9, $0x10;
	v16 =	vxor.u32 v17, v7  }
0x208: {  	v17 =	vshrl.u32 v10, $0x10;
	v18 =	vshll.u32 v10, $0x10;
	v19 =	vshrl.u32 v11, $0x10  }
0x209: {  	v20 =	vshll.u32 v11, $0x10;
	v21 =	vshrl.u32 v12, $0x10;
	v22 =	vshll.u32 v12, $0x10  }
0x20a: {  	v23 =	vshrl.u32 v13, $0x10;
	v24 =	vshll.u32 v13, $0x10;
	v25 =	vshrl.u32 v8, $0x10  }
0x20b: {  	v26 =	vshll.u32 v8, $0x10;
	v27 =	vshrl.u32 v16, $0x10;
	v28 =	vshll.u32 v16, $0x10  }
0x20c: {  	v14 =	vor.u32 v14, v15;
	v15 =	vor.u32 v17, v18;
	v17 =	vor.u32 v19, v20  }
0x20d: {  	v18 =	vor.u32 v21, v22;
	v19 =	vor.u32 v23, v24;
	v20 =	vor.u32 v25, v26  }
0x20e: {  	v3 =	vadd.s32 v3, v9;
	v2 =	vadd.s32 v2, v10;
	v9 =	vor.u32 v27, v28  }
0x20f: {  	v5 =	vadd.s32 v5, v11;
	v4 =	vadd.s32 v4, v12;
	v1 =	vadd.s32 v1, v13  }
0x210: {  	v6 =	vadd.s32 v6, v8;
	v7 =	vadd.s32 v7, v16;
	v10 =	vxor.u32 v14, v3  }
0x211: {  	v8 =	vxor.u32 v15, v2;
	v11 =	vxor.u32 v17, v5;
	v12 =	vxor.u32 v18, v4  }
0x212: {  	v13 =	vxor.u32 v19, v1;
	v14 =	vxor.u32 v20, v6;
	v9 =	vxor.u32 v9, v7  }
0x213: {  	v15 =	vshrl.u32 v10, $0x8;
	v16 =	vshll.u32 v10, $0x18;
	v17 =	vshrl.u32 v8, $0x8  }
0x214: {  	v18 =	vshll.u32 v8, $0x18;
	v19 =	vshrl.u32 v11, $0x8;
	v20 =	vshll.u32 v11, $0x18  }
0x215: {  	v21 =	vshrl.u32 v12, $0x8;
	v22 =	vshll.u32 v12, $0x18;
	v23 =	vshrl.u32 v13, $0x8  }
0x216: {  	v24 =	vshll.u32 v13, $0x18;
	v25 =	vshrl.u32 v14, $0x8;
	v26 =	vshll.u32 v14, $0x18  }
0x217: {  	v15 =	vor.u32 v15, v16;
	v16 =	vshrl.u32 v9, $0x8;
	v27 =	vshll.u32 v9, $0x18  }
0x218: {  	v17 =	vor.u32 v17, v18;
	v18 =	vor.u32 v19, v20;
	v19 =	vor.u32 v21, v22  }
0x219: {  	v20 =	vor.u32 v23, v24;
	v21 =	vor.u32 v25, v26;
	v16 =	vor.u32 v16, v27  }
0x21a: {  	v3 =	vadd.s32 v3, v10;
	v2 =	vadd.s32 v2, v8;
	v5 =	vadd.s32 v5, v11  }
0x21b: {  	v4 =	vadd.s32 v4, v12;
	v1 =	vadd.s32 v1, v13;
	v6 =	vadd.s32 v6, v14  }
0x21c: {  	v7 =	vadd.s32 v7, v9;
	v8 =	vxor.u32 v15, v3;
	v10 =	vxor.u32 v17, v2  }
0x21d: {  	v9 =	vxor.u32 v18, v5;
	v11 =	vxor.u32 v19, v4;
	v12 =	vxor.u32 v20, v1  }
0x21e: {  	v13 =	vxor.u32 v21, v6;
	v8 =	vadd.s32 $0x1BD11BF4, v8;
	v14 =	vxor.u32 v16, v7  }
0x21f: {  	v10 =	vadd.s32 $0x1BD11BF4, v10;
	v9 =	vadd.s32 $0x1BD11BF4, v9;
	v11 =	vadd.s32 $0x1BD11BF4, v11  }
0x220: {  	v12 =	vadd.s32 $0x1BD11BF4, v12;
	v13 =	vadd.s32 $0x1BD11BF4, v13;
	v14 =	vadd.s32 $0x1BD11BF4, v14  }
0x221: {  	v3 =	vadd.s32 v8, v3;
	v15 =	vshrl.u32 v8, $0x13;
	v8 =	vshll.u32 v8, $0xD  }
0x222: {  	v2 =	vadd.s32 v10, v2;
	v16 =	vshrl.u32 v10, $0x13;
	v10 =	vshll.u32 v10, $0xD  }
0x223: {  	v5 =	vadd.s32 v9, v5;
	v17 =	vshrl.u32 v9, $0x13;
	v9 =	vshll.u32 v9, $0xD  }
0x224: {  	v4 =	vadd.s32 v11, v4;
	v18 =	vshrl.u32 v11, $0x13;
	v11 =	vshll.u32 v11, $0xD  }
0x225: {  	v1 =	vadd.s32 v12, v1;
	v19 =	vshrl.u32 v12, $0x13;
	v12 =	vshll.u32 v12, $0xD  }
0x226: {  	v6 =	vadd.s32 v13, v6;
	v20 =	vshrl.u32 v13, $0x13;
	v13 =	vshll.u32 v13, $0xD  }
0x227: {  	v7 =	vadd.s32 v14, v7;
	v21 =	vshrl.u32 v14, $0x13;
	v14 =	vshll.u32 v14, $0xD  }
0x228: {  	v3 =	vadd.s32 $0x2A, v3;
	v8 =	vor.u32 v15, v8;
	v2 =	vadd.s32 $0x2A, v2  }
0x229: {  	v10 =	vor.u32 v16, v10;
	v5 =	vadd.s32 $0x2A, v5;
	v9 =	vor.u32 v17, v9  }
0x22a: {  	v4 =	vadd.s32 $0x2A, v4;
	v11 =	vor.u32 v18, v11;
	v1 =	vadd.s32 $0x2A, v1  }
0x22b: {  	v12 =	vor.u32 v19, v12;
	v6 =	vadd.s32 $0x2A, v6;
	v13 =	vor.u32 v20, v13  }
0x22c: {  	v8 =	vxor.u32 v8, v3;
	v7 =	vadd.s32 $0x2A, v7;
	v14 =	vor.u32 v21, v14  }
0x22d: {  	v10 =	vxor.u32 v10, v2;
	v9 =	vxor.u32 v9, v5;
	v11 =	vxor.u32 v11, v4  }
0x22e: {  	v12 =	vxor.u32 v12, v1;
	v13 =	vxor.u32 v13, v6;
	v14 =	vxor.u32 v14, v7  }
0x22f: {  	v15 =	vshrl.u32 v8, $0x11;
	v16 =	vshll.u32 v8, $0xF;
	v17 =	vshrl.u32 v10, $0x11  }
0x230: {  	v18 =	vshll.u32 v10, $0xF;
	v19 =	vshrl.u32 v9, $0x11;
	v20 =	vshll.u32 v9, $0xF  }
0x231: {  	v21 =	vshrl.u32 v11, $0x11;
	v22 =	vshll.u32 v11, $0xF;
	v23 =	vshrl.u32 v12, $0x11  }
0x232: {  	v24 =	vshll.u32 v12, $0xF;
	v25 =	vshrl.u32 v13, $0x11;
	v26 =	vshll.u32 v13, $0xF  }
0x233: {  	v15 =	vor.u32 v15, v16;
	v16 =	vshrl.u32 v14, $0x11;
	v27 =	vshll.u32 v14, $0xF  }
0x234: {  	v17 =	vor.u32 v17, v18;
	v18 =	vor.u32 v19, v20;
	v19 =	vor.u32 v21, v22  }
0x235: {  	v20 =	vor.u32 v23, v24;
	v21 =	vor.u32 v25, v26;
	v16 =	vor.u32 v16, v27  }
0x236: {  	v3 =	vadd.s32 v3, v8;
	v2 =	vadd.s32 v2, v10;
	v5 =	vadd.s32 v5, v9  }
0x237: {  	v4 =	vadd.s32 v4, v11;
	v1 =	vadd.s32 v1, v12;
	v6 =	vadd.s32 v6, v13  }
0x238: {  	v7 =	vadd.s32 v7, v14;
	v8 =	vxor.u32 v15, v3;
	v9 =	vxor.u32 v17, v2  }
0x239: {  	v10 =	vxor.u32 v18, v5;
	v11 =	vxor.u32 v19, v4;
	v12 =	vxor.u32 v20, v1  }
0x23a: {  	v14 =	vxor.u32 v21, v6;
	v13 =	vshrl.u32 v8, $0x6;
	v15 =	vxor.u32 v16, v7  }
0x23b: {  	v16 =	vshll.u32 v8, $0x1A;
	v17 =	vshrl.u32 v9, $0x6;
	v18 =	vshll.u32 v9, $0x1A  }
0x23c: {  	v19 =	vshrl.u32 v10, $0x6;
	v20 =	vshll.u32 v10, $0x1A;
	v21 =	vshrl.u32 v11, $0x6  }
0x23d: {  	v22 =	vshll.u32 v11, $0x1A;
	v23 =	vshrl.u32 v12, $0x6;
	v24 =	vshll.u32 v12, $0x1A  }
0x23e: {  	v25 =	vshrl.u32 v14, $0x6;
	v26 =	vshll.u32 v14, $0x1A;
	v27 =	vshrl.u32 v15, $0x6  }
0x23f: {  	v13 =	vor.u32 v13, v16;
	v16 =	vor.u32 v17, v18;
	v17 =	vshll.u32 v15, $0x1A  }
0x240: {  	v18 =	vor.u32 v19, v20;
	v19 =	vor.u32 v21, v22;
	v20 =	vor.u32 v23, v24  }
0x241: {  	v3 =	vadd.s32 v3, v8;
	v8 =	vor.u32 v25, v26;
	v17 =	vor.u32 v27, v17  }
0x242: {  	v2 =	vadd.s32 v2, v9;
	v5 =	vadd.s32 v5, v10;
	v4 =	vadd.s32 v4, v11  }
0x243: {  	v1 =	vadd.s32 v1, v12;
	v6 =	vadd.s32 v6, v14;
	v7 =	vadd.s32 v7, v15  }
0x244: {  	v9 =	vxor.u32 v13, v3;
	v10 =	vxor.u32 v16, v2;
	v11 =	vxor.u32 v18, v5  }
0x245: {  	v12 =	vxor.u32 v19, v4;
	v13 =	vxor.u32 v20, v1;
	v8 =	vxor.u32 v8, v6  }
0x246: {  	v14 =	vshrl.u32 v9, $0x1A;
	v15 =	vshll.u32 v9, $0x6;
	v16 =	vxor.u32 v17, v7  }
0x247: {  	v17 =	vshrl.u32 v10, $0x1A;
	v18 =	vshll.u32 v10, $0x6;
	v19 =	vshrl.u32 v11, $0x1A  }
0x248: {  	v20 =	vshll.u32 v11, $0x6;
	v21 =	vshrl.u32 v12, $0x1A;
	v22 =	vshll.u32 v12, $0x6  }
0x249: {  	v23 =	vshrl.u32 v13, $0x1A;
	v24 =	vshll.u32 v13, $0x6;
	v25 =	vshrl.u32 v8, $0x1A  }
0x24a: {  	v26 =	vshll.u32 v8, $0x6;
	v27 =	vshrl.u32 v16, $0x1A;
	v28 =	vshll.u32 v16, $0x6  }
0x24b: {  	v14 =	vor.u32 v14, v15;
	v15 =	vor.u32 v17, v18;
	v17 =	vor.u32 v19, v20  }
0x24c: {  	v18 =	vor.u32 v21, v22;
	v19 =	vor.u32 v23, v24;
	v20 =	vor.u32 v25, v26  }
0x24d: {  	v3 =	vadd.s32 v3, v9;
	v2 =	vadd.s32 v2, v10;
	v9 =	vor.u32 v27, v28  }
0x24e: {  	v10 =	vadd.s32 v5, v11;
	v11 =	vadd.s32 v4, v12;
	v1 =	vadd.s32 v1, v13  }
0x24f: {  	v8 =	vadd.s32 v6, v8;
	v12 =	vadd.s32 v7, v16;
	v4 =	vxor.u32 v14, v3  }
0x250: {  	v5 =	vxor.u32 v15, v2;
	v6 =	vxor.u32 v17, v10;
	v7 =	vxor.u32 v18, v11  }
0x251: {  	v13 =	vxor.u32 v19, v1;
	v14 =	vxor.u32 v20, v8;
	v9 =	vxor.u32 v9, v12  }
0x252: {  	v15 =	vadd.s32 $0x5, v4;
	v16 =	vadd.s32 $0x5, v5;
	v17 =	vadd.s32 $0x5, v6  }
.Ltmp0:
0x253: {  	v18 =	vadd.s32 $0x5, v7;
	v5 =	vadd.s32 $0x5, v13;
	v4 =	vadd.s32 $0x5, v14;
	(pc) =	sbr.rel @p0 .LBB2_3-.Ltmp0, $4  }
0x254: {  	v3 =	vadd.s32 $0x1BD11BF0, v3;
	v2 =	vadd.s32 $0x1BD11BF0, v2;
	v7 =	vadd.s32 $0x5, v9  }
0x255: {  	v10 =	vadd.s32 $0x1BD11BF0, v10;
	v11 =	vadd.s32 $0x1BD11BF0, v11;
	v6 =	vadd.s32 $0x1BD11BF0, v1  }
0x256: {  	v1 =	vxor.u32 v3, v15;
	v9 =	vadd.s32 $0x1BD11BF0, v8;
	v8 =	vadd.s32 $0x1BD11BF0, v12  }
0x257: {  	s14 =	sadd.s32 s13, s9;
	s13 =	sadd.s32 $0x80, s13;
	v3 =	vxor.u32 v2, v16;
	v2 =	vxor.u32 v10, v17;
	[tilespmem:s12+$0xFFFFFFC0] =	vst v1;
	v1 =	vxor.u32 v11, v18  }
0x258: {  	s13 =	sadd.s32 $0xA80070, s14  }
0x259: {  	v6 =	vxor.u32 v6, v5;
	s24 =	sadd.s32 $0xA80000, s14;
	v5 =	vxor.u32 v9, v4;
	s15 =	sadd.s32 $0xA80010, s14  }
0x25a: {  	v4 =	vxor.u32 v8, v7;
	s25 =	sadd.s32 $0xA80020, s14;
	s28 =	sadd.s32 $0xA80040, s14;
	v11 =	vadd.s32 s13, v0;
	v12 =	vmov s24  }
0x25b: {  	s29 =	sadd.s32 $0xA80050, s14;
	s30 =	sadd.s32 $0xA80060, s14;
	v9 =	vor.u32 s24, v0;
	v7 =	vadd.s32 s15, v0;
	v8 =	vadd.s32 s25, v0  }
0x25c: {  	v56 =	vmov s28;
	v16 =	vadd.s32 s29, v0;
	v19 =	vadd.s32 s30, v0  }
0x25d: {  	v53 =	vshrl.u32 v11, $0x13;
	v10 =	vshll.u32 v11, $0xD;
	v12 =	vshrl.u32 v12, $0x13  }
0x25e: {  	v58 =	vshll.u32 v9, $0xD;
	v59 =	vshrl.u32 v7, $0x13;
	v22 =	vshll.u32 v7, $0xD  }
0x25f: {  	v61 =	vshrl.u32 v8, $0x13;
	v62 =	vshll.u32 v8, $0xD;
	v26 =	vshrl.u32 v16, $0x13  }
0x260: {  	s26 =	sadd.s32 $0xA80030, s14;
	v27 =	vshll.u32 v16, $0xD;
	v30 =	vshrl.u32 v19, $0x13;
	v32 =	vshll.u32 v19, $0xD  }
0x261: {  	v54 =	vor.u32 v53, v10;
	v10 =	vadd.s32 s26, v0;
	v12 =	vor.u32 v12, v58  }
0x262: {  	v37 =	vor.u32 v26, v27;
	v13 =	vxor.u32 v11, v54;
	v23 =	vshrl.u32 v10, $0x13  }
0x263: {  	v24 =	vshll.u32 v10, $0xD;
	v12 =	vxor.u32 v9, v12;
	v14 =	vshrl.u32 v13, $0x11  }
0x264: {  	v15 =	vshll.u32 v13, $0xF;
	v11 =	vadd.s32 v11, v13;
	v36 =	vor.u32 v23, v24  }
0x265: {  	v42 =	vshrl.u32 v12, $0x11;
	v45 =	vshll.u32 v12, $0xF;
	v9 =	vadd.s32 v9, v12  }
0x266: {  	v55 =	vor.u32 v14, v15;
	v15 =	vor.u32 s28, v0;
	v14 =	vshrl.u32 v56, $0x13  }
0x267: {  	v23 =	vor.u32 v42, v45;
	v13 =	vxor.u32 v55, v11;
	v63 =	vshll.u32 v15, $0xD  }
0x268: {  	v45 =	vxor.u32 v23, v9;
	v17 =	vshrl.u32 v13, $0x6;
	v18 =	vshll.u32 v13, $0x1A  }
0x269: {  	v11 =	vadd.s32 v11, v13;
	v14 =	vor.u32 v14, v63;
	v23 =	vshrl.u32 v45, $0x6  }
0x26a: {  	v9 =	vadd.s32 v9, v45;
	v57 =	vor.u32 v17, v18;
	v18 =	vor.u32 v59, v22  }
0x26b: {  	v17 =	vor.u32 v30, v32;
	v14 =	vxor.u32 v15, v14;
	v22 =	vxor.u32 v16, v37  }
0x26c: {  	v13 =	vxor.u32 v57, v11;
	v18 =	vxor.u32 v7, v18;
	v17 =	vxor.u32 v19, v17  }
0x26d: {  	v56 =	vshrl.u32 v14, $0x11;
	v57 =	vshll.u32 v14, $0xF;
	v58 =	vshrl.u32 v22, $0x11  }
0x26e: {  	v14 =	vadd.s32 v15, v14;
	v15 =	vadd.s32 v16, v22;
	v20 =	vshrl.u32 v13, $0x1A  }
0x26f: {  	v21 =	vshll.u32 v13, $0x6;
	v11 =	vadd.s32 v11, v13;
	v47 =	vshrl.u32 v18, $0x11  }
0x270: {  	v48 =	vshll.u32 v18, $0xF;
	v63 =	vshrl.u32 v17, $0x11;
	v60 =	vor.u32 v20, v21  }
0x271: {  	v18 =	vadd.s32 v7, v18;
	v20 =	vor.u32 v61, v62;
	v13 =	vxor.u32 v60, v11  }
0x272: {  	v21 =	vxor.u32 v10, v36;
	v24 =	vor.u32 v47, v48;
	v13 =	vadd.s32 $0x1BD11BF1, v13  }
0x273: {  	v11 =	vadd.s32 v13, v11;
	v25 =	vshrl.u32 v13, $0xF;
	v13 =	vshll.u32 v13, $0x11  }
0x274: {  	v62 =	vshll.u32 v22, $0xF;
	v11 =	vadd.s32 $0x2A, v11;
	v13 =	vor.u32 v25, v13  }
0x275: {  	v20 =	vxor.u32 v8, v20;
	v54 =	vshrl.u32 v21, $0x11;
	v13 =	vxor.u32 v13, v11  }
0x276: {  	v55 =	vshll.u32 v21, $0xF;
	v28 =	vshrl.u32 v13, $0x3;
	v29 =	vshll.u32 v13, $0x1D  }
0x277: {  	v26 =	vor.u32 v58, v62;
	v11 =	vadd.s32 v11, v13;
	v31 =	vor.u32 v28, v29  }
0x278: {  	v10 =	vadd.s32 v10, v21;
	v49 =	vshrl.u32 v20, $0x11;
	v13 =	vxor.u32 v31, v11  }
0x279: {  	v52 =	vshll.u32 v20, $0xF;
	v33 =	vshrl.u32 v13, $0x10;
	v34 =	vshll.u32 v13, $0x10  }
0x27a: {  	v8 =	vadd.s32 v8, v20;
	v11 =	vadd.s32 v11, v13;
	v35 =	vor.u32 v33, v34  }
0x27b: {  	v59 =	vor.u32 v49, v52;
	v49 =	vxor.u32 v26, v15;
	v13 =	vxor.u32 v35, v11  }
0x27c: {  	v52 =	vshll.u32 v45, $0x1A;
	v38 =	vshrl.u32 v13, $0x8;
	v39 =	vshll.u32 v13, $0x18  }
0x27d: {  	v47 =	vxor.u32 v59, v8;
	v11 =	vadd.s32 v11, v13;
	v40 =	vor.u32 v38, v39  }
0x27e: {  	v23 =	vor.u32 v23, v52;
	v45 =	vadd.s32 v15, v49;
	v13 =	vxor.u32 v40, v11  }
0x27f: {  	v59 =	vshll.u32 v47, $0x1A;
	v28 =	vor.u32 v54, v55;
	v13 =	vadd.s32 $0x2, v13  }
0x280: {  	v11 =	vadd.s32 v13, v11;
	v41 =	vshrl.u32 v13, $0x13;
	v13 =	vshll.u32 v13, $0xD  }
0x281: {  	v21 =	vxor.u32 v28, v10;
	v11 =	vadd.s32 $0x1BD11BF0, v11;
	v13 =	vor.u32 v41, v13  }
0x282: {  	v8 =	vadd.s32 v8, v47;
	v62 =	vshll.u32 v21, $0x1A;
	v13 =	vxor.u32 v13, v11  }
0x283: {  	v10 =	vadd.s32 v10, v21;
	v43 =	vshrl.u32 v13, $0x11;
	v44 =	vshll.u32 v13, $0xF  }
0x284: {  	v38 =	vshll.u32 v17, $0xF;
	v11 =	vadd.s32 v11, v13;
	v46 =	vor.u32 v43, v44  }
0x285: {  	v17 =	vadd.s32 v19, v17;
	v39 =	vor.u32 v63, v38;
	v13 =	vxor.u32 v46, v11  }
0x286: {  	v12 =	vxor.u32 v39, v17;
	v50 =	vshrl.u32 v13, $0x6;
	v51 =	vshll.u32 v13, $0x1A  }
0x287: {  	v46 =	vxor.u32 v24, v18;
	v11 =	vadd.s32 v11, v13;
	v53 =	vor.u32 v50, v51  }
0x288: {  	v39 =	vshrl.u32 v49, $0x6;
	v54 =	vshrl.u32 v46, $0x6;
	v13 =	vxor.u32 v53, v11  }
0x289: {  	v55 =	vshll.u32 v46, $0x1A;
	v31 =	vshrl.u32 v13, $0x1A;
	v32 =	vshll.u32 v13, $0x6  }
0x28a: {  	v18 =	vadd.s32 v18, v46;
	v11 =	vadd.s32 v11, v13;
	v31 =	vor.u32 v31, v32  }
0x28b: {  	v46 =	vxor.u32 v23, v9;
	v24 =	vor.u32 v54, v55;
	v31 =	vxor.u32 v31, v11  }
0x28c: {  	v9 =	vadd.s32 v9, v46;
	v13 =	vor.u32 v56, v57;
	v60 =	vadd.s32 $0x2D, v31  }
0x28d: {  	v56 =	vshrl.u32 v47, $0x6;
	v61 =	vshrl.u32 v60, $0xF;
	v31 =	vshll.u32 v60, $0x11  }
0x28e: {  	v47 =	vxor.u32 v24, v18;
	v11 =	vadd.s32 v11, v60;
	v30 =	vor.u32 v61, v31  }
0x28f: {  	v13 =	vxor.u32 v13, v14;
	v24 =	vshrl.u32 v47, $0x1A;
	v36 =	vxor.u32 v30, v11  }
0x290: {  	v38 =	vshll.u32 v13, $0x1A;
	v37 =	vshrl.u32 v36, $0x3;
	v30 =	vshll.u32 v36, $0x1D  }
0x291: {  	v61 =	vshrl.u32 v21, $0x6;
	v11 =	vadd.s32 v11, v36;
	v27 =	vor.u32 v37, v30  }
0x292: {  	v28 =	vor.u32 v61, v62;
	v37 =	vshrl.u32 v13, $0x6;
	v27 =	vxor.u32 v27, v11  }
0x293: {  	v13 =	vadd.s32 v14, v13;
	v40 =	vshrl.u32 v27, $0x10;
	v41 =	vshll.u32 v27, $0x10  }
0x294: {  	v11 =	vadd.s32 v11, v27;
	v27 =	vor.u32 v56, v59;
	v7 =	vor.u32 v40, v41  }
0x295: {  	v40 =	vshll.u32 v49, $0x1A;
	v41 =	vshrl.u32 v12, $0x6;
	v49 =	vxor.u32 v28, v10  }
0x296: {  	v7 =	vxor.u32 v7, v11;
	v28 =	vshrl.u32 v49, $0x1A;
	v55 =	vshll.u32 v49, $0x6  }
0x297: {  	v10 =	vadd.s32 v10, v49;
	v42 =	vshrl.u32 v7, $0x8;
	v43 =	vshll.u32 v7, $0x18  }
0x298: {  	v7 =	vadd.s32 v11, v7;
	v28 =	vor.u32 v28, v55;
	v44 =	vor.u32 v42, v43  }
0x299: {  	v42 =	vshll.u32 v12, $0x1A;
	v43 =	vor.u32 v39, v40;
	v12 =	vadd.s32 v17, v12  }
0x29a: {  	v34 =	vxor.u32 v28, v10;
	v11 =	vxor.u32 v44, v7;
	v44 =	vor.u32 v41, v42  }
0x29b: {  	v16 =	vxor.u32 v43, v45;
	v19 =	vadd.s32 $0x1BD11BF1, v34;
	v11 =	vadd.s32 $0x1BD11BF4, v11  }
0x29c: {  	v52 =	vxor.u32 v44, v12;
	v59 =	vshll.u32 v16, $0x6;
	v14 =	vadd.s32 v45, v16  }
0x29d: {  	v10 =	vadd.s32 v19, v10;
	v40 =	vshrl.u32 v19, $0xF;
	v19 =	vshll.u32 v19, $0x11  }
0x29e: {  	v7 =	vadd.s32 v11, v7;
	v48 =	vshrl.u32 v11, $0x13;
	v11 =	vshll.u32 v11, $0xD  }
0x29f: {  	v61 =	vshll.u32 v52, $0x6;
	v12 =	vadd.s32 v12, v52;
	v10 =	vadd.s32 $0x2A, v10  }
0x2a0: {  	v19 =	vor.u32 v40, v19;
	v7 =	vadd.s32 $0x2A, v7;
	v11 =	vor.u32 v48, v11  }
0x2a1: {  	v48 =	vxor.u32 v27, v8;
	v19 =	vxor.u32 v19, v10;
	v11 =	vxor.u32 v11, v7  }
0x2a2: {  	v54 =	vshrl.u32 v48, $0x1A;
	v27 =	vshll.u32 v48, $0x6;
	v8 =	vadd.s32 v8, v48  }
0x2a3: {  	v10 =	vadd.s32 v10, v19;
	v50 =	vshrl.u32 v11, $0x11;
	v51 =	vshll.u32 v11, $0xF  }
0x2a4: {  	v7 =	vadd.s32 v7, v11;
	v26 =	vor.u32 v54, v27;
	v53 =	vor.u32 v50, v51  }
0x2a5: {  	v50 =	vshrl.u32 v46, $0x1A;
	v51 =	vshll.u32 v46, $0x6;
	v33 =	vxor.u32 v26, v8  }
0x2a6: {  	v11 =	vxor.u32 v53, v7;
	v53 =	vshll.u32 v47, $0x6;
	v21 =	vor.u32 v50, v51  }
0x2a7: {  	v50 =	vshrl.u32 v19, $0x3;
	v51 =	vshll.u32 v19, $0x1D;
	v57 =	vshrl.u32 v11, $0x6  }
0x2a8: {  	v58 =	vshll.u32 v11, $0x1A;
	v7 =	vadd.s32 v7, v11;
	v24 =	vor.u32 v24, v53  }
0x2a9: {  	v28 =	vor.u32 v50, v51;
	v60 =	vor.u32 v57, v58;
	v58 =	vshrl.u32 v16, $0x1A  }
0x2aa: {  	v19 =	vxor.u32 v28, v10;
	v11 =	vxor.u32 v60, v7;
	v60 =	vshrl.u32 v52, $0x1A  }
0x2ab: {  	v22 =	vor.u32 v58, v59;
	v28 =	vshrl.u32 v19, $0x10;
	v10 =	vadd.s32 v10, v19  }
0x2ac: {  	v63 =	vshrl.u32 v11, $0x1A;
	v36 =	vshll.u32 v11, $0x6;
	v7 =	vadd.s32 v7, v11  }
0x2ad: {  	v11 =	vor.u32 v37, v38;
	v30 =	vor.u32 v60, v61;
	v31 =	vor.u32 v63, v36  }
0x2ae: {  	v11 =	vxor.u32 v11, v13;
	v63 =	vadd.s32 v18, v47;
	v36 =	vxor.u32 v22, v14  }
0x2af: {  	v17 =	vxor.u32 v30, v12;
	v18 =	vadd.s32 $0x1BD11BF1, v33;
	v31 =	vxor.u32 v31, v7  }
0x2b0: {  	v7 =	vadd.s32 $0x1BD11BF0, v7;
	v56 =	vshrl.u32 v11, $0x1A;
	v57 =	vshll.u32 v11, $0x6  }
0x2b1: {  	v11 =	vadd.s32 v13, v11;
	v32 =	vxor.u32 v24, v63;
	v17 =	vadd.s32 $0x1BD11BF1, v17  }
0x2b2: {  	v8 =	vadd.s32 v18, v8;
	v39 =	vshrl.u32 v18, $0xF;
	v18 =	vshll.u32 v18, $0x11  }
0x2b3: {  	v31 =	vadd.s32 $0x5, v31;
	v62 =	vor.u32 v56, v57;
	v16 =	vadd.s32 $0x1BD11BF1, v32  }
0x2b4: {  	v12 =	vadd.s32 v17, v12;
	v43 =	vshrl.u32 v17, $0xF;
	v17 =	vshll.u32 v17, $0x11  }
0x2b5: {  	v8 =	vadd.s32 $0x2A, v8;
	v18 =	vor.u32 v39, v18;
	v7 =	vxor.u32 v7, v31  }
0x2b6: {  	v31 =	vxor.u32 v21, v9;
	v35 =	vxor.u32 v62, v11;
	v21 =	vadd.s32 $0x1BD11BF1, v36  }
0x2b7: {  	v15 =	vadd.s32 v16, v63;
	v38 =	vshrl.u32 v16, $0xF;
	v16 =	vshll.u32 v16, $0x11  }
0x2b8: {  	v12 =	vadd.s32 $0x2A, v12;
	v17 =	vor.u32 v43, v17;
	v18 =	vxor.u32 v18, v8  }
0x2b9: {  	v13 =	vadd.s32 $0x1BD11BF1, v31;
	v20 =	vadd.s32 $0x1BD11BF1, v35;
	v14 =	vadd.s32 v21, v14  }
0x2ba: {  	v42 =	vshrl.u32 v21, $0xF;
	v21 =	vshll.u32 v21, $0x11;
	v15 =	vadd.s32 $0x2A, v15  }
0x2bb: {  	v16 =	vor.u32 v38, v16;
	v17 =	vxor.u32 v17, v12;
	v48 =	vshrl.u32 v18, $0x3  }
0x2bc: {  	v49 =	vshll.u32 v18, $0x1D;
	v8 =	vadd.s32 v8, v18;
	v38 =	vshll.u32 v19, $0x10  }
0x2bd: {  	v9 =	vadd.s32 v13, v9;
	v37 =	vshrl.u32 v13, $0xF;
	v13 =	vshll.u32 v13, $0x11  }
0x2be: {  	v11 =	vadd.s32 v20, v11;
	v41 =	vshrl.u32 v20, $0xF;
	v20 =	vshll.u32 v20, $0x11  }
0x2bf: {  	v14 =	vadd.s32 $0x2A, v14;
	v21 =	vor.u32 v42, v21;
	v16 =	vxor.u32 v16, v15  }
0x2c0: {  	v56 =	vshrl.u32 v17, $0x3;
	v26 =	vor.u32 v48, v49;
	v57 =	vshll.u32 v17, $0x1D  }
0x2c1: {  	v12 =	vadd.s32 v12, v17;
	v28 =	vor.u32 v28, v38;
	v9 =	vadd.s32 $0x2A, v9  }
0x2c2: {  	v13 =	vor.u32 v37, v13;
	v11 =	vadd.s32 $0x2A, v11;
	v20 =	vor.u32 v41, v20  }
0x2c3: {  	v21 =	vxor.u32 v21, v14;
	v46 =	vshrl.u32 v16, $0x3;
	v47 =	vshll.u32 v16, $0x1D  }
0x2c4: {  	v59 =	vadd.s32 v15, v16;
	v60 =	vor.u32 v56, v57;
	v18 =	vxor.u32 v26, v8  }
0x2c5: {  	v13 =	vxor.u32 v13, v9;
	v20 =	vxor.u32 v20, v11;
	v54 =	vshrl.u32 v21, $0x3  }
0x2c6: {  	v55 =	vshll.u32 v21, $0x1D;
	v24 =	vor.u32 v46, v47;
	v14 =	vadd.s32 v14, v21  }
0x2c7: {  	v15 =	vxor.u32 v60, v12;
	v26 =	vshrl.u32 v18, $0x10;
	v37 =	vshll.u32 v18, $0x10  }
0x2c8: {  	v8 =	vadd.s32 v8, v18;
	v47 =	vxor.u32 v28, v10;
	v44 =	vshrl.u32 v13, $0x3  }
0x2c9: {  	v45 =	vshll.u32 v13, $0x1D;
	v52 =	vshrl.u32 v20, $0x3;
	v53 =	vshll.u32 v20, $0x1D  }
0x2ca: {  	v23 =	vor.u32 v54, v55;
	v9 =	vadd.s32 v9, v13;
	v11 =	vadd.s32 v11, v20  }
0x2cb: {  	v62 =	vxor.u32 v24, v59;
	v43 =	vshrl.u32 v15, $0x10;
	v26 =	vor.u32 v26, v37  }
0x2cc: {  	v12 =	vadd.s32 v12, v15;
	v28 =	vshrl.u32 v47, $0x8;
	v54 =	vshll.u32 v47, $0x18  }
0x2cd: {  	v10 =	vadd.s32 v10, v47;
	v22 =	vor.u32 v44, v45;
	v58 =	vor.u32 v52, v53  }
0x2ce: {  	v21 =	vxor.u32 v23, v14;
	v24 =	vshrl.u32 v62, $0x10;
	v36 =	vshll.u32 v62, $0x10  }
0x2cf: {  	v44 =	vshll.u32 v15, $0x10;
	v13 =	vadd.s32 v59, v62;
	v46 =	vxor.u32 v26, v8  }
0x2d0: {  	v28 =	vor.u32 v28, v54;
	v61 =	vxor.u32 v22, v9;
	v20 =	vxor.u32 v58, v11  }
0x2d1: {  	v41 =	vshrl.u32 v21, $0x10;
	v42 =	vshll.u32 v21, $0x10;
	v24 =	vor.u32 v24, v36  }
0x2d2: {  	v25 =	vor.u32 v43, v44;
	v14 =	vadd.s32 v14, v21;
	v26 =	vshrl.u32 v46, $0x8  }
0x2d3: {  	v53 =	vshll.u32 v46, $0x18;
	v8 =	vadd.s32 v8, v46;
	v28 =	vxor.u32 v28, v10  }
0x2d4: {  	v22 =	vshrl.u32 v61, $0x10;
	v63 =	vshll.u32 v61, $0x10;
	v39 =	vshrl.u32 v20, $0x10  }
0x2d5: {  	v40 =	vshll.u32 v20, $0x10;
	v23 =	vor.u32 v41, v42;
	v9 =	vadd.s32 v9, v61  }
0x2d6: {  	v11 =	vadd.s32 v11, v20;
	v17 =	vxor.u32 v24, v13;
	v50 =	vxor.u32 v25, v12  }
0x2d7: {  	v26 =	vor.u32 v26, v53;
	v19 =	vadd.s32 $0x2, v28;
	v22 =	vor.u32 v22, v63  }
0x2d8: {  	v45 =	vor.u32 v39, v40;
	v21 =	vxor.u32 v23, v14;
	v24 =	vshrl.u32 v17, $0x8  }
0x2d9: {  	v52 =	vshll.u32 v17, $0x18;
	v59 =	vshrl.u32 v50, $0x8;
	v60 =	vshll.u32 v50, $0x18  }
0x2da: {  	v13 =	vadd.s32 v13, v17;
	v12 =	vadd.s32 v12, v50;
	v27 =	vxor.u32 v26, v8  }
0x2db: {  	v10 =	vadd.s32 v19, v10;
	v35 =	vshrl.u32 v19, $0x13;
	v19 =	vshll.u32 v19, $0xD  }
0x2dc: {  	v16 =	vxor.u32 v22, v9;
	v48 =	vxor.u32 v45, v11;
	v57 =	vshrl.u32 v21, $0x8  }
0x2dd: {  	v58 =	vshll.u32 v21, $0x18;
	v24 =	vor.u32 v24, v52;
	v63 =	vor.u32 v59, v60  }
0x2de: {  	v14 =	vadd.s32 v14, v21;
	v18 =	vadd.s32 $0x2, v27;
	v10 =	vadd.s32 $0x1BD11BF0, v10  }
0x2df: {  	v19 =	vor.u32 v35, v19;
	v49 =	vshrl.u32 v16, $0x8;
	v51 =	vshll.u32 v16, $0x18  }
0x2e0: {  	v55 =	vshrl.u32 v48, $0x8;
	v56 =	vshll.u32 v48, $0x18;
	v9 =	vadd.s32 v9, v16  }
0x2e1: {  	v62 =	vor.u32 v57, v58;
	v11 =	vadd.s32 v11, v48;
	v17 =	vxor.u32 v24, v13  }
0x2e2: {  	v31 =	vxor.u32 v63, v12;
	v8 =	vadd.s32 v18, v8;
	v34 =	vshrl.u32 v18, $0x13  }
0x2e3: {  	v18 =	vshll.u32 v18, $0xD;
	v19 =	vxor.u32 v19, v10;
	v20 =	vor.u32 v49, v51  }
0x2e4: {  	v61 =	vor.u32 v55, v56;
	v16 =	vxor.u32 v62, v14;
	v17 =	vadd.s32 $0x2, v17  }
0x2e5: {  	v21 =	vadd.s32 $0x2, v31;
	v8 =	vadd.s32 $0x1BD11BF0, v8;
	v18 =	vor.u32 v34, v18  }
0x2e6: {  	v45 =	vshrl.u32 v19, $0x11;
	v46 =	vshll.u32 v19, $0xF;
	v10 =	vadd.s32 v10, v19  }
0x2e7: {  	v25 =	vxor.u32 v20, v9;
	v30 =	vxor.u32 v61, v11;
	v16 =	vadd.s32 $0x2, v16  }
0x2e8: {  	v13 =	vadd.s32 v17, v13;
	v33 =	vshrl.u32 v17, $0x13;
	v17 =	vshll.u32 v17, $0xD  }
0x2e9: {  	v12 =	vadd.s32 v21, v12;
	v38 =	vshrl.u32 v21, $0x13;
	v21 =	vshll.u32 v21, $0xD  }
0x2ea: {  	v18 =	vxor.u32 v18, v8;
	v28 =	vor.u32 v45, v46;
	v15 =	vadd.s32 $0x2, v25  }
0x2eb: {  	v20 =	vadd.s32 $0x2, v30;
	v14 =	vadd.s32 v16, v14;
	v37 =	vshrl.u32 v16, $0x13  }
0x2ec: {  	v16 =	vshll.u32 v16, $0xD;
	v13 =	vadd.s32 $0x1BD11BF0, v13;
	v17 =	vor.u32 v33, v17  }
0x2ed: {  	v12 =	vadd.s32 $0x1BD11BF0, v12;
	v21 =	vor.u32 v38, v21;
	v43 =	vshrl.u32 v18, $0x11  }
0x2ee: {  	v44 =	vshll.u32 v18, $0xF;
	v8 =	vadd.s32 v8, v18;
	v19 =	vxor.u32 v28, v10  }
0x2ef: {  	v9 =	vadd.s32 v15, v9;
	v32 =	vshrl.u32 v15, $0x13;
	v15 =	vshll.u32 v15, $0xD  }
0x2f0: {  	v11 =	vadd.s32 v20, v11;
	v36 =	vshrl.u32 v20, $0x13;
	v20 =	vshll.u32 v20, $0xD  }
0x2f1: {  	v14 =	vadd.s32 $0x1BD11BF0, v14;
	v16 =	vor.u32 v37, v16;
	v17 =	vxor.u32 v17, v13  }
0x2f2: {  	v21 =	vxor.u32 v21, v12;
	v26 =	vor.u32 v43, v44;
	v28 =	vshrl.u32 v19, $0x6  }
0x2f3: {  	v60 =	vshll.u32 v19, $0x1A;
	v10 =	vadd.s32 v10, v19;
	v9 =	vadd.s32 $0x1BD11BF0, v9  }
0x2f4: {  	v15 =	vor.u32 v32, v15;
	v11 =	vadd.s32 $0x1BD11BF0, v11;
	v20 =	vor.u32 v36, v20  }
0x2f5: {  	v16 =	vxor.u32 v16, v14;
	v41 =	vshrl.u32 v17, $0x11;
	v42 =	vshll.u32 v17, $0xF  }
0x2f6: {  	v51 =	vshrl.u32 v21, $0x11;
	v52 =	vshll.u32 v21, $0xF;
	v13 =	vadd.s32 v13, v17  }
0x2f7: {  	v12 =	vadd.s32 v12, v21;
	v18 =	vxor.u32 v26, v8;
	v28 =	vor.u32 v28, v60  }
0x2f8: {  	v15 =	vxor.u32 v15, v9;
	v20 =	vxor.u32 v20, v11;
	v49 =	vshrl.u32 v16, $0x11  }
0x2f9: {  	v50 =	vshll.u32 v16, $0xF;
	v24 =	vor.u32 v41, v42;
	v55 =	vor.u32 v51, v52  }
0x2fa: {  	v14 =	vadd.s32 v14, v16;
	v26 =	vshrl.u32 v18, $0x6;
	v59 =	vshll.u32 v18, $0x1A  }
0x2fb: {  	v8 =	vadd.s32 v8, v18;
	v19 =	vxor.u32 v28, v10;
	v39 =	vshrl.u32 v15, $0x11  }
0x2fc: {  	v40 =	vshll.u32 v15, $0xF;
	v47 =	vshrl.u32 v20, $0x11;
	v48 =	vshll.u32 v20, $0xF  }
0x2fd: {  	v9 =	vadd.s32 v9, v15;
	v54 =	vor.u32 v49, v50;
	v11 =	vadd.s32 v11, v20  }
0x2fe: {  	v17 =	vxor.u32 v24, v13;
	v23 =	vxor.u32 v55, v12;
	v26 =	vor.u32 v26, v59  }
0x2ff: {  	v28 =	vshrl.u32 v19, $0x1A;
	v10 =	vadd.s32 v10, v19;
	v22 =	vor.u32 v39, v40  }
0x300: {  	v53 =	vor.u32 v47, v48;
	v15 =	vxor.u32 v54, v14;
	v24 =	vshrl.u32 v17, $0x6  }
0x301: {  	v58 =	vshll.u32 v17, $0x1A;
	v36 =	vshrl.u32 v23, $0x6;
	v37 =	vshll.u32 v23, $0x1A  }
0x302: {  	v13 =	vadd.s32 v13, v17;
	v12 =	vadd.s32 v12, v23;
	v18 =	vxor.u32 v26, v8  }
0x303: {  	v47 =	vshll.u32 v19, $0x6;
	v56 =	vxor.u32 v22, v9;
	v20 =	vxor.u32 v53, v11  }
0x304: {  	v63 =	vshrl.u32 v15, $0x6;
	v35 =	vshll.u32 v15, $0x1A;
	v24 =	vor.u32 v24, v58  }
0x305: {  	v39 =	vor.u32 v36, v37;
	v14 =	vadd.s32 v14, v15;
	v26 =	vshrl.u32 v18, $0x1A  }
0x306: {  	v46 =	vshll.u32 v18, $0x6;
	v28 =	vor.u32 v28, v47;
	v8 =	vadd.s32 v8, v18  }
0x307: {  	v57 =	vshrl.u32 v56, $0x6;
	v22 =	vshll.u32 v56, $0x1A;
	v61 =	vshrl.u32 v20, $0x6  }
0x308: {  	v62 =	vshll.u32 v20, $0x1A;
	v9 =	vadd.s32 v9, v56;
	v11 =	vadd.s32 v11, v20  }
0x309: {  	v41 =	vxor.u32 v24, v13;
	v16 =	vxor.u32 v39, v12;
	v26 =	vor.u32 v26, v46  }
0x30a: {  	v58 =	vxor.u32 v28, v10;
	v21 =	vor.u32 v57, v22;
	v38 =	vor.u32 v61, v62  }
0x30b: {  	v22 =	vor.u32 v63, v35;
	v24 =	vshrl.u32 v41, $0x1A;
	v45 =	vshll.u32 v41, $0x6  }
0x30c: {  	v52 =	vshrl.u32 v16, $0x1A;
	v53 =	vshll.u32 v16, $0x6;
	v13 =	vadd.s32 v13, v41  }
0x30d: {  	v12 =	vadd.s32 v12, v16;
	v57 =	vxor.u32 v26, v8;
	v18 =	vadd.s32 $0x2D, v58  }
0x30e: {  	v40 =	vxor.u32 v21, v9;
	v20 =	vxor.u32 v38, v11;
	v42 =	vxor.u32 v22, v14  }
0x30f: {  	v24 =	vor.u32 v24, v45;
	v25 =	vor.u32 v52, v53;
	v16 =	vadd.s32 $0x2D, v57  }
0x310: {  	v41 =	vshll.u32 v18, $0x11;
	v10 =	vadd.s32 v10, v18;
	v43 =	vshrl.u32 v40, $0x1A  }
0x311: {  	v44 =	vshll.u32 v40, $0x6;
	v48 =	vshrl.u32 v20, $0x1A;
	v49 =	vshll.u32 v20, $0x6  }
0x312: {  	v50 =	vshrl.u32 v42, $0x1A;
	v51 =	vshll.u32 v42, $0x6;
	v9 =	vadd.s32 v9, v40  }
0x313: {  	v11 =	vadd.s32 v11, v20;
	v14 =	vadd.s32 v14, v42;
	v56 =	vxor.u32 v24, v13  }
0x314: {  	v61 =	vxor.u32 v25, v12;
	v38 =	vshrl.u32 v16, $0xF;
	v39 =	vshll.u32 v16, $0x11  }
0x315: {  	v40 =	vshrl.u32 v18, $0xF;
	v8 =	vadd.s32 v8, v16;
	v22 =	vor.u32 v43, v44  }
0x316: {  	v54 =	vor.u32 v48, v49;
	v23 =	vor.u32 v50, v51;
	v17 =	vadd.s32 $0x2D, v56  }
0x317: {  	v21 =	vadd.s32 $0x2D, v61;
	v26 =	vor.u32 v38, v39;
	v28 =	vor.u32 v40, v41  }
0x318: {  	v55 =	vxor.u32 v22, v9;
	v59 =	vxor.u32 v54, v11;
	v60 =	vxor.u32 v23, v14  }
0x319: {  	v36 =	vshrl.u32 v17, $0xF;
	v37 =	vshll.u32 v17, $0x11;
	v46 =	vshrl.u32 v21, $0xF  }
0x31a: {  	v47 =	vshll.u32 v21, $0x11;
	v13 =	vadd.s32 v13, v17;
	v12 =	vadd.s32 v12, v21  }
0x31b: {  	v50 =	vxor.u32 v26, v8;
	v18 =	vxor.u32 v28, v10;
	v15 =	vadd.s32 $0x2D, v55  }
0x31c: {  	v19 =	vadd.s32 $0x2D, v59;
	v20 =	vadd.s32 $0x2D, v60;
	v24 =	vor.u32 v36, v37  }
0x31d: {  	v25 =	vor.u32 v46, v47;
	v26 =	vshrl.u32 v50, $0x3;
	v56 =	vshll.u32 v50, $0x1D  }
0x31e: {  	v28 =	vshrl.u32 v18, $0x3;
	v57 =	vshll.u32 v18, $0x1D;
	v8 =	vadd.s32 v8, v50  }
0x31f: {  	v10 =	vadd.s32 v10, v18;
	v62 =	vshrl.u32 v15, $0xF;
	v63 =	vshll.u32 v15, $0x11  }
0x320: {  	v42 =	vshrl.u32 v19, $0xF;
	v43 =	vshll.u32 v19, $0x11;
	v44 =	vshrl.u32 v20, $0xF  }
0x321: {  	v45 =	vshll.u32 v20, $0x11;
	v9 =	vadd.s32 v9, v15;
	v11 =	vadd.s32 v11, v19  }
0x322: {  	v14 =	vadd.s32 v14, v20;
	v49 =	vxor.u32 v24, v13;
	v53 =	vxor.u32 v25, v12  }
0x323: {  	v26 =	vor.u32 v26, v56;
	v28 =	vor.u32 v28, v57;
	v22 =	vor.u32 v62, v63  }
0x324: {  	v48 =	vor.u32 v42, v43;
	v23 =	vor.u32 v44, v45;
	v24 =	vshrl.u32 v49, $0x3  }
0x325: {  	v55 =	vshll.u32 v49, $0x1D;
	v62 =	vshrl.u32 v53, $0x3;
	v63 =	vshll.u32 v53, $0x1D  }
0x326: {  	v13 =	vadd.s32 v13, v49;
	v12 =	vadd.s32 v12, v53;
	v38 =	vxor.u32 v26, v8  }
0x327: {  	v39 =	vxor.u32 v28, v10;
	v15 =	vxor.u32 v22, v9;
	v19 =	vxor.u32 v48, v11  }
0x328: {  	v52 =	vxor.u32 v23, v14;
	v24 =	vor.u32 v24, v55;
	v35 =	vor.u32 v62, v63  }
0x329: {  	v26 =	vshrl.u32 v38, $0x10;
	v44 =	vshll.u32 v38, $0x10;
	v28 =	vshrl.u32 v39, $0x10  }
0x32a: {  	v45 =	vshll.u32 v39, $0x10;
	v8 =	vadd.s32 v8, v38;
	v10 =	vadd.s32 v10, v39  }
0x32b: {  	v51 =	vshrl.u32 v15, $0x3;
	v54 =	vshll.u32 v15, $0x1D;
	v58 =	vshrl.u32 v19, $0x3  }
0x32c: {  	v59 =	vshll.u32 v19, $0x1D;
	v60 =	vshrl.u32 v52, $0x3;
	v61 =	vshll.u32 v52, $0x1D  }
0x32d: {  	v9 =	vadd.s32 v9, v15;
	v11 =	vadd.s32 v11, v19;
	v14 =	vadd.s32 v14, v52  }
0x32e: {  	v37 =	vxor.u32 v24, v13;
	v23 =	vxor.u32 v35, v12;
	v26 =	vor.u32 v26, v44  }
0x32f: {  	v28 =	vor.u32 v28, v45;
	v20 =	vor.u32 v51, v54;
	v33 =	vor.u32 v58, v59  }
0x330: {  	v34 =	vor.u32 v60, v61;
	v24 =	vshrl.u32 v37, $0x10;
	v43 =	vshll.u32 v37, $0x10  }
0x331: {  	v50 =	vshrl.u32 v23, $0x10;
	v51 =	vshll.u32 v23, $0x10;
	v13 =	vadd.s32 v13, v37  }
0x332: {  	v12 =	vadd.s32 v12, v23;
	v18 =	vxor.u32 v26, v8;
	v19 =	vxor.u32 v28, v10  }
0x333: {  	v36 =	vxor.u32 v20, v9;
	v40 =	vxor.u32 v33, v11;
	v15 =	vxor.u32 v34, v14  }
0x334: {  	v24 =	vor.u32 v24, v43;
	v53 =	vor.u32 v50, v51;
	v26 =	vshrl.u32 v18, $0x8  }
0x335: {  	v60 =	vshll.u32 v18, $0x18;
	v28 =	vshrl.u32 v19, $0x8;
	v61 =	vshll.u32 v19, $0x18  }
0x336: {  	v8 =	vadd.s32 v8, v18;
	v10 =	vadd.s32 v10, v19;
	v41 =	vshrl.u32 v36, $0x10  }
0x337: {  	v42 =	vshll.u32 v36, $0x10;
	v46 =	vshrl.u32 v40, $0x10;
	v47 =	vshll.u32 v40, $0x10  }
0x338: {  	v48 =	vshrl.u32 v15, $0x10;
	v49 =	vshll.u32 v15, $0x10;
	v9 =	vadd.s32 v9, v36  }
0x339: {  	v11 =	vadd.s32 v11, v40;
	v14 =	vadd.s32 v14, v15;
	v55 =	vxor.u32 v24, v13  }
0x33a: {  	v16 =	vxor.u32 v53, v12;
	v26 =	vor.u32 v26, v60;
	v28 =	vor.u32 v28, v61  }
0x33b: {  	v21 =	vor.u32 v41, v42;
	v52 =	vor.u32 v46, v47;
	v22 =	vor.u32 v48, v49  }
0x33c: {  	v24 =	vshrl.u32 v55, $0x8;
	v59 =	vshll.u32 v55, $0x18;
	v38 =	vshrl.u32 v16, $0x8  }
0x33d: {  	v39 =	vshll.u32 v16, $0x18;
	v13 =	vadd.s32 v13, v55;
	v12 =	vadd.s32 v12, v16  }
0x33e: {  	v43 =	vxor.u32 v26, v8;
	v44 =	vxor.u32 v28, v10;
	v54 =	vxor.u32 v21, v9  }
0x33f: {  	v20 =	vxor.u32 v52, v11;
	v56 =	vxor.u32 v22, v14;
	v24 =	vor.u32 v24, v59  }
0x340: {  	v25 =	vor.u32 v38, v39;
	v16 =	vadd.s32 $0x1BD11BF4, v43;
	v18 =	vadd.s32 $0x1BD11BF4, v44  }
0x341: {  	v57 =	vshrl.u32 v54, $0x8;
	v58 =	vshll.u32 v54, $0x18;
	v62 =	vshrl.u32 v20, $0x8  }
0x342: {  	v63 =	vshll.u32 v20, $0x18;
	v36 =	vshrl.u32 v56, $0x8;
	v37 =	vshll.u32 v56, $0x18  }
0x343: {  	v9 =	vadd.s32 v9, v54;
	v11 =	vadd.s32 v11, v20;
	v14 =	vadd.s32 v14, v56  }
0x344: {  	v42 =	vxor.u32 v24, v13;
	v47 =	vxor.u32 v25, v12;
	v8 =	vadd.s32 v16, v8  }
0x345: {  	v50 =	vshrl.u32 v16, $0x13;
	v16 =	vshll.u32 v16, $0xD;
	v10 =	vadd.s32 v18, v10  }
0x346: {  	v51 =	vshrl.u32 v18, $0x13;
	v18 =	vshll.u32 v18, $0xD;
	v22 =	vor.u32 v57, v58  }
0x347: {  	v40 =	vor.u32 v62, v63;
	v23 =	vor.u32 v36, v37;
	v17 =	vadd.s32 $0x1BD11BF4, v42  }
0x348: {  	v21 =	vadd.s32 $0x1BD11BF4, v47;
	v8 =	vadd.s32 $0x2A, v8;
	v16 =	vor.u32 v50, v16  }
0x349: {  	v10 =	vadd.s32 $0x2A, v10;
	v18 =	vor.u32 v51, v18;
	v41 =	vxor.u32 v22, v9  }
0x34a: {  	v45 =	vxor.u32 v40, v11;
	v46 =	vxor.u32 v23, v14;
	v13 =	vadd.s32 v17, v13  }
0x34b: {  	v49 =	vshrl.u32 v17, $0x13;
	v17 =	vshll.u32 v17, $0xD;
	v12 =	vadd.s32 v21, v12  }
0x34c: {  	v54 =	vshrl.u32 v21, $0x13;
	v21 =	vshll.u32 v21, $0xD;
	v16 =	vxor.u32 v16, v8  }
0x34d: {  	v18 =	vxor.u32 v18, v10;
	v15 =	vadd.s32 $0x1BD11BF4, v41;
	v19 =	vadd.s32 $0x1BD11BF4, v45  }
0x34e: {  	v20 =	vadd.s32 $0x1BD11BF4, v46;
	v13 =	vadd.s32 $0x2A, v13;
	v17 =	vor.u32 v49, v17  }
0x34f: {  	v12 =	vadd.s32 $0x2A, v12;
	v21 =	vor.u32 v54, v21;
	v59 =	vshrl.u32 v16, $0x11  }
0x350: {  	v60 =	vshll.u32 v16, $0xF;
	v61 =	vshrl.u32 v18, $0x11;
	v62 =	vshll.u32 v18, $0xF  }
0x351: {  	v8 =	vadd.s32 v8, v16;
	v10 =	vadd.s32 v10, v18;
	v9 =	vadd.s32 v15, v9  }
0x352: {  	v48 =	vshrl.u32 v15, $0x13;
	v15 =	vshll.u32 v15, $0xD;
	v11 =	vadd.s32 v19, v11  }
0x353: {  	v52 =	vshrl.u32 v19, $0x13;
	v19 =	vshll.u32 v19, $0xD;
	v14 =	vadd.s32 v20, v14  }
0x354: {  	v53 =	vshrl.u32 v20, $0x13;
	v20 =	vshll.u32 v20, $0xD;
	v17 =	vxor.u32 v17, v13  }
0x355: {  	v21 =	vxor.u32 v21, v12;
	v26 =	vor.u32 v59, v60;
	v28 =	vor.u32 v61, v62  }
0x356: {  	v9 =	vadd.s32 $0x2A, v9;
	v15 =	vor.u32 v48, v15;
	v11 =	vadd.s32 $0x2A, v11  }
0x357: {  	v19 =	vor.u32 v52, v19;
	v14 =	vadd.s32 $0x2A, v14;
	v20 =	vor.u32 v53, v20  }
0x358: {  	v57 =	vshrl.u32 v17, $0x11;
	v58 =	vshll.u32 v17, $0xF;
	v39 =	vshrl.u32 v21, $0x11  }
0x359: {  	v40 =	vshll.u32 v21, $0xF;
	v13 =	vadd.s32 v13, v17;
	v12 =	vadd.s32 v12, v21  }
0x35a: {  	v43 =	vxor.u32 v26, v8;
	v18 =	vxor.u32 v28, v10;
	v15 =	vxor.u32 v15, v9  }
0x35b: {  	v19 =	vxor.u32 v19, v11;
	v20 =	vxor.u32 v20, v14;
	v24 =	vor.u32 v57, v58  }
0x35c: {  	v25 =	vor.u32 v39, v40;
	v26 =	vshrl.u32 v43, $0x6;
	v49 =	vshll.u32 v43, $0x1A  }
0x35d: {  	v28 =	vshrl.u32 v18, $0x6;
	v50 =	vshll.u32 v18, $0x1A;
	v8 =	vadd.s32 v8, v43  }
0x35e: {  	v10 =	vadd.s32 v10, v18;
	v55 =	vshrl.u32 v15, $0x11;
	v56 =	vshll.u32 v15, $0xF  }
0x35f: {  	v63 =	vshrl.u32 v19, $0x11;
	v36 =	vshll.u32 v19, $0xF;
	v37 =	vshrl.u32 v20, $0x11  }
0x360: {  	v38 =	vshll.u32 v20, $0xF;
	v9 =	vadd.s32 v9, v15;
	v11 =	vadd.s32 v11, v19  }
0x361: {  	v14 =	vadd.s32 v14, v20;
	v42 =	vxor.u32 v24, v13;
	v46 =	vxor.u32 v25, v12  }
0x362: {  	v26 =	vor.u32 v26, v49;
	v28 =	vor.u32 v28, v50;
	v22 =	vor.u32 v55, v56  }
0x363: {  	v41 =	vor.u32 v63, v36;
	v23 =	vor.u32 v37, v38;
	v24 =	vshrl.u32 v42, $0x6  }
0x364: {  	v48 =	vshll.u32 v42, $0x1A;
	v55 =	vshrl.u32 v46, $0x6;
	v56 =	vshll.u32 v46, $0x1A  }
0x365: {  	v13 =	vadd.s32 v13, v42;
	v12 =	vadd.s32 v12, v46;
	v62 =	vxor.u32 v26, v8  }
0x366: {  	v63 =	vxor.u32 v28, v10;
	v15 =	vxor.u32 v22, v9;
	v19 =	vxor.u32 v41, v11  }
0x367: {  	v45 =	vxor.u32 v23, v14;
	v24 =	vor.u32 v24, v48;
	v59 =	vor.u32 v55, v56  }
0x368: {  	v26 =	vshrl.u32 v62, $0x1A;
	v40 =	vshll.u32 v62, $0x6;
	v28 =	vshrl.u32 v63, $0x1A  }
0x369: {  	v41 =	vshll.u32 v63, $0x6;
	v8 =	vadd.s32 v8, v62;
	v10 =	vadd.s32 v10, v63  }
0x36a: {  	v44 =	vshrl.u32 v15, $0x6;
	v47 =	vshll.u32 v15, $0x1A;
	v51 =	vshrl.u32 v19, $0x6  }
0x36b: {  	v52 =	vshll.u32 v19, $0x1A;
	v53 =	vshrl.u32 v45, $0x6;
	v54 =	vshll.u32 v45, $0x1A  }
0x36c: {  	v9 =	vadd.s32 v9, v15;
	v11 =	vadd.s32 v11, v19;
	v14 =	vadd.s32 v14, v45  }
0x36d: {  	v61 =	vxor.u32 v24, v13;
	v23 =	vxor.u32 v59, v12;
	v26 =	vor.u32 v26, v40  }
0x36e: {  	v28 =	vor.u32 v28, v41;
	v20 =	vor.u32 v44, v47;
	v57 =	vor.u32 v51, v52  }
0x36f: {  	v58 =	vor.u32 v53, v54;
	v24 =	vshrl.u32 v61, $0x1A;
	v39 =	vshll.u32 v61, $0x6  }
0x370: {  	v46 =	vshrl.u32 v23, $0x1A;
	v47 =	vshll.u32 v23, $0x6;
	v13 =	vadd.s32 v13, v61  }
0x371: {  	[tilespmem:s12+$0xFFFFFFF0] =	vst v1;
	v1 =	vadd.s32 v12, v23;
	v52 =	vxor.u32 v26, v8;
	v53 =	vxor.u32 v28, v10  }
0x372: {  	v8 =	vadd.s32 $0x1BD11BF0, v8;
	v60 =	vxor.u32 v20, v9;
	v36 =	vxor.u32 v57, v11  }
0x373: {  	[tilespmem:s12+$0xFFFFFFE0] =	vst v2;
	v15 =	vxor.u32 v58, v14;
	v24 =	vor.u32 v24, v39;
	v2 =	vor.u32 v46, v47  }
0x374: {  	v57 =	vadd.s32 $0x1BD11BF0, v13;
	v58 =	vadd.s32 $0x5, v52;
	v37 =	vshrl.u32 v60, $0x1A  }
0x375: {  	v38 =	vshll.u32 v60, $0x6;
	v42 =	vshrl.u32 v36, $0x1A;
	v43 =	vshll.u32 v36, $0x6  }
0x376: {  	[tilespmem:s12+$0xFFFFFFD0] =	vst v3;
	v44 =	vshrl.u32 v15, $0x1A;
	v45 =	vshll.u32 v15, $0x6;
	v9 =	vadd.s32 v9, v60  }
0x377: {  	[tilespmem:s12+$0x0] =	vst v6;
	v49 =	vadd.s32 v11, v36;
	v14 =	vadd.s32 v14, v15;
	v51 =	vxor.u32 v24, v13  }
0x378: {  	[tilespmem:s12+$0x10] =	vst v5;
	v2 =	vxor.u32 v2, v1;
	v8 =	vxor.u32 v8, v58;
	v1 =	vadd.s32 $0x1BD11BF0, v1  }
0x379: {  	s31 =	sadd.s32 $0x80, s12;
	[tilespmem:s12+$0x20] =	vst v4;
	v21 =	vor.u32 v37, v38;
	v48 =	vor.u32 v42, v43;
	v3 =	vor.u32 v44, v45  }
0x37a: {  	[tilespmem:s31+$0x30] =	vst v7;
	v56 =	vadd.s32 $0x5, v51;
	v6 =	vadd.s32 $0x1BD11BF0, v49;
	v2 =	vadd.s32 $0x5, v2  }
0x37b: {  	[tilespmem:s31+$0xFFFFFFE0] =	vst v8;
	v50 =	vxor.u32 v21, v9;
	v54 =	vxor.u32 v48, v49;
	v59 =	vxor.u32 v57, v56  }
0x37c: {  	v9 =	vadd.s32 $0x1BD11BF0, v9;
	v1 =	vxor.u32 v1, v2;
	v55 =	vadd.s32 $0x5, v50;
	[tilespmem:s31+$0xFFFFFFD0] =	vst v59  }
0x37d: {  	v3 =	vxor.u32 v3, v14;
	v60 =	vadd.s32 $0x5, v54;
	[tilespmem:s31+$0x20] =	vst v1;
	v4 =	vxor.u32 v9, v55  }
0x37e: {  	v63 =	vadd.s32 $0x1BD11BF0, v14;
	v3 =	vadd.s32 $0x5, v3;
	v6 =	vxor.u32 v6, v60;
	[tilespmem:s31+$0xFFFFFFC0] =	vst v4  }
0x37f: {  	s11 =	sadd.s32 s4, s11;
	s10 =	sadd.s32 $0x1, s10;
	v62 =	vadd.s32 $0x1BD11BF0, v10;
	v61 =	vadd.s32 $0x5, v53;
	v3 =	vxor.u32 v63, v3;
	[tilespmem:s31+$0x0] =	vst v6  }
0x380: {  	s11 =	sshrl.u32 s11, $0x3;
	p0 =	sne.s32 s10, $0x16;
	v4 =	vxor.u32 v62, v61;
	[tilespmem:s31+$0x10] =	vst v3  }
.Ltmp1:
0x381: {  	s11 =	sadd.s32 s3, s11;
	[tilespmem:s31+$0xFFFFFFF0] =	vst v4;
	(pc) =	sbr.rel @p0 .LBB2_2-.Ltmp1, $4  }
0x382: {  	[hbm4b:s11+s1] =	stream.linear.scatter [tilespmem:s1], [sflag:$0x1], $0x2000, $0x38;
	[tilespmem:$0x2000] =	vst v63  }
0x383: {  	_ =	swait.ge [sflag:s7], $0x2000  }
0x384: {  	[sflag:s7] =	ssyncset.done $0x0  }
0x385: {  	s9 =	sadd.s32 $0x2000, s9;
	[sflag:s7] =	ssyncadd.s32 $0xFFFFE000  }
0x386: {  	s8 =	sadd.s32 $0x1, s8  }
0x387: {  	p0 =	sne.s32 s8, s5  }
.Ltmp2:
0x388: {  	_ = 	snop;
	(pc) =	sbr.rel @p0 .LBB2_1-.Ltmp2, $1  }
0x389: {  	_ =	sdelay $0x3  }
0x38a: {  	_ =	sfence.sel $0x180000  }
0x38b: {  	[bflag:$0x0] =	sbarrier.arrive $0xFFFF  }
0x38c: {  	p0 =	sne.s32 s2, $0x0;
	_ =	strace $0x90000047  }
0x38d: {  	s0 =	sadd.s32 @!p0 $0x100000, s0;
	[bflag:$0x2] =	sbarrier.arrive $0xFFFF  }
0x38e: {  	[sflag:s0] =	ssyncadd.tile.s32 @!p0 $0x1;
	_ =	shalt  }
.Lfunc_end2:
_tile_overlayer_lowered:
.L_overlay_start_2:
0x38f: {  	(tag) =	ssettag $0x2  }
0x390: {  	s0 =	rddreg [dreg:$0x0];
	s2 =	stileid.u32  }
0x391: {  	s1 =	rddreg [dreg:$0x1];
	p0 =	sne.s32 s2, $0x0  }
0x392: {  	s3 =	rddreg [dreg:$0x2];
	[bflag:$0x3] =	sbarrier.arrive $0xFFFF;
	s2 =	simm.s32 @!p0 $0x1C01  }
0x393: {  	[timem:s3], [sflag:s2] =	dma.local @!p0 [hbm:s0], s1  }
0x394: {  	s0 =	simm.s32 @!p0 $0x1  }
0x395: {  	_ =	swait.ge @!p0 [sflag:s0], s1  }
0x396: {  	s1 =	ssub.s32 @!p0 $0x0, s1;
	[sflag:s0] =	ssyncset.done @!p0 $0x0  }
0x397: {  	[sflag:s0] =	ssyncadd.s32 @!p0 s1  }
0x398: {  	[bflag:$0x3] =	sbarrier.arrive $0xFFFF  }
0x399: {  	_ =	shalt  }

</sc_bundles>
